<compile_context>
chip_gen: v7x
topology: tpu7x:2x2x1
jax: 0.10.2.dev20260603
libtpu: 0.0.44.dev20260713+nightly
codegen_flags: <defaults>
</compile_context>

<pallas_src>
import functools

import jax
import jax.numpy as jnp
from jax import lax
from jax.experimental import pallas as pl
from jax.experimental.pallas import tpu as pltpu
from jax.experimental.pallas import tpu_sc as plsc

B, N, H = 32, 128, 32
NP1 = N + 1
NSP = 512
NET = 1537
ETP = 1544
NEF = 3
ROWS = 8
NSTRIP = N // ROWS
NC, NS, L = 2, 16, 16
HB = 32

_mesh = plsc.VectorSubcoreMesh(core_axis_name="c", subcore_axis_name="s")


@functools.partial(
    pl.kernel,
    mesh=_mesh,
    compiler_params=pltpu.CompilerParams(use_tc_tiling_on_sc=False,
                                         needs_layout_passes=False),
    out_type=jax.ShapeDtypeStruct((B, H, N, N), jnp.float32),
    scratch_types=[
        pltpu.VMEM((H // 2 * NSP,), jnp.int32),
        pltpu.VMEM((H // 2 * ETP,), jnp.int32),
        pltpu.VMEM((2, ROWS, N), jnp.int32),
        pltpu.VMEM((2, ROWS * N * NEF,), jnp.int32),
        pltpu.VMEM((2, H * ROWS, N), jnp.float32),
        pltpu.SemaphoreType.DMA,
        pltpu.SemaphoreType.DMA,
    ],
)
def _sc_tsum_kernel(spidx_hbm, etidx_hbm, spT_hbm, etT_hbm,
                    out_hbm, spT_v, etT_v, spi_v, eti_v, strip_v,
                    sem, sem_idx):
    w = lax.axis_index("s") * NC + lax.axis_index("c")
    b = w

    pltpu.sync_copy(spT_hbm, spT_v)
    pltpu.sync_copy(etT_hbm, etT_v)

    iota = lax.iota(jnp.int32, L)
    iota3 = iota * 3

    pltpu.sync_copy(spidx_hbm.at[b, pl.ds(0, ROWS), :], spi_v.at[0])
    pltpu.sync_copy(etidx_hbm.at[b, pl.ds(0, ROWS * N * NEF)], eti_v.at[0])

    def task(k, _):
        i0 = ROWS * k
        p = lax.rem(k, 2)
        q = lax.rem(k + 1, 2)

        @pl.when(k < NSTRIP - 1)
        def _():
            pltpu.async_copy(spidx_hbm.at[b, pl.ds(i0 + ROWS, ROWS), :],
                             spi_v.at[q], sem_idx)
            pltpu.async_copy(
                etidx_hbm.at[b, pl.ds((i0 + ROWS) * N * NEF, ROWS * N * NEF)],
                eti_v.at[q], sem_idx)

        @pl.when(k >= 2)
        def _():
            def dr(h, _):
                pltpu.make_async_copy(
                    strip_v.at[p, pl.ds(h * ROWS, ROWS), :],
                    out_hbm.at[b, h, pl.ds(0, ROWS), :], sem).wait()
                return 0
            lax.fori_loop(0, H, dr, 0, unroll=False)

        def row(ri, _):
            for c in range(8):
                j0 = 16 * c
                spi = spi_v[p, ri, pl.ds(j0, L)]
                ebase = iota3 + (ri * (N * NEF) + j0 * NEF)
                e0 = plsc.load_gather(eti_v.at[p], [ebase])
                e1 = plsc.load_gather(eti_v.at[p], [ebase + 1])
                e2 = plsc.load_gather(eti_v.at[p], [ebase + 2])

                @plsc.parallel_loop(0, H // 2, unroll=4)
                def _(hp):
                    gs = plsc.load_gather(
                        spT_v.at[pl.ds(hp * NSP, NSP)], [spi])
                    g0 = plsc.load_gather(
                        etT_v.at[pl.ds(hp * ETP, ETP)], [e0])
                    g1 = plsc.load_gather(
                        etT_v.at[pl.ds(hp * ETP, ETP)], [e1])
                    g2 = plsc.load_gather(
                        etT_v.at[pl.ds(hp * ETP, ETP)], [e2])
                    sa, sb = plsc.unpack(plsc.bitcast(gs, jnp.bfloat16),
                                         format=plsc.PackFormat.INTERLEAVED)
                    a0, b0 = plsc.unpack(plsc.bitcast(g0, jnp.bfloat16),
                                         format=plsc.PackFormat.INTERLEAVED)
                    a1, b1 = plsc.unpack(plsc.bitcast(g1, jnp.bfloat16),
                                         format=plsc.PackFormat.INTERLEAVED)
                    a2, b2 = plsc.unpack(plsc.bitcast(g2, jnp.bfloat16),
                                         format=plsc.PackFormat.INTERLEAVED)
                    strip_v[p, (2 * hp) * ROWS + ri, pl.ds(j0, L)] = (
                        (sa + a0) + (a1 + a2))
                    strip_v[p, (2 * hp + 1) * ROWS + ri, pl.ds(j0, L)] = (
                        (sb + b0) + (b1 + b2))
            return 0

        lax.fori_loop(0, ROWS, row, 0, unroll=False)

        def fire(h, _):
            pltpu.async_copy(strip_v.at[p, pl.ds(h * ROWS, ROWS), :],
                             out_hbm.at[b, h, pl.ds(i0, ROWS), :], sem)
            return 0

        lax.fori_loop(0, H, fire, 0, unroll=False)

        @pl.when(k < NSTRIP - 1)
        def _():
            pltpu.make_async_copy(spidx_hbm.at[b, pl.ds(0, ROWS), :],
                                  spi_v.at[q], sem_idx).wait()
            pltpu.make_async_copy(
                etidx_hbm.at[b, pl.ds(0, ROWS * N * NEF)],
                eti_v.at[q], sem_idx).wait()
        return 0

    lax.fori_loop(0, NSTRIP, task, 0, unroll=False)

    def tail(k, _):
        p = lax.rem(k, 2)

        def dr(h, _):
            pltpu.make_async_copy(strip_v.at[p, pl.ds(h * ROWS, ROWS), :],
                                  out_hbm.at[b, h, pl.ds(0, ROWS), :],
                                  sem).wait()
            return 0
        lax.fori_loop(0, H, dr, 0, unroll=False)
        return 0

    lax.fori_loop(NSTRIP - 2, NSTRIP, tail, 0, unroll=False)


def _tc_assemble_body(bias_ref, t_ref, tsum_ref, o_ref):
    rr = lax.broadcasted_iota(jnp.int32, (NP1, NP1), 0)
    cc = lax.broadcasted_iota(jnp.int32, (NP1, NP1), 1)
    mask = (rr == 0) | (cc == 0)
    hg = pl.program_id(1)
    for u in range(HB):
        t_u = t_ref[hg * HB + u]
        base = bias_ref[0] + jnp.where(mask, t_u, 0.0)
        o_ref[0, u] = base + jnp.pad(tsum_ref[0, u], ((1, 0), (1, 0)))


_tc_assemble = pl.pallas_call(
    _tc_assemble_body,
    grid=(B, H // HB),
    in_specs=[
        pl.BlockSpec((1, NP1, NP1), lambda b, hg: (b, 0, 0)),
        pl.BlockSpec(memory_space=pltpu.SMEM),
        pl.BlockSpec((1, HB, N, N), lambda b, hg: (b, hg, 0, 0)),
    ],
    out_specs=pl.BlockSpec((1, HB, NP1, NP1), lambda b, hg: (b, hg, 0, 0)),
    out_shape=jax.ShapeDtypeStruct((B, H, NP1, NP1), jnp.float32),
)


def _pack_pairs(T):
    tb = lax.bitcast_convert_type(T.astype(jnp.bfloat16),
                                  jnp.uint16).astype(jnp.uint32)
    lo = tb[0::2, :]
    hi = tb[1::2, :]
    return (lo | (hi << 16)).astype(jnp.int32).reshape(-1)


def kernel(attn_bias, spatial_pos, attn_edge_type, spatial_pos_table,
           edge_table, virtual_dist):
    spT = _pack_pairs(spatial_pos_table.T)
    etT = _pack_pairs(jnp.pad((edge_table * (1.0 / 3.0)).T,
                              ((0, 0), (0, ETP - NET))))
    spi = spatial_pos.astype(jnp.int32)
    eti = attn_edge_type.astype(jnp.int32).reshape(B, N * N * NEF)
    tsum = _sc_tsum_kernel(spi, eti, spT, etT)

    t = virtual_dist.reshape(H).astype(jnp.float32)
    return _tc_assemble(attn_bias, t, tsum)

# --- scband reference (transcript-rebuilt; emitter-appended) ---
"""Pipeline reference for scband-graph-attn-bias-25812753449659 (READ-ONLY COPY).

The authoritative reference and input builder live on the scoring server;
editing this copy changes nothing except your own understanding.
"""

import jax, jax.numpy as jnp
import numpy as np

B, N, H = 32, 128, 32
NUM_SPATIAL = 512
NUM_EDGES = 1536
NEF = 3

def setup_inputs(seed: int = 0) -> dict:
    key = jax.random.key(seed)
    ks = jax.random.split(key, 6)
    attn_bias = jax.random.normal(ks[0], (B, N + 1, N + 1), dtype=jnp.float32)
    spatial_pos = jax.random.randint(ks[1], (B, N, N), 0, NUM_SPATIAL, dtype=jnp.int64)
    attn_edge_type = jax.random.randint(ks[2], (B, N, N, NEF), 0, NUM_EDGES + 1, dtype=jnp.int64)
    # embedding tables (padding_idx=0 -> zero row), init std 0.02
    spatial_pos_table = (jax.random.normal(ks[3], (NUM_SPATIAL, H), dtype=jnp.float32) * 0.02).at[0].set(0.0)
    edge_table = (jax.random.normal(ks[4], (NUM_EDGES + 1, H), dtype=jnp.float32) * 0.02).at[0].set(0.0)
    virtual_dist = jax.random.normal(ks[5], (1, H), dtype=jnp.float32) * 0.02
    return {
        'attn_bias': attn_bias,
        'spatial_pos': spatial_pos,
        'attn_edge_type': attn_edge_type,
        'spatial_pos_table': spatial_pos_table,
        'edge_table': edge_table,
        'virtual_dist': virtual_dist,
    }

def reference(attn_bias, spatial_pos, attn_edge_type, spatial_pos_table, edge_table, virtual_dist):
    num_heads = spatial_pos_table.shape[1]
    sp_idx = jnp.clip(spatial_pos, 0, spatial_pos_table.shape[0] - 1)
    et_idx = jnp.clip(attn_edge_type, 0, edge_table.shape[0] - 1)
    # [B, H, N+1, N+1]
    g = jnp.repeat(attn_bias[:, None, :, :], num_heads, axis=1)
    # spatial position bias: embedding lookup [B,N,N,H] -> [B,H,N,N]
    spatial_pos_bias = jnp.take(spatial_pos_table, sp_idx, axis=0).transpose(0, 3, 1, 2)
    g = g.at[:, :, 1:, 1:].add(spatial_pos_bias)
    # virtual graph-token distance
    t = virtual_dist.reshape(1, num_heads, 1)
    g = g.at[:, :, 1:, 0].add(t)
    g = g.at[:, :, 0, :].add(t)
    # edge encoding: [B,N,N,NEF,H] -> mean over NEF -> [B,H,N,N]
    edge_input = jnp.take(edge_table, et_idx, axis=0).mean(axis=-2).transpose(0, 3, 1, 2)
    g = g.at[:, :, 1:, 1:].add(edge_input)
    return g

if False:  # reference __main__ guard neutralized (emitter)
    out = reference(**setup_inputs())
    print(out.shape, out.dtype)

if __name__ == "__main__":
    import jax
    _d = setup_inputs()
    print(jax.jit(kernel)(*tuple(_d.values())))

</pallas_src>

<mosaic_0001>
#map = affine_map<(d0, d1) -> (0, 0, 0)>
#map1 = affine_map<(d0, d1) -> (0, 0)>
#map2 = affine_map<(d0, d1) -> (0)>
#map3 = affine_map<(d0, d1) -> (0, 0, 0, 0)>
module attributes {stable_mosaic.version = 14 : i64} {
  func.func @_sc_tsum_kernel(%arg0: i32, %arg1: i32, %arg2: memref<32x128x128xi32, #tpu.memory_space<hbm>>, %arg3: memref<32x49152xi32, #tpu.memory_space<hbm>>, %arg4: memref<8192xi32, #tpu.memory_space<hbm>>, %arg5: memref<24704xi32, #tpu.memory_space<hbm>>, %arg6: memref<32x32x128x128xf32, #tpu.memory_space<hbm>>, %arg7: memref<8192xi32, #tpu.memory_space<vmem>>, %arg8: memref<24704xi32, #tpu.memory_space<vmem>>, %arg9: memref<2x8x128xi32, #tpu.memory_space<vmem>>, %arg10: memref<2x3072xi32, #tpu.memory_space<vmem>>, %arg11: memref<2x256x128xf32, #tpu.memory_space<vmem>>, %arg12: memref<!tpu.dma_semaphore, #tpu.memory_space<semaphore_mem>>, %arg13: memref<!tpu.dma_semaphore, #tpu.memory_space<semaphore_mem>>) attributes {dimension_semantics = [#tpu.dimension_semantics<core_parallel>, #tpu.dimension_semantics<subcore_parallel>], iteration_bounds = array<i64: 2, 16>, scalar_prefetch = 0 : i64, scratch_operands = 7 : i64, tpu.core_type = #tpu.core_type<sc_vector_subcore>, window_params = [{transform_indices = #map}, {transform_indices = #map1}, {transform_indices = #map2}, {transform_indices = #map2}, {transform_indices = #map3}]} {
    %mul3A = arith.constant 2 : i32
    %mul3A_0 = arith.muli %arg1, %mul3A : i32
    %add3A = arith.addi %mul3A_0, %arg0 : i32
    "tpu.region"() ({
      %run_scoped3A_18 = tpu.sem_alloc : memref<!tpu.dma_semaphore, #tpu.memory_space<semaphore_mem>>
      tpu.enqueue_dma source(%arg4 : memref<8192xi32, #tpu.memory_space<hbm>>) target(%arg7 : memref<8192xi32, #tpu.memory_space<vmem>>) target_semaphore(%run_scoped3A_18 : memref<!tpu.dma_semaphore, #tpu.memory_space<semaphore_mem>>)
      tpu.wait_dma2 semaphore(%run_scoped3A_18 : memref<!tpu.dma_semaphore, #tpu.memory_space<semaphore_mem>>) src(%arg4 : memref<8192xi32, #tpu.memory_space<hbm>>) dst(%arg7 : memref<8192xi32, #tpu.memory_space<vmem>>)
      tpu.yield
    }) : () -> ()
    "tpu.region"() ({
      %run_scoped3A_18 = tpu.sem_alloc : memref<!tpu.dma_semaphore, #tpu.memory_space<semaphore_mem>>
      tpu.enqueue_dma source(%arg5 : memref<24704xi32, #tpu.memory_space<hbm>>) target(%arg8 : memref<24704xi32, #tpu.memory_space<vmem>>) target_semaphore(%run_scoped3A_18 : memref<!tpu.dma_semaphore, #tpu.memory_space<semaphore_mem>>)
      tpu.wait_dma2 semaphore(%run_scoped3A_18 : memref<!tpu.dma_semaphore, #tpu.memory_space<semaphore_mem>>) src(%arg5 : memref<24704xi32, #tpu.memory_space<hbm>>) dst(%arg8 : memref<24704xi32, #tpu.memory_space<vmem>>)
      tpu.yield
    }) : () -> ()
    %iota3A = tpu.iota {dimensions = array<i32: 0>} : vector<16xi32>
    %mul3A_1 = arith.constant 3 : i32
    %mul3A_2 = vector.broadcast %mul3A_1 : i32 to vector<16xi32>
    %mul3A_3 = arith.muli %iota3A, %mul3A_2 : vector<16xi32>
    %run_scoped3A = arith.constant 0 : i32
    "tpu.region"() ({
      %run_scoped3A_18 = tpu.sem_alloc : memref<!tpu.dma_semaphore, #tpu.memory_space<semaphore_mem>>
      %dma_start3A = arith.constant 0 : i32
      %dma_start3A_19 = arith.constant 0 : i32
      %dma_start3A_20 = tpu.memref_slice %arg9[%run_scoped3A, %dma_start3A, %dma_start3A_19] : memref<2x8x128xi32, #tpu.memory_space<vmem>> -> memref<1x8x128xi32, #tpu.memory_space<vmem>>
      %dma_start3A_21 = tpu.memref_squeeze %dma_start3A_20 : memref<1x8x128xi32, #tpu.memory_space<vmem>> -> memref<8x128xi32, #tpu.memory_space<vmem>>
      %dma_start3A_22 = arith.constant 0 : i32
      %dma_start3A_23 = arith.constant 0 : i32
      %dma_start3A_24 = tpu.memref_slice %arg2[%add3A, %dma_start3A_22, %dma_start3A_23] : memref<32x128x128xi32, #tpu.memory_space<hbm>> -> memref<1x8x128xi32, #tpu.memory_space<hbm>>
      %dma_start3A_25 = tpu.memref_squeeze %dma_start3A_24 : memref<1x8x128xi32, #tpu.memory_space<hbm>> -> memref<8x128xi32, #tpu.memory_space<hbm>>
      %dma_start3A_26 = arith.constant 0 : i32
      %dma_start3A_27 = arith.constant 0 : i32
      %dma_start3A_28 = tpu.memref_slice %arg9[%run_scoped3A, %dma_start3A_26, %dma_start3A_27] : memref<2x8x128xi32, #tpu.memory_space<vmem>> -> memref<1x8x128xi32, #tpu.memory_space<vmem>>
      %dma_start3A_29 = tpu.memref_squeeze %dma_start3A_28 : memref<1x8x128xi32, #tpu.memory_space<vmem>> -> memref<8x128xi32, #tpu.memory_space<vmem>>
      %dma_start3A_30 = arith.constant 0 : i32
      %dma_start3A_31 = arith.constant 0 : i32
      %dma_start3A_32 = tpu.memref_slice %arg2[%add3A, %dma_start3A_30, %dma_start3A_31] : memref<32x128x128xi32, #tpu.memory_space<hbm>> -> memref<1x8x128xi32, #tpu.memory_space<hbm>>
      %dma_start3A_33 = tpu.memref_squeeze %dma_start3A_32 : memref<1x8x128xi32, #tpu.memory_space<hbm>> -> memref<8x128xi32, #tpu.memory_space<hbm>>
      tpu.enqueue_dma source(%dma_start3A_33 : memref<8x128xi32, #tpu.memory_space<hbm>>) target(%dma_start3A_29 : memref<8x128xi32, #tpu.memory_space<vmem>>) target_semaphore(%run_scoped3A_18 : memref<!tpu.dma_semaphore, #tpu.memory_space<semaphore_mem>>)
      %dma_wait3A = arith.constant 0 : i32
      %dma_wait3A_34 = arith.constant 0 : i32
      %dma_wait3A_35 = tpu.memref_slice %arg9[%run_scoped3A, %dma_wait3A, %dma_wait3A_34] : memref<2x8x128xi32, #tpu.memory_space<vmem>> -> memref<1x8x128xi32, #tpu.memory_space<vmem>>
      %dma_wait3A_36 = tpu.memref_squeeze %dma_wait3A_35 : memref<1x8x128xi32, #tpu.memory_space<vmem>> -> memref<8x128xi32, #tpu.memory_space<vmem>>
      %dma_wait3A_37 = arith.constant 0 : i32
      %dma_wait3A_38 = arith.constant 0 : i32
      %dma_wait3A_39 = tpu.memref_slice %arg2[%add3A, %dma_wait3A_37, %dma_wait3A_38] : memref<32x128x128xi32, #tpu.memory_space<hbm>> -> memref<1x8x128xi32, #tpu.memory_space<hbm>>
      %dma_wait3A_40 = tpu.memref_squeeze %dma_wait3A_39 : memref<1x8x128xi32, #tpu.memory_space<hbm>> -> memref<8x128xi32, #tpu.memory_space<hbm>>
      %dma_wait3A_41 = arith.constant 0 : i32
      %dma_wait3A_42 = arith.constant 0 : i32
      %dma_wait3A_43 = tpu.memref_slice %arg9[%run_scoped3A, %dma_wait3A_41, %dma_wait3A_42] : memref<2x8x128xi32, #tpu.memory_space<vmem>> -> memref<1x8x128xi32, #tpu.memory_space<vmem>>
      %dma_wait3A_44 = tpu.memref_squeeze %dma_wait3A_43 : memref<1x8x128xi32, #tpu.memory_space<vmem>> -> memref<8x128xi32, #tpu.memory_space<vmem>>
      %dma_wait3A_45 = arith.constant 0 : i32
      %dma_wait3A_46 = arith.constant 0 : i32
      %dma_wait3A_47 = tpu.memref_slice %arg2[%add3A, %dma_wait3A_45, %dma_wait3A_46] : memref<32x128x128xi32, #tpu.memory_space<hbm>> -> memref<1x8x128xi32, #tpu.memory_space<hbm>>
      %dma_wait3A_48 = tpu.memref_squeeze %dma_wait3A_47 : memref<1x8x128xi32, #tpu.memory_space<hbm>> -> memref<8x128xi32, #tpu.memory_space<hbm>>
      tpu.wait_dma2 semaphore(%run_scoped3A_18 : memref<!tpu.dma_semaphore, #tpu.memory_space<semaphore_mem>>) src(%dma_wait3A_48 : memref<8x128xi32, #tpu.memory_space<hbm>>) dst(%dma_wait3A_44 : memref<8x128xi32, #tpu.memory_space<vmem>>)
      tpu.yield
    }) : () -> ()
    %run_scoped3A_4 = arith.constant 0 : i32
    "tpu.region"() ({
      %run_scoped3A_18 = tpu.sem_alloc : memref<!tpu.dma_semaphore, #tpu.memory_space<semaphore_mem>>
      %dma_start3A = arith.constant 0 : i32
      %dma_start3A_19 = tpu.memref_slice %arg10[%run_scoped3A_4, %dma_start3A] : memref<2x3072xi32, #tpu.memory_space<vmem>> -> memref<1x3072xi32, #tpu.memory_space<vmem>>
      %dma_start3A_20 = tpu.memref_squeeze %dma_start3A_19 : memref<1x3072xi32, #tpu.memory_space<vmem>> -> memref<3072xi32, #tpu.memory_space<vmem>>
      %dma_start3A_21 = arith.constant 0 : i32
      %dma_start3A_22 = tpu.memref_slice %arg3[%add3A, %dma_start3A_21] : memref<32x49152xi32, #tpu.memory_space<hbm>> -> memref<1x3072xi32, #tpu.memory_space<hbm>>
      %dma_start3A_23 = tpu.memref_squeeze %dma_start3A_22 : memref<1x3072xi32, #tpu.memory_space<hbm>> -> memref<3072xi32, #tpu.memory_space<hbm>>
      %dma_start3A_24 = arith.constant 0 : i32
      %dma_start3A_25 = tpu.memref_slice %arg10[%run_scoped3A_4, %dma_start3A_24] : memref<2x3072xi32, #tpu.memory_space<vmem>> -> memref<1x3072xi32, #tpu.memory_space<vmem>>
      %dma_start3A_26 = tpu.memref_squeeze %dma_start3A_25 : memref<1x3072xi32, #tpu.memory_space<vmem>> -> memref<3072xi32, #tpu.memory_space<vmem>>
      %dma_start3A_27 = arith.constant 0 : i32
      %dma_start3A_28 = tpu.memref_slice %arg3[%add3A, %dma_start3A_27] : memref<32x49152xi32, #tpu.memory_space<hbm>> -> memref<1x3072xi32, #tpu.memory_space<hbm>>
      %dma_start3A_29 = tpu.memref_squeeze %dma_start3A_28 : memref<1x3072xi32, #tpu.memory_space<hbm>> -> memref<3072xi32, #tpu.memory_space<hbm>>
      tpu.enqueue_dma source(%dma_start3A_29 : memref<3072xi32, #tpu.memory_space<hbm>>) target(%dma_start3A_26 : memref<3072xi32, #tpu.memory_space<vmem>>) target_semaphore(%run_scoped3A_18 : memref<!tpu.dma_semaphore, #tpu.memory_space<semaphore_mem>>)
      %dma_wait3A = arith.constant 0 : i32
      %dma_wait3A_30 = tpu.memref_slice %arg10[%run_scoped3A_4, %dma_wait3A] : memref<2x3072xi32, #tpu.memory_space<vmem>> -> memref<1x3072xi32, #tpu.memory_space<vmem>>
      %dma_wait3A_31 = tpu.memref_squeeze %dma_wait3A_30 : memref<1x3072xi32, #tpu.memory_space<vmem>> -> memref<3072xi32, #tpu.memory_space<vmem>>
      %dma_wait3A_32 = arith.constant 0 : i32
      %dma_wait3A_33 = tpu.memref_slice %arg3[%add3A, %dma_wait3A_32] : memref<32x49152xi32, #tpu.memory_space<hbm>> -> memref<1x3072xi32, #tpu.memory_space<hbm>>
      %dma_wait3A_34 = tpu.memref_squeeze %dma_wait3A_33 : memref<1x3072xi32, #tpu.memory_space<hbm>> -> memref<3072xi32, #tpu.memory_space<hbm>>
      %dma_wait3A_35 = arith.constant 0 : i32
      %dma_wait3A_36 = tpu.memref_slice %arg10[%run_scoped3A_4, %dma_wait3A_35] : memref<2x3072xi32, #tpu.memory_space<vmem>> -> memref<1x3072xi32, #tpu.memory_space<vmem>>
      %dma_wait3A_37 = tpu.memref_squeeze %dma_wait3A_36 : memref<1x3072xi32, #tpu.memory_space<vmem>> -> memref<3072xi32, #tpu.memory_space<vmem>>
      %dma_wait3A_38 = arith.constant 0 : i32
      %dma_wait3A_39 = tpu.memref_slice %arg3[%add3A, %dma_wait3A_38] : memref<32x49152xi32, #tpu.memory_space<hbm>> -> memref<1x3072xi32, #tpu.memory_space<hbm>>
      %dma_wait3A_40 = tpu.memref_squeeze %dma_wait3A_39 : memref<1x3072xi32, #tpu.memory_space<hbm>> -> memref<3072xi32, #tpu.memory_space<hbm>>
      tpu.wait_dma2 semaphore(%run_scoped3A_18 : memref<!tpu.dma_semaphore, #tpu.memory_space<semaphore_mem>>) src(%dma_wait3A_40 : memref<3072xi32, #tpu.memory_space<hbm>>) dst(%dma_wait3A_37 : memref<3072xi32, #tpu.memory_space<vmem>>)
      tpu.yield
    }) : () -> ()
    %scan3A = arith.constant 0 : i32
    %scan3A_5 = arith.constant 0 : i32
    %scan3A_6 = arith.constant 16 : i32
    %scan3A_7 = arith.addi %scan3A_5, %scan3A_6 : i32
    %scan3A_8 = arith.constant 1 : i32
    %scan3A_9 = scf.for %scan3A_18 = %scan3A_5 to %scan3A_7 step %scan3A_8 iter_args(%scan3A_19 = %scan3A) -> (i32)  : i32 {
      %mul3A_20 = arith.constant 8 : i32
      %mul3A_21 = arith.muli %mul3A_20, %scan3A_18 : i32
      %rem3A = arith.constant 2 : i32
      %rem3A_22 = arith.remsi %scan3A_18, %rem3A : i32
      %add3A_23 = arith.constant 1 : i32
      %add3A_24 = arith.addi %scan3A_18, %add3A_23 : i32
      %rem3A_25 = arith.constant 2 : i32
      %rem3A_26 = arith.remsi %add3A_24, %rem3A_25 : i32
      %lt3A = arith.constant 15 : i32
      %lt3A_27 = arith.cmpi slt, %scan3A_18, %lt3A : i32
      %convert_element_type3A = arith.extui %lt3A_27 : i1 to i32
      %cond3A = arith.constant 0 : i32
      %cond3A_28 = arith.cmpi ne, %convert_element_type3A, %cond3A : i32
      scf.if %cond3A_28 {
        %add3A_53 = arith.constant 8 : i32
        %add3A_54 = arith.addi %mul3A_21, %add3A_53 : i32
        %dma_start3A = arith.constant 0 : i32
        %dma_start3A_55 = arith.constant 0 : i32
        %dma_start3A_56 = tpu.memref_slice %arg9[%rem3A_26, %dma_start3A, %dma_start3A_55] : memref<2x8x128xi32, #tpu.memory_space<vmem>> -> memref<1x8x128xi32, #tpu.memory_space<vmem>>
        %dma_start3A_57 = tpu.memref_squeeze %dma_start3A_56 : memref<1x8x128xi32, #tpu.memory_space<vmem>> -> memref<8x128xi32, #tpu.memory_space<vmem>>
        %dma_start3A_58 = arith.constant 0 : i32
        %dma_start3A_59 = tpu.memref_slice %arg2[%add3A, %add3A_54, %dma_start3A_58] : memref<32x128x128xi32, #tpu.memory_space<hbm>> -> memref<1x8x128xi32, #tpu.memory_space<hbm>>
        %dma_start3A_60 = tpu.memref_squeeze %dma_start3A_59 : memref<1x8x128xi32, #tpu.memory_space<hbm>> -> memref<8x128xi32, #tpu.memory_space<hbm>>
        %dma_start3A_61 = arith.constant 0 : i32
        %dma_start3A_62 = arith.constant 0 : i32
        %dma_start3A_63 = tpu.memref_slice %arg9[%rem3A_26, %dma_start3A_61, %dma_start3A_62] : memref<2x8x128xi32, #tpu.memory_space<vmem>> -> memref<1x8x128xi32, #tpu.memory_space<vmem>>
        %dma_start3A_64 = tpu.memref_squeeze %dma_start3A_63 : memref<1x8x128xi32, #tpu.memory_space<vmem>> -> memref<8x128xi32, #tpu.memory_space<vmem>>
        %dma_start3A_65 = arith.constant 0 : i32
        %dma_start3A_66 = tpu.memref_slice %arg2[%add3A, %add3A_54, %dma_start3A_65] : memref<32x128x128xi32, #tpu.memory_space<hbm>> -> memref<1x8x128xi32, #tpu.memory_space<hbm>>
        %dma_start3A_67 = tpu.memref_squeeze %dma_start3A_66 : memref<1x8x128xi32, #tpu.memory_space<hbm>> -> memref<8x128xi32, #tpu.memory_space<hbm>>
        tpu.enqueue_dma source(%dma_start3A_67 : memref<8x128xi32, #tpu.memory_space<hbm>>) target(%dma_start3A_64 : memref<8x128xi32, #tpu.memory_space<vmem>>) target_semaphore(%arg13 : memref<!tpu.dma_semaphore, #tpu.memory_space<semaphore_mem>>)
        %add3A_68 = arith.constant 8 : i32
        %add3A_69 = arith.addi %mul3A_21, %add3A_68 : i32
        %mul3A_70 = arith.constant 128 : i32
        %mul3A_71 = arith.muli %add3A_69, %mul3A_70 : i32
        %mul3A_72 = arith.constant 3 : i32
        %mul3A_73 = arith.muli %mul3A_71, %mul3A_72 : i32
        %dma_start3A_74 = arith.constant 0 : i32
        %dma_start3A_75 = tpu.memref_slice %arg10[%rem3A_26, %dma_start3A_74] : memref<2x3072xi32, #tpu.memory_space<vmem>> -> memref<1x3072xi32, #tpu.memory_space<vmem>>
        %dma_start3A_76 = tpu.memref_squeeze %dma_start3A_75 : memref<1x3072xi32, #tpu.memory_space<vmem>> -> memref<3072xi32, #tpu.memory_space<vmem>>
        %dma_start3A_77 = tpu.memref_slice %arg3[%add3A, %mul3A_73] : memref<32x49152xi32, #tpu.memory_space<hbm>> -> memref<1x3072xi32, #tpu.memory_space<hbm>>
        %dma_start3A_78 = tpu.memref_squeeze %dma_start3A_77 : memref<1x3072xi32, #tpu.memory_space<hbm>> -> memref<3072xi32, #tpu.memory_space<hbm>>
        %dma_start3A_79 = arith.constant 0 : i32
        %dma_start3A_80 = tpu.memref_slice %arg10[%rem3A_26, %dma_start3A_79] : memref<2x3072xi32, #tpu.memory_space<vmem>> -> memref<1x3072xi32, #tpu.memory_space<vmem>>
        %dma_start3A_81 = tpu.memref_squeeze %dma_start3A_80 : memref<1x3072xi32, #tpu.memory_space<vmem>> -> memref<3072xi32, #tpu.memory_space<vmem>>
        %dma_start3A_82 = tpu.memref_slice %arg3[%add3A, %mul3A_73] : memref<32x49152xi32, #tpu.memory_space<hbm>> -> memref<1x3072xi32, #tpu.memory_space<hbm>>
        %dma_start3A_83 = tpu.memref_squeeze %dma_start3A_82 : memref<1x3072xi32, #tpu.memory_space<hbm>> -> memref<3072xi32, #tpu.memory_space<hbm>>
        tpu.enqueue_dma source(%dma_start3A_83 : memref<3072xi32, #tpu.memory_space<hbm>>) target(%dma_start3A_81 : memref<3072xi32, #tpu.memory_space<vmem>>) target_semaphore(%arg13 : memref<!tpu.dma_semaphore, #tpu.memory_space<semaphore_mem>>)
      } else {
      }
      %ge3A = arith.constant 2 : i32
      %ge3A_29 = arith.cmpi sge, %scan3A_18, %ge3A : i32
      %convert_element_type3A_30 = arith.extui %ge3A_29 : i1 to i32
      %cond3A_31 = arith.constant 0 : i32
      %cond3A_32 = arith.cmpi ne, %convert_element_type3A_30, %cond3A_31 : i32
      scf.if %cond3A_32 {
        %scan3A_53 = arith.constant 0 : i32
        %scan3A_54 = arith.constant 0 : i32
        %scan3A_55 = arith.constant 32 : i32
        %scan3A_56 = arith.addi %scan3A_54, %scan3A_55 : i32
        %scan3A_57 = arith.constant 1 : i32
        %scan3A_58 = scf.for %scan3A_60 = %scan3A_54 to %scan3A_56 step %scan3A_57 iter_args(%scan3A_61 = %scan3A_53) -> (i32)  : i32 {
          %mul3A_62 = arith.constant 8 : i32
          %mul3A_63 = arith.muli %scan3A_60, %mul3A_62 : i32
          %dma_wait3A = arith.constant 0 : i32
          %dma_wait3A_64 = tpu.memref_slice %arg11[%rem3A_22, %mul3A_63, %dma_wait3A] : memref<2x256x128xf32, #tpu.memory_space<vmem>> -> memref<1x8x128xf32, #tpu.memory_space<vmem>>
          %dma_wait3A_65 = tpu.memref_squeeze %dma_wait3A_64 : memref<1x8x128xf32, #tpu.memory_space<vmem>> -> memref<8x128xf32, #tpu.memory_space<vmem>>
          %dma_wait3A_66 = arith.constant 0 : i32
          %dma_wait3A_67 = arith.constant 0 : i32
          %dma_wait3A_68 = tpu.memref_slice %arg6[%add3A, %scan3A_60, %dma_wait3A_66, %dma_wait3A_67] : memref<32x32x128x128xf32, #tpu.memory_space<hbm>> -> memref<1x1x8x128xf32, #tpu.memory_space<hbm>>
          %dma_wait3A_69 = tpu.memref_squeeze %dma_wait3A_68 : memref<1x1x8x128xf32, #tpu.memory_space<hbm>> -> memref<8x128xf32, #tpu.memory_space<hbm>>
          %dma_wait3A_70 = arith.constant 0 : i32
          %dma_wait3A_71 = arith.constant 0 : i32
          %dma_wait3A_72 = tpu.memref_slice %arg6[%add3A, %scan3A_60, %dma_wait3A_70, %dma_wait3A_71] : memref<32x32x128x128xf32, #tpu.memory_space<hbm>> -> memref<1x1x8x128xf32, #tpu.memory_space<hbm>>
          %dma_wait3A_73 = tpu.memref_squeeze %dma_wait3A_72 : memref<1x1x8x128xf32, #tpu.memory_space<hbm>> -> memref<8x128xf32, #tpu.memory_space<hbm>>
          %dma_wait3A_74 = arith.constant 0 : i32
          %dma_wait3A_75 = tpu.memref_slice %arg11[%rem3A_22, %mul3A_63, %dma_wait3A_74] : memref<2x256x128xf32, #tpu.memory_space<vmem>> -> memref<1x8x128xf32, #tpu.memory_space<vmem>>
          %dma_wait3A_76 = tpu.memref_squeeze %dma_wait3A_75 : memref<1x8x128xf32, #tpu.memory_space<vmem>> -> memref<8x128xf32, #tpu.memory_space<vmem>>
          tpu.wait_dma2 semaphore(%arg12 : memref<!tpu.dma_semaphore, #tpu.memory_space<semaphore_mem>>) src(%dma_wait3A_76 : memref<8x128xf32, #tpu.memory_space<vmem>>) dst(%dma_wait3A_73 : memref<8x128xf32, #tpu.memory_space<hbm>>)
          %scan3A_77 = arith.constant 0 : i32
          scf.yield %scan3A_77 : i32
        }
        %scan3A_59 = arith.constant 32 : i32
      } else {
      }
      %scan3A_33 = arith.constant 0 : i32
      %scan3A_34 = arith.constant 0 : i32
      %scan3A_35 = arith.constant 8 : i32
      %scan3A_36 = arith.addi %scan3A_34, %scan3A_35 : i32
      %scan3A_37 = arith.constant 1 : i32
      %scan3A_38 = scf.for %scan3A_53 = %scan3A_34 to %scan3A_36 step %scan3A_37 iter_args(%scan3A_54 = %scan3A_33) -> (i32)  : i32 {
        %get3A = arith.index_cast %rem3A_22 : i32 to index
        %get3A_55 = arith.index_cast %scan3A_53 : i32 to index
        %get3A_56 = arith.constant 0 : index
        %get3A_57 = tpu.vector_load %arg9[%get3A, %get3A_55, %get3A_56] {strides = array<i32>} : memref<2x8x128xi32, #tpu.memory_space<vmem>>, vector<16xi32>,
        %mul3A_58 = arith.constant 384 : i32
        %mul3A_59 = arith.muli %scan3A_53, %mul3A_58 : i32
        %add3A_60 = arith.constant 0 : i32
        %add3A_61 = arith.addi %mul3A_59, %add3A_60 : i32
        %add3A_62 = vector.broadcast %add3A_61 : i32 to vector<16xi32>
        %add3A_63 = arith.addi %mul3A_3, %add3A_62 : vector<16xi32>
        %gather3A = arith.constant 0 : i32
        %gather3A_64 = tpu.memref_slice %arg10[%rem3A_22, %gather3A] : memref<2x3072xi32, #tpu.memory_space<vmem>> -> memref<1x3072xi32, #tpu.memory_space<vmem>>
        %gather3A_65 = tpu.memref_squeeze %gather3A_64 : memref<1x3072xi32, #tpu.memory_space<vmem>> -> memref<3072xi32, #tpu.memory_space<vmem>>
        %gather3A_66 = tpu.vector_load_idx %gather3A_65[%add3A_63] : memref<3072xi32, #tpu.memory_space<vmem>>[vector<16xi32>], vector<16xi32>,
        %add3A_67 = arith.constant 1 : i32
        %add3A_68 = vector.broadcast %add3A_67 : i32 to vector<16xi32>
        %add3A_69 = arith.addi %add3A_63, %add3A_68 : vector<16xi32>
        %gather3A_70 = arith.constant 0 : i32
        %gather3A_71 = tpu.memref_slice %arg10[%rem3A_22, %gather3A_70] : memref<2x3072xi32, #tpu.memory_space<vmem>> -> memref<1x3072xi32, #tpu.memory_space<vmem>>
        %gather3A_72 = tpu.memref_squeeze %gather3A_71 : memref<1x3072xi32, #tpu.memory_space<vmem>> -> memref<3072xi32, #tpu.memory_space<vmem>>
        %gather3A_73 = tpu.vector_load_idx %gather3A_72[%add3A_69] : memref<3072xi32, #tpu.memory_space<vmem>>[vector<16xi32>], vector<16xi32>,
        %add3A_74 = arith.constant 2 : i32
        %add3A_75 = vector.broadcast %add3A_74 : i32 to vector<16xi32>
        %add3A_76 = arith.addi %add3A_63, %add3A_75 : vector<16xi32>
        %gather3A_77 = arith.constant 0 : i32
        %gather3A_78 = tpu.memref_slice %arg10[%rem3A_22, %gather3A_77] : memref<2x3072xi32, #tpu.memory_space<vmem>> -> memref<1x3072xi32, #tpu.memory_space<vmem>>
        %gather3A_79 = tpu.memref_squeeze %gather3A_78 : memref<1x3072xi32, #tpu.memory_space<vmem>> -> memref<3072xi32, #tpu.memory_space<vmem>>
        %gather3A_80 = tpu.vector_load_idx %gather3A_79[%add3A_76] : memref<3072xi32, #tpu.memory_space<vmem>>[vector<16xi32>], vector<16xi32>,
        %parallel_loop3A = arith.constant 0 : i32
        %parallel_loop3A_81 = arith.constant 16 : i32
        %parallel_loop3A_82 = arith.constant 1 : i32
        scf.for %parallel_loop3A_301 = %parallel_loop3A to %parallel_loop3A_81 step %parallel_loop3A_82  : i32 {
          %parallel_loop3A_302 = arith.constant 512 : i32
          %parallel_loop3A_303 = arith.muli %parallel_loop3A_301, %parallel_loop3A_302 : i32
          %parallel_loop3A_304 = tpu.memref_slice %arg7[%parallel_loop3A_303] : memref<8192xi32, #tpu.memory_space<vmem>> -> memref<512xi32, #tpu.memory_space<vmem>>
          %parallel_loop3A_305 = tpu.vector_load_idx %parallel_loop3A_304[%get3A_57] : memref<512xi32, #tpu.memory_space<vmem>>[vector<16xi32>], vector<16xi32>,
          %parallel_loop3A_306 = arith.constant 1544 : i32
          %parallel_loop3A_307 = arith.muli %parallel_loop3A_301, %parallel_loop3A_306 : i32
          %parallel_loop3A_308 = tpu.memref_slice %arg8[%parallel_loop3A_307] : memref<24704xi32, #tpu.memory_space<vmem>> -> memref<1544xi32, #tpu.memory_space<vmem>>
          %parallel_loop3A_309 = tpu.vector_load_idx %parallel_loop3A_308[%gather3A_66] : memref<1544xi32, #tpu.memory_space<vmem>>[vector<16xi32>], vector<16xi32>,
          %parallel_loop3A_310 = arith.constant 1544 : i32
          %parallel_loop3A_311 = arith.muli %parallel_loop3A_301, %parallel_loop3A_310 : i32
          %parallel_loop3A_312 = tpu.memref_slice %arg8[%parallel_loop3A_311] : memref<24704xi32, #tpu.memory_space<vmem>> -> memref<1544xi32, #tpu.memory_space<vmem>>
          %parallel_loop3A_313 = tpu.vector_load_idx %parallel_loop3A_312[%gather3A_73] : memref<1544xi32, #tpu.memory_space<vmem>>[vector<16xi32>], vector<16xi32>,
          %parallel_loop3A_314 = arith.constant 1544 : i32
          %parallel_loop3A_315 = arith.muli %parallel_loop3A_301, %parallel_loop3A_314 : i32
          %parallel_loop3A_316 = tpu.memref_slice %arg8[%parallel_loop3A_315] : memref<24704xi32, #tpu.memory_space<vmem>> -> memref<1544xi32, #tpu.memory_space<vmem>>
          %parallel_loop3A_317 = tpu.vector_load_idx %parallel_loop3A_316[%gather3A_80] : memref<1544xi32, #tpu.memory_space<vmem>>[vector<16xi32>], vector<16xi32>,
          %parallel_loop3A_318 = vector.bitcast %parallel_loop3A_305 : vector<16xi32> to vector<32xbf16>
          %parallel_loop3A_319 = tpu.unpack_subelements %parallel_loop3A_318, 0 {pack_format = #tpu.pack_format<interleaved>} : vector<32xbf16> -> vector<16xf32>
          %parallel_loop3A_320 = tpu.unpack_subelements %parallel_loop3A_318, 1 {pack_format = #tpu.pack_format<interleaved>} : vector<32xbf16> -> vector<16xf32>
          %parallel_loop3A_321 = vector.bitcast %parallel_loop3A_309 : vector<16xi32> to vector<32xbf16>
          %parallel_loop3A_322 = tpu.unpack_subelements %parallel_loop3A_321, 0 {pack_format = #tpu.pack_format<interleaved>} : vector<32xbf16> -> vector<16xf32>
          %parallel_loop3A_323 = tpu.unpack_subelements %parallel_loop3A_321, 1 {pack_format = #tpu.pack_format<interleaved>} : vector<32xbf16> -> vector<16xf32>
          %parallel_loop3A_324 = vector.bitcast %parallel_loop3A_313 : vector<16xi32> to vector<32xbf16>
          %parallel_loop3A_325 = tpu.unpack_subelements %parallel_loop3A_324, 0 {pack_format = #tpu.pack_format<interleaved>} : vector<32xbf16> -> vector<16xf32>
          %parallel_loop3A_326 = tpu.unpack_subelements %parallel_loop3A_324, 1 {pack_format = #tpu.pack_format<interleaved>} : vector<32xbf16> -> vector<16xf32>
          %parallel_loop3A_327 = vector.bitcast %parallel_loop3A_317 : vector<16xi32> to vector<32xbf16>
          %parallel_loop3A_328 = tpu.unpack_subelements %parallel_loop3A_327, 0 {pack_format = #tpu.pack_format<interleaved>} : vector<32xbf16> -> vector<16xf32>
          %parallel_loop3A_329 = tpu.unpack_subelements %parallel_loop3A_327, 1 {pack_format = #tpu.pack_format<interleaved>} : vector<32xbf16> -> vector<16xf32>
          %parallel_loop3A_330 = arith.addf %parallel_loop3A_319, %parallel_loop3A_322 : vector<16xf32>
          %parallel_loop3A_331 = arith.addf %parallel_loop3A_325, %parallel_loop3A_328 : vector<16xf32>
          %parallel_loop3A_332 = arith.addf %parallel_loop3A_330, %parallel_loop3A_331 : vector<16xf32>
          %parallel_loop3A_333 = arith.constant 2 : i32
          %parallel_loop3A_334 = arith.muli %parallel_loop3A_333, %parallel_loop3A_301 : i32
          %parallel_loop3A_335 = arith.constant 8 : i32
          %parallel_loop3A_336 = arith.muli %parallel_loop3A_334, %parallel_loop3A_335 : i32
          %parallel_loop3A_337 = arith.addi %parallel_loop3A_336, %scan3A_53 : i32
          %parallel_loop3A_338 = arith.index_cast %rem3A_22 : i32 to index
          %parallel_loop3A_339 = arith.index_cast %parallel_loop3A_337 : i32 to index
          %parallel_loop3A_340 = arith.constant 0 : index
          %parallel_loop3A_341 = tpu.vector_load %arg11[%parallel_loop3A_338, %parallel_loop3A_339, %parallel_loop3A_340] {strides = array<i32>} : memref<2x256x128xf32, #tpu.memory_space<vmem>>, vector<16xf32>,
          tpu.vector_store %arg11[%parallel_loop3A_338, %parallel_loop3A_339, %parallel_loop3A_340], %parallel_loop3A_332 {strides = array<i32>} : memref<2x256x128xf32, #tpu.memory_space<vmem>>, vector<16xf32>,
          %parallel_loop3A_342 = arith.addf %parallel_loop3A_320, %parallel_loop3A_323 : vector<16xf32>
          %parallel_loop3A_343 = arith.addf %parallel_loop3A_326, %parallel_loop3A_329 : vector<16xf32>
          %parallel_loop3A_344 = arith.addf %parallel_loop3A_342, %parallel_loop3A_343 : vector<16xf32>
          %parallel_loop3A_345 = arith.constant 2 : i32
          %parallel_loop3A_346 = arith.muli %parallel_loop3A_345, %parallel_loop3A_301 : i32
          %parallel_loop3A_347 = arith.constant 1 : i32
          %parallel_loop3A_348 = arith.addi %parallel_loop3A_346, %parallel_loop3A_347 : i32
          %parallel_loop3A_349 = arith.constant 8 : i32
          %parallel_loop3A_350 = arith.muli %parallel_loop3A_348, %parallel_loop3A_349 : i32
          %parallel_loop3A_351 = arith.addi %parallel_loop3A_350, %scan3A_53 : i32
          %parallel_loop3A_352 = arith.index_cast %rem3A_22 : i32 to index
          %parallel_loop3A_353 = arith.index_cast %parallel_loop3A_351 : i32 to index
          %parallel_loop3A_354 = arith.constant 0 : index
          %parallel_loop3A_355 = tpu.vector_load %arg11[%parallel_loop3A_352, %parallel_loop3A_353, %parallel_loop3A_354] {strides = array<i32>} : memref<2x256x128xf32, #tpu.memory_space<vmem>>, vector<16xf32>,
          tpu.vector_store %arg11[%parallel_loop3A_352, %parallel_loop3A_353, %parallel_loop3A_354], %parallel_loop3A_344 {strides = array<i32>} : memref<2x256x128xf32, #tpu.memory_space<vmem>>, vector<16xf32>,
        } {sc.loop_unroll_factor = 4 : i64, sc.parallel_access}
        %get3A_83 = arith.index_cast %rem3A_22 : i32 to index
        %get3A_84 = arith.index_cast %scan3A_53 : i32 to index
        %get3A_85 = arith.constant 16 : index
        %get3A_86 = tpu.vector_load %arg9[%get3A_83, %get3A_84, %get3A_85] {strides = array<i32>} : memref<2x8x128xi32, #tpu.memory_space<vmem>>, vector<16xi32>,
        %mul3A_87 = arith.constant 384 : i32
        %mul3A_88 = arith.muli %scan3A_53, %mul3A_87 : i32
        %add3A_89 = arith.constant 48 : i32
        %add3A_90 = arith.addi %mul3A_88, %add3A_89 : i32
        %add3A_91 = vector.broadcast %add3A_90 : i32 to vector<16xi32>
        %add3A_92 = arith.addi %mul3A_3, %add3A_91 : vector<16xi32>
        %gather3A_93 = arith.constant 0 : i32
        %gather3A_94 = tpu.memref_slice %arg10[%rem3A_22, %gather3A_93] : memref<2x3072xi32, #tpu.memory_space<vmem>> -> memref<1x3072xi32, #tpu.memory_space<vmem>>
        %gather3A_95 = tpu.memref_squeeze %gather3A_94 : memref<1x3072xi32, #tpu.memory_space<vmem>> -> memref<3072xi32, #tpu.memory_space<vmem>>
        %gather3A_96 = tpu.vector_load_idx %gather3A_95[%add3A_92] : memref<3072xi32, #tpu.memory_space<vmem>>[vector<16xi32>], vector<16xi32>,
        %add3A_97 = arith.constant 1 : i32
        %add3A_98 = vector.broadcast %add3A_97 : i32 to vector<16xi32>
        %add3A_99 = arith.addi %add3A_92, %add3A_98 : vector<16xi32>
        %gather3A_100 = arith.constant 0 : i32
        %gather3A_101 = tpu.memref_slice %arg10[%rem3A_22, %gather3A_100] : memref<2x3072xi32, #tpu.memory_space<vmem>> -> memref<1x3072xi32, #tpu.memory_space<vmem>>
        %gather3A_102 = tpu.memref_squeeze %gather3A_101 : memref<1x3072xi32, #tpu.memory_space<vmem>> -> memref<3072xi32, #tpu.memory_space<vmem>>
        %gather3A_103 = tpu.vector_load_idx %gather3A_102[%add3A_99] : memref<3072xi32, #tpu.memory_space<vmem>>[vector<16xi32>], vector<16xi32>,
        %add3A_104 = arith.constant 2 : i32
        %add3A_105 = vector.broadcast %add3A_104 : i32 to vector<16xi32>
        %add3A_106 = arith.addi %add3A_92, %add3A_105 : vector<16xi32>
        %gather3A_107 = arith.constant 0 : i32
        %gather3A_108 = tpu.memref_slice %arg10[%rem3A_22, %gather3A_107] : memref<2x3072xi32, #tpu.memory_space<vmem>> -> memref<1x3072xi32, #tpu.memory_space<vmem>>
        %gather3A_109 = tpu.memref_squeeze %gather3A_108 : memref<1x3072xi32, #tpu.memory_space<vmem>> -> memref<3072xi32, #tpu.memory_space<vmem>>
        %gather3A_110 = tpu.vector_load_idx %gather3A_109[%add3A_106] : memref<3072xi32, #tpu.memory_space<vmem>>[vector<16xi32>], vector<16xi32>,
        %parallel_loop3A_111 = arith.constant 0 : i32
        %parallel_loop3A_112 = arith.constant 16 : i32
        %parallel_loop3A_113 = arith.constant 1 : i32
        scf.for %parallel_loop3A_301 = %parallel_loop3A_111 to %parallel_loop3A_112 step %parallel_loop3A_113  : i32 {
          %parallel_loop3A_302 = arith.constant 512 : i32
          %parallel_loop3A_303 = arith.muli %parallel_loop3A_301, %parallel_loop3A_302 : i32
          %parallel_loop3A_304 = tpu.memref_slice %arg7[%parallel_loop3A_303] : memref<8192xi32, #tpu.memory_space<vmem>> -> memref<512xi32, #tpu.memory_space<vmem>>
          %parallel_loop3A_305 = tpu.vector_load_idx %parallel_loop3A_304[%get3A_86] : memref<512xi32, #tpu.memory_space<vmem>>[vector<16xi32>], vector<16xi32>,
          %parallel_loop3A_306 = arith.constant 1544 : i32
          %parallel_loop3A_307 = arith.muli %parallel_loop3A_301, %parallel_loop3A_306 : i32
          %parallel_loop3A_308 = tpu.memref_slice %arg8[%parallel_loop3A_307] : memref<24704xi32, #tpu.memory_space<vmem>> -> memref<1544xi32, #tpu.memory_space<vmem>>
          %parallel_loop3A_309 = tpu.vector_load_idx %parallel_loop3A_308[%gather3A_96] : memref<1544xi32, #tpu.memory_space<vmem>>[vector<16xi32>], vector<16xi32>,
          %parallel_loop3A_310 = arith.constant 1544 : i32
          %parallel_loop3A_311 = arith.muli %parallel_loop3A_301, %parallel_loop3A_310 : i32
          %parallel_loop3A_312 = tpu.memref_slice %arg8[%parallel_loop3A_311] : memref<24704xi32, #tpu.memory_space<vmem>> -> memref<1544xi32, #tpu.memory_space<vmem>>
          %parallel_loop3A_313 = tpu.vector_load_idx %parallel_loop3A_312[%gather3A_103] : memref<1544xi32, #tpu.memory_space<vmem>>[vector<16xi32>], vector<16xi32>,
          %parallel_loop3A_314 = arith.constant 1544 : i32
          %parallel_loop3A_315 = arith.muli %parallel_loop3A_301, %parallel_loop3A_314 : i32
          %parallel_loop3A_316 = tpu.memref_slice %arg8[%parallel_loop3A_315] : memref<24704xi32, #tpu.memory_space<vmem>> -> memref<1544xi32, #tpu.memory_space<vmem>>
          %parallel_loop3A_317 = tpu.vector_load_idx %parallel_loop3A_316[%gather3A_110] : memref<1544xi32, #tpu.memory_space<vmem>>[vector<16xi32>], vector<16xi32>,
          %parallel_loop3A_318 = vector.bitcast %parallel_loop3A_305 : vector<16xi32> to vector<32xbf16>
          %parallel_loop3A_319 = tpu.unpack_subelements %parallel_loop3A_318, 0 {pack_format = #tpu.pack_format<interleaved>} : vector<32xbf16> -> vector<16xf32>
          %parallel_loop3A_320 = tpu.unpack_subelements %parallel_loop3A_318, 1 {pack_format = #tpu.pack_format<interleaved>} : vector<32xbf16> -> vector<16xf32>
          %parallel_loop3A_321 = vector.bitcast %parallel_loop3A_309 : vector<16xi32> to vector<32xbf16>
          %parallel_loop3A_322 = tpu.unpack_subelements %parallel_loop3A_321, 0 {pack_format = #tpu.pack_format<interleaved>} : vector<32xbf16> -> vector<16xf32>
          %parallel_loop3A_323 = tpu.unpack_subelements %parallel_loop3A_321, 1 {pack_format = #tpu.pack_format<interleaved>} : vector<32xbf16> -> vector<16xf32>
          %parallel_loop3A_324 = vector.bitcast %parallel_loop3A_313 : vector<16xi32> to vector<32xbf16>
          %parallel_loop3A_325 = tpu.unpack_subelements %parallel_loop3A_324, 0 {pack_format = #tpu.pack_format<interleaved>} : vector<32xbf16> -> vector<16xf32>
          %parallel_loop3A_326 = tpu.unpack_subelements %parallel_loop3A_324, 1 {pack_format = #tpu.pack_format<interleaved>} : vector<32xbf16> -> vector<16xf32>
          %parallel_loop3A_327 = vector.bitcast %parallel_loop3A_317 : vector<16xi32> to vector<32xbf16>
          %parallel_loop3A_328 = tpu.unpack_subelements %parallel_loop3A_327, 0 {pack_format = #tpu.pack_format<interleaved>} : vector<32xbf16> -> vector<16xf32>
          %parallel_loop3A_329 = tpu.unpack_subelements %parallel_loop3A_327, 1 {pack_format = #tpu.pack_format<interleaved>} : vector<32xbf16> -> vector<16xf32>
          %parallel_loop3A_330 = arith.addf %parallel_loop3A_319, %parallel_loop3A_322 : vector<16xf32>
          %parallel_loop3A_331 = arith.addf %parallel_loop3A_325, %parallel_loop3A_328 : vector<16xf32>
          %parallel_loop3A_332 = arith.addf %parallel_loop3A_330, %parallel_loop3A_331 : vector<16xf32>
          %parallel_loop3A_333 = arith.constant 2 : i32
          %parallel_loop3A_334 = arith.muli %parallel_loop3A_333, %parallel_loop3A_301 : i32
          %parallel_loop3A_335 = arith.constant 8 : i32
          %parallel_loop3A_336 = arith.muli %parallel_loop3A_334, %parallel_loop3A_335 : i32
          %parallel_loop3A_337 = arith.addi %parallel_loop3A_336, %scan3A_53 : i32
          %parallel_loop3A_338 = arith.index_cast %rem3A_22 : i32 to index
          %parallel_loop3A_339 = arith.index_cast %parallel_loop3A_337 : i32 to index
          %parallel_loop3A_340 = arith.constant 16 : index
          %parallel_loop3A_341 = tpu.vector_load %arg11[%parallel_loop3A_338, %parallel_loop3A_339, %parallel_loop3A_340] {strides = array<i32>} : memref<2x256x128xf32, #tpu.memory_space<vmem>>, vector<16xf32>,
          tpu.vector_store %arg11[%parallel_loop3A_338, %parallel_loop3A_339, %parallel_loop3A_340], %parallel_loop3A_332 {strides = array<i32>} : memref<2x256x128xf32, #tpu.memory_space<vmem>>, vector<16xf32>,
          %parallel_loop3A_342 = arith.addf %parallel_loop3A_320, %parallel_loop3A_323 : vector<16xf32>
          %parallel_loop3A_343 = arith.addf %parallel_loop3A_326, %parallel_loop3A_329 : vector<16xf32>
          %parallel_loop3A_344 = arith.addf %parallel_loop3A_342, %parallel_loop3A_343 : vector<16xf32>
          %parallel_loop3A_345 = arith.constant 2 : i32
          %parallel_loop3A_346 = arith.muli %parallel_loop3A_345, %parallel_loop3A_301 : i32
          %parallel_loop3A_347 = arith.constant 1 : i32
          %parallel_loop3A_348 = arith.addi %parallel_loop3A_346, %parallel_loop3A_347 : i32
          %parallel_loop3A_349 = arith.constant 8 : i32
          %parallel_loop3A_350 = arith.muli %parallel_loop3A_348, %parallel_loop3A_349 : i32
          %parallel_loop3A_351 = arith.addi %parallel_loop3A_350, %scan3A_53 : i32
          %parallel_loop3A_352 = arith.index_cast %rem3A_22 : i32 to index
          %parallel_loop3A_353 = arith.index_cast %parallel_loop3A_351 : i32 to index
          %parallel_loop3A_354 = arith.constant 16 : index
          %parallel_loop3A_355 = tpu.vector_load %arg11[%parallel_loop3A_352, %parallel_loop3A_353, %parallel_loop3A_354] {strides = array<i32>} : memref<2x256x128xf32, #tpu.memory_space<vmem>>, vector<16xf32>,
          tpu.vector_store %arg11[%parallel_loop3A_352, %parallel_loop3A_353, %parallel_loop3A_354], %parallel_loop3A_344 {strides = array<i32>} : memref<2x256x128xf32, #tpu.memory_space<vmem>>, vector<16xf32>,
        } {sc.loop_unroll_factor = 4 : i64, sc.parallel_access}
        %get3A_114 = arith.index_cast %rem3A_22 : i32 to index
        %get3A_115 = arith.index_cast %scan3A_53 : i32 to index
        %get3A_116 = arith.constant 32 : index
        %get3A_117 = tpu.vector_load %arg9[%get3A_114, %get3A_115, %get3A_116] {strides = array<i32>} : memref<2x8x128xi32, #tpu.memory_space<vmem>>, vector<16xi32>,
        %mul3A_118 = arith.constant 384 : i32
        %mul3A_119 = arith.muli %scan3A_53, %mul3A_118 : i32
        %add3A_120 = arith.constant 96 : i32
        %add3A_121 = arith.addi %mul3A_119, %add3A_120 : i32
        %add3A_122 = vector.broadcast %add3A_121 : i32 to vector<16xi32>
        %add3A_123 = arith.addi %mul3A_3, %add3A_122 : vector<16xi32>
        %gather3A_124 = arith.constant 0 : i32
        %gather3A_125 = tpu.memref_slice %arg10[%rem3A_22, %gather3A_124] : memref<2x3072xi32, #tpu.memory_space<vmem>> -> memref<1x3072xi32, #tpu.memory_space<vmem>>
        %gather3A_126 = tpu.memref_squeeze %gather3A_125 : memref<1x3072xi32, #tpu.memory_space<vmem>> -> memref<3072xi32, #tpu.memory_space<vmem>>
        %gather3A_127 = tpu.vector_load_idx %gather3A_126[%add3A_123] : memref<3072xi32, #tpu.memory_space<vmem>>[vector<16xi32>], vector<16xi32>,
        %add3A_128 = arith.constant 1 : i32
        %add3A_129 = vector.broadcast %add3A_128 : i32 to vector<16xi32>
        %add3A_130 = arith.addi %add3A_123, %add3A_129 : vector<16xi32>
        %gather3A_131 = arith.constant 0 : i32
        %gather3A_132 = tpu.memref_slice %arg10[%rem3A_22, %gather3A_131] : memref<2x3072xi32, #tpu.memory_space<vmem>> -> memref<1x3072xi32, #tpu.memory_space<vmem>>
        %gather3A_133 = tpu.memref_squeeze %gather3A_132 : memref<1x3072xi32, #tpu.memory_space<vmem>> -> memref<3072xi32, #tpu.memory_space<vmem>>
        %gather3A_134 = tpu.vector_load_idx %gather3A_133[%add3A_130] : memref<3072xi32, #tpu.memory_space<vmem>>[vector<16xi32>], vector<16xi32>,
        %add3A_135 = arith.constant 2 : i32
        %add3A_136 = vector.broadcast %add3A_135 : i32 to vector<16xi32>
        %add3A_137 = arith.addi %add3A_123, %add3A_136 : vector<16xi32>
        %gather3A_138 = arith.constant 0 : i32
        %gather3A_139 = tpu.memref_slice %arg10[%rem3A_22, %gather3A_138] : memref<2x3072xi32, #tpu.memory_space<vmem>> -> memref<1x3072xi32, #tpu.memory_space<vmem>>
        %gather3A_140 = tpu.memref_squeeze %gather3A_139 : memref<1x3072xi32, #tpu.memory_space<vmem>> -> memref<3072xi32, #tpu.memory_space<vmem>>
        %gather3A_141 = tpu.vector_load_idx %gather3A_140[%add3A_137] : memref<3072xi32, #tpu.memory_space<vmem>>[vector<16xi32>], vector<16xi32>,
        %parallel_loop3A_142 = arith.constant 0 : i32
        %parallel_loop3A_143 = arith.constant 16 : i32
        %parallel_loop3A_144 = arith.constant 1 : i32
        scf.for %parallel_loop3A_301 = %parallel_loop3A_142 to %parallel_loop3A_143 step %parallel_loop3A_144  : i32 {
          %parallel_loop3A_302 = arith.constant 512 : i32
          %parallel_loop3A_303 = arith.muli %parallel_loop3A_301, %parallel_loop3A_302 : i32
          %parallel_loop3A_304 = tpu.memref_slice %arg7[%parallel_loop3A_303] : memref<8192xi32, #tpu.memory_space<vmem>> -> memref<512xi32, #tpu.memory_space<vmem>>
          %parallel_loop3A_305 = tpu.vector_load_idx %parallel_loop3A_304[%get3A_117] : memref<512xi32, #tpu.memory_space<vmem>>[vector<16xi32>], vector<16xi32>,
          %parallel_loop3A_306 = arith.constant 1544 : i32
          %parallel_loop3A_307 = arith.muli %parallel_loop3A_301, %parallel_loop3A_306 : i32
          %parallel_loop3A_308 = tpu.memref_slice %arg8[%parallel_loop3A_307] : memref<24704xi32, #tpu.memory_space<vmem>> -> memref<1544xi32, #tpu.memory_space<vmem>>
          %parallel_loop3A_309 = tpu.vector_load_idx %parallel_loop3A_308[%gather3A_127] : memref<1544xi32, #tpu.memory_space<vmem>>[vector<16xi32>], vector<16xi32>,
          %parallel_loop3A_310 = arith.constant 1544 : i32
          %parallel_loop3A_311 = arith.muli %parallel_loop3A_301, %parallel_loop3A_310 : i32
          %parallel_loop3A_312 = tpu.memref_slice %arg8[%parallel_loop3A_311] : memref<24704xi32, #tpu.memory_space<vmem>> -> memref<1544xi32, #tpu.memory_space<vmem>>
          %parallel_loop3A_313 = tpu.vector_load_idx %parallel_loop3A_312[%gather3A_134] : memref<1544xi32, #tpu.memory_space<vmem>>[vector<16xi32>], vector<16xi32>,
          %parallel_loop3A_314 = arith.constant 1544 : i32
          %parallel_loop3A_315 = arith.muli %parallel_loop3A_301, %parallel_loop3A_314 : i32
          %parallel_loop3A_316 = tpu.memref_slice %arg8[%parallel_loop3A_315] : memref<24704xi32, #tpu.memory_space<vmem>> -> memref<1544xi32, #tpu.memory_space<vmem>>
          %parallel_loop3A_317 = tpu.vector_load_idx %parallel_loop3A_316[%gather3A_141] : memref<1544xi32, #tpu.memory_space<vmem>>[vector<16xi32>], vector<16xi32>,
          %parallel_loop3A_318 = vector.bitcast %parallel_loop3A_305 : vector<16xi32> to vector<32xbf16>
          %parallel_loop3A_319 = tpu.unpack_subelements %parallel_loop3A_318, 0 {pack_format = #tpu.pack_format<interleaved>} : vector<32xbf16> -> vector<16xf32>
          %parallel_loop3A_320 = tpu.unpack_subelements %parallel_loop3A_318, 1 {pack_format = #tpu.pack_format<interleaved>} : vector<32xbf16> -> vector<16xf32>
          %parallel_loop3A_321 = vector.bitcast %parallel_loop3A_309 : vector<16xi32> to vector<32xbf16>
          %parallel_loop3A_322 = tpu.unpack_subelements %parallel_loop3A_321, 0 {pack_format = #tpu.pack_format<interleaved>} : vector<32xbf16> -> vector<16xf32>
          %parallel_loop3A_323 = tpu.unpack_subelements %parallel_loop3A_321, 1 {pack_format = #tpu.pack_format<interleaved>} : vector<32xbf16> -> vector<16xf32>
          %parallel_loop3A_324 = vector.bitcast %parallel_loop3A_313 : vector<16xi32> to vector<32xbf16>
          %parallel_loop3A_325 = tpu.unpack_subelements %parallel_loop3A_324, 0 {pack_format = #tpu.pack_format<interleaved>} : vector<32xbf16> -> vector<16xf32>
          %parallel_loop3A_326 = tpu.unpack_subelements %parallel_loop3A_324, 1 {pack_format = #tpu.pack_format<interleaved>} : vector<32xbf16> -> vector<16xf32>
          %parallel_loop3A_327 = vector.bitcast %parallel_loop3A_317 : vector<16xi32> to vector<32xbf16>
          %parallel_loop3A_328 = tpu.unpack_subelements %parallel_loop3A_327, 0 {pack_format = #tpu.pack_format<interleaved>} : vector<32xbf16> -> vector<16xf32>
          %parallel_loop3A_329 = tpu.unpack_subelements %parallel_loop3A_327, 1 {pack_format = #tpu.pack_format<interleaved>} : vector<32xbf16> -> vector<16xf32>
          %parallel_loop3A_330 = arith.addf %parallel_loop3A_319, %parallel_loop3A_322 : vector<16xf32>
          %parallel_loop3A_331 = arith.addf %parallel_loop3A_325, %parallel_loop3A_328 : vector<16xf32>
          %parallel_loop3A_332 = arith.addf %parallel_loop3A_330, %parallel_loop3A_331 : vector<16xf32>
          %parallel_loop3A_333 = arith.constant 2 : i32
          %parallel_loop3A_334 = arith.muli %parallel_loop3A_333, %parallel_loop3A_301 : i32
          %parallel_loop3A_335 = arith.constant 8 : i32
          %parallel_loop3A_336 = arith.muli %parallel_loop3A_334, %parallel_loop3A_335 : i32
          %parallel_loop3A_337 = arith.addi %parallel_loop3A_336, %scan3A_53 : i32
          %parallel_loop3A_338 = arith.index_cast %rem3A_22 : i32 to index
          %parallel_loop3A_339 = arith.index_cast %parallel_loop3A_337 : i32 to index
          %parallel_loop3A_340 = arith.constant 32 : index
          %parallel_loop3A_341 = tpu.vector_load %arg11[%parallel_loop3A_338, %parallel_loop3A_339, %parallel_loop3A_340] {strides = array<i32>} : memref<2x256x128xf32, #tpu.memory_space<vmem>>, vector<16xf32>,
          tpu.vector_store %arg11[%parallel_loop3A_338, %parallel_loop3A_339, %parallel_loop3A_340], %parallel_loop3A_332 {strides = array<i32>} : memref<2x256x128xf32, #tpu.memory_space<vmem>>, vector<16xf32>,
          %parallel_loop3A_342 = arith.addf %parallel_loop3A_320, %parallel_loop3A_323 : vector<16xf32>
          %parallel_loop3A_343 = arith.addf %parallel_loop3A_326, %parallel_loop3A_329 : vector<16xf32>
          %parallel_loop3A_344 = arith.addf %parallel_loop3A_342, %parallel_loop3A_343 : vector<16xf32>
          %parallel_loop3A_345 = arith.constant 2 : i32
          %parallel_loop3A_346 = arith.muli %parallel_loop3A_345, %parallel_loop3A_301 : i32
          %parallel_loop3A_347 = arith.constant 1 : i32
          %parallel_loop3A_348 = arith.addi %parallel_loop3A_346, %parallel_loop3A_347 : i32
          %parallel_loop3A_349 = arith.constant 8 : i32
          %parallel_loop3A_350 = arith.muli %parallel_loop3A_348, %parallel_loop3A_349 : i32
          %parallel_loop3A_351 = arith.addi %parallel_loop3A_350, %scan3A_53 : i32
          %parallel_loop3A_352 = arith.index_cast %rem3A_22 : i32 to index
          %parallel_loop3A_353 = arith.index_cast %parallel_loop3A_351 : i32 to index
          %parallel_loop3A_354 = arith.constant 32 : index
          %parallel_loop3A_355 = tpu.vector_load %arg11[%parallel_loop3A_352, %parallel_loop3A_353, %parallel_loop3A_354] {strides = array<i32>} : memref<2x256x128xf32, #tpu.memory_space<vmem>>, vector<16xf32>,
          tpu.vector_store %arg11[%parallel_loop3A_352, %parallel_loop3A_353, %parallel_loop3A_354], %parallel_loop3A_344 {strides = array<i32>} : memref<2x256x128xf32, #tpu.memory_space<vmem>>, vector<16xf32>,
        } {sc.loop_unroll_factor = 4 : i64, sc.parallel_access}
        %get3A_145 = arith.index_cast %rem3A_22 : i32 to index
        %get3A_146 = arith.index_cast %scan3A_53 : i32 to index
        %get3A_147 = arith.constant 48 : index
        %get3A_148 = tpu.vector_load %arg9[%get3A_145, %get3A_146, %get3A_147] {strides = array<i32>} : memref<2x8x128xi32, #tpu.memory_space<vmem>>, vector<16xi32>,
        %mul3A_149 = arith.constant 384 : i32
        %mul3A_150 = arith.muli %scan3A_53, %mul3A_149 : i32
        %add3A_151 = arith.constant 144 : i32
        %add3A_152 = arith.addi %mul3A_150, %add3A_151 : i32
        %add3A_153 = vector.broadcast %add3A_152 : i32 to vector<16xi32>
        %add3A_154 = arith.addi %mul3A_3, %add3A_153 : vector<16xi32>
        %gather3A_155 = arith.constant 0 : i32
        %gather3A_156 = tpu.memref_slice %arg10[%rem3A_22, %gather3A_155] : memref<2x3072xi32, #tpu.memory_space<vmem>> -> memref<1x3072xi32, #tpu.memory_space<vmem>>
        %gather3A_157 = tpu.memref_squeeze %gather3A_156 : memref<1x3072xi32, #tpu.memory_space<vmem>> -> memref<3072xi32, #tpu.memory_space<vmem>>
        %gather3A_158 = tpu.vector_load_idx %gather3A_157[%add3A_154] : memref<3072xi32, #tpu.memory_space<vmem>>[vector<16xi32>], vector<16xi32>,
        %add3A_159 = arith.constant 1 : i32
        %add3A_160 = vector.broadcast %add3A_159 : i32 to vector<16xi32>
        %add3A_161 = arith.addi %add3A_154, %add3A_160 : vector<16xi32>
        %gather3A_162 = arith.constant 0 : i32
        %gather3A_163 = tpu.memref_slice %arg10[%rem3A_22, %gather3A_162] : memref<2x3072xi32, #tpu.memory_space<vmem>> -> memref<1x3072xi32, #tpu.memory_space<vmem>>
        %gather3A_164 = tpu.memref_squeeze %gather3A_163 : memref<1x3072xi32, #tpu.memory_space<vmem>> -> memref<3072xi32, #tpu.memory_space<vmem>>
        %gather3A_165 = tpu.vector_load_idx %gather3A_164[%add3A_161] : memref<3072xi32, #tpu.memory_space<vmem>>[vector<16xi32>], vector<16xi32>,
        %add3A_166 = arith.constant 2 : i32
        %add3A_167 = vector.broadcast %add3A_166 : i32 to vector<16xi32>
        %add3A_168 = arith.addi %add3A_154, %add3A_167 : vector<16xi32>
        %gather3A_169 = arith.constant 0 : i32
        %gather3A_170 = tpu.memref_slice %arg10[%rem3A_22, %gather3A_169] : memref<2x3072xi32, #tpu.memory_space<vmem>> -> memref<1x3072xi32, #tpu.memory_space<vmem>>
        %gather3A_171 = tpu.memref_squeeze %gather3A_170 : memref<1x3072xi32, #tpu.memory_space<vmem>> -> memref<3072xi32, #tpu.memory_space<vmem>>
        %gather3A_172 = tpu.vector_load_idx %gather3A_171[%add3A_168] : memref<3072xi32, #tpu.memory_space<vmem>>[vector<16xi32>], vector<16xi32>,
        %parallel_loop3A_173 = arith.constant 0 : i32
        %parallel_loop3A_174 = arith.constant 16 : i32
        %parallel_loop3A_175 = arith.constant 1 : i32
        scf.for %parallel_loop3A_301 = %parallel_loop3A_173 to %parallel_loop3A_174 step %parallel_loop3A_175  : i32 {
          %parallel_loop3A_302 = arith.constant 512 : i32
          %parallel_loop3A_303 = arith.muli %parallel_loop3A_301, %parallel_loop3A_302 : i32
          %parallel_loop3A_304 = tpu.memref_slice %arg7[%parallel_loop3A_303] : memref<8192xi32, #tpu.memory_space<vmem>> -> memref<512xi32, #tpu.memory_space<vmem>>
          %parallel_loop3A_305 = tpu.vector_load_idx %parallel_loop3A_304[%get3A_148] : memref<512xi32, #tpu.memory_space<vmem>>[vector<16xi32>], vector<16xi32>,
          %parallel_loop3A_306 = arith.constant 1544 : i32
          %parallel_loop3A_307 = arith.muli %parallel_loop3A_301, %parallel_loop3A_306 : i32
          %parallel_loop3A_308 = tpu.memref_slice %arg8[%parallel_loop3A_307] : memref<24704xi32, #tpu.memory_space<vmem>> -> memref<1544xi32, #tpu.memory_space<vmem>>
          %parallel_loop3A_309 = tpu.vector_load_idx %parallel_loop3A_308[%gather3A_158] : memref<1544xi32, #tpu.memory_space<vmem>>[vector<16xi32>], vector<16xi32>,
          %parallel_loop3A_310 = arith.constant 1544 : i32
          %parallel_loop3A_311 = arith.muli %parallel_loop3A_301, %parallel_loop3A_310 : i32
          %parallel_loop3A_312 = tpu.memref_slice %arg8[%parallel_loop3A_311] : memref<24704xi32, #tpu.memory_space<vmem>> -> memref<1544xi32, #tpu.memory_space<vmem>>
          %parallel_loop3A_313 = tpu.vector_load_idx %parallel_loop3A_312[%gather3A_165] : memref<1544xi32, #tpu.memory_space<vmem>>[vector<16xi32>], vector<16xi32>,
          %parallel_loop3A_314 = arith.constant 1544 : i32
          %parallel_loop3A_315 = arith.muli %parallel_loop3A_301, %parallel_loop3A_314 : i32
          %parallel_loop3A_316 = tpu.memref_slice %arg8[%parallel_loop3A_315] : memref<24704xi32, #tpu.memory_space<vmem>> -> memref<1544xi32, #tpu.memory_space<vmem>>
          %parallel_loop3A_317 = tpu.vector_load_idx %parallel_loop3A_316[%gather3A_172] : memref<1544xi32, #tpu.memory_space<vmem>>[vector<16xi32>], vector<16xi32>,
          %parallel_loop3A_318 = vector.bitcast %parallel_loop3A_305 : vector<16xi32> to vector<32xbf16>
          %parallel_loop3A_319 = tpu.unpack_subelements %parallel_loop3A_318, 0 {pack_format = #tpu.pack_format<interleaved>} : vector<32xbf16> -> vector<16xf32>
          %parallel_loop3A_320 = tpu.unpack_subelements %parallel_loop3A_318, 1 {pack_format = #tpu.pack_format<interleaved>} : vector<32xbf16> -> vector<16xf32>
          %parallel_loop3A_321 = vector.bitcast %parallel_loop3A_309 : vector<16xi32> to vector<32xbf16>
          %parallel_loop3A_322 = tpu.unpack_subelements %parallel_loop3A_321, 0 {pack_format = #tpu.pack_format<interleaved>} : vector<32xbf16> -> vector<16xf32>
          %parallel_loop3A_323 = tpu.unpack_subelements %parallel_loop3A_321, 1 {pack_format = #tpu.pack_format<interleaved>} : vector<32xbf16> -> vector<16xf32>
          %parallel_loop3A_324 = vector.bitcast %parallel_loop3A_313 : vector<16xi32> to vector<32xbf16>
          %parallel_loop3A_325 = tpu.unpack_subelements %parallel_loop3A_324, 0 {pack_format = #tpu.pack_format<interleaved>} : vector<32xbf16> -> vector<16xf32>
          %parallel_loop3A_326 = tpu.unpack_subelements %parallel_loop3A_324, 1 {pack_format = #tpu.pack_format<interleaved>} : vector<32xbf16> -> vector<16xf32>
          %parallel_loop3A_327 = vector.bitcast %parallel_loop3A_317 : vector<16xi32> to vector<32xbf16>
          %parallel_loop3A_328 = tpu.unpack_subelements %parallel_loop3A_327, 0 {pack_format = #tpu.pack_format<interleaved>} : vector<32xbf16> -> vector<16xf32>
          %parallel_loop3A_329 = tpu.unpack_subelements %parallel_loop3A_327, 1 {pack_format = #tpu.pack_format<interleaved>} : vector<32xbf16> -> vector<16xf32>
          %parallel_loop3A_330 = arith.addf %parallel_loop3A_319, %parallel_loop3A_322 : vector<16xf32>
          %parallel_loop3A_331 = arith.addf %parallel_loop3A_325, %parallel_loop3A_328 : vector<16xf32>
          %parallel_loop3A_332 = arith.addf %parallel_loop3A_330, %parallel_loop3A_331 : vector<16xf32>
          %parallel_loop3A_333 = arith.constant 2 : i32
          %parallel_loop3A_334 = arith.muli %parallel_loop3A_333, %parallel_loop3A_301 : i32
          %parallel_loop3A_335 = arith.constant 8 : i32
          %parallel_loop3A_336 = arith.muli %parallel_loop3A_334, %parallel_loop3A_335 : i32
          %parallel_loop3A_337 = arith.addi %parallel_loop3A_336, %scan3A_53 : i32
          %parallel_loop3A_338 = arith.index_cast %rem3A_22 : i32 to index
          %parallel_loop3A_339 = arith.index_cast %parallel_loop3A_337 : i32 to index
          %parallel_loop3A_340 = arith.constant 48 : index
          %parallel_loop3A_341 = tpu.vector_load %arg11[%parallel_loop3A_338, %parallel_loop3A_339, %parallel_loop3A_340] {strides = array<i32>} : memref<2x256x128xf32, #tpu.memory_space<vmem>>, vector<16xf32>,
          tpu.vector_store %arg11[%parallel_loop3A_338, %parallel_loop3A_339, %parallel_loop3A_340], %parallel_loop3A_332 {strides = array<i32>} : memref<2x256x128xf32, #tpu.memory_space<vmem>>, vector<16xf32>,
          %parallel_loop3A_342 = arith.addf %parallel_loop3A_320, %parallel_loop3A_323 : vector<16xf32>
          %parallel_loop3A_343 = arith.addf %parallel_loop3A_326, %parallel_loop3A_329 : vector<16xf32>
          %parallel_loop3A_344 = arith.addf %parallel_loop3A_342, %parallel_loop3A_343 : vector<16xf32>
          %parallel_loop3A_345 = arith.constant 2 : i32
          %parallel_loop3A_346 = arith.muli %parallel_loop3A_345, %parallel_loop3A_301 : i32
          %parallel_loop3A_347 = arith.constant 1 : i32
          %parallel_loop3A_348 = arith.addi %parallel_loop3A_346, %parallel_loop3A_347 : i32
          %parallel_loop3A_349 = arith.constant 8 : i32
          %parallel_loop3A_350 = arith.muli %parallel_loop3A_348, %parallel_loop3A_349 : i32
          %parallel_loop3A_351 = arith.addi %parallel_loop3A_350, %scan3A_53 : i32
          %parallel_loop3A_352 = arith.index_cast %rem3A_22 : i32 to index
          %parallel_loop3A_353 = arith.index_cast %parallel_loop3A_351 : i32 to index
          %parallel_loop3A_354 = arith.constant 48 : index
          %parallel_loop3A_355 = tpu.vector_load %arg11[%parallel_loop3A_352, %parallel_loop3A_353, %parallel_loop3A_354] {strides = array<i32>} : memref<2x256x128xf32, #tpu.memory_space<vmem>>, vector<16xf32>,
          tpu.vector_store %arg11[%parallel_loop3A_352, %parallel_loop3A_353, %parallel_loop3A_354], %parallel_loop3A_344 {strides = array<i32>} : memref<2x256x128xf32, #tpu.memory_space<vmem>>, vector<16xf32>,
        } {sc.loop_unroll_factor = 4 : i64, sc.parallel_access}
        %get3A_176 = arith.index_cast %rem3A_22 : i32 to index
        %get3A_177 = arith.index_cast %scan3A_53 : i32 to index
        %get3A_178 = arith.constant 64 : index
        %get3A_179 = tpu.vector_load %arg9[%get3A_176, %get3A_177, %get3A_178] {strides = array<i32>} : memref<2x8x128xi32, #tpu.memory_space<vmem>>, vector<16xi32>,
        %mul3A_180 = arith.constant 384 : i32
        %mul3A_181 = arith.muli %scan3A_53, %mul3A_180 : i32
        %add3A_182 = arith.constant 192 : i32
        %add3A_183 = arith.addi %mul3A_181, %add3A_182 : i32
        %add3A_184 = vector.broadcast %add3A_183 : i32 to vector<16xi32>
        %add3A_185 = arith.addi %mul3A_3, %add3A_184 : vector<16xi32>
        %gather3A_186 = arith.constant 0 : i32
        %gather3A_187 = tpu.memref_slice %arg10[%rem3A_22, %gather3A_186] : memref<2x3072xi32, #tpu.memory_space<vmem>> -> memref<1x3072xi32, #tpu.memory_space<vmem>>
        %gather3A_188 = tpu.memref_squeeze %gather3A_187 : memref<1x3072xi32, #tpu.memory_space<vmem>> -> memref<3072xi32, #tpu.memory_space<vmem>>
        %gather3A_189 = tpu.vector_load_idx %gather3A_188[%add3A_185] : memref<3072xi32, #tpu.memory_space<vmem>>[vector<16xi32>], vector<16xi32>,
        %add3A_190 = arith.constant 1 : i32
        %add3A_191 = vector.broadcast %add3A_190 : i32 to vector<16xi32>
        %add3A_192 = arith.addi %add3A_185, %add3A_191 : vector<16xi32>
        %gather3A_193 = arith.constant 0 : i32
        %gather3A_194 = tpu.memref_slice %arg10[%rem3A_22, %gather3A_193] : memref<2x3072xi32, #tpu.memory_space<vmem>> -> memref<1x3072xi32, #tpu.memory_space<vmem>>
        %gather3A_195 = tpu.memref_squeeze %gather3A_194 : memref<1x3072xi32, #tpu.memory_space<vmem>> -> memref<3072xi32, #tpu.memory_space<vmem>>
        %gather3A_196 = tpu.vector_load_idx %gather3A_195[%add3A_192] : memref<3072xi32, #tpu.memory_space<vmem>>[vector<16xi32>], vector<16xi32>,
        %add3A_197 = arith.constant 2 : i32
        %add3A_198 = vector.broadcast %add3A_197 : i32 to vector<16xi32>
        %add3A_199 = arith.addi %add3A_185, %add3A_198 : vector<16xi32>
        %gather3A_200 = arith.constant 0 : i32
        %gather3A_201 = tpu.memref_slice %arg10[%rem3A_22, %gather3A_200] : memref<2x3072xi32, #tpu.memory_space<vmem>> -> memref<1x3072xi32, #tpu.memory_space<vmem>>
        %gather3A_202 = tpu.memref_squeeze %gather3A_201 : memref<1x3072xi32, #tpu.memory_space<vmem>> -> memref<3072xi32, #tpu.memory_space<vmem>>
        %gather3A_203 = tpu.vector_load_idx %gather3A_202[%add3A_199] : memref<3072xi32, #tpu.memory_space<vmem>>[vector<16xi32>], vector<16xi32>,
        %parallel_loop3A_204 = arith.constant 0 : i32
        %parallel_loop3A_205 = arith.constant 16 : i32
        %parallel_loop3A_206 = arith.constant 1 : i32
        scf.for %parallel_loop3A_301 = %parallel_loop3A_204 to %parallel_loop3A_205 step %parallel_loop3A_206  : i32 {
          %parallel_loop3A_302 = arith.constant 512 : i32
          %parallel_loop3A_303 = arith.muli %parallel_loop3A_301, %parallel_loop3A_302 : i32
          %parallel_loop3A_304 = tpu.memref_slice %arg7[%parallel_loop3A_303] : memref<8192xi32, #tpu.memory_space<vmem>> -> memref<512xi32, #tpu.memory_space<vmem>>
          %parallel_loop3A_305 = tpu.vector_load_idx %parallel_loop3A_304[%get3A_179] : memref<512xi32, #tpu.memory_space<vmem>>[vector<16xi32>], vector<16xi32>,
          %parallel_loop3A_306 = arith.constant 1544 : i32
          %parallel_loop3A_307 = arith.muli %parallel_loop3A_301, %parallel_loop3A_306 : i32
          %parallel_loop3A_308 = tpu.memref_slice %arg8[%parallel_loop3A_307] : memref<24704xi32, #tpu.memory_space<vmem>> -> memref<1544xi32, #tpu.memory_space<vmem>>
          %parallel_loop3A_309 = tpu.vector_load_idx %parallel_loop3A_308[%gather3A_189] : memref<1544xi32, #tpu.memory_space<vmem>>[vector<16xi32>], vector<16xi32>,
          %parallel_loop3A_310 = arith.constant 1544 : i32
          %parallel_loop3A_311 = arith.muli %parallel_loop3A_301, %parallel_loop3A_310 : i32
          %parallel_loop3A_312 = tpu.memref_slice %arg8[%parallel_loop3A_311] : memref<24704xi32, #tpu.memory_space<vmem>> -> memref<1544xi32, #tpu.memory_space<vmem>>
          %parallel_loop3A_313 = tpu.vector_load_idx %parallel_loop3A_312[%gather3A_196] : memref<1544xi32, #tpu.memory_space<vmem>>[vector<16xi32>], vector<16xi32>,
          %parallel_loop3A_314 = arith.constant 1544 : i32
          %parallel_loop3A_315 = arith.muli %parallel_loop3A_301, %parallel_loop3A_314 : i32
          %parallel_loop3A_316 = tpu.memref_slice %arg8[%parallel_loop3A_315] : memref<24704xi32, #tpu.memory_space<vmem>> -> memref<1544xi32, #tpu.memory_space<vmem>>
          %parallel_loop3A_317 = tpu.vector_load_idx %parallel_loop3A_316[%gather3A_203] : memref<1544xi32, #tpu.memory_space<vmem>>[vector<16xi32>], vector<16xi32>,
          %parallel_loop3A_318 = vector.bitcast %parallel_loop3A_305 : vector<16xi32> to vector<32xbf16>
          %parallel_loop3A_319 = tpu.unpack_subelements %parallel_loop3A_318, 0 {pack_format = #tpu.pack_format<interleaved>} : vector<32xbf16> -> vector<16xf32>
          %parallel_loop3A_320 = tpu.unpack_subelements %parallel_loop3A_318, 1 {pack_format = #tpu.pack_format<interleaved>} : vector<32xbf16> -> vector<16xf32>
          %parallel_loop3A_321 = vector.bitcast %parallel_loop3A_309 : vector<16xi32> to vector<32xbf16>
          %parallel_loop3A_322 = tpu.unpack_subelements %parallel_loop3A_321, 0 {pack_format = #tpu.pack_format<interleaved>} : vector<32xbf16> -> vector<16xf32>
          %parallel_loop3A_323 = tpu.unpack_subelements %parallel_loop3A_321, 1 {pack_format = #tpu.pack_format<interleaved>} : vector<32xbf16> -> vector<16xf32>
          %parallel_loop3A_324 = vector.bitcast %parallel_loop3A_313 : vector<16xi32> to vector<32xbf16>
          %parallel_loop3A_325 = tpu.unpack_subelements %parallel_loop3A_324, 0 {pack_format = #tpu.pack_format<interleaved>} : vector<32xbf16> -> vector<16xf32>
          %parallel_loop3A_326 = tpu.unpack_subelements %parallel_loop3A_324, 1 {pack_format = #tpu.pack_format<interleaved>} : vector<32xbf16> -> vector<16xf32>
          %parallel_loop3A_327 = vector.bitcast %parallel_loop3A_317 : vector<16xi32> to vector<32xbf16>
          %parallel_loop3A_328 = tpu.unpack_subelements %parallel_loop3A_327, 0 {pack_format = #tpu.pack_format<interleaved>} : vector<32xbf16> -> vector<16xf32>
          %parallel_loop3A_329 = tpu.unpack_subelements %parallel_loop3A_327, 1 {pack_format = #tpu.pack_format<interleaved>} : vector<32xbf16> -> vector<16xf32>
          %parallel_loop3A_330 = arith.addf %parallel_loop3A_319, %parallel_loop3A_322 : vector<16xf32>
          %parallel_loop3A_331 = arith.addf %parallel_loop3A_325, %parallel_loop3A_328 : vector<16xf32>
          %parallel_loop3A_332 = arith.addf %parallel_loop3A_330, %parallel_loop3A_331 : vector<16xf32>
          %parallel_loop3A_333 = arith.constant 2 : i32
          %parallel_loop3A_334 = arith.muli %parallel_loop3A_333, %parallel_loop3A_301 : i32
          %parallel_loop3A_335 = arith.constant 8 : i32
          %parallel_loop3A_336 = arith.muli %parallel_loop3A_334, %parallel_loop3A_335 : i32
          %parallel_loop3A_337 = arith.addi %parallel_loop3A_336, %scan3A_53 : i32
          %parallel_loop3A_338 = arith.index_cast %rem3A_22 : i32 to index
          %parallel_loop3A_339 = arith.index_cast %parallel_loop3A_337 : i32 to index
          %parallel_loop3A_340 = arith.constant 64 : index
          %parallel_loop3A_341 = tpu.vector_load %arg11[%parallel_loop3A_338, %parallel_loop3A_339, %parallel_loop3A_340] {strides = array<i32>} : memref<2x256x128xf32, #tpu.memory_space<vmem>>, vector<16xf32>,
          tpu.vector_store %arg11[%parallel_loop3A_338, %parallel_loop3A_339, %parallel_loop3A_340], %parallel_loop3A_332 {strides = array<i32>} : memref<2x256x128xf32, #tpu.memory_space<vmem>>, vector<16xf32>,
          %parallel_loop3A_342 = arith.addf %parallel_loop3A_320, %parallel_loop3A_323 : vector<16xf32>
          %parallel_loop3A_343 = arith.addf %parallel_loop3A_326, %parallel_loop3A_329 : vector<16xf32>
          %parallel_loop3A_344 = arith.addf %parallel_loop3A_342, %parallel_loop3A_343 : vector<16xf32>
          %parallel_loop3A_345 = arith.constant 2 : i32
          %parallel_loop3A_346 = arith.muli %parallel_loop3A_345, %parallel_loop3A_301 : i32
          %parallel_loop3A_347 = arith.constant 1 : i32
          %parallel_loop3A_348 = arith.addi %parallel_loop3A_346, %parallel_loop3A_347 : i32
          %parallel_loop3A_349 = arith.constant 8 : i32
          %parallel_loop3A_350 = arith.muli %parallel_loop3A_348, %parallel_loop3A_349 : i32
          %parallel_loop3A_351 = arith.addi %parallel_loop3A_350, %scan3A_53 : i32
          %parallel_loop3A_352 = arith.index_cast %rem3A_22 : i32 to index
          %parallel_loop3A_353 = arith.index_cast %parallel_loop3A_351 : i32 to index
          %parallel_loop3A_354 = arith.constant 64 : index
          %parallel_loop3A_355 = tpu.vector_load %arg11[%parallel_loop3A_352, %parallel_loop3A_353, %parallel_loop3A_354] {strides = array<i32>} : memref<2x256x128xf32, #tpu.memory_space<vmem>>, vector<16xf32>,
          tpu.vector_store %arg11[%parallel_loop3A_352, %parallel_loop3A_353, %parallel_loop3A_354], %parallel_loop3A_344 {strides = array<i32>} : memref<2x256x128xf32, #tpu.memory_space<vmem>>, vector<16xf32>,
        } {sc.loop_unroll_factor = 4 : i64, sc.parallel_access}
        %get3A_207 = arith.index_cast %rem3A_22 : i32 to index
        %get3A_208 = arith.index_cast %scan3A_53 : i32 to index
        %get3A_209 = arith.constant 80 : index
        %get3A_210 = tpu.vector_load %arg9[%get3A_207, %get3A_208, %get3A_209] {strides = array<i32>} : memref<2x8x128xi32, #tpu.memory_space<vmem>>, vector<16xi32>,
        %mul3A_211 = arith.constant 384 : i32
        %mul3A_212 = arith.muli %scan3A_53, %mul3A_211 : i32
        %add3A_213 = arith.constant 240 : i32
        %add3A_214 = arith.addi %mul3A_212, %add3A_213 : i32
        %add3A_215 = vector.broadcast %add3A_214 : i32 to vector<16xi32>
        %add3A_216 = arith.addi %mul3A_3, %add3A_215 : vector<16xi32>
        %gather3A_217 = arith.constant 0 : i32
        %gather3A_218 = tpu.memref_slice %arg10[%rem3A_22, %gather3A_217] : memref<2x3072xi32, #tpu.memory_space<vmem>> -> memref<1x3072xi32, #tpu.memory_space<vmem>>
        %gather3A_219 = tpu.memref_squeeze %gather3A_218 : memref<1x3072xi32, #tpu.memory_space<vmem>> -> memref<3072xi32, #tpu.memory_space<vmem>>
        %gather3A_220 = tpu.vector_load_idx %gather3A_219[%add3A_216] : memref<3072xi32, #tpu.memory_space<vmem>>[vector<16xi32>], vector<16xi32>,
        %add3A_221 = arith.constant 1 : i32
        %add3A_222 = vector.broadcast %add3A_221 : i32 to vector<16xi32>
        %add3A_223 = arith.addi %add3A_216, %add3A_222 : vector<16xi32>
        %gather3A_224 = arith.constant 0 : i32
        %gather3A_225 = tpu.memref_slice %arg10[%rem3A_22, %gather3A_224] : memref<2x3072xi32, #tpu.memory_space<vmem>> -> memref<1x3072xi32, #tpu.memory_space<vmem>>
        %gather3A_226 = tpu.memref_squeeze %gather3A_225 : memref<1x3072xi32, #tpu.memory_space<vmem>> -> memref<3072xi32, #tpu.memory_space<vmem>>
        %gather3A_227 = tpu.vector_load_idx %gather3A_226[%add3A_223] : memref<3072xi32, #tpu.memory_space<vmem>>[vector<16xi32>], vector<16xi32>,
        %add3A_228 = arith.constant 2 : i32
        %add3A_229 = vector.broadcast %add3A_228 : i32 to vector<16xi32>
        %add3A_230 = arith.addi %add3A_216, %add3A_229 : vector<16xi32>
        %gather3A_231 = arith.constant 0 : i32
        %gather3A_232 = tpu.memref_slice %arg10[%rem3A_22, %gather3A_231] : memref<2x3072xi32, #tpu.memory_space<vmem>> -> memref<1x3072xi32, #tpu.memory_space<vmem>>
        %gather3A_233 = tpu.memref_squeeze %gather3A_232 : memref<1x3072xi32, #tpu.memory_space<vmem>> -> memref<3072xi32, #tpu.memory_space<vmem>>
        %gather3A_234 = tpu.vector_load_idx %gather3A_233[%add3A_230] : memref<3072xi32, #tpu.memory_space<vmem>>[vector<16xi32>], vector<16xi32>,
        %parallel_loop3A_235 = arith.constant 0 : i32
        %parallel_loop3A_236 = arith.constant 16 : i32
        %parallel_loop3A_237 = arith.constant 1 : i32
        scf.for %parallel_loop3A_301 = %parallel_loop3A_235 to %parallel_loop3A_236 step %parallel_loop3A_237  : i32 {
          %parallel_loop3A_302 = arith.constant 512 : i32
          %parallel_loop3A_303 = arith.muli %parallel_loop3A_301, %parallel_loop3A_302 : i32
          %parallel_loop3A_304 = tpu.memref_slice %arg7[%parallel_loop3A_303] : memref<8192xi32, #tpu.memory_space<vmem>> -> memref<512xi32, #tpu.memory_space<vmem>>
          %parallel_loop3A_305 = tpu.vector_load_idx %parallel_loop3A_304[%get3A_210] : memref<512xi32, #tpu.memory_space<vmem>>[vector<16xi32>], vector<16xi32>,
          %parallel_loop3A_306 = arith.constant 1544 : i32
          %parallel_loop3A_307 = arith.muli %parallel_loop3A_301, %parallel_loop3A_306 : i32
          %parallel_loop3A_308 = tpu.memref_slice %arg8[%parallel_loop3A_307] : memref<24704xi32, #tpu.memory_space<vmem>> -> memref<1544xi32, #tpu.memory_space<vmem>>
          %parallel_loop3A_309 = tpu.vector_load_idx %parallel_loop3A_308[%gather3A_220] : memref<1544xi32, #tpu.memory_space<vmem>>[vector<16xi32>], vector<16xi32>,
          %parallel_loop3A_310 = arith.constant 1544 : i32
          %parallel_loop3A_311 = arith.muli %parallel_loop3A_301, %parallel_loop3A_310 : i32
          %parallel_loop3A_312 = tpu.memref_slice %arg8[%parallel_loop3A_311] : memref<24704xi32, #tpu.memory_space<vmem>> -> memref<1544xi32, #tpu.memory_space<vmem>>
          %parallel_loop3A_313 = tpu.vector_load_idx %parallel_loop3A_312[%gather3A_227] : memref<1544xi32, #tpu.memory_space<vmem>>[vector<16xi32>], vector<16xi32>,
          %parallel_loop3A_314 = arith.constant 1544 : i32
          %parallel_loop3A_315 = arith.muli %parallel_loop3A_301, %parallel_loop3A_314 : i32
          %parallel_loop3A_316 = tpu.memref_slice %arg8[%parallel_loop3A_315] : memref<24704xi32, #tpu.memory_space<vmem>> -> memref<1544xi32, #tpu.memory_space<vmem>>
          %parallel_loop3A_317 = tpu.vector_load_idx %parallel_loop3A_316[%gather3A_234] : memref<1544xi32, #tpu.memory_space<vmem>>[vector<16xi32>], vector<16xi32>,
          %parallel_loop3A_318 = vector.bitcast %parallel_loop3A_305 : vector<16xi32> to vector<32xbf16>
          %parallel_loop3A_319 = tpu.unpack_subelements %parallel_loop3A_318, 0 {pack_format = #tpu.pack_format<interleaved>} : vector<32xbf16> -> vector<16xf32>
          %parallel_loop3A_320 = tpu.unpack_subelements %parallel_loop3A_318, 1 {pack_format = #tpu.pack_format<interleaved>} : vector<32xbf16> -> vector<16xf32>
          %parallel_loop3A_321 = vector.bitcast %parallel_loop3A_309 : vector<16xi32> to vector<32xbf16>
          %parallel_loop3A_322 = tpu.unpack_subelements %parallel_loop3A_321, 0 {pack_format = #tpu.pack_format<interleaved>} : vector<32xbf16> -> vector<16xf32>
          %parallel_loop3A_323 = tpu.unpack_subelements %parallel_loop3A_321, 1 {pack_format = #tpu.pack_format<interleaved>} : vector<32xbf16> -> vector<16xf32>
          %parallel_loop3A_324 = vector.bitcast %parallel_loop3A_313 : vector<16xi32> to vector<32xbf16>
          %parallel_loop3A_325 = tpu.unpack_subelements %parallel_loop3A_324, 0 {pack_format = #tpu.pack_format<interleaved>} : vector<32xbf16> -> vector<16xf32>
          %parallel_loop3A_326 = tpu.unpack_subelements %parallel_loop3A_324, 1 {pack_format = #tpu.pack_format<interleaved>} : vector<32xbf16> -> vector<16xf32>
          %parallel_loop3A_327 = vector.bitcast %parallel_loop3A_317 : vector<16xi32> to vector<32xbf16>
          %parallel_loop3A_328 = tpu.unpack_subelements %parallel_loop3A_327, 0 {pack_format = #tpu.pack_format<interleaved>} : vector<32xbf16> -> vector<16xf32>
          %parallel_loop3A_329 = tpu.unpack_subelements %parallel_loop3A_327, 1 {pack_format = #tpu.pack_format<interleaved>} : vector<32xbf16> -> vector<16xf32>
          %parallel_loop3A_330 = arith.addf %parallel_loop3A_319, %parallel_loop3A_322 : vector<16xf32>
          %parallel_loop3A_331 = arith.addf %parallel_loop3A_325, %parallel_loop3A_328 : vector<16xf32>
          %parallel_loop3A_332 = arith.addf %parallel_loop3A_330, %parallel_loop3A_331 : vector<16xf32>
          %parallel_loop3A_333 = arith.constant 2 : i32
          %parallel_loop3A_334 = arith.muli %parallel_loop3A_333, %parallel_loop3A_301 : i32
          %parallel_loop3A_335 = arith.constant 8 : i32
          %parallel_loop3A_336 = arith.muli %parallel_loop3A_334, %parallel_loop3A_335 : i32
          %parallel_loop3A_337 = arith.addi %parallel_loop3A_336, %scan3A_53 : i32
          %parallel_loop3A_338 = arith.index_cast %rem3A_22 : i32 to index
          %parallel_loop3A_339 = arith.index_cast %parallel_loop3A_337 : i32 to index
          %parallel_loop3A_340 = arith.constant 80 : index
          %parallel_loop3A_341 = tpu.vector_load %arg11[%parallel_loop3A_338, %parallel_loop3A_339, %parallel_loop3A_340] {strides = array<i32>} : memref<2x256x128xf32, #tpu.memory_space<vmem>>, vector<16xf32>,
          tpu.vector_store %arg11[%parallel_loop3A_338, %parallel_loop3A_339, %parallel_loop3A_340], %parallel_loop3A_332 {strides = array<i32>} : memref<2x256x128xf32, #tpu.memory_space<vmem>>, vector<16xf32>,
          %parallel_loop3A_342 = arith.addf %parallel_loop3A_320, %parallel_loop3A_323 : vector<16xf32>
          %parallel_loop3A_343 = arith.addf %parallel_loop3A_326, %parallel_loop3A_329 : vector<16xf32>
          %parallel_loop3A_344 = arith.addf %parallel_loop3A_342, %parallel_loop3A_343 : vector<16xf32>
          %parallel_loop3A_345 = arith.constant 2 : i32
          %parallel_loop3A_346 = arith.muli %parallel_loop3A_345, %parallel_loop3A_301 : i32
          %parallel_loop3A_347 = arith.constant 1 : i32
          %parallel_loop3A_348 = arith.addi %parallel_loop3A_346, %parallel_loop3A_347 : i32
          %parallel_loop3A_349 = arith.constant 8 : i32
          %parallel_loop3A_350 = arith.muli %parallel_loop3A_348, %parallel_loop3A_349 : i32
          %parallel_loop3A_351 = arith.addi %parallel_loop3A_350, %scan3A_53 : i32
          %parallel_loop3A_352 = arith.index_cast %rem3A_22 : i32 to index
          %parallel_loop3A_353 = arith.index_cast %parallel_loop3A_351 : i32 to index
          %parallel_loop3A_354 = arith.constant 80 : index
          %parallel_loop3A_355 = tpu.vector_load %arg11[%parallel_loop3A_352, %parallel_loop3A_353, %parallel_loop3A_354] {strides = array<i32>} : memref<2x256x128xf32, #tpu.memory_space<vmem>>, vector<16xf32>,
          tpu.vector_store %arg11[%parallel_loop3A_352, %parallel_loop3A_353, %parallel_loop3A_354], %parallel_loop3A_344 {strides = array<i32>} : memref<2x256x128xf32, #tpu.memory_space<vmem>>, vector<16xf32>,
        } {sc.loop_unroll_factor = 4 : i64, sc.parallel_access}
        %get3A_238 = arith.index_cast %rem3A_22 : i32 to index
        %get3A_239 = arith.index_cast %scan3A_53 : i32 to index
        %get3A_240 = arith.constant 96 : index
        %get3A_241 = tpu.vector_load %arg9[%get3A_238, %get3A_239, %get3A_240] {strides = array<i32>} : memref<2x8x128xi32, #tpu.memory_space<vmem>>, vector<16xi32>,
        %mul3A_242 = arith.constant 384 : i32
        %mul3A_243 = arith.muli %scan3A_53, %mul3A_242 : i32
        %add3A_244 = arith.constant 288 : i32
        %add3A_245 = arith.addi %mul3A_243, %add3A_244 : i32
        %add3A_246 = vector.broadcast %add3A_245 : i32 to vector<16xi32>
        %add3A_247 = arith.addi %mul3A_3, %add3A_246 : vector<16xi32>
        %gather3A_248 = arith.constant 0 : i32
        %gather3A_249 = tpu.memref_slice %arg10[%rem3A_22, %gather3A_248] : memref<2x3072xi32, #tpu.memory_space<vmem>> -> memref<1x3072xi32, #tpu.memory_space<vmem>>
        %gather3A_250 = tpu.memref_squeeze %gather3A_249 : memref<1x3072xi32, #tpu.memory_space<vmem>> -> memref<3072xi32, #tpu.memory_space<vmem>>
        %gather3A_251 = tpu.vector_load_idx %gather3A_250[%add3A_247] : memref<3072xi32, #tpu.memory_space<vmem>>[vector<16xi32>], vector<16xi32>,
        %add3A_252 = arith.constant 1 : i32
        %add3A_253 = vector.broadcast %add3A_252 : i32 to vector<16xi32>
        %add3A_254 = arith.addi %add3A_247, %add3A_253 : vector<16xi32>
        %gather3A_255 = arith.constant 0 : i32
        %gather3A_256 = tpu.memref_slice %arg10[%rem3A_22, %gather3A_255] : memref<2x3072xi32, #tpu.memory_space<vmem>> -> memref<1x3072xi32, #tpu.memory_space<vmem>>
        %gather3A_257 = tpu.memref_squeeze %gather3A_256 : memref<1x3072xi32, #tpu.memory_space<vmem>> -> memref<3072xi32, #tpu.memory_space<vmem>>
        %gather3A_258 = tpu.vector_load_idx %gather3A_257[%add3A_254] : memref<3072xi32, #tpu.memory_space<vmem>>[vector<16xi32>], vector<16xi32>,
        %add3A_259 = arith.constant 2 : i32
        %add3A_260 = vector.broadcast %add3A_259 : i32 to vector<16xi32>
        %add3A_261 = arith.addi %add3A_247, %add3A_260 : vector<16xi32>
        %gather3A_262 = arith.constant 0 : i32
        %gather3A_263 = tpu.memref_slice %arg10[%rem3A_22, %gather3A_262] : memref<2x3072xi32, #tpu.memory_space<vmem>> -> memref<1x3072xi32, #tpu.memory_space<vmem>>
        %gather3A_264 = tpu.memref_squeeze %gather3A_263 : memref<1x3072xi32, #tpu.memory_space<vmem>> -> memref<3072xi32, #tpu.memory_space<vmem>>
        %gather3A_265 = tpu.vector_load_idx %gather3A_264[%add3A_261] : memref<3072xi32, #tpu.memory_space<vmem>>[vector<16xi32>], vector<16xi32>,
        %parallel_loop3A_266 = arith.constant 0 : i32
        %parallel_loop3A_267 = arith.constant 16 : i32
        %parallel_loop3A_268 = arith.constant 1 : i32
        scf.for %parallel_loop3A_301 = %parallel_loop3A_266 to %parallel_loop3A_267 step %parallel_loop3A_268  : i32 {
          %parallel_loop3A_302 = arith.constant 512 : i32
          %parallel_loop3A_303 = arith.muli %parallel_loop3A_301, %parallel_loop3A_302 : i32
          %parallel_loop3A_304 = tpu.memref_slice %arg7[%parallel_loop3A_303] : memref<8192xi32, #tpu.memory_space<vmem>> -> memref<512xi32, #tpu.memory_space<vmem>>
          %parallel_loop3A_305 = tpu.vector_load_idx %parallel_loop3A_304[%get3A_241] : memref<512xi32, #tpu.memory_space<vmem>>[vector<16xi32>], vector<16xi32>,
          %parallel_loop3A_306 = arith.constant 1544 : i32
          %parallel_loop3A_307 = arith.muli %parallel_loop3A_301, %parallel_loop3A_306 : i32
          %parallel_loop3A_308 = tpu.memref_slice %arg8[%parallel_loop3A_307] : memref<24704xi32, #tpu.memory_space<vmem>> -> memref<1544xi32, #tpu.memory_space<vmem>>
          %parallel_loop3A_309 = tpu.vector_load_idx %parallel_loop3A_308[%gather3A_251] : memref<1544xi32, #tpu.memory_space<vmem>>[vector<16xi32>], vector<16xi32>,
          %parallel_loop3A_310 = arith.constant 1544 : i32
          %parallel_loop3A_311 = arith.muli %parallel_loop3A_301, %parallel_loop3A_310 : i32
          %parallel_loop3A_312 = tpu.memref_slice %arg8[%parallel_loop3A_311] : memref<24704xi32, #tpu.memory_space<vmem>> -> memref<1544xi32, #tpu.memory_space<vmem>>
          %parallel_loop3A_313 = tpu.vector_load_idx %parallel_loop3A_312[%gather3A_258] : memref<1544xi32, #tpu.memory_space<vmem>>[vector<16xi32>], vector<16xi32>,
          %parallel_loop3A_314 = arith.constant 1544 : i32
          %parallel_loop3A_315 = arith.muli %parallel_loop3A_301, %parallel_loop3A_314 : i32
          %parallel_loop3A_316 = tpu.memref_slice %arg8[%parallel_loop3A_315] : memref<24704xi32, #tpu.memory_space<vmem>> -> memref<1544xi32, #tpu.memory_space<vmem>>
          %parallel_loop3A_317 = tpu.vector_load_idx %parallel_loop3A_316[%gather3A_265] : memref<1544xi32, #tpu.memory_space<vmem>>[vector<16xi32>], vector<16xi32>,
          %parallel_loop3A_318 = vector.bitcast %parallel_loop3A_305 : vector<16xi32> to vector<32xbf16>
          %parallel_loop3A_319 = tpu.unpack_subelements %parallel_loop3A_318, 0 {pack_format = #tpu.pack_format<interleaved>} : vector<32xbf16> -> vector<16xf32>
          %parallel_loop3A_320 = tpu.unpack_subelements %parallel_loop3A_318, 1 {pack_format = #tpu.pack_format<interleaved>} : vector<32xbf16> -> vector<16xf32>
          %parallel_loop3A_321 = vector.bitcast %parallel_loop3A_309 : vector<16xi32> to vector<32xbf16>
          %parallel_loop3A_322 = tpu.unpack_subelements %parallel_loop3A_321, 0 {pack_format = #tpu.pack_format<interleaved>} : vector<32xbf16> -> vector<16xf32>
          %parallel_loop3A_323 = tpu.unpack_subelements %parallel_loop3A_321, 1 {pack_format = #tpu.pack_format<interleaved>} : vector<32xbf16> -> vector<16xf32>
          %parallel_loop3A_324 = vector.bitcast %parallel_loop3A_313 : vector<16xi32> to vector<32xbf16>
          %parallel_loop3A_325 = tpu.unpack_subelements %parallel_loop3A_324, 0 {pack_format = #tpu.pack_format<interleaved>} : vector<32xbf16> -> vector<16xf32>
          %parallel_loop3A_326 = tpu.unpack_subelements %parallel_loop3A_324, 1 {pack_format = #tpu.pack_format<interleaved>} : vector<32xbf16> -> vector<16xf32>
          %parallel_loop3A_327 = vector.bitcast %parallel_loop3A_317 : vector<16xi32> to vector<32xbf16>
          %parallel_loop3A_328 = tpu.unpack_subelements %parallel_loop3A_327, 0 {pack_format = #tpu.pack_format<interleaved>} : vector<32xbf16> -> vector<16xf32>
          %parallel_loop3A_329 = tpu.unpack_subelements %parallel_loop3A_327, 1 {pack_format = #tpu.pack_format<interleaved>} : vector<32xbf16> -> vector<16xf32>
          %parallel_loop3A_330 = arith.addf %parallel_loop3A_319, %parallel_loop3A_322 : vector<16xf32>
          %parallel_loop3A_331 = arith.addf %parallel_loop3A_325, %parallel_loop3A_328 : vector<16xf32>
          %parallel_loop3A_332 = arith.addf %parallel_loop3A_330, %parallel_loop3A_331 : vector<16xf32>
          %parallel_loop3A_333 = arith.constant 2 : i32
          %parallel_loop3A_334 = arith.muli %parallel_loop3A_333, %parallel_loop3A_301 : i32
          %parallel_loop3A_335 = arith.constant 8 : i32
          %parallel_loop3A_336 = arith.muli %parallel_loop3A_334, %parallel_loop3A_335 : i32
          %parallel_loop3A_337 = arith.addi %parallel_loop3A_336, %scan3A_53 : i32
          %parallel_loop3A_338 = arith.index_cast %rem3A_22 : i32 to index
          %parallel_loop3A_339 = arith.index_cast %parallel_loop3A_337 : i32 to index
          %parallel_loop3A_340 = arith.constant 96 : index
          %parallel_loop3A_341 = tpu.vector_load %arg11[%parallel_loop3A_338, %parallel_loop3A_339, %parallel_loop3A_340] {strides = array<i32>} : memref<2x256x128xf32, #tpu.memory_space<vmem>>, vector<16xf32>,
          tpu.vector_store %arg11[%parallel_loop3A_338, %parallel_loop3A_339, %parallel_loop3A_340], %parallel_loop3A_332 {strides = array<i32>} : memref<2x256x128xf32, #tpu.memory_space<vmem>>, vector<16xf32>,
          %parallel_loop3A_342 = arith.addf %parallel_loop3A_320, %parallel_loop3A_323 : vector<16xf32>
          %parallel_loop3A_343 = arith.addf %parallel_loop3A_326, %parallel_loop3A_329 : vector<16xf32>
          %parallel_loop3A_344 = arith.addf %parallel_loop3A_342, %parallel_loop3A_343 : vector<16xf32>
          %parallel_loop3A_345 = arith.constant 2 : i32
          %parallel_loop3A_346 = arith.muli %parallel_loop3A_345, %parallel_loop3A_301 : i32
          %parallel_loop3A_347 = arith.constant 1 : i32
          %parallel_loop3A_348 = arith.addi %parallel_loop3A_346, %parallel_loop3A_347 : i32
          %parallel_loop3A_349 = arith.constant 8 : i32
          %parallel_loop3A_350 = arith.muli %parallel_loop3A_348, %parallel_loop3A_349 : i32
          %parallel_loop3A_351 = arith.addi %parallel_loop3A_350, %scan3A_53 : i32
          %parallel_loop3A_352 = arith.index_cast %rem3A_22 : i32 to index
          %parallel_loop3A_353 = arith.index_cast %parallel_loop3A_351 : i32 to index
          %parallel_loop3A_354 = arith.constant 96 : index
          %parallel_loop3A_355 = tpu.vector_load %arg11[%parallel_loop3A_352, %parallel_loop3A_353, %parallel_loop3A_354] {strides = array<i32>} : memref<2x256x128xf32, #tpu.memory_space<vmem>>, vector<16xf32>,
          tpu.vector_store %arg11[%parallel_loop3A_352, %parallel_loop3A_353, %parallel_loop3A_354], %parallel_loop3A_344 {strides = array<i32>} : memref<2x256x128xf32, #tpu.memory_space<vmem>>, vector<16xf32>,
        } {sc.loop_unroll_factor = 4 : i64, sc.parallel_access}
        %get3A_269 = arith.index_cast %rem3A_22 : i32 to index
        %get3A_270 = arith.index_cast %scan3A_53 : i32 to index
        %get3A_271 = arith.constant 112 : index
        %get3A_272 = tpu.vector_load %arg9[%get3A_269, %get3A_270, %get3A_271] {strides = array<i32>} : memref<2x8x128xi32, #tpu.memory_space<vmem>>, vector<16xi32>,
        %mul3A_273 = arith.constant 384 : i32
        %mul3A_274 = arith.muli %scan3A_53, %mul3A_273 : i32
        %add3A_275 = arith.constant 336 : i32
        %add3A_276 = arith.addi %mul3A_274, %add3A_275 : i32
        %add3A_277 = vector.broadcast %add3A_276 : i32 to vector<16xi32>
        %add3A_278 = arith.addi %mul3A_3, %add3A_277 : vector<16xi32>
        %gather3A_279 = arith.constant 0 : i32
        %gather3A_280 = tpu.memref_slice %arg10[%rem3A_22, %gather3A_279] : memref<2x3072xi32, #tpu.memory_space<vmem>> -> memref<1x3072xi32, #tpu.memory_space<vmem>>
        %gather3A_281 = tpu.memref_squeeze %gather3A_280 : memref<1x3072xi32, #tpu.memory_space<vmem>> -> memref<3072xi32, #tpu.memory_space<vmem>>
        %gather3A_282 = tpu.vector_load_idx %gather3A_281[%add3A_278] : memref<3072xi32, #tpu.memory_space<vmem>>[vector<16xi32>], vector<16xi32>,
        %add3A_283 = arith.constant 1 : i32
        %add3A_284 = vector.broadcast %add3A_283 : i32 to vector<16xi32>
        %add3A_285 = arith.addi %add3A_278, %add3A_284 : vector<16xi32>
        %gather3A_286 = arith.constant 0 : i32
        %gather3A_287 = tpu.memref_slice %arg10[%rem3A_22, %gather3A_286] : memref<2x3072xi32, #tpu.memory_space<vmem>> -> memref<1x3072xi32, #tpu.memory_space<vmem>>
        %gather3A_288 = tpu.memref_squeeze %gather3A_287 : memref<1x3072xi32, #tpu.memory_space<vmem>> -> memref<3072xi32, #tpu.memory_space<vmem>>
        %gather3A_289 = tpu.vector_load_idx %gather3A_288[%add3A_285] : memref<3072xi32, #tpu.memory_space<vmem>>[vector<16xi32>], vector<16xi32>,
        %add3A_290 = arith.constant 2 : i32
        %add3A_291 = vector.broadcast %add3A_290 : i32 to vector<16xi32>
        %add3A_292 = arith.addi %add3A_278, %add3A_291 : vector<16xi32>
        %gather3A_293 = arith.constant 0 : i32
        %gather3A_294 = tpu.memref_slice %arg10[%rem3A_22, %gather3A_293] : memref<2x3072xi32, #tpu.memory_space<vmem>> -> memref<1x3072xi32, #tpu.memory_space<vmem>>
        %gather3A_295 = tpu.memref_squeeze %gather3A_294 : memref<1x3072xi32, #tpu.memory_space<vmem>> -> memref<3072xi32, #tpu.memory_space<vmem>>
        %gather3A_296 = tpu.vector_load_idx %gather3A_295[%add3A_292] : memref<3072xi32, #tpu.memory_space<vmem>>[vector<16xi32>], vector<16xi32>,
        %parallel_loop3A_297 = arith.constant 0 : i32
        %parallel_loop3A_298 = arith.constant 16 : i32
        %parallel_loop3A_299 = arith.constant 1 : i32
        scf.for %parallel_loop3A_301 = %parallel_loop3A_297 to %parallel_loop3A_298 step %parallel_loop3A_299  : i32 {
          %parallel_loop3A_302 = arith.constant 512 : i32
          %parallel_loop3A_303 = arith.muli %parallel_loop3A_301, %parallel_loop3A_302 : i32
          %parallel_loop3A_304 = tpu.memref_slice %arg7[%parallel_loop3A_303] : memref<8192xi32, #tpu.memory_space<vmem>> -> memref<512xi32, #tpu.memory_space<vmem>>
          %parallel_loop3A_305 = tpu.vector_load_idx %parallel_loop3A_304[%get3A_272] : memref<512xi32, #tpu.memory_space<vmem>>[vector<16xi32>], vector<16xi32>,
          %parallel_loop3A_306 = arith.constant 1544 : i32
          %parallel_loop3A_307 = arith.muli %parallel_loop3A_301, %parallel_loop3A_306 : i32
          %parallel_loop3A_308 = tpu.memref_slice %arg8[%parallel_loop3A_307] : memref<24704xi32, #tpu.memory_space<vmem>> -> memref<1544xi32, #tpu.memory_space<vmem>>
          %parallel_loop3A_309 = tpu.vector_load_idx %parallel_loop3A_308[%gather3A_282] : memref<1544xi32, #tpu.memory_space<vmem>>[vector<16xi32>], vector<16xi32>,
          %parallel_loop3A_310 = arith.constant 1544 : i32
          %parallel_loop3A_311 = arith.muli %parallel_loop3A_301, %parallel_loop3A_310 : i32
          %parallel_loop3A_312 = tpu.memref_slice %arg8[%parallel_loop3A_311] : memref<24704xi32, #tpu.memory_space<vmem>> -> memref<1544xi32, #tpu.memory_space<vmem>>
          %parallel_loop3A_313 = tpu.vector_load_idx %parallel_loop3A_312[%gather3A_289] : memref<1544xi32, #tpu.memory_space<vmem>>[vector<16xi32>], vector<16xi32>,
          %parallel_loop3A_314 = arith.constant 1544 : i32
          %parallel_loop3A_315 = arith.muli %parallel_loop3A_301, %parallel_loop3A_314 : i32
          %parallel_loop3A_316 = tpu.memref_slice %arg8[%parallel_loop3A_315] : memref<24704xi32, #tpu.memory_space<vmem>> -> memref<1544xi32, #tpu.memory_space<vmem>>
          %parallel_loop3A_317 = tpu.vector_load_idx %parallel_loop3A_316[%gather3A_296] : memref<1544xi32, #tpu.memory_space<vmem>>[vector<16xi32>], vector<16xi32>,
          %parallel_loop3A_318 = vector.bitcast %parallel_loop3A_305 : vector<16xi32> to vector<32xbf16>
          %parallel_loop3A_319 = tpu.unpack_subelements %parallel_loop3A_318, 0 {pack_format = #tpu.pack_format<interleaved>} : vector<32xbf16> -> vector<16xf32>
          %parallel_loop3A_320 = tpu.unpack_subelements %parallel_loop3A_318, 1 {pack_format = #tpu.pack_format<interleaved>} : vector<32xbf16> -> vector<16xf32>
          %parallel_loop3A_321 = vector.bitcast %parallel_loop3A_309 : vector<16xi32> to vector<32xbf16>
          %parallel_loop3A_322 = tpu.unpack_subelements %parallel_loop3A_321, 0 {pack_format = #tpu.pack_format<interleaved>} : vector<32xbf16> -> vector<16xf32>
          %parallel_loop3A_323 = tpu.unpack_subelements %parallel_loop3A_321, 1 {pack_format = #tpu.pack_format<interleaved>} : vector<32xbf16> -> vector<16xf32>
          %parallel_loop3A_324 = vector.bitcast %parallel_loop3A_313 : vector<16xi32> to vector<32xbf16>
          %parallel_loop3A_325 = tpu.unpack_subelements %parallel_loop3A_324, 0 {pack_format = #tpu.pack_format<interleaved>} : vector<32xbf16> -> vector<16xf32>
          %parallel_loop3A_326 = tpu.unpack_subelements %parallel_loop3A_324, 1 {pack_format = #tpu.pack_format<interleaved>} : vector<32xbf16> -> vector<16xf32>
          %parallel_loop3A_327 = vector.bitcast %parallel_loop3A_317 : vector<16xi32> to vector<32xbf16>
          %parallel_loop3A_328 = tpu.unpack_subelements %parallel_loop3A_327, 0 {pack_format = #tpu.pack_format<interleaved>} : vector<32xbf16> -> vector<16xf32>
          %parallel_loop3A_329 = tpu.unpack_subelements %parallel_loop3A_327, 1 {pack_format = #tpu.pack_format<interleaved>} : vector<32xbf16> -> vector<16xf32>
          %parallel_loop3A_330 = arith.addf %parallel_loop3A_319, %parallel_loop3A_322 : vector<16xf32>
          %parallel_loop3A_331 = arith.addf %parallel_loop3A_325, %parallel_loop3A_328 : vector<16xf32>
          %parallel_loop3A_332 = arith.addf %parallel_loop3A_330, %parallel_loop3A_331 : vector<16xf32>
          %parallel_loop3A_333 = arith.constant 2 : i32
          %parallel_loop3A_334 = arith.muli %parallel_loop3A_333, %parallel_loop3A_301 : i32
          %parallel_loop3A_335 = arith.constant 8 : i32
          %parallel_loop3A_336 = arith.muli %parallel_loop3A_334, %parallel_loop3A_335 : i32
          %parallel_loop3A_337 = arith.addi %parallel_loop3A_336, %scan3A_53 : i32
          %parallel_loop3A_338 = arith.index_cast %rem3A_22 : i32 to index
          %parallel_loop3A_339 = arith.index_cast %parallel_loop3A_337 : i32 to index
          %parallel_loop3A_340 = arith.constant 112 : index
          %parallel_loop3A_341 = tpu.vector_load %arg11[%parallel_loop3A_338, %parallel_loop3A_339, %parallel_loop3A_340] {strides = array<i32>} : memref<2x256x128xf32, #tpu.memory_space<vmem>>, vector<16xf32>,
          tpu.vector_store %arg11[%parallel_loop3A_338, %parallel_loop3A_339, %parallel_loop3A_340], %parallel_loop3A_332 {strides = array<i32>} : memref<2x256x128xf32, #tpu.memory_space<vmem>>, vector<16xf32>,
          %parallel_loop3A_342 = arith.addf %parallel_loop3A_320, %parallel_loop3A_323 : vector<16xf32>
          %parallel_loop3A_343 = arith.addf %parallel_loop3A_326, %parallel_loop3A_329 : vector<16xf32>
          %parallel_loop3A_344 = arith.addf %parallel_loop3A_342, %parallel_loop3A_343 : vector<16xf32>
          %parallel_loop3A_345 = arith.constant 2 : i32
          %parallel_loop3A_346 = arith.muli %parallel_loop3A_345, %parallel_loop3A_301 : i32
          %parallel_loop3A_347 = arith.constant 1 : i32
          %parallel_loop3A_348 = arith.addi %parallel_loop3A_346, %parallel_loop3A_347 : i32
          %parallel_loop3A_349 = arith.constant 8 : i32
          %parallel_loop3A_350 = arith.muli %parallel_loop3A_348, %parallel_loop3A_349 : i32
          %parallel_loop3A_351 = arith.addi %parallel_loop3A_350, %scan3A_53 : i32
          %parallel_loop3A_352 = arith.index_cast %rem3A_22 : i32 to index
          %parallel_loop3A_353 = arith.index_cast %parallel_loop3A_351 : i32 to index
          %parallel_loop3A_354 = arith.constant 112 : index
          %parallel_loop3A_355 = tpu.vector_load %arg11[%parallel_loop3A_352, %parallel_loop3A_353, %parallel_loop3A_354] {strides = array<i32>} : memref<2x256x128xf32, #tpu.memory_space<vmem>>, vector<16xf32>,
          tpu.vector_store %arg11[%parallel_loop3A_352, %parallel_loop3A_353, %parallel_loop3A_354], %parallel_loop3A_344 {strides = array<i32>} : memref<2x256x128xf32, #tpu.memory_space<vmem>>, vector<16xf32>,
        } {sc.loop_unroll_factor = 4 : i64, sc.parallel_access}
        %scan3A_300 = arith.constant 0 : i32
        scf.yield %scan3A_300 : i32
      }
      %scan3A_39 = arith.constant 8 : i32
      %scan3A_40 = arith.constant 0 : i32
      %scan3A_41 = arith.constant 0 : i32
      %scan3A_42 = arith.constant 32 : i32
      %scan3A_43 = arith.addi %scan3A_41, %scan3A_42 : i32
      %scan3A_44 = arith.constant 1 : i32
      %scan3A_45 = scf.for %scan3A_53 = %scan3A_41 to %scan3A_43 step %scan3A_44 iter_args(%scan3A_54 = %scan3A_40) -> (i32)  : i32 {
        %mul3A_55 = arith.constant 8 : i32
        %mul3A_56 = arith.muli %scan3A_53, %mul3A_55 : i32
        %dma_start3A = arith.constant 0 : i32
        %dma_start3A_57 = tpu.memref_slice %arg11[%rem3A_22, %mul3A_56, %dma_start3A] : memref<2x256x128xf32, #tpu.memory_space<vmem>> -> memref<1x8x128xf32, #tpu.memory_space<vmem>>
        %dma_start3A_58 = tpu.memref_squeeze %dma_start3A_57 : memref<1x8x128xf32, #tpu.memory_space<vmem>> -> memref<8x128xf32, #tpu.memory_space<vmem>>
        %dma_start3A_59 = arith.constant 0 : i32
        %dma_start3A_60 = tpu.memref_slice %arg6[%add3A, %scan3A_53, %mul3A_21, %dma_start3A_59] : memref<32x32x128x128xf32, #tpu.memory_space<hbm>> -> memref<1x1x8x128xf32, #tpu.memory_space<hbm>>
        %dma_start3A_61 = tpu.memref_squeeze %dma_start3A_60 : memref<1x1x8x128xf32, #tpu.memory_space<hbm>> -> memref<8x128xf32, #tpu.memory_space<hbm>>
        %dma_start3A_62 = arith.constant 0 : i32
        %dma_start3A_63 = tpu.memref_slice %arg6[%add3A, %scan3A_53, %mul3A_21, %dma_start3A_62] : memref<32x32x128x128xf32, #tpu.memory_space<hbm>> -> memref<1x1x8x128xf32, #tpu.memory_space<hbm>>
        %dma_start3A_64 = tpu.memref_squeeze %dma_start3A_63 : memref<1x1x8x128xf32, #tpu.memory_space<hbm>> -> memref<8x128xf32, #tpu.memory_space<hbm>>
        %dma_start3A_65 = arith.constant 0 : i32
        %dma_start3A_66 = tpu.memref_slice %arg11[%rem3A_22, %mul3A_56, %dma_start3A_65] : memref<2x256x128xf32, #tpu.memory_space<vmem>> -> memref<1x8x128xf32, #tpu.memory_space<vmem>>
        %dma_start3A_67 = tpu.memref_squeeze %dma_start3A_66 : memref<1x8x128xf32, #tpu.memory_space<vmem>> -> memref<8x128xf32, #tpu.memory_space<vmem>>
        tpu.enqueue_dma source(%dma_start3A_67 : memref<8x128xf32, #tpu.memory_space<vmem>>) target(%dma_start3A_64 : memref<8x128xf32, #tpu.memory_space<hbm>>) target_semaphore(%arg12 : memref<!tpu.dma_semaphore, #tpu.memory_space<semaphore_mem>>)
        %scan3A_68 = arith.constant 0 : i32
        scf.yield %scan3A_68 : i32
      }
      %scan3A_46 = arith.constant 32 : i32
      %lt3A_47 = arith.constant 15 : i32
      %lt3A_48 = arith.cmpi slt, %scan3A_18, %lt3A_47 : i32
      %convert_element_type3A_49 = arith.extui %lt3A_48 : i1 to i32
      %cond3A_50 = arith.constant 0 : i32
      %cond3A_51 = arith.cmpi ne, %convert_element_type3A_49, %cond3A_50 : i32
      scf.if %cond3A_51 {
        %dma_wait3A = arith.constant 0 : i32
        %dma_wait3A_53 = arith.constant 0 : i32
        %dma_wait3A_54 = tpu.memref_slice %arg9[%rem3A_26, %dma_wait3A, %dma_wait3A_53] : memref<2x8x128xi32, #tpu.memory_space<vmem>> -> memref<1x8x128xi32, #tpu.memory_space<vmem>>
        %dma_wait3A_55 = tpu.memref_squeeze %dma_wait3A_54 : memref<1x8x128xi32, #tpu.memory_space<vmem>> -> memref<8x128xi32, #tpu.memory_space<vmem>>
        %dma_wait3A_56 = arith.constant 0 : i32
        %dma_wait3A_57 = arith.constant 0 : i32
        %dma_wait3A_58 = tpu.memref_slice %arg2[%add3A, %dma_wait3A_56, %dma_wait3A_57] : memref<32x128x128xi32, #tpu.memory_space<hbm>> -> memref<1x8x128xi32, #tpu.memory_space<hbm>>
        %dma_wait3A_59 = tpu.memref_squeeze %dma_wait3A_58 : memref<1x8x128xi32, #tpu.memory_space<hbm>> -> memref<8x128xi32, #tpu.memory_space<hbm>>
        %dma_wait3A_60 = arith.constant 0 : i32
        %dma_wait3A_61 = arith.constant 0 : i32
        %dma_wait3A_62 = tpu.memref_slice %arg9[%rem3A_26, %dma_wait3A_60, %dma_wait3A_61] : memref<2x8x128xi32, #tpu.memory_space<vmem>> -> memref<1x8x128xi32, #tpu.memory_space<vmem>>
        %dma_wait3A_63 = tpu.memref_squeeze %dma_wait3A_62 : memref<1x8x128xi32, #tpu.memory_space<vmem>> -> memref<8x128xi32, #tpu.memory_space<vmem>>
        %dma_wait3A_64 = arith.constant 0 : i32
        %dma_wait3A_65 = arith.constant 0 : i32
        %dma_wait3A_66 = tpu.memref_slice %arg2[%add3A, %dma_wait3A_64, %dma_wait3A_65] : memref<32x128x128xi32, #tpu.memory_space<hbm>> -> memref<1x8x128xi32, #tpu.memory_space<hbm>>
        %dma_wait3A_67 = tpu.memref_squeeze %dma_wait3A_66 : memref<1x8x128xi32, #tpu.memory_space<hbm>> -> memref<8x128xi32, #tpu.memory_space<hbm>>
        tpu.wait_dma2 semaphore(%arg13 : memref<!tpu.dma_semaphore, #tpu.memory_space<semaphore_mem>>) src(%dma_wait3A_67 : memref<8x128xi32, #tpu.memory_space<hbm>>) dst(%dma_wait3A_63 : memref<8x128xi32, #tpu.memory_space<vmem>>)
        %dma_wait3A_68 = arith.constant 0 : i32
        %dma_wait3A_69 = tpu.memref_slice %arg10[%rem3A_26, %dma_wait3A_68] : memref<2x3072xi32, #tpu.memory_space<vmem>> -> memref<1x3072xi32, #tpu.memory_space<vmem>>
        %dma_wait3A_70 = tpu.memref_squeeze %dma_wait3A_69 : memref<1x3072xi32, #tpu.memory_space<vmem>> -> memref<3072xi32, #tpu.memory_space<vmem>>
        %dma_wait3A_71 = arith.constant 0 : i32
        %dma_wait3A_72 = tpu.memref_slice %arg3[%add3A, %dma_wait3A_71] : memref<32x49152xi32, #tpu.memory_space<hbm>> -> memref<1x3072xi32, #tpu.memory_space<hbm>>
        %dma_wait3A_73 = tpu.memref_squeeze %dma_wait3A_72 : memref<1x3072xi32, #tpu.memory_space<hbm>> -> memref<3072xi32, #tpu.memory_space<hbm>>
        %dma_wait3A_74 = arith.constant 0 : i32
        %dma_wait3A_75 = tpu.memref_slice %arg10[%rem3A_26, %dma_wait3A_74] : memref<2x3072xi32, #tpu.memory_space<vmem>> -> memref<1x3072xi32, #tpu.memory_space<vmem>>
        %dma_wait3A_76 = tpu.memref_squeeze %dma_wait3A_75 : memref<1x3072xi32, #tpu.memory_space<vmem>> -> memref<3072xi32, #tpu.memory_space<vmem>>
        %dma_wait3A_77 = arith.constant 0 : i32
        %dma_wait3A_78 = tpu.memref_slice %arg3[%add3A, %dma_wait3A_77] : memref<32x49152xi32, #tpu.memory_space<hbm>> -> memref<1x3072xi32, #tpu.memory_space<hbm>>
        %dma_wait3A_79 = tpu.memref_squeeze %dma_wait3A_78 : memref<1x3072xi32, #tpu.memory_space<hbm>> -> memref<3072xi32, #tpu.memory_space<hbm>>
        tpu.wait_dma2 semaphore(%arg13 : memref<!tpu.dma_semaphore, #tpu.memory_space<semaphore_mem>>) src(%dma_wait3A_79 : memref<3072xi32, #tpu.memory_space<hbm>>) dst(%dma_wait3A_76 : memref<3072xi32, #tpu.memory_space<vmem>>)
      } else {
      }
      %scan3A_52 = arith.constant 0 : i32
      scf.yield %scan3A_52 : i32
    }
    %scan3A_10 = arith.constant 16 : i32
    %scan3A_11 = arith.constant 0 : i32
    %scan3A_12 = arith.constant 14 : i32
    %scan3A_13 = arith.constant 2 : i32
    %scan3A_14 = arith.addi %scan3A_12, %scan3A_13 : i32
    %scan3A_15 = arith.constant 1 : i32
    %scan3A_16 = scf.for %scan3A_18 = %scan3A_12 to %scan3A_14 step %scan3A_15 iter_args(%scan3A_19 = %scan3A_11) -> (i32)  : i32 {
      %rem3A = arith.constant 2 : i32
      %rem3A_20 = arith.remsi %scan3A_18, %rem3A : i32
      %scan3A_21 = arith.constant 0 : i32
      %scan3A_22 = arith.constant 0 : i32
      %scan3A_23 = arith.constant 32 : i32
      %scan3A_24 = arith.addi %scan3A_22, %scan3A_23 : i32
      %scan3A_25 = arith.constant 1 : i32
      %scan3A_26 = scf.for %scan3A_29 = %scan3A_22 to %scan3A_24 step %scan3A_25 iter_args(%scan3A_30 = %scan3A_21) -> (i32)  : i32 {
        %mul3A_31 = arith.constant 8 : i32
        %mul3A_32 = arith.muli %scan3A_29, %mul3A_31 : i32
        %dma_wait3A = arith.constant 0 : i32
        %dma_wait3A_33 = tpu.memref_slice %arg11[%rem3A_20, %mul3A_32, %dma_wait3A] : memref<2x256x128xf32, #tpu.memory_space<vmem>> -> memref<1x8x128xf32, #tpu.memory_space<vmem>>
        %dma_wait3A_34 = tpu.memref_squeeze %dma_wait3A_33 : memref<1x8x128xf32, #tpu.memory_space<vmem>> -> memref<8x128xf32, #tpu.memory_space<vmem>>
        %dma_wait3A_35 = arith.constant 0 : i32
        %dma_wait3A_36 = arith.constant 0 : i32
        %dma_wait3A_37 = tpu.memref_slice %arg6[%add3A, %scan3A_29, %dma_wait3A_35, %dma_wait3A_36] : memref<32x32x128x128xf32, #tpu.memory_space<hbm>> -> memref<1x1x8x128xf32, #tpu.memory_space<hbm>>
        %dma_wait3A_38 = tpu.memref_squeeze %dma_wait3A_37 : memref<1x1x8x128xf32, #tpu.memory_space<hbm>> -> memref<8x128xf32, #tpu.memory_space<hbm>>
        %dma_wait3A_39 = arith.constant 0 : i32
        %dma_wait3A_40 = arith.constant 0 : i32
        %dma_wait3A_41 = tpu.memref_slice %arg6[%add3A, %scan3A_29, %dma_wait3A_39, %dma_wait3A_40] : memref<32x32x128x128xf32, #tpu.memory_space<hbm>> -> memref<1x1x8x128xf32, #tpu.memory_space<hbm>>
        %dma_wait3A_42 = tpu.memref_squeeze %dma_wait3A_41 : memref<1x1x8x128xf32, #tpu.memory_space<hbm>> -> memref<8x128xf32, #tpu.memory_space<hbm>>
        %dma_wait3A_43 = arith.constant 0 : i32
        %dma_wait3A_44 = tpu.memref_slice %arg11[%rem3A_20, %mul3A_32, %dma_wait3A_43] : memref<2x256x128xf32, #tpu.memory_space<vmem>> -> memref<1x8x128xf32, #tpu.memory_space<vmem>>
        %dma_wait3A_45 = tpu.memref_squeeze %dma_wait3A_44 : memref<1x8x128xf32, #tpu.memory_space<vmem>> -> memref<8x128xf32, #tpu.memory_space<vmem>>
        tpu.wait_dma2 semaphore(%arg12 : memref<!tpu.dma_semaphore, #tpu.memory_space<semaphore_mem>>) src(%dma_wait3A_45 : memref<8x128xf32, #tpu.memory_space<vmem>>) dst(%dma_wait3A_42 : memref<8x128xf32, #tpu.memory_space<hbm>>)
        %scan3A_46 = arith.constant 0 : i32
        scf.yield %scan3A_46 : i32
      }
      %scan3A_27 = arith.constant 32 : i32
      %scan3A_28 = arith.constant 0 : i32
      scf.yield %scan3A_28 : i32
    }
    %scan3A_17 = arith.constant 2 : i32
    return
  }
}

module attributes {stable_mosaic.version = 14 : i64} {
  func.func @_tc_assemble_body(%arg0: i32, %arg1: i32, %arg2: memref<1x129x129xf32, #tpu.memory_space<vmem>>, %arg3: memref<32xf32, #tpu.memory_space<smem>>, %arg4: memref<1x32x128x128xf32, #tpu.memory_space<vmem>>, %arg5: memref<1x32x129x129xf32, #tpu.memory_space<vmem>>) attributes {dimension_semantics = [#tpu.dimension_semantics<arbitrary>, #tpu.dimension_semantics<arbitrary>], iteration_bounds = array<i64: 32, 1>, scalar_prefetch = 0 : i64, scratch_operands = 0 : i64, tpu.core_type = #tpu.core_type<tc>, window_params = [{transform_indices = @transform_0, window_bounds = array<i64: 1, 129, 129>}, {transform_indices = @transform_1, window_bounds = array<i64: 32>}, {transform_indices = @transform_2, window_bounds = array<i64: 1, 32, 128, 128>}, {transform_indices = @transform_3, window_bounds = array<i64: 1, 32, 129, 129>}]} {
    %iota3A = tpu.iota {dimensions = array<i32: 0>} : vector<129x129xi32>
    %iota3A_0 = tpu.iota {dimensions = array<i32: 1>} : vector<129x129xi32>
    %eq3A = arith.constant 0 : i32
    %eq3A_1 = vector.broadcast %eq3A : i32 to vector<129x129xi32>
    %eq3A_2 = arith.cmpi eq, %iota3A, %eq3A_1 : vector<129x129xi32>
    %eq3A_3 = arith.constant 0 : i32
    %eq3A_4 = vector.broadcast %eq3A_3 : i32 to vector<129x129xi32>
    %eq3A_5 = arith.cmpi eq, %iota3A_0, %eq3A_4 : vector<129x129xi32>
    %or3A = arith.ori %eq3A_2, %eq3A_5 : vector<129x129xi1>
    %mul3A = arith.constant 32 : i32
    %mul3A_6 = arith.muli %arg1, %mul3A : i32
    %add3A = arith.constant 0 : i32
    %add3A_7 = arith.addi %mul3A_6, %add3A : i32
    %get3A = arith.index_cast %add3A_7 : i32 to index
    %get3A_8 = memref.load %arg3[%get3A] : memref<32xf32, #tpu.memory_space<smem>>
    %get3A_9 = arith.constant 0 : index
    %get3A_10 = arith.constant 0 : index
    %get3A_11 = arith.constant 0 : index
    %get3A_12 = vector.load %arg2[%get3A_9, %get3A_10, %get3A_11] : memref<1x129x129xf32, #tpu.memory_space<vmem>>, vector<1x129x129xf32>
    %get3A_13 = vector.shape_cast %get3A_12 : vector<1x129x129xf32> to vector<129x129xf32>
    %jit3A = arith.constant 0.000000e+00 : f32
    %broadcast_in_dim3A = vector.broadcast %get3A_8 : f32 to vector<129x129xf32>
    %broadcast_in_dim3A_14 = vector.broadcast %jit3A : f32 to vector<129x129xf32>
    %select_n3A = arith.select %or3A, %broadcast_in_dim3A, %broadcast_in_dim3A_14 : vector<129x129xi1>, vector<129x129xf32>
    %add3A_15 = arith.addf %get3A_13, %select_n3A : vector<129x129xf32>
    %get3A_16 = arith.constant 0 : index
    %get3A_17 = arith.constant 0 : index
    %get3A_18 = arith.constant 0 : index
    %get3A_19 = arith.constant 0 : index
    %get3A_20 = vector.load %arg4[%get3A_16, %get3A_17, %get3A_18, %get3A_19] : memref<1x32x128x128xf32, #tpu.memory_space<vmem>>, vector<1x1x128x128xf32>
    %get3A_21 = vector.shape_cast %get3A_20 : vector<1x1x128x128xf32> to vector<128x128xf32>
    %jit3A_22 = arith.constant 0 : i32
    %convert_element_type3A = arith.sitofp %jit3A_22 : i32 to f32
    %pad3A = vector.broadcast %convert_element_type3A : f32 to vector<1x128xf32>
    %pad3A_23 = tpu.concatenate %pad3A, %get3A_21 in 0 : vector<1x128xf32>, vector<128x128xf32> -> vector<129x128xf32>
    %pad3A_24 = vector.broadcast %convert_element_type3A : f32 to vector<129x1xf32>
    %pad3A_25 = tpu.concatenate %pad3A_24, %pad3A_23 in 1 : vector<129x1xf32>, vector<129x128xf32> -> vector<129x129xf32>
    %add3A_26 = arith.addf %add3A_15, %pad3A_25 : vector<129x129xf32>
    %swap3A = arith.constant 0 : index
    %swap3A_27 = arith.constant 0 : index
    %swap3A_28 = arith.constant 0 : index
    %swap3A_29 = arith.constant 0 : index
    %swap3A_30 = vector.load %arg5[%swap3A, %swap3A_27, %swap3A_28, %swap3A_29] : memref<1x32x129x129xf32, #tpu.memory_space<vmem>>, vector<1x1x129x129xf32>
    %swap3A_31 = vector.shape_cast %swap3A_30 : vector<1x1x129x129xf32> to vector<129x129xf32>
    %swap3A_32 = vector.shape_cast %add3A_26 : vector<129x129xf32> to vector<1x1x129x129xf32>
    tpu.vector_store %arg5[%swap3A, %swap3A_27, %swap3A_28, %swap3A_29], %swap3A_32 {strides = array<i32>} : memref<1x32x129x129xf32, #tpu.memory_space<vmem>>, vector<1x1x129x129xf32>,
    %mul3A_33 = arith.constant 32 : i32
    %mul3A_34 = arith.muli %arg1, %mul3A_33 : i32
    %add3A_35 = arith.constant 1 : i32
    %add3A_36 = arith.addi %mul3A_34, %add3A_35 : i32
    %get3A_37 = arith.index_cast %add3A_36 : i32 to index
    %get3A_38 = memref.load %arg3[%get3A_37] : memref<32xf32, #tpu.memory_space<smem>>
    %get3A_39 = arith.constant 0 : index
    %get3A_40 = arith.constant 0 : index
    %get3A_41 = arith.constant 0 : index
    %get3A_42 = vector.load %arg2[%get3A_39, %get3A_40, %get3A_41] : memref<1x129x129xf32, #tpu.memory_space<vmem>>, vector<1x129x129xf32>
    %get3A_43 = vector.shape_cast %get3A_42 : vector<1x129x129xf32> to vector<129x129xf32>
    %jit3A_44 = arith.constant 0.000000e+00 : f32
    %broadcast_in_dim3A_45 = vector.broadcast %get3A_38 : f32 to vector<129x129xf32>
    %broadcast_in_dim3A_46 = vector.broadcast %jit3A_44 : f32 to vector<129x129xf32>
    %select_n3A_47 = arith.select %or3A, %broadcast_in_dim3A_45, %broadcast_in_dim3A_46 : vector<129x129xi1>, vector<129x129xf32>
    %add3A_48 = arith.addf %get3A_43, %select_n3A_47 : vector<129x129xf32>
    %get3A_49 = arith.constant 0 : index
    %get3A_50 = arith.constant 1 : index
    %get3A_51 = arith.constant 0 : index
    %get3A_52 = arith.constant 0 : index
    %get3A_53 = vector.load %arg4[%get3A_49, %get3A_50, %get3A_51, %get3A_52] : memref<1x32x128x128xf32, #tpu.memory_space<vmem>>, vector<1x1x128x128xf32>
    %get3A_54 = vector.shape_cast %get3A_53 : vector<1x1x128x128xf32> to vector<128x128xf32>
    %jit3A_55 = arith.constant 0 : i32
    %convert_element_type3A_56 = arith.sitofp %jit3A_55 : i32 to f32
    %pad3A_57 = vector.broadcast %convert_element_type3A_56 : f32 to vector<1x128xf32>
    %pad3A_58 = tpu.concatenate %pad3A_57, %get3A_54 in 0 : vector<1x128xf32>, vector<128x128xf32> -> vector<129x128xf32>
    %pad3A_59 = vector.broadcast %convert_element_type3A_56 : f32 to vector<129x1xf32>
    %pad3A_60 = tpu.concatenate %pad3A_59, %pad3A_58 in 1 : vector<129x1xf32>, vector<129x128xf32> -> vector<129x129xf32>
    %add3A_61 = arith.addf %add3A_48, %pad3A_60 : vector<129x129xf32>
    %swap3A_62 = arith.constant 0 : index
    %swap3A_63 = arith.constant 1 : index
    %swap3A_64 = arith.constant 0 : index
    %swap3A_65 = arith.constant 0 : index
    %swap3A_66 = vector.load %arg5[%swap3A_62, %swap3A_63, %swap3A_64, %swap3A_65] : memref<1x32x129x129xf32, #tpu.memory_space<vmem>>, vector<1x1x129x129xf32>
    %swap3A_67 = vector.shape_cast %swap3A_66 : vector<1x1x129x129xf32> to vector<129x129xf32>
    %swap3A_68 = vector.shape_cast %add3A_61 : vector<129x129xf32> to vector<1x1x129x129xf32>
    tpu.vector_store %arg5[%swap3A_62, %swap3A_63, %swap3A_64, %swap3A_65], %swap3A_68 {strides = array<i32>} : memref<1x32x129x129xf32, #tpu.memory_space<vmem>>, vector<1x1x129x129xf32>,
    %mul3A_69 = arith.constant 32 : i32
    %mul3A_70 = arith.muli %arg1, %mul3A_69 : i32
    %add3A_71 = arith.constant 2 : i32
    %add3A_72 = arith.addi %mul3A_70, %add3A_71 : i32
    %get3A_73 = arith.index_cast %add3A_72 : i32 to index
    %get3A_74 = memref.load %arg3[%get3A_73] : memref<32xf32, #tpu.memory_space<smem>>
    %get3A_75 = arith.constant 0 : index
    %get3A_76 = arith.constant 0 : index
    %get3A_77 = arith.constant 0 : index
    %get3A_78 = vector.load %arg2[%get3A_75, %get3A_76, %get3A_77] : memref<1x129x129xf32, #tpu.memory_space<vmem>>, vector<1x129x129xf32>
    %get3A_79 = vector.shape_cast %get3A_78 : vector<1x129x129xf32> to vector<129x129xf32>
    %jit3A_80 = arith.constant 0.000000e+00 : f32
    %broadcast_in_dim3A_81 = vector.broadcast %get3A_74 : f32 to vector<129x129xf32>
    %broadcast_in_dim3A_82 = vector.broadcast %jit3A_80 : f32 to vector<129x129xf32>
    %select_n3A_83 = arith.select %or3A, %broadcast_in_dim3A_81, %broadcast_in_dim3A_82 : vector<129x129xi1>, vector<129x129xf32>
    %add3A_84 = arith.addf %get3A_79, %select_n3A_83 : vector<129x129xf32>
    %get3A_85 = arith.constant 0 : index
    %get3A_86 = arith.constant 2 : index
    %get3A_87 = arith.constant 0 : index
    %get3A_88 = arith.constant 0 : index
    %get3A_89 = vector.load %arg4[%get3A_85, %get3A_86, %get3A_87, %get3A_88] : memref<1x32x128x128xf32, #tpu.memory_space<vmem>>, vector<1x1x128x128xf32>
    %get3A_90 = vector.shape_cast %get3A_89 : vector<1x1x128x128xf32> to vector<128x128xf32>
    %jit3A_91 = arith.constant 0 : i32
    %convert_element_type3A_92 = arith.sitofp %jit3A_91 : i32 to f32
    %pad3A_93 = vector.broadcast %convert_element_type3A_92 : f32 to vector<1x128xf32>
    %pad3A_94 = tpu.concatenate %pad3A_93, %get3A_90 in 0 : vector<1x128xf32>, vector<128x128xf32> -> vector<129x128xf32>
    %pad3A_95 = vector.broadcast %convert_element_type3A_92 : f32 to vector<129x1xf32>
    %pad3A_96 = tpu.concatenate %pad3A_95, %pad3A_94 in 1 : vector<129x1xf32>, vector<129x128xf32> -> vector<129x129xf32>
    %add3A_97 = arith.addf %add3A_84, %pad3A_96 : vector<129x129xf32>
    %swap3A_98 = arith.constant 0 : index
    %swap3A_99 = arith.constant 2 : index
    %swap3A_100 = arith.constant 0 : index
    %swap3A_101 = arith.constant 0 : index
    %swap3A_102 = vector.load %arg5[%swap3A_98, %swap3A_99, %swap3A_100, %swap3A_101] : memref<1x32x129x129xf32, #tpu.memory_space<vmem>>, vector<1x1x129x129xf32>
    %swap3A_103 = vector.shape_cast %swap3A_102 : vector<1x1x129x129xf32> to vector<129x129xf32>
    %swap3A_104 = vector.shape_cast %add3A_97 : vector<129x129xf32> to vector<1x1x129x129xf32>
    tpu.vector_store %arg5[%swap3A_98, %swap3A_99, %swap3A_100, %swap3A_101], %swap3A_104 {strides = array<i32>} : memref<1x32x129x129xf32, #tpu.memory_space<vmem>>, vector<1x1x129x129xf32>,
    %mul3A_105 = arith.constant 32 : i32
    %mul3A_106 = arith.muli %arg1, %mul3A_105 : i32
    %add3A_107 = arith.constant 3 : i32
    %add3A_108 = arith.addi %mul3A_106, %add3A_107 : i32
    %get3A_109 = arith.index_cast %add3A_108 : i32 to index
    %get3A_110 = memref.load %arg3[%get3A_109] : memref<32xf32, #tpu.memory_space<smem>>
    %get3A_111 = arith.constant 0 : index
    %get3A_112 = arith.constant 0 : index
    %get3A_113 = arith.constant 0 : index
    %get3A_114 = vector.load %arg2[%get3A_111, %get3A_112, %get3A_113] : memref<1x129x129xf32, #tpu.memory_space<vmem>>, vector<1x129x129xf32>
    %get3A_115 = vector.shape_cast %get3A_114 : vector<1x129x129xf32> to vector<129x129xf32>
    %jit3A_116 = arith.constant 0.000000e+00 : f32
    %broadcast_in_dim3A_117 = vector.broadcast %get3A_110 : f32 to vector<129x129xf32>
    %broadcast_in_dim3A_118 = vector.broadcast %jit3A_116 : f32 to vector<129x129xf32>
    %select_n3A_119 = arith.select %or3A, %broadcast_in_dim3A_117, %broadcast_in_dim3A_118 : vector<129x129xi1>, vector<129x129xf32>
    %add3A_120 = arith.addf %get3A_115, %select_n3A_119 : vector<129x129xf32>
    %get3A_121 = arith.constant 0 : index
    %get3A_122 = arith.constant 3 : index
    %get3A_123 = arith.constant 0 : index
    %get3A_124 = arith.constant 0 : index
    %get3A_125 = vector.load %arg4[%get3A_121, %get3A_122, %get3A_123, %get3A_124] : memref<1x32x128x128xf32, #tpu.memory_space<vmem>>, vector<1x1x128x128xf32>
    %get3A_126 = vector.shape_cast %get3A_125 : vector<1x1x128x128xf32> to vector<128x128xf32>
    %jit3A_127 = arith.constant 0 : i32
    %convert_element_type3A_128 = arith.sitofp %jit3A_127 : i32 to f32
    %pad3A_129 = vector.broadcast %convert_element_type3A_128 : f32 to vector<1x128xf32>
    %pad3A_130 = tpu.concatenate %pad3A_129, %get3A_126 in 0 : vector<1x128xf32>, vector<128x128xf32> -> vector<129x128xf32>
    %pad3A_131 = vector.broadcast %convert_element_type3A_128 : f32 to vector<129x1xf32>
    %pad3A_132 = tpu.concatenate %pad3A_131, %pad3A_130 in 1 : vector<129x1xf32>, vector<129x128xf32> -> vector<129x129xf32>
    %add3A_133 = arith.addf %add3A_120, %pad3A_132 : vector<129x129xf32>
    %swap3A_134 = arith.constant 0 : index
    %swap3A_135 = arith.constant 3 : index
    %swap3A_136 = arith.constant 0 : index
    %swap3A_137 = arith.constant 0 : index
    %swap3A_138 = vector.load %arg5[%swap3A_134, %swap3A_135, %swap3A_136, %swap3A_137] : memref<1x32x129x129xf32, #tpu.memory_space<vmem>>, vector<1x1x129x129xf32>
    %swap3A_139 = vector.shape_cast %swap3A_138 : vector<1x1x129x129xf32> to vector<129x129xf32>
    %swap3A_140 = vector.shape_cast %add3A_133 : vector<129x129xf32> to vector<1x1x129x129xf32>
    tpu.vector_store %arg5[%swap3A_134, %swap3A_135, %swap3A_136, %swap3A_137], %swap3A_140 {strides = array<i32>} : memref<1x32x129x129xf32, #tpu.memory_space<vmem>>, vector<1x1x129x129xf32>,
    %mul3A_141 = arith.constant 32 : i32
    %mul3A_142 = arith.muli %arg1, %mul3A_141 : i32
    %add3A_143 = arith.constant 4 : i32
    %add3A_144 = arith.addi %mul3A_142, %add3A_143 : i32
    %get3A_145 = arith.index_cast %add3A_144 : i32 to index
    %get3A_146 = memref.load %arg3[%get3A_145] : memref<32xf32, #tpu.memory_space<smem>>
    %get3A_147 = arith.constant 0 : index
    %get3A_148 = arith.constant 0 : index
    %get3A_149 = arith.constant 0 : index
    %get3A_150 = vector.load %arg2[%get3A_147, %get3A_148, %get3A_149] : memref<1x129x129xf32, #tpu.memory_space<vmem>>, vector<1x129x129xf32>
    %get3A_151 = vector.shape_cast %get3A_150 : vector<1x129x129xf32> to vector<129x129xf32>
    %jit3A_152 = arith.constant 0.000000e+00 : f32
    %broadcast_in_dim3A_153 = vector.broadcast %get3A_146 : f32 to vector<129x129xf32>
    %broadcast_in_dim3A_154 = vector.broadcast %jit3A_152 : f32 to vector<129x129xf32>
    %select_n3A_155 = arith.select %or3A, %broadcast_in_dim3A_153, %broadcast_in_dim3A_154 : vector<129x129xi1>, vector<129x129xf32>
    %add3A_156 = arith.addf %get3A_151, %select_n3A_155 : vector<129x129xf32>
    %get3A_157 = arith.constant 0 : index
    %get3A_158 = arith.constant 4 : index
    %get3A_159 = arith.constant 0 : index
    %get3A_160 = arith.constant 0 : index
    %get3A_161 = vector.load %arg4[%get3A_157, %get3A_158, %get3A_159, %get3A_160] : memref<1x32x128x128xf32, #tpu.memory_space<vmem>>, vector<1x1x128x128xf32>
    %get3A_162 = vector.shape_cast %get3A_161 : vector<1x1x128x128xf32> to vector<128x128xf32>
    %jit3A_163 = arith.constant 0 : i32
    %convert_element_type3A_164 = arith.sitofp %jit3A_163 : i32 to f32
    %pad3A_165 = vector.broadcast %convert_element_type3A_164 : f32 to vector<1x128xf32>
    %pad3A_166 = tpu.concatenate %pad3A_165, %get3A_162 in 0 : vector<1x128xf32>, vector<128x128xf32> -> vector<129x128xf32>
    %pad3A_167 = vector.broadcast %convert_element_type3A_164 : f32 to vector<129x1xf32>
    %pad3A_168 = tpu.concatenate %pad3A_167, %pad3A_166 in 1 : vector<129x1xf32>, vector<129x128xf32> -> vector<129x129xf32>
    %add3A_169 = arith.addf %add3A_156, %pad3A_168 : vector<129x129xf32>
    %swap3A_170 = arith.constant 0 : index
    %swap3A_171 = arith.constant 4 : index
    %swap3A_172 = arith.constant 0 : index
    %swap3A_173 = arith.constant 0 : index
    %swap3A_174 = vector.load %arg5[%swap3A_170, %swap3A_171, %swap3A_172, %swap3A_173] : memref<1x32x129x129xf32, #tpu.memory_space<vmem>>, vector<1x1x129x129xf32>
    %swap3A_175 = vector.shape_cast %swap3A_174 : vector<1x1x129x129xf32> to vector<129x129xf32>
    %swap3A_176 = vector.shape_cast %add3A_169 : vector<129x129xf32> to vector<1x1x129x129xf32>
    tpu.vector_store %arg5[%swap3A_170, %swap3A_171, %swap3A_172, %swap3A_173], %swap3A_176 {strides = array<i32>} : memref<1x32x129x129xf32, #tpu.memory_space<vmem>>, vector<1x1x129x129xf32>,
    %mul3A_177 = arith.constant 32 : i32
    %mul3A_178 = arith.muli %arg1, %mul3A_177 : i32
    %add3A_179 = arith.constant 5 : i32
    %add3A_180 = arith.addi %mul3A_178, %add3A_179 : i32
    %get3A_181 = arith.index_cast %add3A_180 : i32 to index
    %get3A_182 = memref.load %arg3[%get3A_181] : memref<32xf32, #tpu.memory_space<smem>>
    %get3A_183 = arith.constant 0 : index
    %get3A_184 = arith.constant 0 : index
    %get3A_185 = arith.constant 0 : index
    %get3A_186 = vector.load %arg2[%get3A_183, %get3A_184, %get3A_185] : memref<1x129x129xf32, #tpu.memory_space<vmem>>, vector<1x129x129xf32>
    %get3A_187 = vector.shape_cast %get3A_186 : vector<1x129x129xf32> to vector<129x129xf32>
    %jit3A_188 = arith.constant 0.000000e+00 : f32
    %broadcast_in_dim3A_189 = vector.broadcast %get3A_182 : f32 to vector<129x129xf32>
    %broadcast_in_dim3A_190 = vector.broadcast %jit3A_188 : f32 to vector<129x129xf32>
    %select_n3A_191 = arith.select %or3A, %broadcast_in_dim3A_189, %broadcast_in_dim3A_190 : vector<129x129xi1>, vector<129x129xf32>
    %add3A_192 = arith.addf %get3A_187, %select_n3A_191 : vector<129x129xf32>
    %get3A_193 = arith.constant 0 : index
    %get3A_194 = arith.constant 5 : index
    %get3A_195 = arith.constant 0 : index
    %get3A_196 = arith.constant 0 : index
    %get3A_197 = vector.load %arg4[%get3A_193, %get3A_194, %get3A_195, %get3A_196] : memref<1x32x128x128xf32, #tpu.memory_space<vmem>>, vector<1x1x128x128xf32>
    %get3A_198 = vector.shape_cast %get3A_197 : vector<1x1x128x128xf32> to vector<128x128xf32>
    %jit3A_199 = arith.constant 0 : i32
    %convert_element_type3A_200 = arith.sitofp %jit3A_199 : i32 to f32
    %pad3A_201 = vector.broadcast %convert_element_type3A_200 : f32 to vector<1x128xf32>
    %pad3A_202 = tpu.concatenate %pad3A_201, %get3A_198 in 0 : vector<1x128xf32>, vector<128x128xf32> -> vector<129x128xf32>
    %pad3A_203 = vector.broadcast %convert_element_type3A_200 : f32 to vector<129x1xf32>
    %pad3A_204 = tpu.concatenate %pad3A_203, %pad3A_202 in 1 : vector<129x1xf32>, vector<129x128xf32> -> vector<129x129xf32>
    %add3A_205 = arith.addf %add3A_192, %pad3A_204 : vector<129x129xf32>
    %swap3A_206 = arith.constant 0 : index
    %swap3A_207 = arith.constant 5 : index
    %swap3A_208 = arith.constant 0 : index
    %swap3A_209 = arith.constant 0 : index
    %swap3A_210 = vector.load %arg5[%swap3A_206, %swap3A_207, %swap3A_208, %swap3A_209] : memref<1x32x129x129xf32, #tpu.memory_space<vmem>>, vector<1x1x129x129xf32>
    %swap3A_211 = vector.shape_cast %swap3A_210 : vector<1x1x129x129xf32> to vector<129x129xf32>
    %swap3A_212 = vector.shape_cast %add3A_205 : vector<129x129xf32> to vector<1x1x129x129xf32>
    tpu.vector_store %arg5[%swap3A_206, %swap3A_207, %swap3A_208, %swap3A_209], %swap3A_212 {strides = array<i32>} : memref<1x32x129x129xf32, #tpu.memory_space<vmem>>, vector<1x1x129x129xf32>,
    %mul3A_213 = arith.constant 32 : i32
    %mul3A_214 = arith.muli %arg1, %mul3A_213 : i32
    %add3A_215 = arith.constant 6 : i32
    %add3A_216 = arith.addi %mul3A_214, %add3A_215 : i32
    %get3A_217 = arith.index_cast %add3A_216 : i32 to index
    %get3A_218 = memref.load %arg3[%get3A_217] : memref<32xf32, #tpu.memory_space<smem>>
    %get3A_219 = arith.constant 0 : index
    %get3A_220 = arith.constant 0 : index
    %get3A_221 = arith.constant 0 : index
    %get3A_222 = vector.load %arg2[%get3A_219, %get3A_220, %get3A_221] : memref<1x129x129xf32, #tpu.memory_space<vmem>>, vector<1x129x129xf32>
    %get3A_223 = vector.shape_cast %get3A_222 : vector<1x129x129xf32> to vector<129x129xf32>
    %jit3A_224 = arith.constant 0.000000e+00 : f32
    %broadcast_in_dim3A_225 = vector.broadcast %get3A_218 : f32 to vector<129x129xf32>
    %broadcast_in_dim3A_226 = vector.broadcast %jit3A_224 : f32 to vector<129x129xf32>
    %select_n3A_227 = arith.select %or3A, %broadcast_in_dim3A_225, %broadcast_in_dim3A_226 : vector<129x129xi1>, vector<129x129xf32>
    %add3A_228 = arith.addf %get3A_223, %select_n3A_227 : vector<129x129xf32>
    %get3A_229 = arith.constant 0 : index
    %get3A_230 = arith.constant 6 : index
    %get3A_231 = arith.constant 0 : index
    %get3A_232 = arith.constant 0 : index
    %get3A_233 = vector.load %arg4[%get3A_229, %get3A_230, %get3A_231, %get3A_232] : memref<1x32x128x128xf32, #tpu.memory_space<vmem>>, vector<1x1x128x128xf32>
    %get3A_234 = vector.shape_cast %get3A_233 : vector<1x1x128x128xf32> to vector<128x128xf32>
    %jit3A_235 = arith.constant 0 : i32
    %convert_element_type3A_236 = arith.sitofp %jit3A_235 : i32 to f32
    %pad3A_237 = vector.broadcast %convert_element_type3A_236 : f32 to vector<1x128xf32>
    %pad3A_238 = tpu.concatenate %pad3A_237, %get3A_234 in 0 : vector<1x128xf32>, vector<128x128xf32> -> vector<129x128xf32>
    %pad3A_239 = vector.broadcast %convert_element_type3A_236 : f32 to vector<129x1xf32>
    %pad3A_240 = tpu.concatenate %pad3A_239, %pad3A_238 in 1 : vector<129x1xf32>, vector<129x128xf32> -> vector<129x129xf32>
    %add3A_241 = arith.addf %add3A_228, %pad3A_240 : vector<129x129xf32>
    %swap3A_242 = arith.constant 0 : index
    %swap3A_243 = arith.constant 6 : index
    %swap3A_244 = arith.constant 0 : index
    %swap3A_245 = arith.constant 0 : index
    %swap3A_246 = vector.load %arg5[%swap3A_242, %swap3A_243, %swap3A_244, %swap3A_245] : memref<1x32x129x129xf32, #tpu.memory_space<vmem>>, vector<1x1x129x129xf32>
    %swap3A_247 = vector.shape_cast %swap3A_246 : vector<1x1x129x129xf32> to vector<129x129xf32>
    %swap3A_248 = vector.shape_cast %add3A_241 : vector<129x129xf32> to vector<1x1x129x129xf32>
    tpu.vector_store %arg5[%swap3A_242, %swap3A_243, %swap3A_244, %swap3A_245], %swap3A_248 {strides = array<i32>} : memref<1x32x129x129xf32, #tpu.memory_space<vmem>>, vector<1x1x129x129xf32>,
    %mul3A_249 = arith.constant 32 : i32
    %mul3A_250 = arith.muli %arg1, %mul3A_249 : i32
    %add3A_251 = arith.constant 7 : i32
    %add3A_252 = arith.addi %mul3A_250, %add3A_251 : i32
    %get3A_253 = arith.index_cast %add3A_252 : i32 to index
    %get3A_254 = memref.load %arg3[%get3A_253] : memref<32xf32, #tpu.memory_space<smem>>
    %get3A_255 = arith.constant 0 : index
    %get3A_256 = arith.constant 0 : index
    %get3A_257 = arith.constant 0 : index
    %get3A_258 = vector.load %arg2[%get3A_255, %get3A_256, %get3A_257] : memref<1x129x129xf32, #tpu.memory_space<vmem>>, vector<1x129x129xf32>
    %get3A_259 = vector.shape_cast %get3A_258 : vector<1x129x129xf32> to vector<129x129xf32>
    %jit3A_260 = arith.constant 0.000000e+00 : f32
    %broadcast_in_dim3A_261 = vector.broadcast %get3A_254 : f32 to vector<129x129xf32>
    %broadcast_in_dim3A_262 = vector.broadcast %jit3A_260 : f32 to vector<129x129xf32>
    %select_n3A_263 = arith.select %or3A, %broadcast_in_dim3A_261, %broadcast_in_dim3A_262 : vector<129x129xi1>, vector<129x129xf32>
    %add3A_264 = arith.addf %get3A_259, %select_n3A_263 : vector<129x129xf32>
    %get3A_265 = arith.constant 0 : index
    %get3A_266 = arith.constant 7 : index
    %get3A_267 = arith.constant 0 : index
    %get3A_268 = arith.constant 0 : index
    %get3A_269 = vector.load %arg4[%get3A_265, %get3A_266, %get3A_267, %get3A_268] : memref<1x32x128x128xf32, #tpu.memory_space<vmem>>, vector<1x1x128x128xf32>
    %get3A_270 = vector.shape_cast %get3A_269 : vector<1x1x128x128xf32> to vector<128x128xf32>
    %jit3A_271 = arith.constant 0 : i32
    %convert_element_type3A_272 = arith.sitofp %jit3A_271 : i32 to f32
    %pad3A_273 = vector.broadcast %convert_element_type3A_272 : f32 to vector<1x128xf32>
    %pad3A_274 = tpu.concatenate %pad3A_273, %get3A_270 in 0 : vector<1x128xf32>, vector<128x128xf32> -> vector<129x128xf32>
    %pad3A_275 = vector.broadcast %convert_element_type3A_272 : f32 to vector<129x1xf32>
    %pad3A_276 = tpu.concatenate %pad3A_275, %pad3A_274 in 1 : vector<129x1xf32>, vector<129x128xf32> -> vector<129x129xf32>
    %add3A_277 = arith.addf %add3A_264, %pad3A_276 : vector<129x129xf32>
    %swap3A_278 = arith.constant 0 : index
    %swap3A_279 = arith.constant 7 : index
    %swap3A_280 = arith.constant 0 : index
    %swap3A_281 = arith.constant 0 : index
    %swap3A_282 = vector.load %arg5[%swap3A_278, %swap3A_279, %swap3A_280, %swap3A_281] : memref<1x32x129x129xf32, #tpu.memory_space<vmem>>, vector<1x1x129x129xf32>
    %swap3A_283 = vector.shape_cast %swap3A_282 : vector<1x1x129x129xf32> to vector<129x129xf32>
    %swap3A_284 = vector.shape_cast %add3A_277 : vector<129x129xf32> to vector<1x1x129x129xf32>
    tpu.vector_store %arg5[%swap3A_278, %swap3A_279, %swap3A_280, %swap3A_281], %swap3A_284 {strides = array<i32>} : memref<1x32x129x129xf32, #tpu.memory_space<vmem>>, vector<1x1x129x129xf32>,
    %mul3A_285 = arith.constant 32 : i32
    %mul3A_286 = arith.muli %arg1, %mul3A_285 : i32
    %add3A_287 = arith.constant 8 : i32
    %add3A_288 = arith.addi %mul3A_286, %add3A_287 : i32
    %get3A_289 = arith.index_cast %add3A_288 : i32 to index
    %get3A_290 = memref.load %arg3[%get3A_289] : memref<32xf32, #tpu.memory_space<smem>>
    %get3A_291 = arith.constant 0 : index
    %get3A_292 = arith.constant 0 : index
    %get3A_293 = arith.constant 0 : index
    %get3A_294 = vector.load %arg2[%get3A_291, %get3A_292, %get3A_293] : memref<1x129x129xf32, #tpu.memory_space<vmem>>, vector<1x129x129xf32>
    %get3A_295 = vector.shape_cast %get3A_294 : vector<1x129x129xf32> to vector<129x129xf32>
    %jit3A_296 = arith.constant 0.000000e+00 : f32
    %broadcast_in_dim3A_297 = vector.broadcast %get3A_290 : f32 to vector<129x129xf32>
    %broadcast_in_dim3A_298 = vector.broadcast %jit3A_296 : f32 to vector<129x129xf32>
    %select_n3A_299 = arith.select %or3A, %broadcast_in_dim3A_297, %broadcast_in_dim3A_298 : vector<129x129xi1>, vector<129x129xf32>
    %add3A_300 = arith.addf %get3A_295, %select_n3A_299 : vector<129x129xf32>
    %get3A_301 = arith.constant 0 : index
    %get3A_302 = arith.constant 8 : index
    %get3A_303 = arith.constant 0 : index
    %get3A_304 = arith.constant 0 : index
    %get3A_305 = vector.load %arg4[%get3A_301, %get3A_302, %get3A_303, %get3A_304] : memref<1x32x128x128xf32, #tpu.memory_space<vmem>>, vector<1x1x128x128xf32>
    %get3A_306 = vector.shape_cast %get3A_305 : vector<1x1x128x128xf32> to vector<128x128xf32>
    %jit3A_307 = arith.constant 0 : i32
    %convert_element_type3A_308 = arith.sitofp %jit3A_307 : i32 to f32
    %pad3A_309 = vector.broadcast %convert_element_type3A_308 : f32 to vector<1x128xf32>
    %pad3A_310 = tpu.concatenate %pad3A_309, %get3A_306 in 0 : vector<1x128xf32>, vector<128x128xf32> -> vector<129x128xf32>
    %pad3A_311 = vector.broadcast %convert_element_type3A_308 : f32 to vector<129x1xf32>
    %pad3A_312 = tpu.concatenate %pad3A_311, %pad3A_310 in 1 : vector<129x1xf32>, vector<129x128xf32> -> vector<129x129xf32>
    %add3A_313 = arith.addf %add3A_300, %pad3A_312 : vector<129x129xf32>
    %swap3A_314 = arith.constant 0 : index
    %swap3A_315 = arith.constant 8 : index
    %swap3A_316 = arith.constant 0 : index
    %swap3A_317 = arith.constant 0 : index
    %swap3A_318 = vector.load %arg5[%swap3A_314, %swap3A_315, %swap3A_316, %swap3A_317] : memref<1x32x129x129xf32, #tpu.memory_space<vmem>>, vector<1x1x129x129xf32>
    %swap3A_319 = vector.shape_cast %swap3A_318 : vector<1x1x129x129xf32> to vector<129x129xf32>
    %swap3A_320 = vector.shape_cast %add3A_313 : vector<129x129xf32> to vector<1x1x129x129xf32>
    tpu.vector_store %arg5[%swap3A_314, %swap3A_315, %swap3A_316, %swap3A_317], %swap3A_320 {strides = array<i32>} : memref<1x32x129x129xf32, #tpu.memory_space<vmem>>, vector<1x1x129x129xf32>,
    %mul3A_321 = arith.constant 32 : i32
    %mul3A_322 = arith.muli %arg1, %mul3A_321 : i32
    %add3A_323 = arith.constant 9 : i32
    %add3A_324 = arith.addi %mul3A_322, %add3A_323 : i32
    %get3A_325 = arith.index_cast %add3A_324 : i32 to index
    %get3A_326 = memref.load %arg3[%get3A_325] : memref<32xf32, #tpu.memory_space<smem>>
    %get3A_327 = arith.constant 0 : index
    %get3A_328 = arith.constant 0 : index
    %get3A_329 = arith.constant 0 : index
    %get3A_330 = vector.load %arg2[%get3A_327, %get3A_328, %get3A_329] : memref<1x129x129xf32, #tpu.memory_space<vmem>>, vector<1x129x129xf32>
    %get3A_331 = vector.shape_cast %get3A_330 : vector<1x129x129xf32> to vector<129x129xf32>
    %jit3A_332 = arith.constant 0.000000e+00 : f32
    %broadcast_in_dim3A_333 = vector.broadcast %get3A_326 : f32 to vector<129x129xf32>
    %broadcast_in_dim3A_334 = vector.broadcast %jit3A_332 : f32 to vector<129x129xf32>
    %select_n3A_335 = arith.select %or3A, %broadcast_in_dim3A_333, %broadcast_in_dim3A_334 : vector<129x129xi1>, vector<129x129xf32>
    %add3A_336 = arith.addf %get3A_331, %select_n3A_335 : vector<129x129xf32>
    %get3A_337 = arith.constant 0 : index
    %get3A_338 = arith.constant 9 : index
    %get3A_339 = arith.constant 0 : index
    %get3A_340 = arith.constant 0 : index
    %get3A_341 = vector.load %arg4[%get3A_337, %get3A_338, %get3A_339, %get3A_340] : memref<1x32x128x128xf32, #tpu.memory_space<vmem>>, vector<1x1x128x128xf32>
    %get3A_342 = vector.shape_cast %get3A_341 : vector<1x1x128x128xf32> to vector<128x128xf32>
    %jit3A_343 = arith.constant 0 : i32
    %convert_element_type3A_344 = arith.sitofp %jit3A_343 : i32 to f32
    %pad3A_345 = vector.broadcast %convert_element_type3A_344 : f32 to vector<1x128xf32>
    %pad3A_346 = tpu.concatenate %pad3A_345, %get3A_342 in 0 : vector<1x128xf32>, vector<128x128xf32> -> vector<129x128xf32>
    %pad3A_347 = vector.broadcast %convert_element_type3A_344 : f32 to vector<129x1xf32>
    %pad3A_348 = tpu.concatenate %pad3A_347, %pad3A_346 in 1 : vector<129x1xf32>, vector<129x128xf32> -> vector<129x129xf32>
    %add3A_349 = arith.addf %add3A_336, %pad3A_348 : vector<129x129xf32>
    %swap3A_350 = arith.constant 0 : index
    %swap3A_351 = arith.constant 9 : index
    %swap3A_352 = arith.constant 0 : index
    %swap3A_353 = arith.constant 0 : index
    %swap3A_354 = vector.load %arg5[%swap3A_350, %swap3A_351, %swap3A_352, %swap3A_353] : memref<1x32x129x129xf32, #tpu.memory_space<vmem>>, vector<1x1x129x129xf32>
    %swap3A_355 = vector.shape_cast %swap3A_354 : vector<1x1x129x129xf32> to vector<129x129xf32>
    %swap3A_356 = vector.shape_cast %add3A_349 : vector<129x129xf32> to vector<1x1x129x129xf32>
    tpu.vector_store %arg5[%swap3A_350, %swap3A_351, %swap3A_352, %swap3A_353], %swap3A_356 {strides = array<i32>} : memref<1x32x129x129xf32, #tpu.memory_space<vmem>>, vector<1x1x129x129xf32>,
    %mul3A_357 = arith.constant 32 : i32
    %mul3A_358 = arith.muli %arg1, %mul3A_357 : i32
    %add3A_359 = arith.constant 10 : i32
    %add3A_360 = arith.addi %mul3A_358, %add3A_359 : i32
    %get3A_361 = arith.index_cast %add3A_360 : i32 to index
    %get3A_362 = memref.load %arg3[%get3A_361] : memref<32xf32, #tpu.memory_space<smem>>
    %get3A_363 = arith.constant 0 : index
    %get3A_364 = arith.constant 0 : index
    %get3A_365 = arith.constant 0 : index
    %get3A_366 = vector.load %arg2[%get3A_363, %get3A_364, %get3A_365] : memref<1x129x129xf32, #tpu.memory_space<vmem>>, vector<1x129x129xf32>
    %get3A_367 = vector.shape_cast %get3A_366 : vector<1x129x129xf32> to vector<129x129xf32>
    %jit3A_368 = arith.constant 0.000000e+00 : f32
    %broadcast_in_dim3A_369 = vector.broadcast %get3A_362 : f32 to vector<129x129xf32>
    %broadcast_in_dim3A_370 = vector.broadcast %jit3A_368 : f32 to vector<129x129xf32>
    %select_n3A_371 = arith.select %or3A, %broadcast_in_dim3A_369, %broadcast_in_dim3A_370 : vector<129x129xi1>, vector<129x129xf32>
    %add3A_372 = arith.addf %get3A_367, %select_n3A_371 : vector<129x129xf32>
    %get3A_373 = arith.constant 0 : index
    %get3A_374 = arith.constant 10 : index
    %get3A_375 = arith.constant 0 : index
    %get3A_376 = arith.constant 0 : index
    %get3A_377 = vector.load %arg4[%get3A_373, %get3A_374, %get3A_375, %get3A_376] : memref<1x32x128x128xf32, #tpu.memory_space<vmem>>, vector<1x1x128x128xf32>
    %get3A_378 = vector.shape_cast %get3A_377 : vector<1x1x128x128xf32> to vector<128x128xf32>
    %jit3A_379 = arith.constant 0 : i32
    %convert_element_type3A_380 = arith.sitofp %jit3A_379 : i32 to f32
    %pad3A_381 = vector.broadcast %convert_element_type3A_380 : f32 to vector<1x128xf32>
    %pad3A_382 = tpu.concatenate %pad3A_381, %get3A_378 in 0 : vector<1x128xf32>, vector<128x128xf32> -> vector<129x128xf32>
    %pad3A_383 = vector.broadcast %convert_element_type3A_380 : f32 to vector<129x1xf32>
    %pad3A_384 = tpu.concatenate %pad3A_383, %pad3A_382 in 1 : vector<129x1xf32>, vector<129x128xf32> -> vector<129x129xf32>
    %add3A_385 = arith.addf %add3A_372, %pad3A_384 : vector<129x129xf32>
    %swap3A_386 = arith.constant 0 : index
    %swap3A_387 = arith.constant 10 : index
    %swap3A_388 = arith.constant 0 : index
    %swap3A_389 = arith.constant 0 : index
    %swap3A_390 = vector.load %arg5[%swap3A_386, %swap3A_387, %swap3A_388, %swap3A_389] : memref<1x32x129x129xf32, #tpu.memory_space<vmem>>, vector<1x1x129x129xf32>
    %swap3A_391 = vector.shape_cast %swap3A_390 : vector<1x1x129x129xf32> to vector<129x129xf32>
    %swap3A_392 = vector.shape_cast %add3A_385 : vector<129x129xf32> to vector<1x1x129x129xf32>
    tpu.vector_store %arg5[%swap3A_386, %swap3A_387, %swap3A_388, %swap3A_389], %swap3A_392 {strides = array<i32>} : memref<1x32x129x129xf32, #tpu.memory_space<vmem>>, vector<1x1x129x129xf32>,
    %mul3A_393 = arith.constant 32 : i32
    %mul3A_394 = arith.muli %arg1, %mul3A_393 : i32
    %add3A_395 = arith.constant 11 : i32
    %add3A_396 = arith.addi %mul3A_394, %add3A_395 : i32
    %get3A_397 = arith.index_cast %add3A_396 : i32 to index
    %get3A_398 = memref.load %arg3[%get3A_397] : memref<32xf32, #tpu.memory_space<smem>>
    %get3A_399 = arith.constant 0 : index
    %get3A_400 = arith.constant 0 : index
    %get3A_401 = arith.constant 0 : index
    %get3A_402 = vector.load %arg2[%get3A_399, %get3A_400, %get3A_401] : memref<1x129x129xf32, #tpu.memory_space<vmem>>, vector<1x129x129xf32>
    %get3A_403 = vector.shape_cast %get3A_402 : vector<1x129x129xf32> to vector<129x129xf32>
    %jit3A_404 = arith.constant 0.000000e+00 : f32
    %broadcast_in_dim3A_405 = vector.broadcast %get3A_398 : f32 to vector<129x129xf32>
    %broadcast_in_dim3A_406 = vector.broadcast %jit3A_404 : f32 to vector<129x129xf32>
    %select_n3A_407 = arith.select %or3A, %broadcast_in_dim3A_405, %broadcast_in_dim3A_406 : vector<129x129xi1>, vector<129x129xf32>
    %add3A_408 = arith.addf %get3A_403, %select_n3A_407 : vector<129x129xf32>
    %get3A_409 = arith.constant 0 : index
    %get3A_410 = arith.constant 11 : index
    %get3A_411 = arith.constant 0 : index
    %get3A_412 = arith.constant 0 : index
    %get3A_413 = vector.load %arg4[%get3A_409, %get3A_410, %get3A_411, %get3A_412] : memref<1x32x128x128xf32, #tpu.memory_space<vmem>>, vector<1x1x128x128xf32>
    %get3A_414 = vector.shape_cast %get3A_413 : vector<1x1x128x128xf32> to vector<128x128xf32>
    %jit3A_415 = arith.constant 0 : i32
    %convert_element_type3A_416 = arith.sitofp %jit3A_415 : i32 to f32
    %pad3A_417 = vector.broadcast %convert_element_type3A_416 : f32 to vector<1x128xf32>
    %pad3A_418 = tpu.concatenate %pad3A_417, %get3A_414 in 0 : vector<1x128xf32>, vector<128x128xf32> -> vector<129x128xf32>
    %pad3A_419 = vector.broadcast %convert_element_type3A_416 : f32 to vector<129x1xf32>
    %pad3A_420 = tpu.concatenate %pad3A_419, %pad3A_418 in 1 : vector<129x1xf32>, vector<129x128xf32> -> vector<129x129xf32>
    %add3A_421 = arith.addf %add3A_408, %pad3A_420 : vector<129x129xf32>
    %swap3A_422 = arith.constant 0 : index
    %swap3A_423 = arith.constant 11 : index
    %swap3A_424 = arith.constant 0 : index
    %swap3A_425 = arith.constant 0 : index
    %swap3A_426 = vector.load %arg5[%swap3A_422, %swap3A_423, %swap3A_424, %swap3A_425] : memref<1x32x129x129xf32, #tpu.memory_space<vmem>>, vector<1x1x129x129xf32>
    %swap3A_427 = vector.shape_cast %swap3A_426 : vector<1x1x129x129xf32> to vector<129x129xf32>
    %swap3A_428 = vector.shape_cast %add3A_421 : vector<129x129xf32> to vector<1x1x129x129xf32>
    tpu.vector_store %arg5[%swap3A_422, %swap3A_423, %swap3A_424, %swap3A_425], %swap3A_428 {strides = array<i32>} : memref<1x32x129x129xf32, #tpu.memory_space<vmem>>, vector<1x1x129x129xf32>,
    %mul3A_429 = arith.constant 32 : i32
    %mul3A_430 = arith.muli %arg1, %mul3A_429 : i32
    %add3A_431 = arith.constant 12 : i32
    %add3A_432 = arith.addi %mul3A_430, %add3A_431 : i32
    %get3A_433 = arith.index_cast %add3A_432 : i32 to index
    %get3A_434 = memref.load %arg3[%get3A_433] : memref<32xf32, #tpu.memory_space<smem>>
    %get3A_435 = arith.constant 0 : index
    %get3A_436 = arith.constant 0 : index
    %get3A_437 = arith.constant 0 : index
    %get3A_438 = vector.load %arg2[%get3A_435, %get3A_436, %get3A_437] : memref<1x129x129xf32, #tpu.memory_space<vmem>>, vector<1x129x129xf32>
    %get3A_439 = vector.shape_cast %get3A_438 : vector<1x129x129xf32> to vector<129x129xf32>
    %jit3A_440 = arith.constant 0.000000e+00 : f32
    %broadcast_in_dim3A_441 = vector.broadcast %get3A_434 : f32 to vector<129x129xf32>
    %broadcast_in_dim3A_442 = vector.broadcast %jit3A_440 : f32 to vector<129x129xf32>
    %select_n3A_443 = arith.select %or3A, %broadcast_in_dim3A_441, %broadcast_in_dim3A_442 : vector<129x129xi1>, vector<129x129xf32>
    %add3A_444 = arith.addf %get3A_439, %select_n3A_443 : vector<129x129xf32>
    %get3A_445 = arith.constant 0 : index
    %get3A_446 = arith.constant 12 : index
    %get3A_447 = arith.constant 0 : index
    %get3A_448 = arith.constant 0 : index
    %get3A_449 = vector.load %arg4[%get3A_445, %get3A_446, %get3A_447, %get3A_448] : memref<1x32x128x128xf32, #tpu.memory_space<vmem>>, vector<1x1x128x128xf32>
    %get3A_450 = vector.shape_cast %get3A_449 : vector<1x1x128x128xf32> to vector<128x128xf32>
    %jit3A_451 = arith.constant 0 : i32
    %convert_element_type3A_452 = arith.sitofp %jit3A_451 : i32 to f32
    %pad3A_453 = vector.broadcast %convert_element_type3A_452 : f32 to vector<1x128xf32>
    %pad3A_454 = tpu.concatenate %pad3A_453, %get3A_450 in 0 : vector<1x128xf32>, vector<128x128xf32> -> vector<129x128xf32>
    %pad3A_455 = vector.broadcast %convert_element_type3A_452 : f32 to vector<129x1xf32>
    %pad3A_456 = tpu.concatenate %pad3A_455, %pad3A_454 in 1 : vector<129x1xf32>, vector<129x128xf32> -> vector<129x129xf32>
    %add3A_457 = arith.addf %add3A_444, %pad3A_456 : vector<129x129xf32>
    %swap3A_458 = arith.constant 0 : index
    %swap3A_459 = arith.constant 12 : index
    %swap3A_460 = arith.constant 0 : index
    %swap3A_461 = arith.constant 0 : index
    %swap3A_462 = vector.load %arg5[%swap3A_458, %swap3A_459, %swap3A_460, %swap3A_461] : memref<1x32x129x129xf32, #tpu.memory_space<vmem>>, vector<1x1x129x129xf32>
    %swap3A_463 = vector.shape_cast %swap3A_462 : vector<1x1x129x129xf32> to vector<129x129xf32>
    %swap3A_464 = vector.shape_cast %add3A_457 : vector<129x129xf32> to vector<1x1x129x129xf32>
    tpu.vector_store %arg5[%swap3A_458, %swap3A_459, %swap3A_460, %swap3A_461], %swap3A_464 {strides = array<i32>} : memref<1x32x129x129xf32, #tpu.memory_space<vmem>>, vector<1x1x129x129xf32>,
    %mul3A_465 = arith.constant 32 : i32
    %mul3A_466 = arith.muli %arg1, %mul3A_465 : i32
    %add3A_467 = arith.constant 13 : i32
    %add3A_468 = arith.addi %mul3A_466, %add3A_467 : i32
    %get3A_469 = arith.index_cast %add3A_468 : i32 to index
    %get3A_470 = memref.load %arg3[%get3A_469] : memref<32xf32, #tpu.memory_space<smem>>
    %get3A_471 = arith.constant 0 : index
    %get3A_472 = arith.constant 0 : index
    %get3A_473 = arith.constant 0 : index
    %get3A_474 = vector.load %arg2[%get3A_471, %get3A_472, %get3A_473] : memref<1x129x129xf32, #tpu.memory_space<vmem>>, vector<1x129x129xf32>
    %get3A_475 = vector.shape_cast %get3A_474 : vector<1x129x129xf32> to vector<129x129xf32>
    %jit3A_476 = arith.constant 0.000000e+00 : f32
    %broadcast_in_dim3A_477 = vector.broadcast %get3A_470 : f32 to vector<129x129xf32>
    %broadcast_in_dim3A_478 = vector.broadcast %jit3A_476 : f32 to vector<129x129xf32>
    %select_n3A_479 = arith.select %or3A, %broadcast_in_dim3A_477, %broadcast_in_dim3A_478 : vector<129x129xi1>, vector<129x129xf32>
    %add3A_480 = arith.addf %get3A_475, %select_n3A_479 : vector<129x129xf32>
    %get3A_481 = arith.constant 0 : index
    %get3A_482 = arith.constant 13 : index
    %get3A_483 = arith.constant 0 : index
    %get3A_484 = arith.constant 0 : index
    %get3A_485 = vector.load %arg4[%get3A_481, %get3A_482, %get3A_483, %get3A_484] : memref<1x32x128x128xf32, #tpu.memory_space<vmem>>, vector<1x1x128x128xf32>
    %get3A_486 = vector.shape_cast %get3A_485 : vector<1x1x128x128xf32> to vector<128x128xf32>
    %jit3A_487 = arith.constant 0 : i32
    %convert_element_type3A_488 = arith.sitofp %jit3A_487 : i32 to f32
    %pad3A_489 = vector.broadcast %convert_element_type3A_488 : f32 to vector<1x128xf32>
    %pad3A_490 = tpu.concatenate %pad3A_489, %get3A_486 in 0 : vector<1x128xf32>, vector<128x128xf32> -> vector<129x128xf32>
    %pad3A_491 = vector.broadcast %convert_element_type3A_488 : f32 to vector<129x1xf32>
    %pad3A_492 = tpu.concatenate %pad3A_491, %pad3A_490 in 1 : vector<129x1xf32>, vector<129x128xf32> -> vector<129x129xf32>
    %add3A_493 = arith.addf %add3A_480, %pad3A_492 : vector<129x129xf32>
    %swap3A_494 = arith.constant 0 : index
    %swap3A_495 = arith.constant 13 : index
    %swap3A_496 = arith.constant 0 : index
    %swap3A_497 = arith.constant 0 : index
    %swap3A_498 = vector.load %arg5[%swap3A_494, %swap3A_495, %swap3A_496, %swap3A_497] : memref<1x32x129x129xf32, #tpu.memory_space<vmem>>, vector<1x1x129x129xf32>
    %swap3A_499 = vector.shape_cast %swap3A_498 : vector<1x1x129x129xf32> to vector<129x129xf32>
    %swap3A_500 = vector.shape_cast %add3A_493 : vector<129x129xf32> to vector<1x1x129x129xf32>
    tpu.vector_store %arg5[%swap3A_494, %swap3A_495, %swap3A_496, %swap3A_497], %swap3A_500 {strides = array<i32>} : memref<1x32x129x129xf32, #tpu.memory_space<vmem>>, vector<1x1x129x129xf32>,
    %mul3A_501 = arith.constant 32 : i32
    %mul3A_502 = arith.muli %arg1, %mul3A_501 : i32
    %add3A_503 = arith.constant 14 : i32
    %add3A_504 = arith.addi %mul3A_502, %add3A_503 : i32
    %get3A_505 = arith.index_cast %add3A_504 : i32 to index
    %get3A_506 = memref.load %arg3[%get3A_505] : memref<32xf32, #tpu.memory_space<smem>>
    %get3A_507 = arith.constant 0 : index
    %get3A_508 = arith.constant 0 : index
    %get3A_509 = arith.constant 0 : index
    %get3A_510 = vector.load %arg2[%get3A_507, %get3A_508, %get3A_509] : memref<1x129x129xf32, #tpu.memory_space<vmem>>, vector<1x129x129xf32>
    %get3A_511 = vector.shape_cast %get3A_510 : vector<1x129x129xf32> to vector<129x129xf32>
    %jit3A_512 = arith.constant 0.000000e+00 : f32
    %broadcast_in_dim3A_513 = vector.broadcast %get3A_506 : f32 to vector<129x129xf32>
    %broadcast_in_dim3A_514 = vector.broadcast %jit3A_512 : f32 to vector<129x129xf32>
    %select_n3A_515 = arith.select %or3A, %broadcast_in_dim3A_513, %broadcast_in_dim3A_514 : vector<129x129xi1>, vector<129x129xf32>
    %add3A_516 = arith.addf %get3A_511, %select_n3A_515 : vector<129x129xf32>
    %get3A_517 = arith.constant 0 : index
    %get3A_518 = arith.constant 14 : index
    %get3A_519 = arith.constant 0 : index
    %get3A_520 = arith.constant 0 : index
    %get3A_521 = vector.load %arg4[%get3A_517, %get3A_518, %get3A_519, %get3A_520] : memref<1x32x128x128xf32, #tpu.memory_space<vmem>>, vector<1x1x128x128xf32>
    %get3A_522 = vector.shape_cast %get3A_521 : vector<1x1x128x128xf32> to vector<128x128xf32>
    %jit3A_523 = arith.constant 0 : i32
    %convert_element_type3A_524 = arith.sitofp %jit3A_523 : i32 to f32
    %pad3A_525 = vector.broadcast %convert_element_type3A_524 : f32 to vector<1x128xf32>
    %pad3A_526 = tpu.concatenate %pad3A_525, %get3A_522 in 0 : vector<1x128xf32>, vector<128x128xf32> -> vector<129x128xf32>
    %pad3A_527 = vector.broadcast %convert_element_type3A_524 : f32 to vector<129x1xf32>
    %pad3A_528 = tpu.concatenate %pad3A_527, %pad3A_526 in 1 : vector<129x1xf32>, vector<129x128xf32> -> vector<129x129xf32>
    %add3A_529 = arith.addf %add3A_516, %pad3A_528 : vector<129x129xf32>
    %swap3A_530 = arith.constant 0 : index
    %swap3A_531 = arith.constant 14 : index
    %swap3A_532 = arith.constant 0 : index
    %swap3A_533 = arith.constant 0 : index
    %swap3A_534 = vector.load %arg5[%swap3A_530, %swap3A_531, %swap3A_532, %swap3A_533] : memref<1x32x129x129xf32, #tpu.memory_space<vmem>>, vector<1x1x129x129xf32>
    %swap3A_535 = vector.shape_cast %swap3A_534 : vector<1x1x129x129xf32> to vector<129x129xf32>
    %swap3A_536 = vector.shape_cast %add3A_529 : vector<129x129xf32> to vector<1x1x129x129xf32>
    tpu.vector_store %arg5[%swap3A_530, %swap3A_531, %swap3A_532, %swap3A_533], %swap3A_536 {strides = array<i32>} : memref<1x32x129x129xf32, #tpu.memory_space<vmem>>, vector<1x1x129x129xf32>,
    %mul3A_537 = arith.constant 32 : i32
    %mul3A_538 = arith.muli %arg1, %mul3A_537 : i32
    %add3A_539 = arith.constant 15 : i32
    %add3A_540 = arith.addi %mul3A_538, %add3A_539 : i32
    %get3A_541 = arith.index_cast %add3A_540 : i32 to index
    %get3A_542 = memref.load %arg3[%get3A_541] : memref<32xf32, #tpu.memory_space<smem>>
    %get3A_543 = arith.constant 0 : index
    %get3A_544 = arith.constant 0 : index
    %get3A_545 = arith.constant 0 : index
    %get3A_546 = vector.load %arg2[%get3A_543, %get3A_544, %get3A_545] : memref<1x129x129xf32, #tpu.memory_space<vmem>>, vector<1x129x129xf32>
    %get3A_547 = vector.shape_cast %get3A_546 : vector<1x129x129xf32> to vector<129x129xf32>
    %jit3A_548 = arith.constant 0.000000e+00 : f32
    %broadcast_in_dim3A_549 = vector.broadcast %get3A_542 : f32 to vector<129x129xf32>
    %broadcast_in_dim3A_550 = vector.broadcast %jit3A_548 : f32 to vector<129x129xf32>
    %select_n3A_551 = arith.select %or3A, %broadcast_in_dim3A_549, %broadcast_in_dim3A_550 : vector<129x129xi1>, vector<129x129xf32>
    %add3A_552 = arith.addf %get3A_547, %select_n3A_551 : vector<129x129xf32>
    %get3A_553 = arith.constant 0 : index
    %get3A_554 = arith.constant 15 : index
    %get3A_555 = arith.constant 0 : index
    %get3A_556 = arith.constant 0 : index
    %get3A_557 = vector.load %arg4[%get3A_553, %get3A_554, %get3A_555, %get3A_556] : memref<1x32x128x128xf32, #tpu.memory_space<vmem>>, vector<1x1x128x128xf32>
    %get3A_558 = vector.shape_cast %get3A_557 : vector<1x1x128x128xf32> to vector<128x128xf32>
    %jit3A_559 = arith.constant 0 : i32
    %convert_element_type3A_560 = arith.sitofp %jit3A_559 : i32 to f32
    %pad3A_561 = vector.broadcast %convert_element_type3A_560 : f32 to vector<1x128xf32>
    %pad3A_562 = tpu.concatenate %pad3A_561, %get3A_558 in 0 : vector<1x128xf32>, vector<128x128xf32> -> vector<129x128xf32>
    %pad3A_563 = vector.broadcast %convert_element_type3A_560 : f32 to vector<129x1xf32>
    %pad3A_564 = tpu.concatenate %pad3A_563, %pad3A_562 in 1 : vector<129x1xf32>, vector<129x128xf32> -> vector<129x129xf32>
    %add3A_565 = arith.addf %add3A_552, %pad3A_564 : vector<129x129xf32>
    %swap3A_566 = arith.constant 0 : index
    %swap3A_567 = arith.constant 15 : index
    %swap3A_568 = arith.constant 0 : index
    %swap3A_569 = arith.constant 0 : index
    %swap3A_570 = vector.load %arg5[%swap3A_566, %swap3A_567, %swap3A_568, %swap3A_569] : memref<1x32x129x129xf32, #tpu.memory_space<vmem>>, vector<1x1x129x129xf32>
    %swap3A_571 = vector.shape_cast %swap3A_570 : vector<1x1x129x129xf32> to vector<129x129xf32>
    %swap3A_572 = vector.shape_cast %add3A_565 : vector<129x129xf32> to vector<1x1x129x129xf32>
    tpu.vector_store %arg5[%swap3A_566, %swap3A_567, %swap3A_568, %swap3A_569], %swap3A_572 {strides = array<i32>} : memref<1x32x129x129xf32, #tpu.memory_space<vmem>>, vector<1x1x129x129xf32>,
    %mul3A_573 = arith.constant 32 : i32
    %mul3A_574 = arith.muli %arg1, %mul3A_573 : i32
    %add3A_575 = arith.constant 16 : i32
    %add3A_576 = arith.addi %mul3A_574, %add3A_575 : i32
    %get3A_577 = arith.index_cast %add3A_576 : i32 to index
    %get3A_578 = memref.load %arg3[%get3A_577] : memref<32xf32, #tpu.memory_space<smem>>
    %get3A_579 = arith.constant 0 : index
    %get3A_580 = arith.constant 0 : index
    %get3A_581 = arith.constant 0 : index
    %get3A_582 = vector.load %arg2[%get3A_579, %get3A_580, %get3A_581] : memref<1x129x129xf32, #tpu.memory_space<vmem>>, vector<1x129x129xf32>
    %get3A_583 = vector.shape_cast %get3A_582 : vector<1x129x129xf32> to vector<129x129xf32>
    %jit3A_584 = arith.constant 0.000000e+00 : f32
    %broadcast_in_dim3A_585 = vector.broadcast %get3A_578 : f32 to vector<129x129xf32>
    %broadcast_in_dim3A_586 = vector.broadcast %jit3A_584 : f32 to vector<129x129xf32>
    %select_n3A_587 = arith.select %or3A, %broadcast_in_dim3A_585, %broadcast_in_dim3A_586 : vector<129x129xi1>, vector<129x129xf32>
    %add3A_588 = arith.addf %get3A_583, %select_n3A_587 : vector<129x129xf32>
    %get3A_589 = arith.constant 0 : index
    %get3A_590 = arith.constant 16 : index
    %get3A_591 = arith.constant 0 : index
    %get3A_592 = arith.constant 0 : index
    %get3A_593 = vector.load %arg4[%get3A_589, %get3A_590, %get3A_591, %get3A_592] : memref<1x32x128x128xf32, #tpu.memory_space<vmem>>, vector<1x1x128x128xf32>
    %get3A_594 = vector.shape_cast %get3A_593 : vector<1x1x128x128xf32> to vector<128x128xf32>
    %jit3A_595 = arith.constant 0 : i32
    %convert_element_type3A_596 = arith.sitofp %jit3A_595 : i32 to f32
    %pad3A_597 = vector.broadcast %convert_element_type3A_596 : f32 to vector<1x128xf32>
    %pad3A_598 = tpu.concatenate %pad3A_597, %get3A_594 in 0 : vector<1x128xf32>, vector<128x128xf32> -> vector<129x128xf32>
    %pad3A_599 = vector.broadcast %convert_element_type3A_596 : f32 to vector<129x1xf32>
    %pad3A_600 = tpu.concatenate %pad3A_599, %pad3A_598 in 1 : vector<129x1xf32>, vector<129x128xf32> -> vector<129x129xf32>
    %add3A_601 = arith.addf %add3A_588, %pad3A_600 : vector<129x129xf32>
    %swap3A_602 = arith.constant 0 : index
    %swap3A_603 = arith.constant 16 : index
    %swap3A_604 = arith.constant 0 : index
    %swap3A_605 = arith.constant 0 : index
    %swap3A_606 = vector.load %arg5[%swap3A_602, %swap3A_603, %swap3A_604, %swap3A_605] : memref<1x32x129x129xf32, #tpu.memory_space<vmem>>, vector<1x1x129x129xf32>
    %swap3A_607 = vector.shape_cast %swap3A_606 : vector<1x1x129x129xf32> to vector<129x129xf32>
    %swap3A_608 = vector.shape_cast %add3A_601 : vector<129x129xf32> to vector<1x1x129x129xf32>
    tpu.vector_store %arg5[%swap3A_602, %swap3A_603, %swap3A_604, %swap3A_605], %swap3A_608 {strides = array<i32>} : memref<1x32x129x129xf32, #tpu.memory_space<vmem>>, vector<1x1x129x129xf32>,
    %mul3A_609 = arith.constant 32 : i32
    %mul3A_610 = arith.muli %arg1, %mul3A_609 : i32
    %add3A_611 = arith.constant 17 : i32
    %add3A_612 = arith.addi %mul3A_610, %add3A_611 : i32
    %get3A_613 = arith.index_cast %add3A_612 : i32 to index
    %get3A_614 = memref.load %arg3[%get3A_613] : memref<32xf32, #tpu.memory_space<smem>>
    %get3A_615 = arith.constant 0 : index
    %get3A_616 = arith.constant 0 : index
    %get3A_617 = arith.constant 0 : index
    %get3A_618 = vector.load %arg2[%get3A_615, %get3A_616, %get3A_617] : memref<1x129x129xf32, #tpu.memory_space<vmem>>, vector<1x129x129xf32>
    %get3A_619 = vector.shape_cast %get3A_618 : vector<1x129x129xf32> to vector<129x129xf32>
    %jit3A_620 = arith.constant 0.000000e+00 : f32
    %broadcast_in_dim3A_621 = vector.broadcast %get3A_614 : f32 to vector<129x129xf32>
    %broadcast_in_dim3A_622 = vector.broadcast %jit3A_620 : f32 to vector<129x129xf32>
    %select_n3A_623 = arith.select %or3A, %broadcast_in_dim3A_621, %broadcast_in_dim3A_622 : vector<129x129xi1>, vector<129x129xf32>
    %add3A_624 = arith.addf %get3A_619, %select_n3A_623 : vector<129x129xf32>
    %get3A_625 = arith.constant 0 : index
    %get3A_626 = arith.constant 17 : index
    %get3A_627 = arith.constant 0 : index
    %get3A_628 = arith.constant 0 : index
    %get3A_629 = vector.load %arg4[%get3A_625, %get3A_626, %get3A_627, %get3A_628] : memref<1x32x128x128xf32, #tpu.memory_space<vmem>>, vector<1x1x128x128xf32>
    %get3A_630 = vector.shape_cast %get3A_629 : vector<1x1x128x128xf32> to vector<128x128xf32>
    %jit3A_631 = arith.constant 0 : i32
    %convert_element_type3A_632 = arith.sitofp %jit3A_631 : i32 to f32
    %pad3A_633 = vector.broadcast %convert_element_type3A_632 : f32 to vector<1x128xf32>
    %pad3A_634 = tpu.concatenate %pad3A_633, %get3A_630 in 0 : vector<1x128xf32>, vector<128x128xf32> -> vector<129x128xf32>
    %pad3A_635 = vector.broadcast %convert_element_type3A_632 : f32 to vector<129x1xf32>
    %pad3A_636 = tpu.concatenate %pad3A_635, %pad3A_634 in 1 : vector<129x1xf32>, vector<129x128xf32> -> vector<129x129xf32>
    %add3A_637 = arith.addf %add3A_624, %pad3A_636 : vector<129x129xf32>
    %swap3A_638 = arith.constant 0 : index
    %swap3A_639 = arith.constant 17 : index
    %swap3A_640 = arith.constant 0 : index
    %swap3A_641 = arith.constant 0 : index
    %swap3A_642 = vector.load %arg5[%swap3A_638, %swap3A_639, %swap3A_640, %swap3A_641] : memref<1x32x129x129xf32, #tpu.memory_space<vmem>>, vector<1x1x129x129xf32>
    %swap3A_643 = vector.shape_cast %swap3A_642 : vector<1x1x129x129xf32> to vector<129x129xf32>
    %swap3A_644 = vector.shape_cast %add3A_637 : vector<129x129xf32> to vector<1x1x129x129xf32>
    tpu.vector_store %arg5[%swap3A_638, %swap3A_639, %swap3A_640, %swap3A_641], %swap3A_644 {strides = array<i32>} : memref<1x32x129x129xf32, #tpu.memory_space<vmem>>, vector<1x1x129x129xf32>,
    %mul3A_645 = arith.constant 32 : i32
    %mul3A_646 = arith.muli %arg1, %mul3A_645 : i32
    %add3A_647 = arith.constant 18 : i32
    %add3A_648 = arith.addi %mul3A_646, %add3A_647 : i32
    %get3A_649 = arith.index_cast %add3A_648 : i32 to index
    %get3A_650 = memref.load %arg3[%get3A_649] : memref<32xf32, #tpu.memory_space<smem>>
    %get3A_651 = arith.constant 0 : index
    %get3A_652 = arith.constant 0 : index
    %get3A_653 = arith.constant 0 : index
    %get3A_654 = vector.load %arg2[%get3A_651, %get3A_652, %get3A_653] : memref<1x129x129xf32, #tpu.memory_space<vmem>>, vector<1x129x129xf32>
    %get3A_655 = vector.shape_cast %get3A_654 : vector<1x129x129xf32> to vector<129x129xf32>
    %jit3A_656 = arith.constant 0.000000e+00 : f32
    %broadcast_in_dim3A_657 = vector.broadcast %get3A_650 : f32 to vector<129x129xf32>
    %broadcast_in_dim3A_658 = vector.broadcast %jit3A_656 : f32 to vector<129x129xf32>
    %select_n3A_659 = arith.select %or3A, %broadcast_in_dim3A_657, %broadcast_in_dim3A_658 : vector<129x129xi1>, vector<129x129xf32>
    %add3A_660 = arith.addf %get3A_655, %select_n3A_659 : vector<129x129xf32>
    %get3A_661 = arith.constant 0 : index
    %get3A_662 = arith.constant 18 : index
    %get3A_663 = arith.constant 0 : index
    %get3A_664 = arith.constant 0 : index
    %get3A_665 = vector.load %arg4[%get3A_661, %get3A_662, %get3A_663, %get3A_664] : memref<1x32x128x128xf32, #tpu.memory_space<vmem>>, vector<1x1x128x128xf32>
    %get3A_666 = vector.shape_cast %get3A_665 : vector<1x1x128x128xf32> to vector<128x128xf32>
    %jit3A_667 = arith.constant 0 : i32
    %convert_element_type3A_668 = arith.sitofp %jit3A_667 : i32 to f32
    %pad3A_669 = vector.broadcast %convert_element_type3A_668 : f32 to vector<1x128xf32>
    %pad3A_670 = tpu.concatenate %pad3A_669, %get3A_666 in 0 : vector<1x128xf32>, vector<128x128xf32> -> vector<129x128xf32>
    %pad3A_671 = vector.broadcast %convert_element_type3A_668 : f32 to vector<129x1xf32>
    %pad3A_672 = tpu.concatenate %pad3A_671, %pad3A_670 in 1 : vector<129x1xf32>, vector<129x128xf32> -> vector<129x129xf32>
    %add3A_673 = arith.addf %add3A_660, %pad3A_672 : vector<129x129xf32>
    %swap3A_674 = arith.constant 0 : index
    %swap3A_675 = arith.constant 18 : index
    %swap3A_676 = arith.constant 0 : index
    %swap3A_677 = arith.constant 0 : index
    %swap3A_678 = vector.load %arg5[%swap3A_674, %swap3A_675, %swap3A_676, %swap3A_677] : memref<1x32x129x129xf32, #tpu.memory_space<vmem>>, vector<1x1x129x129xf32>
    %swap3A_679 = vector.shape_cast %swap3A_678 : vector<1x1x129x129xf32> to vector<129x129xf32>
    %swap3A_680 = vector.shape_cast %add3A_673 : vector<129x129xf32> to vector<1x1x129x129xf32>
    tpu.vector_store %arg5[%swap3A_674, %swap3A_675, %swap3A_676, %swap3A_677], %swap3A_680 {strides = array<i32>} : memref<1x32x129x129xf32, #tpu.memory_space<vmem>>, vector<1x1x129x129xf32>,
    %mul3A_681 = arith.constant 32 : i32
    %mul3A_682 = arith.muli %arg1, %mul3A_681 : i32
    %add3A_683 = arith.constant 19 : i32
    %add3A_684 = arith.addi %mul3A_682, %add3A_683 : i32
    %get3A_685 = arith.index_cast %add3A_684 : i32 to index
    %get3A_686 = memref.load %arg3[%get3A_685] : memref<32xf32, #tpu.memory_space<smem>>
    %get3A_687 = arith.constant 0 : index
    %get3A_688 = arith.constant 0 : index
    %get3A_689 = arith.constant 0 : index
    %get3A_690 = vector.load %arg2[%get3A_687, %get3A_688, %get3A_689] : memref<1x129x129xf32, #tpu.memory_space<vmem>>, vector<1x129x129xf32>
    %get3A_691 = vector.shape_cast %get3A_690 : vector<1x129x129xf32> to vector<129x129xf32>
    %jit3A_692 = arith.constant 0.000000e+00 : f32
    %broadcast_in_dim3A_693 = vector.broadcast %get3A_686 : f32 to vector<129x129xf32>
    %broadcast_in_dim3A_694 = vector.broadcast %jit3A_692 : f32 to vector<129x129xf32>
    %select_n3A_695 = arith.select %or3A, %broadcast_in_dim3A_693, %broadcast_in_dim3A_694 : vector<129x129xi1>, vector<129x129xf32>
    %add3A_696 = arith.addf %get3A_691, %select_n3A_695 : vector<129x129xf32>
    %get3A_697 = arith.constant 0 : index
    %get3A_698 = arith.constant 19 : index
    %get3A_699 = arith.constant 0 : index
    %get3A_700 = arith.constant 0 : index
    %get3A_701 = vector.load %arg4[%get3A_697, %get3A_698, %get3A_699, %get3A_700] : memref<1x32x128x128xf32, #tpu.memory_space<vmem>>, vector<1x1x128x128xf32>
    %get3A_702 = vector.shape_cast %get3A_701 : vector<1x1x128x128xf32> to vector<128x128xf32>
    %jit3A_703 = arith.constant 0 : i32
    %convert_element_type3A_704 = arith.sitofp %jit3A_703 : i32 to f32
    %pad3A_705 = vector.broadcast %convert_element_type3A_704 : f32 to vector<1x128xf32>
    %pad3A_706 = tpu.concatenate %pad3A_705, %get3A_702 in 0 : vector<1x128xf32>, vector<128x128xf32> -> vector<129x128xf32>
    %pad3A_707 = vector.broadcast %convert_element_type3A_704 : f32 to vector<129x1xf32>
    %pad3A_708 = tpu.concatenate %pad3A_707, %pad3A_706 in 1 : vector<129x1xf32>, vector<129x128xf32> -> vector<129x129xf32>
    %add3A_709 = arith.addf %add3A_696, %pad3A_708 : vector<129x129xf32>
    %swap3A_710 = arith.constant 0 : index
    %swap3A_711 = arith.constant 19 : index
    %swap3A_712 = arith.constant 0 : index
    %swap3A_713 = arith.constant 0 : index
    %swap3A_714 = vector.load %arg5[%swap3A_710, %swap3A_711, %swap3A_712, %swap3A_713] : memref<1x32x129x129xf32, #tpu.memory_space<vmem>>, vector<1x1x129x129xf32>
    %swap3A_715 = vector.shape_cast %swap3A_714 : vector<1x1x129x129xf32> to vector<129x129xf32>
    %swap3A_716 = vector.shape_cast %add3A_709 : vector<129x129xf32> to vector<1x1x129x129xf32>
    tpu.vector_store %arg5[%swap3A_710, %swap3A_711, %swap3A_712, %swap3A_713], %swap3A_716 {strides = array<i32>} : memref<1x32x129x129xf32, #tpu.memory_space<vmem>>, vector<1x1x129x129xf32>,
    %mul3A_717 = arith.constant 32 : i32
    %mul3A_718 = arith.muli %arg1, %mul3A_717 : i32
    %add3A_719 = arith.constant 20 : i32
    %add3A_720 = arith.addi %mul3A_718, %add3A_719 : i32
    %get3A_721 = arith.index_cast %add3A_720 : i32 to index
    %get3A_722 = memref.load %arg3[%get3A_721] : memref<32xf32, #tpu.memory_space<smem>>
    %get3A_723 = arith.constant 0 : index
    %get3A_724 = arith.constant 0 : index
    %get3A_725 = arith.constant 0 : index
    %get3A_726 = vector.load %arg2[%get3A_723, %get3A_724, %get3A_725] : memref<1x129x129xf32, #tpu.memory_space<vmem>>, vector<1x129x129xf32>
    %get3A_727 = vector.shape_cast %get3A_726 : vector<1x129x129xf32> to vector<129x129xf32>
    %jit3A_728 = arith.constant 0.000000e+00 : f32
    %broadcast_in_dim3A_729 = vector.broadcast %get3A_722 : f32 to vector<129x129xf32>
    %broadcast_in_dim3A_730 = vector.broadcast %jit3A_728 : f32 to vector<129x129xf32>
    %select_n3A_731 = arith.select %or3A, %broadcast_in_dim3A_729, %broadcast_in_dim3A_730 : vector<129x129xi1>, vector<129x129xf32>
    %add3A_732 = arith.addf %get3A_727, %select_n3A_731 : vector<129x129xf32>
    %get3A_733 = arith.constant 0 : index
    %get3A_734 = arith.constant 20 : index
    %get3A_735 = arith.constant 0 : index
    %get3A_736 = arith.constant 0 : index
    %get3A_737 = vector.load %arg4[%get3A_733, %get3A_734, %get3A_735, %get3A_736] : memref<1x32x128x128xf32, #tpu.memory_space<vmem>>, vector<1x1x128x128xf32>
    %get3A_738 = vector.shape_cast %get3A_737 : vector<1x1x128x128xf32> to vector<128x128xf32>
    %jit3A_739 = arith.constant 0 : i32
    %convert_element_type3A_740 = arith.sitofp %jit3A_739 : i32 to f32
    %pad3A_741 = vector.broadcast %convert_element_type3A_740 : f32 to vector<1x128xf32>
    %pad3A_742 = tpu.concatenate %pad3A_741, %get3A_738 in 0 : vector<1x128xf32>, vector<128x128xf32> -> vector<129x128xf32>
    %pad3A_743 = vector.broadcast %convert_element_type3A_740 : f32 to vector<129x1xf32>
    %pad3A_744 = tpu.concatenate %pad3A_743, %pad3A_742 in 1 : vector<129x1xf32>, vector<129x128xf32> -> vector<129x129xf32>
    %add3A_745 = arith.addf %add3A_732, %pad3A_744 : vector<129x129xf32>
    %swap3A_746 = arith.constant 0 : index
    %swap3A_747 = arith.constant 20 : index
    %swap3A_748 = arith.constant 0 : index
    %swap3A_749 = arith.constant 0 : index
    %swap3A_750 = vector.load %arg5[%swap3A_746, %swap3A_747, %swap3A_748, %swap3A_749] : memref<1x32x129x129xf32, #tpu.memory_space<vmem>>, vector<1x1x129x129xf32>
    %swap3A_751 = vector.shape_cast %swap3A_750 : vector<1x1x129x129xf32> to vector<129x129xf32>
    %swap3A_752 = vector.shape_cast %add3A_745 : vector<129x129xf32> to vector<1x1x129x129xf32>
    tpu.vector_store %arg5[%swap3A_746, %swap3A_747, %swap3A_748, %swap3A_749], %swap3A_752 {strides = array<i32>} : memref<1x32x129x129xf32, #tpu.memory_space<vmem>>, vector<1x1x129x129xf32>,
    %mul3A_753 = arith.constant 32 : i32
    %mul3A_754 = arith.muli %arg1, %mul3A_753 : i32
    %add3A_755 = arith.constant 21 : i32
    %add3A_756 = arith.addi %mul3A_754, %add3A_755 : i32
    %get3A_757 = arith.index_cast %add3A_756 : i32 to index
    %get3A_758 = memref.load %arg3[%get3A_757] : memref<32xf32, #tpu.memory_space<smem>>
    %get3A_759 = arith.constant 0 : index
    %get3A_760 = arith.constant 0 : index
    %get3A_761 = arith.constant 0 : index
    %get3A_762 = vector.load %arg2[%get3A_759, %get3A_760, %get3A_761] : memref<1x129x129xf32, #tpu.memory_space<vmem>>, vector<1x129x129xf32>
    %get3A_763 = vector.shape_cast %get3A_762 : vector<1x129x129xf32> to vector<129x129xf32>
    %jit3A_764 = arith.constant 0.000000e+00 : f32
    %broadcast_in_dim3A_765 = vector.broadcast %get3A_758 : f32 to vector<129x129xf32>
    %broadcast_in_dim3A_766 = vector.broadcast %jit3A_764 : f32 to vector<129x129xf32>
    %select_n3A_767 = arith.select %or3A, %broadcast_in_dim3A_765, %broadcast_in_dim3A_766 : vector<129x129xi1>, vector<129x129xf32>
    %add3A_768 = arith.addf %get3A_763, %select_n3A_767 : vector<129x129xf32>
    %get3A_769 = arith.constant 0 : index
    %get3A_770 = arith.constant 21 : index
    %get3A_771 = arith.constant 0 : index
    %get3A_772 = arith.constant 0 : index
    %get3A_773 = vector.load %arg4[%get3A_769, %get3A_770, %get3A_771, %get3A_772] : memref<1x32x128x128xf32, #tpu.memory_space<vmem>>, vector<1x1x128x128xf32>
    %get3A_774 = vector.shape_cast %get3A_773 : vector<1x1x128x128xf32> to vector<128x128xf32>
    %jit3A_775 = arith.constant 0 : i32
    %convert_element_type3A_776 = arith.sitofp %jit3A_775 : i32 to f32
    %pad3A_777 = vector.broadcast %convert_element_type3A_776 : f32 to vector<1x128xf32>
    %pad3A_778 = tpu.concatenate %pad3A_777, %get3A_774 in 0 : vector<1x128xf32>, vector<128x128xf32> -> vector<129x128xf32>
    %pad3A_779 = vector.broadcast %convert_element_type3A_776 : f32 to vector<129x1xf32>
    %pad3A_780 = tpu.concatenate %pad3A_779, %pad3A_778 in 1 : vector<129x1xf32>, vector<129x128xf32> -> vector<129x129xf32>
    %add3A_781 = arith.addf %add3A_768, %pad3A_780 : vector<129x129xf32>
    %swap3A_782 = arith.constant 0 : index
    %swap3A_783 = arith.constant 21 : index
    %swap3A_784 = arith.constant 0 : index
    %swap3A_785 = arith.constant 0 : index
    %swap3A_786 = vector.load %arg5[%swap3A_782, %swap3A_783, %swap3A_784, %swap3A_785] : memref<1x32x129x129xf32, #tpu.memory_space<vmem>>, vector<1x1x129x129xf32>
    %swap3A_787 = vector.shape_cast %swap3A_786 : vector<1x1x129x129xf32> to vector<129x129xf32>
    %swap3A_788 = vector.shape_cast %add3A_781 : vector<129x129xf32> to vector<1x1x129x129xf32>
    tpu.vector_store %arg5[%swap3A_782, %swap3A_783, %swap3A_784, %swap3A_785], %swap3A_788 {strides = array<i32>} : memref<1x32x129x129xf32, #tpu.memory_space<vmem>>, vector<1x1x129x129xf32>,
    %mul3A_789 = arith.constant 32 : i32
    %mul3A_790 = arith.muli %arg1, %mul3A_789 : i32
    %add3A_791 = arith.constant 22 : i32
    %add3A_792 = arith.addi %mul3A_790, %add3A_791 : i32
    %get3A_793 = arith.index_cast %add3A_792 : i32 to index
    %get3A_794 = memref.load %arg3[%get3A_793] : memref<32xf32, #tpu.memory_space<smem>>
    %get3A_795 = arith.constant 0 : index
    %get3A_796 = arith.constant 0 : index
    %get3A_797 = arith.constant 0 : index
    %get3A_798 = vector.load %arg2[%get3A_795, %get3A_796, %get3A_797] : memref<1x129x129xf32, #tpu.memory_space<vmem>>, vector<1x129x129xf32>
    %get3A_799 = vector.shape_cast %get3A_798 : vector<1x129x129xf32> to vector<129x129xf32>
    %jit3A_800 = arith.constant 0.000000e+00 : f32
    %broadcast_in_dim3A_801 = vector.broadcast %get3A_794 : f32 to vector<129x129xf32>
    %broadcast_in_dim3A_802 = vector.broadcast %jit3A_800 : f32 to vector<129x129xf32>
    %select_n3A_803 = arith.select %or3A, %broadcast_in_dim3A_801, %broadcast_in_dim3A_802 : vector<129x129xi1>, vector<129x129xf32>
    %add3A_804 = arith.addf %get3A_799, %select_n3A_803 : vector<129x129xf32>
    %get3A_805 = arith.constant 0 : index
    %get3A_806 = arith.constant 22 : index
    %get3A_807 = arith.constant 0 : index
    %get3A_808 = arith.constant 0 : index
    %get3A_809 = vector.load %arg4[%get3A_805, %get3A_806, %get3A_807, %get3A_808] : memref<1x32x128x128xf32, #tpu.memory_space<vmem>>, vector<1x1x128x128xf32>
    %get3A_810 = vector.shape_cast %get3A_809 : vector<1x1x128x128xf32> to vector<128x128xf32>
    %jit3A_811 = arith.constant 0 : i32
    %convert_element_type3A_812 = arith.sitofp %jit3A_811 : i32 to f32
    %pad3A_813 = vector.broadcast %convert_element_type3A_812 : f32 to vector<1x128xf32>
    %pad3A_814 = tpu.concatenate %pad3A_813, %get3A_810 in 0 : vector<1x128xf32>, vector<128x128xf32> -> vector<129x128xf32>
    %pad3A_815 = vector.broadcast %convert_element_type3A_812 : f32 to vector<129x1xf32>
    %pad3A_816 = tpu.concatenate %pad3A_815, %pad3A_814 in 1 : vector<129x1xf32>, vector<129x128xf32> -> vector<129x129xf32>
    %add3A_817 = arith.addf %add3A_804, %pad3A_816 : vector<129x129xf32>
    %swap3A_818 = arith.constant 0 : index
    %swap3A_819 = arith.constant 22 : index
    %swap3A_820 = arith.constant 0 : index
    %swap3A_821 = arith.constant 0 : index
    %swap3A_822 = vector.load %arg5[%swap3A_818, %swap3A_819, %swap3A_820, %swap3A_821] : memref<1x32x129x129xf32, #tpu.memory_space<vmem>>, vector<1x1x129x129xf32>
    %swap3A_823 = vector.shape_cast %swap3A_822 : vector<1x1x129x129xf32> to vector<129x129xf32>
    %swap3A_824 = vector.shape_cast %add3A_817 : vector<129x129xf32> to vector<1x1x129x129xf32>
    tpu.vector_store %arg5[%swap3A_818, %swap3A_819, %swap3A_820, %swap3A_821], %swap3A_824 {strides = array<i32>} : memref<1x32x129x129xf32, #tpu.memory_space<vmem>>, vector<1x1x129x129xf32>,
    %mul3A_825 = arith.constant 32 : i32
    %mul3A_826 = arith.muli %arg1, %mul3A_825 : i32
    %add3A_827 = arith.constant 23 : i32
    %add3A_828 = arith.addi %mul3A_826, %add3A_827 : i32
    %get3A_829 = arith.index_cast %add3A_828 : i32 to index
    %get3A_830 = memref.load %arg3[%get3A_829] : memref<32xf32, #tpu.memory_space<smem>>
    %get3A_831 = arith.constant 0 : index
    %get3A_832 = arith.constant 0 : index
    %get3A_833 = arith.constant 0 : index
    %get3A_834 = vector.load %arg2[%get3A_831, %get3A_832, %get3A_833] : memref<1x129x129xf32, #tpu.memory_space<vmem>>, vector<1x129x129xf32>
    %get3A_835 = vector.shape_cast %get3A_834 : vector<1x129x129xf32> to vector<129x129xf32>
    %jit3A_836 = arith.constant 0.000000e+00 : f32
    %broadcast_in_dim3A_837 = vector.broadcast %get3A_830 : f32 to vector<129x129xf32>
    %broadcast_in_dim3A_838 = vector.broadcast %jit3A_836 : f32 to vector<129x129xf32>
    %select_n3A_839 = arith.select %or3A, %broadcast_in_dim3A_837, %broadcast_in_dim3A_838 : vector<129x129xi1>, vector<129x129xf32>
    %add3A_840 = arith.addf %get3A_835, %select_n3A_839 : vector<129x129xf32>
    %get3A_841 = arith.constant 0 : index
    %get3A_842 = arith.constant 23 : index
    %get3A_843 = arith.constant 0 : index
    %get3A_844 = arith.constant 0 : index
    %get3A_845 = vector.load %arg4[%get3A_841, %get3A_842, %get3A_843, %get3A_844] : memref<1x32x128x128xf32, #tpu.memory_space<vmem>>, vector<1x1x128x128xf32>
    %get3A_846 = vector.shape_cast %get3A_845 : vector<1x1x128x128xf32> to vector<128x128xf32>
    %jit3A_847 = arith.constant 0 : i32
    %convert_element_type3A_848 = arith.sitofp %jit3A_847 : i32 to f32
    %pad3A_849 = vector.broadcast %convert_element_type3A_848 : f32 to vector<1x128xf32>
    %pad3A_850 = tpu.concatenate %pad3A_849, %get3A_846 in 0 : vector<1x128xf32>, vector<128x128xf32> -> vector<129x128xf32>
    %pad3A_851 = vector.broadcast %convert_element_type3A_848 : f32 to vector<129x1xf32>
    %pad3A_852 = tpu.concatenate %pad3A_851, %pad3A_850 in 1 : vector<129x1xf32>, vector<129x128xf32> -> vector<129x129xf32>
    %add3A_853 = arith.addf %add3A_840, %pad3A_852 : vector<129x129xf32>
    %swap3A_854 = arith.constant 0 : index
    %swap3A_855 = arith.constant 23 : index
    %swap3A_856 = arith.constant 0 : index
    %swap3A_857 = arith.constant 0 : index
    %swap3A_858 = vector.load %arg5[%swap3A_854, %swap3A_855, %swap3A_856, %swap3A_857] : memref<1x32x129x129xf32, #tpu.memory_space<vmem>>, vector<1x1x129x129xf32>
    %swap3A_859 = vector.shape_cast %swap3A_858 : vector<1x1x129x129xf32> to vector<129x129xf32>
    %swap3A_860 = vector.shape_cast %add3A_853 : vector<129x129xf32> to vector<1x1x129x129xf32>
    tpu.vector_store %arg5[%swap3A_854, %swap3A_855, %swap3A_856, %swap3A_857], %swap3A_860 {strides = array<i32>} : memref<1x32x129x129xf32, #tpu.memory_space<vmem>>, vector<1x1x129x129xf32>,
    %mul3A_861 = arith.constant 32 : i32
    %mul3A_862 = arith.muli %arg1, %mul3A_861 : i32
    %add3A_863 = arith.constant 24 : i32
    %add3A_864 = arith.addi %mul3A_862, %add3A_863 : i32
    %get3A_865 = arith.index_cast %add3A_864 : i32 to index
    %get3A_866 = memref.load %arg3[%get3A_865] : memref<32xf32, #tpu.memory_space<smem>>
    %get3A_867 = arith.constant 0 : index
    %get3A_868 = arith.constant 0 : index
    %get3A_869 = arith.constant 0 : index
    %get3A_870 = vector.load %arg2[%get3A_867, %get3A_868, %get3A_869] : memref<1x129x129xf32, #tpu.memory_space<vmem>>, vector<1x129x129xf32>
    %get3A_871 = vector.shape_cast %get3A_870 : vector<1x129x129xf32> to vector<129x129xf32>
    %jit3A_872 = arith.constant 0.000000e+00 : f32
    %broadcast_in_dim3A_873 = vector.broadcast %get3A_866 : f32 to vector<129x129xf32>
    %broadcast_in_dim3A_874 = vector.broadcast %jit3A_872 : f32 to vector<129x129xf32>
    %select_n3A_875 = arith.select %or3A, %broadcast_in_dim3A_873, %broadcast_in_dim3A_874 : vector<129x129xi1>, vector<129x129xf32>
    %add3A_876 = arith.addf %get3A_871, %select_n3A_875 : vector<129x129xf32>
    %get3A_877 = arith.constant 0 : index
    %get3A_878 = arith.constant 24 : index
    %get3A_879 = arith.constant 0 : index
    %get3A_880 = arith.constant 0 : index
    %get3A_881 = vector.load %arg4[%get3A_877, %get3A_878, %get3A_879, %get3A_880] : memref<1x32x128x128xf32, #tpu.memory_space<vmem>>, vector<1x1x128x128xf32>
    %get3A_882 = vector.shape_cast %get3A_881 : vector<1x1x128x128xf32> to vector<128x128xf32>
    %jit3A_883 = arith.constant 0 : i32
    %convert_element_type3A_884 = arith.sitofp %jit3A_883 : i32 to f32
    %pad3A_885 = vector.broadcast %convert_element_type3A_884 : f32 to vector<1x128xf32>
    %pad3A_886 = tpu.concatenate %pad3A_885, %get3A_882 in 0 : vector<1x128xf32>, vector<128x128xf32> -> vector<129x128xf32>
    %pad3A_887 = vector.broadcast %convert_element_type3A_884 : f32 to vector<129x1xf32>
    %pad3A_888 = tpu.concatenate %pad3A_887, %pad3A_886 in 1 : vector<129x1xf32>, vector<129x128xf32> -> vector<129x129xf32>
    %add3A_889 = arith.addf %add3A_876, %pad3A_888 : vector<129x129xf32>
    %swap3A_890 = arith.constant 0 : index
    %swap3A_891 = arith.constant 24 : index
    %swap3A_892 = arith.constant 0 : index
    %swap3A_893 = arith.constant 0 : index
    %swap3A_894 = vector.load %arg5[%swap3A_890, %swap3A_891, %swap3A_892, %swap3A_893] : memref<1x32x129x129xf32, #tpu.memory_space<vmem>>, vector<1x1x129x129xf32>
    %swap3A_895 = vector.shape_cast %swap3A_894 : vector<1x1x129x129xf32> to vector<129x129xf32>
    %swap3A_896 = vector.shape_cast %add3A_889 : vector<129x129xf32> to vector<1x1x129x129xf32>
    tpu.vector_store %arg5[%swap3A_890, %swap3A_891, %swap3A_892, %swap3A_893], %swap3A_896 {strides = array<i32>} : memref<1x32x129x129xf32, #tpu.memory_space<vmem>>, vector<1x1x129x129xf32>,
    %mul3A_897 = arith.constant 32 : i32
    %mul3A_898 = arith.muli %arg1, %mul3A_897 : i32
    %add3A_899 = arith.constant 25 : i32
    %add3A_900 = arith.addi %mul3A_898, %add3A_899 : i32
    %get3A_901 = arith.index_cast %add3A_900 : i32 to index
    %get3A_902 = memref.load %arg3[%get3A_901] : memref<32xf32, #tpu.memory_space<smem>>
    %get3A_903 = arith.constant 0 : index
    %get3A_904 = arith.constant 0 : index
    %get3A_905 = arith.constant 0 : index
    %get3A_906 = vector.load %arg2[%get3A_903, %get3A_904, %get3A_905] : memref<1x129x129xf32, #tpu.memory_space<vmem>>, vector<1x129x129xf32>
    %get3A_907 = vector.shape_cast %get3A_906 : vector<1x129x129xf32> to vector<129x129xf32>
    %jit3A_908 = arith.constant 0.000000e+00 : f32
    %broadcast_in_dim3A_909 = vector.broadcast %get3A_902 : f32 to vector<129x129xf32>
    %broadcast_in_dim3A_910 = vector.broadcast %jit3A_908 : f32 to vector<129x129xf32>
    %select_n3A_911 = arith.select %or3A, %broadcast_in_dim3A_909, %broadcast_in_dim3A_910 : vector<129x129xi1>, vector<129x129xf32>
    %add3A_912 = arith.addf %get3A_907, %select_n3A_911 : vector<129x129xf32>
    %get3A_913 = arith.constant 0 : index
    %get3A_914 = arith.constant 25 : index
    %get3A_915 = arith.constant 0 : index
    %get3A_916 = arith.constant 0 : index
    %get3A_917 = vector.load %arg4[%get3A_913, %get3A_914, %get3A_915, %get3A_916] : memref<1x32x128x128xf32, #tpu.memory_space<vmem>>, vector<1x1x128x128xf32>
    %get3A_918 = vector.shape_cast %get3A_917 : vector<1x1x128x128xf32> to vector<128x128xf32>
    %jit3A_919 = arith.constant 0 : i32
    %convert_element_type3A_920 = arith.sitofp %jit3A_919 : i32 to f32
    %pad3A_921 = vector.broadcast %convert_element_type3A_920 : f32 to vector<1x128xf32>
    %pad3A_922 = tpu.concatenate %pad3A_921, %get3A_918 in 0 : vector<1x128xf32>, vector<128x128xf32> -> vector<129x128xf32>
    %pad3A_923 = vector.broadcast %convert_element_type3A_920 : f32 to vector<129x1xf32>
    %pad3A_924 = tpu.concatenate %pad3A_923, %pad3A_922 in 1 : vector<129x1xf32>, vector<129x128xf32> -> vector<129x129xf32>
    %add3A_925 = arith.addf %add3A_912, %pad3A_924 : vector<129x129xf32>
    %swap3A_926 = arith.constant 0 : index
    %swap3A_927 = arith.constant 25 : index
    %swap3A_928 = arith.constant 0 : index
    %swap3A_929 = arith.constant 0 : index
    %swap3A_930 = vector.load %arg5[%swap3A_926, %swap3A_927, %swap3A_928, %swap3A_929] : memref<1x32x129x129xf32, #tpu.memory_space<vmem>>, vector<1x1x129x129xf32>
    %swap3A_931 = vector.shape_cast %swap3A_930 : vector<1x1x129x129xf32> to vector<129x129xf32>
    %swap3A_932 = vector.shape_cast %add3A_925 : vector<129x129xf32> to vector<1x1x129x129xf32>
    tpu.vector_store %arg5[%swap3A_926, %swap3A_927, %swap3A_928, %swap3A_929], %swap3A_932 {strides = array<i32>} : memref<1x32x129x129xf32, #tpu.memory_space<vmem>>, vector<1x1x129x129xf32>,
    %mul3A_933 = arith.constant 32 : i32
    %mul3A_934 = arith.muli %arg1, %mul3A_933 : i32
    %add3A_935 = arith.constant 26 : i32
    %add3A_936 = arith.addi %mul3A_934, %add3A_935 : i32
    %get3A_937 = arith.index_cast %add3A_936 : i32 to index
    %get3A_938 = memref.load %arg3[%get3A_937] : memref<32xf32, #tpu.memory_space<smem>>
    %get3A_939 = arith.constant 0 : index
    %get3A_940 = arith.constant 0 : index
    %get3A_941 = arith.constant 0 : index
    %get3A_942 = vector.load %arg2[%get3A_939, %get3A_940, %get3A_941] : memref<1x129x129xf32, #tpu.memory_space<vmem>>, vector<1x129x129xf32>
    %get3A_943 = vector.shape_cast %get3A_942 : vector<1x129x129xf32> to vector<129x129xf32>
    %jit3A_944 = arith.constant 0.000000e+00 : f32
    %broadcast_in_dim3A_945 = vector.broadcast %get3A_938 : f32 to vector<129x129xf32>
    %broadcast_in_dim3A_946 = vector.broadcast %jit3A_944 : f32 to vector<129x129xf32>
    %select_n3A_947 = arith.select %or3A, %broadcast_in_dim3A_945, %broadcast_in_dim3A_946 : vector<129x129xi1>, vector<129x129xf32>
    %add3A_948 = arith.addf %get3A_943, %select_n3A_947 : vector<129x129xf32>
    %get3A_949 = arith.constant 0 : index
    %get3A_950 = arith.constant 26 : index
    %get3A_951 = arith.constant 0 : index
    %get3A_952 = arith.constant 0 : index
    %get3A_953 = vector.load %arg4[%get3A_949, %get3A_950, %get3A_951, %get3A_952] : memref<1x32x128x128xf32, #tpu.memory_space<vmem>>, vector<1x1x128x128xf32>
    %get3A_954 = vector.shape_cast %get3A_953 : vector<1x1x128x128xf32> to vector<128x128xf32>
    %jit3A_955 = arith.constant 0 : i32
    %convert_element_type3A_956 = arith.sitofp %jit3A_955 : i32 to f32
    %pad3A_957 = vector.broadcast %convert_element_type3A_956 : f32 to vector<1x128xf32>
    %pad3A_958 = tpu.concatenate %pad3A_957, %get3A_954 in 0 : vector<1x128xf32>, vector<128x128xf32> -> vector<129x128xf32>
    %pad3A_959 = vector.broadcast %convert_element_type3A_956 : f32 to vector<129x1xf32>
    %pad3A_960 = tpu.concatenate %pad3A_959, %pad3A_958 in 1 : vector<129x1xf32>, vector<129x128xf32> -> vector<129x129xf32>
    %add3A_961 = arith.addf %add3A_948, %pad3A_960 : vector<129x129xf32>
    %swap3A_962 = arith.constant 0 : index
    %swap3A_963 = arith.constant 26 : index
    %swap3A_964 = arith.constant 0 : index
    %swap3A_965 = arith.constant 0 : index
    %swap3A_966 = vector.load %arg5[%swap3A_962, %swap3A_963, %swap3A_964, %swap3A_965] : memref<1x32x129x129xf32, #tpu.memory_space<vmem>>, vector<1x1x129x129xf32>
    %swap3A_967 = vector.shape_cast %swap3A_966 : vector<1x1x129x129xf32> to vector<129x129xf32>
    %swap3A_968 = vector.shape_cast %add3A_961 : vector<129x129xf32> to vector<1x1x129x129xf32>
    tpu.vector_store %arg5[%swap3A_962, %swap3A_963, %swap3A_964, %swap3A_965], %swap3A_968 {strides = array<i32>} : memref<1x32x129x129xf32, #tpu.memory_space<vmem>>, vector<1x1x129x129xf32>,
    %mul3A_969 = arith.constant 32 : i32
    %mul3A_970 = arith.muli %arg1, %mul3A_969 : i32
    %add3A_971 = arith.constant 27 : i32
    %add3A_972 = arith.addi %mul3A_970, %add3A_971 : i32
    %get3A_973 = arith.index_cast %add3A_972 : i32 to index
    %get3A_974 = memref.load %arg3[%get3A_973] : memref<32xf32, #tpu.memory_space<smem>>
    %get3A_975 = arith.constant 0 : index
    %get3A_976 = arith.constant 0 : index
    %get3A_977 = arith.constant 0 : index
    %get3A_978 = vector.load %arg2[%get3A_975, %get3A_976, %get3A_977] : memref<1x129x129xf32, #tpu.memory_space<vmem>>, vector<1x129x129xf32>
    %get3A_979 = vector.shape_cast %get3A_978 : vector<1x129x129xf32> to vector<129x129xf32>
    %jit3A_980 = arith.constant 0.000000e+00 : f32
    %broadcast_in_dim3A_981 = vector.broadcast %get3A_974 : f32 to vector<129x129xf32>
    %broadcast_in_dim3A_982 = vector.broadcast %jit3A_980 : f32 to vector<129x129xf32>
    %select_n3A_983 = arith.select %or3A, %broadcast_in_dim3A_981, %broadcast_in_dim3A_982 : vector<129x129xi1>, vector<129x129xf32>
    %add3A_984 = arith.addf %get3A_979, %select_n3A_983 : vector<129x129xf32>
    %get3A_985 = arith.constant 0 : index
    %get3A_986 = arith.constant 27 : index
    %get3A_987 = arith.constant 0 : index
    %get3A_988 = arith.constant 0 : index
    %get3A_989 = vector.load %arg4[%get3A_985, %get3A_986, %get3A_987, %get3A_988] : memref<1x32x128x128xf32, #tpu.memory_space<vmem>>, vector<1x1x128x128xf32>
    %get3A_990 = vector.shape_cast %get3A_989 : vector<1x1x128x128xf32> to vector<128x128xf32>
    %jit3A_991 = arith.constant 0 : i32
    %convert_element_type3A_992 = arith.sitofp %jit3A_991 : i32 to f32
    %pad3A_993 = vector.broadcast %convert_element_type3A_992 : f32 to vector<1x128xf32>
    %pad3A_994 = tpu.concatenate %pad3A_993, %get3A_990 in 0 : vector<1x128xf32>, vector<128x128xf32> -> vector<129x128xf32>
    %pad3A_995 = vector.broadcast %convert_element_type3A_992 : f32 to vector<129x1xf32>
    %pad3A_996 = tpu.concatenate %pad3A_995, %pad3A_994 in 1 : vector<129x1xf32>, vector<129x128xf32> -> vector<129x129xf32>
    %add3A_997 = arith.addf %add3A_984, %pad3A_996 : vector<129x129xf32>
    %swap3A_998 = arith.constant 0 : index
    %swap3A_999 = arith.constant 27 : index
    %swap3A_1000 = arith.constant 0 : index
    %swap3A_1001 = arith.constant 0 : index
    %swap3A_1002 = vector.load %arg5[%swap3A_998, %swap3A_999, %swap3A_1000, %swap3A_1001] : memref<1x32x129x129xf32, #tpu.memory_space<vmem>>, vector<1x1x129x129xf32>
    %swap3A_1003 = vector.shape_cast %swap3A_1002 : vector<1x1x129x129xf32> to vector<129x129xf32>
    %swap3A_1004 = vector.shape_cast %add3A_997 : vector<129x129xf32> to vector<1x1x129x129xf32>
    tpu.vector_store %arg5[%swap3A_998, %swap3A_999, %swap3A_1000, %swap3A_1001], %swap3A_1004 {strides = array<i32>} : memref<1x32x129x129xf32, #tpu.memory_space<vmem>>, vector<1x1x129x129xf32>,
    %mul3A_1005 = arith.constant 32 : i32
    %mul3A_1006 = arith.muli %arg1, %mul3A_1005 : i32
    %add3A_1007 = arith.constant 28 : i32
    %add3A_1008 = arith.addi %mul3A_1006, %add3A_1007 : i32
    %get3A_1009 = arith.index_cast %add3A_1008 : i32 to index
    %get3A_1010 = memref.load %arg3[%get3A_1009] : memref<32xf32, #tpu.memory_space<smem>>
    %get3A_1011 = arith.constant 0 : index
    %get3A_1012 = arith.constant 0 : index
    %get3A_1013 = arith.constant 0 : index
    %get3A_1014 = vector.load %arg2[%get3A_1011, %get3A_1012, %get3A_1013] : memref<1x129x129xf32, #tpu.memory_space<vmem>>, vector<1x129x129xf32>
    %get3A_1015 = vector.shape_cast %get3A_1014 : vector<1x129x129xf32> to vector<129x129xf32>
    %jit3A_1016 = arith.constant 0.000000e+00 : f32
    %broadcast_in_dim3A_1017 = vector.broadcast %get3A_1010 : f32 to vector<129x129xf32>
    %broadcast_in_dim3A_1018 = vector.broadcast %jit3A_1016 : f32 to vector<129x129xf32>
    %select_n3A_1019 = arith.select %or3A, %broadcast_in_dim3A_1017, %broadcast_in_dim3A_1018 : vector<129x129xi1>, vector<129x129xf32>
    %add3A_1020 = arith.addf %get3A_1015, %select_n3A_1019 : vector<129x129xf32>
    %get3A_1021 = arith.constant 0 : index
    %get3A_1022 = arith.constant 28 : index
    %get3A_1023 = arith.constant 0 : index
    %get3A_1024 = arith.constant 0 : index
    %get3A_1025 = vector.load %arg4[%get3A_1021, %get3A_1022, %get3A_1023, %get3A_1024] : memref<1x32x128x128xf32, #tpu.memory_space<vmem>>, vector<1x1x128x128xf32>
    %get3A_1026 = vector.shape_cast %get3A_1025 : vector<1x1x128x128xf32> to vector<128x128xf32>
    %jit3A_1027 = arith.constant 0 : i32
    %convert_element_type3A_1028 = arith.sitofp %jit3A_1027 : i32 to f32
    %pad3A_1029 = vector.broadcast %convert_element_type3A_1028 : f32 to vector<1x128xf32>
    %pad3A_1030 = tpu.concatenate %pad3A_1029, %get3A_1026 in 0 : vector<1x128xf32>, vector<128x128xf32> -> vector<129x128xf32>
    %pad3A_1031 = vector.broadcast %convert_element_type3A_1028 : f32 to vector<129x1xf32>
    %pad3A_1032 = tpu.concatenate %pad3A_1031, %pad3A_1030 in 1 : vector<129x1xf32>, vector<129x128xf32> -> vector<129x129xf32>
    %add3A_1033 = arith.addf %add3A_1020, %pad3A_1032 : vector<129x129xf32>
    %swap3A_1034 = arith.constant 0 : index
    %swap3A_1035 = arith.constant 28 : index
    %swap3A_1036 = arith.constant 0 : index
    %swap3A_1037 = arith.constant 0 : index
    %swap3A_1038 = vector.load %arg5[%swap3A_1034, %swap3A_1035, %swap3A_1036, %swap3A_1037] : memref<1x32x129x129xf32, #tpu.memory_space<vmem>>, vector<1x1x129x129xf32>
    %swap3A_1039 = vector.shape_cast %swap3A_1038 : vector<1x1x129x129xf32> to vector<129x129xf32>
    %swap3A_1040 = vector.shape_cast %add3A_1033 : vector<129x129xf32> to vector<1x1x129x129xf32>
    tpu.vector_store %arg5[%swap3A_1034, %swap3A_1035, %swap3A_1036, %swap3A_1037], %swap3A_1040 {strides = array<i32>} : memref<1x32x129x129xf32, #tpu.memory_space<vmem>>, vector<1x1x129x129xf32>,
    %mul3A_1041 = arith.constant 32 : i32
    %mul3A_1042 = arith.muli %arg1, %mul3A_1041 : i32
    %add3A_1043 = arith.constant 29 : i32
    %add3A_1044 = arith.addi %mul3A_1042, %add3A_1043 : i32
    %get3A_1045 = arith.index_cast %add3A_1044 : i32 to index
    %get3A_1046 = memref.load %arg3[%get3A_1045] : memref<32xf32, #tpu.memory_space<smem>>
    %get3A_1047 = arith.constant 0 : index
    %get3A_1048 = arith.constant 0 : index
    %get3A_1049 = arith.constant 0 : index
    %get3A_1050 = vector.load %arg2[%get3A_1047, %get3A_1048, %get3A_1049] : memref<1x129x129xf32, #tpu.memory_space<vmem>>, vector<1x129x129xf32>
    %get3A_1051 = vector.shape_cast %get3A_1050 : vector<1x129x129xf32> to vector<129x129xf32>
    %jit3A_1052 = arith.constant 0.000000e+00 : f32
    %broadcast_in_dim3A_1053 = vector.broadcast %get3A_1046 : f32 to vector<129x129xf32>
    %broadcast_in_dim3A_1054 = vector.broadcast %jit3A_1052 : f32 to vector<129x129xf32>
    %select_n3A_1055 = arith.select %or3A, %broadcast_in_dim3A_1053, %broadcast_in_dim3A_1054 : vector<129x129xi1>, vector<129x129xf32>
    %add3A_1056 = arith.addf %get3A_1051, %select_n3A_1055 : vector<129x129xf32>
    %get3A_1057 = arith.constant 0 : index
    %get3A_1058 = arith.constant 29 : index
    %get3A_1059 = arith.constant 0 : index
    %get3A_1060 = arith.constant 0 : index
    %get3A_1061 = vector.load %arg4[%get3A_1057, %get3A_1058, %get3A_1059, %get3A_1060] : memref<1x32x128x128xf32, #tpu.memory_space<vmem>>, vector<1x1x128x128xf32>
    %get3A_1062 = vector.shape_cast %get3A_1061 : vector<1x1x128x128xf32> to vector<128x128xf32>
    %jit3A_1063 = arith.constant 0 : i32
    %convert_element_type3A_1064 = arith.sitofp %jit3A_1063 : i32 to f32
    %pad3A_1065 = vector.broadcast %convert_element_type3A_1064 : f32 to vector<1x128xf32>
    %pad3A_1066 = tpu.concatenate %pad3A_1065, %get3A_1062 in 0 : vector<1x128xf32>, vector<128x128xf32> -> vector<129x128xf32>
    %pad3A_1067 = vector.broadcast %convert_element_type3A_1064 : f32 to vector<129x1xf32>
    %pad3A_1068 = tpu.concatenate %pad3A_1067, %pad3A_1066 in 1 : vector<129x1xf32>, vector<129x128xf32> -> vector<129x129xf32>
    %add3A_1069 = arith.addf %add3A_1056, %pad3A_1068 : vector<129x129xf32>
    %swap3A_1070 = arith.constant 0 : index
    %swap3A_1071 = arith.constant 29 : index
    %swap3A_1072 = arith.constant 0 : index
    %swap3A_1073 = arith.constant 0 : index
    %swap3A_1074 = vector.load %arg5[%swap3A_1070, %swap3A_1071, %swap3A_1072, %swap3A_1073] : memref<1x32x129x129xf32, #tpu.memory_space<vmem>>, vector<1x1x129x129xf32>
    %swap3A_1075 = vector.shape_cast %swap3A_1074 : vector<1x1x129x129xf32> to vector<129x129xf32>
    %swap3A_1076 = vector.shape_cast %add3A_1069 : vector<129x129xf32> to vector<1x1x129x129xf32>
    tpu.vector_store %arg5[%swap3A_1070, %swap3A_1071, %swap3A_1072, %swap3A_1073], %swap3A_1076 {strides = array<i32>} : memref<1x32x129x129xf32, #tpu.memory_space<vmem>>, vector<1x1x129x129xf32>,
    %mul3A_1077 = arith.constant 32 : i32
    %mul3A_1078 = arith.muli %arg1, %mul3A_1077 : i32
    %add3A_1079 = arith.constant 30 : i32
    %add3A_1080 = arith.addi %mul3A_1078, %add3A_1079 : i32
    %get3A_1081 = arith.index_cast %add3A_1080 : i32 to index
    %get3A_1082 = memref.load %arg3[%get3A_1081] : memref<32xf32, #tpu.memory_space<smem>>
    %get3A_1083 = arith.constant 0 : index
    %get3A_1084 = arith.constant 0 : index
    %get3A_1085 = arith.constant 0 : index
    %get3A_1086 = vector.load %arg2[%get3A_1083, %get3A_1084, %get3A_1085] : memref<1x129x129xf32, #tpu.memory_space<vmem>>, vector<1x129x129xf32>
    %get3A_1087 = vector.shape_cast %get3A_1086 : vector<1x129x129xf32> to vector<129x129xf32>
    %jit3A_1088 = arith.constant 0.000000e+00 : f32
    %broadcast_in_dim3A_1089 = vector.broadcast %get3A_1082 : f32 to vector<129x129xf32>
    %broadcast_in_dim3A_1090 = vector.broadcast %jit3A_1088 : f32 to vector<129x129xf32>
    %select_n3A_1091 = arith.select %or3A, %broadcast_in_dim3A_1089, %broadcast_in_dim3A_1090 : vector<129x129xi1>, vector<129x129xf32>
    %add3A_1092 = arith.addf %get3A_1087, %select_n3A_1091 : vector<129x129xf32>
    %get3A_1093 = arith.constant 0 : index
    %get3A_1094 = arith.constant 30 : index
    %get3A_1095 = arith.constant 0 : index
    %get3A_1096 = arith.constant 0 : index
    %get3A_1097 = vector.load %arg4[%get3A_1093, %get3A_1094, %get3A_1095, %get3A_1096] : memref<1x32x128x128xf32, #tpu.memory_space<vmem>>, vector<1x1x128x128xf32>
    %get3A_1098 = vector.shape_cast %get3A_1097 : vector<1x1x128x128xf32> to vector<128x128xf32>
    %jit3A_1099 = arith.constant 0 : i32
    %convert_element_type3A_1100 = arith.sitofp %jit3A_1099 : i32 to f32
    %pad3A_1101 = vector.broadcast %convert_element_type3A_1100 : f32 to vector<1x128xf32>
    %pad3A_1102 = tpu.concatenate %pad3A_1101, %get3A_1098 in 0 : vector<1x128xf32>, vector<128x128xf32> -> vector<129x128xf32>
    %pad3A_1103 = vector.broadcast %convert_element_type3A_1100 : f32 to vector<129x1xf32>
    %pad3A_1104 = tpu.concatenate %pad3A_1103, %pad3A_1102 in 1 : vector<129x1xf32>, vector<129x128xf32> -> vector<129x129xf32>
    %add3A_1105 = arith.addf %add3A_1092, %pad3A_1104 : vector<129x129xf32>
    %swap3A_1106 = arith.constant 0 : index
    %swap3A_1107 = arith.constant 30 : index
    %swap3A_1108 = arith.constant 0 : index
    %swap3A_1109 = arith.constant 0 : index
    %swap3A_1110 = vector.load %arg5[%swap3A_1106, %swap3A_1107, %swap3A_1108, %swap3A_1109] : memref<1x32x129x129xf32, #tpu.memory_space<vmem>>, vector<1x1x129x129xf32>
    %swap3A_1111 = vector.shape_cast %swap3A_1110 : vector<1x1x129x129xf32> to vector<129x129xf32>
    %swap3A_1112 = vector.shape_cast %add3A_1105 : vector<129x129xf32> to vector<1x1x129x129xf32>
    tpu.vector_store %arg5[%swap3A_1106, %swap3A_1107, %swap3A_1108, %swap3A_1109], %swap3A_1112 {strides = array<i32>} : memref<1x32x129x129xf32, #tpu.memory_space<vmem>>, vector<1x1x129x129xf32>,
    %mul3A_1113 = arith.constant 32 : i32
    %mul3A_1114 = arith.muli %arg1, %mul3A_1113 : i32
    %add3A_1115 = arith.constant 31 : i32
    %add3A_1116 = arith.addi %mul3A_1114, %add3A_1115 : i32
    %get3A_1117 = arith.index_cast %add3A_1116 : i32 to index
    %get3A_1118 = memref.load %arg3[%get3A_1117] : memref<32xf32, #tpu.memory_space<smem>>
    %get3A_1119 = arith.constant 0 : index
    %get3A_1120 = arith.constant 0 : index
    %get3A_1121 = arith.constant 0 : index
    %get3A_1122 = vector.load %arg2[%get3A_1119, %get3A_1120, %get3A_1121] : memref<1x129x129xf32, #tpu.memory_space<vmem>>, vector<1x129x129xf32>
    %get3A_1123 = vector.shape_cast %get3A_1122 : vector<1x129x129xf32> to vector<129x129xf32>
    %jit3A_1124 = arith.constant 0.000000e+00 : f32
    %broadcast_in_dim3A_1125 = vector.broadcast %get3A_1118 : f32 to vector<129x129xf32>
    %broadcast_in_dim3A_1126 = vector.broadcast %jit3A_1124 : f32 to vector<129x129xf32>
    %select_n3A_1127 = arith.select %or3A, %broadcast_in_dim3A_1125, %broadcast_in_dim3A_1126 : vector<129x129xi1>, vector<129x129xf32>
    %add3A_1128 = arith.addf %get3A_1123, %select_n3A_1127 : vector<129x129xf32>
    %get3A_1129 = arith.constant 0 : index
    %get3A_1130 = arith.constant 31 : index
    %get3A_1131 = arith.constant 0 : index
    %get3A_1132 = arith.constant 0 : index
    %get3A_1133 = vector.load %arg4[%get3A_1129, %get3A_1130, %get3A_1131, %get3A_1132] : memref<1x32x128x128xf32, #tpu.memory_space<vmem>>, vector<1x1x128x128xf32>
    %get3A_1134 = vector.shape_cast %get3A_1133 : vector<1x1x128x128xf32> to vector<128x128xf32>
    %jit3A_1135 = arith.constant 0 : i32
    %convert_element_type3A_1136 = arith.sitofp %jit3A_1135 : i32 to f32
    %pad3A_1137 = vector.broadcast %convert_element_type3A_1136 : f32 to vector<1x128xf32>
    %pad3A_1138 = tpu.concatenate %pad3A_1137, %get3A_1134 in 0 : vector<1x128xf32>, vector<128x128xf32> -> vector<129x128xf32>
    %pad3A_1139 = vector.broadcast %convert_element_type3A_1136 : f32 to vector<129x1xf32>
    %pad3A_1140 = tpu.concatenate %pad3A_1139, %pad3A_1138 in 1 : vector<129x1xf32>, vector<129x128xf32> -> vector<129x129xf32>
    %add3A_1141 = arith.addf %add3A_1128, %pad3A_1140 : vector<129x129xf32>
    %swap3A_1142 = arith.constant 0 : index
    %swap3A_1143 = arith.constant 31 : index
    %swap3A_1144 = arith.constant 0 : index
    %swap3A_1145 = arith.constant 0 : index
    %swap3A_1146 = vector.load %arg5[%swap3A_1142, %swap3A_1143, %swap3A_1144, %swap3A_1145] : memref<1x32x129x129xf32, #tpu.memory_space<vmem>>, vector<1x1x129x129xf32>
    %swap3A_1147 = vector.shape_cast %swap3A_1146 : vector<1x1x129x129xf32> to vector<129x129xf32>
    %swap3A_1148 = vector.shape_cast %add3A_1141 : vector<129x129xf32> to vector<1x1x129x129xf32>
    tpu.vector_store %arg5[%swap3A_1142, %swap3A_1143, %swap3A_1144, %swap3A_1145], %swap3A_1148 {strides = array<i32>} : memref<1x32x129x129xf32, #tpu.memory_space<vmem>>, vector<1x1x129x129xf32>,
    return
  }
  func.func @transform_0(%arg0: i32, %arg1: i32) -> (i32, i32, i32) {
    %c0_i32 = arith.constant 0 : i32
    %c0_i32_0 = arith.constant 0 : i32
    %c0_i32_1 = arith.constant 0 : i32
    return %arg0, %c0_i32, %c0_i32_0 : i32, i32, i32
  }
  func.func @transform_1(%arg0: i32, %arg1: i32) -> i32 {
    %c0_i32 = arith.constant 0 : i32
    %c0_i32_0 = arith.constant 0 : i32
    return %c0_i32 : i32
  }
  func.func @transform_2(%arg0: i32, %arg1: i32) -> (i32, i32, i32, i32) {
    %c0_i32 = arith.constant 0 : i32
    %c0_i32_0 = arith.constant 0 : i32
    %c0_i32_1 = arith.constant 0 : i32
    return %arg0, %arg1, %c0_i32, %c0_i32_0 : i32, i32, i32, i32
  }
  func.func @transform_3(%arg0: i32, %arg1: i32) -> (i32, i32, i32, i32) {
    %c0_i32 = arith.constant 0 : i32
    %c0_i32_0 = arith.constant 0 : i32
    %c0_i32_1 = arith.constant 0 : i32
    return %arg0, %arg1, %c0_i32, %c0_i32_0 : i32, i32, i32, i32
  }
}

</mosaic_0001>

<sc_bundles>
// kernel: kernel.4.cloned.1.call-start
scs
__scs_entry_jumppad:
0x0: {  	(pc) =	sbr.rel $0x88, $3  }
0x1: {  	(tag) =	ssettag $0x0;
	lr =	simm.s32 $0x1  }
0x2: {  	[smem:$0x3F9B] =	sst lr;
	_ =	strace $0xD0000000  }
0x3: {  	_ = 	snop  }
0x4: {  	_ = 	snop  }
0x5: {  	_ = 	snop  }
0x6: {  	_ = 	snop  }
0x7: {  	_ = 	snop  }
__scs_overlays_trampoline_lowered:
0x8: {  	[smem:$0x3FAA] =	sst s0  }
0x9: {  	[smem:$0x3FAB] =	sst s1  }
0xa: {  	[smem:$0x3FAC] =	sst s2  }
0xb: {  	[smem:$0x3FAD] =	sst s3  }
0xc: {  	[smem:$0x3FAE] =	sst s4  }
0xd: {  	[smem:$0x3FAF] =	sst s5  }
0xe: {  	[smem:$0x3FB0] =	sst s6  }
0xf: {  	[smem:$0x3FB1] =	sst s7  }
0x10: {  	[smem:$0x3FB2] =	sst s8  }
0x11: {  	[smem:$0x3FB3] =	sst s9;
	s0 =	simm.s32 @!p0 $0x0  }
0x12: {  	s1 =	sld [smem:$0x3F99];
	s0 =	simm.s32 @p0 $0x1  }
0x13: {  	[smem:$0x3FB4] =	sst s0;
	s0 =	simm.s32 @!p1 $0x0  }
0x14: {  	s2 =	sld [smem:$0x3F98];
	s0 =	simm.s32 @p1 $0x1  }
0x15: {  	[smem:$0x3FB5] =	sst s0;
	s0 =	simm.s32 @!p2 $0x0  }
0x16: {  	s3 =	sld [smem:$0x3FDB];
	s0 =	simm.s32 @p2 $0x1  }
0x17: {  	s4 =	simm.s32 $0x1BF5;
	[smem:$0x3FB7] =	sst s0  }
0x18: {  	s0 =	sld [smem:$0x3F9A];
	_ =	swait.ge [sflag:s4], $0x0  }
0x19: {  	s7 =	sld [smem:$0x3F9B]  }
0x1a: {  	s8 =	sadd.s32 $0xFFFFE003, lr  }
0x1b: {  	s9 =	sadd.s32 $0xFFFFFEF7, lr;
	s5 =	simm.s32 $0xFFFFFFFF;
	p2 =	slt.u32 s8, $0xFFFFF086  }
0x1c: {  	p1 =	slt.u32 s9, $0xF7A;
	s5 =	simm.s32 @!p2 $0x0  }
0x1d: {  	s5 =	simm.s32 @p1 $0x1;
	p0 =	seq.s32 s7, s2  }
0x1e: {  	s7 =	smul.u32 @!p0 $0xF7A, s2;
	p2 =	seq.s32 @!p0 s5, $0x0  }
0x1f: {  	s9 =	smul.u32 $0xF7A, s1;
	s8 =	simm.s32 @!p0 $0x1BF5;
	p2 =	por !p2, p0  }
0x20: {  	[sflag:s8] =	ssyncset.s32 @!p0 $0xFFFFF086;
	s6 =	sadd.s32 @!p0 s3, s7;
	s7 =	simm.s32 @!p0 $0x108  }
0x21: {  	s3 =	sadd.s32 s3, s9;
	s6 =	sadd.s32 @!p0 $0x88, s6;
	s7 =	simm.s32 @p2 $0x1082  }
0x22: {  	[simem:s7], [sflag:s8] =	dma.local @!p0 [hbm:s6], $0xF7A  }
0x23: {  	s9 =	sor.u32 $0xD0000000, s2;
	s6 =	simm.s32 $0x108;
	_ =	swait.ge @!p0 [sflag:s8], $0x0  }
0x24: {  	s3 =	sadd.s32 $0x88, s3;
	s6 =	simm.s32 @!p1 $0x1082;
	[sflag:s4] =	ssyncset.s32 $0xFFFFF086  }
0x25: {  	[simem:s6], [sflag:s4] =	dma.local [hbm:s3], $0xF7A  }
0x26: {  	[smem:$0x3F9B] =	sst s1;
	(tag) =	ssettag s2;
	_ =	strace s9  }
0x27: {  	s1 =	sld [smem:$0x3FAB]  }
0x28: {  	s2 =	sld [smem:$0x3FAC]  }
0x29: {  	s4 =	sld [smem:$0x3FAE]  }
0x2a: {  	p0 =	seq.s32 s5, $0x0;
	s5 =	sld [smem:$0x3FAF]  }
0x2b: {  	s6 =	sld [smem:$0x3FB0]  }
0x2c: {  	s7 =	sld [smem:$0x3FB1]  }
0x2d: {  	s3 =	simm.s32 $0x108;
	s8 =	sld [smem:$0x3FB2]  }
0x2e: {  	s3 =	simm.s32 @!p0 $0x1082;
	s9 =	sld [smem:$0x3FB3]  }
0x2f: {  	lr =	sadd.s32 s0, s3;
	s0 =	sld [smem:$0x3FAA]  }
0x30: {  	s3 =	sld [smem:$0x3FAD]  }
0x31: {  	[smem:$0x3FB6] =	sst s10  }
0x32: {  	s10 =	sld [smem:$0x3FB4];
	_ =	sdelay $0x3  }
0x33: {  	p0 =	seq.s32 s10, $0x1;
	s10 =	sld [smem:$0x3FB6];
	_ =	sdelay $0x3  }
0x34: {  	[smem:$0x3FB6] =	sst s10  }
0x35: {  	s10 =	sld [smem:$0x3FB5];
	_ =	sdelay $0x3  }
0x36: {  	p1 =	seq.s32 s10, $0x1;
	s10 =	sld [smem:$0x3FB6];
	_ =	sdelay $0x3  }
0x37: {  	[smem:$0x3FB6] =	sst s10  }
0x38: {  	s10 =	sld [smem:$0x3FB7]  }
0x39: {  	_ = 	snop;
	(pc) =	sbr.ind lr, $3  }
0x3a: {  	_ = 	snop  }
0x3b: {  	_ = 	snop  }
0x3c: {  	p2 =	seq.s32 s10, $0x1;
	s10 =	sld [smem:$0x3FB6]  }
0x3d: {  	_ =	shalt  }
0x3e: {  	_ =	shalt  }
0x3f: {  	_ =	shalt  }
0x40: {  	_ =	shalt  }
0x41: {  	_ =	shalt  }
0x42: {  	_ =	shalt  }
0x43: {  	_ =	shalt  }
0x44: {  	_ =	shalt  }
0x45: {  	_ =	shalt  }
0x46: {  	_ =	shalt  }
0x47: {  	_ =	shalt  }
0x48: {  	_ =	shalt  }
0x49: {  	_ =	shalt  }
0x4a: {  	_ =	shalt  }
0x4b: {  	_ =	shalt  }
0x4c: {  	_ =	shalt  }
0x4d: {  	_ =	shalt  }
0x4e: {  	_ =	shalt  }
0x4f: {  	_ =	shalt  }
0x50: {  	_ =	shalt  }
0x51: {  	_ =	shalt  }
0x52: {  	_ =	shalt  }
0x53: {  	_ =	shalt  }
0x54: {  	_ =	shalt  }
0x55: {  	_ =	shalt  }
0x56: {  	_ =	shalt  }
0x57: {  	_ =	shalt  }
0x58: {  	_ =	shalt  }
0x59: {  	_ =	shalt  }
0x5a: {  	_ =	shalt  }
0x5b: {  	_ =	shalt  }
0x5c: {  	_ =	shalt  }
0x5d: {  	_ =	shalt  }
0x5e: {  	_ =	shalt  }
0x5f: {  	_ =	shalt  }
0x60: {  	_ =	shalt  }
0x61: {  	_ =	shalt  }
0x62: {  	_ =	shalt  }
0x63: {  	_ =	shalt  }
0x64: {  	_ =	shalt  }
0x65: {  	_ =	shalt  }
0x66: {  	_ =	shalt  }
0x67: {  	_ =	shalt  }
0x68: {  	_ =	shalt  }
0x69: {  	_ =	shalt  }
0x6a: {  	_ =	shalt  }
0x6b: {  	_ =	shalt  }
0x6c: {  	_ =	shalt  }
0x6d: {  	_ =	shalt  }
0x6e: {  	_ =	shalt  }
0x6f: {  	_ =	shalt  }
0x70: {  	_ =	shalt  }
0x71: {  	_ =	shalt  }
0x72: {  	_ =	shalt  }
0x73: {  	_ =	shalt  }
0x74: {  	_ =	shalt  }
0x75: {  	_ =	shalt  }
0x76: {  	_ =	shalt  }
0x77: {  	_ =	shalt  }
0x78: {  	_ =	shalt  }
0x79: {  	_ =	shalt  }
0x7a: {  	_ =	shalt  }
0x7b: {  	_ =	shalt  }
0x7c: {  	_ =	shalt  }
0x7d: {  	_ =	shalt  }
0x7e: {  	_ =	shalt  }
0x7f: {  	_ =	shalt  }
0x80: {  	_ =	shalt  }
0x81: {  	_ =	shalt  }
0x82: {  	_ =	shalt  }
0x83: {  	_ =	shalt  }
0x84: {  	_ =	shalt  }
0x85: {  	_ =	shalt  }
0x86: {  	_ =	shalt  }
0x87: {  	_ =	shalt  }
.Lfunc_end0:
.L_simem_size_0:
called_computation_lowered:
.L_overlay_start_0:
0x88: {  	s2 =	sld [smem:$0x3FD9]  }
0x89: {  	s3 =	sld [smem:$0x3FFE];
	_ =	sdelay $0x1  }
0x8a: {  	s1 =	srdreg.scid  }
0x8b: {  	s0 =	sand.u32 $0x1, s1  }
0x8c: {  	s17 =	sshll.u32 s0, $0xA;
	s2 =	sadd.s32 s3, s2  }
0x8d: {  	s2 =	sadd.s32 s2, s17  }
0x8e: {  	[smem:$0x3FC2] =	sst s2  }
0x8f: {  	_ = 	snop  }
0x90: {  	s2 =	sld [smem:$0x3FC8]  }
0x91: {  	s18 =	sld [smem:$0x3FD0];
	(tm) =	ssettm $0x1  }
0x92: {  	s4 =	sld [smem:$0x3FFB];
	_ =	sdelay $0x3  }
0x93: {  	_ =	strace s4  }
0x94: {  	s4 =	sld [smem:$0x3FFC];
	_ =	sdelay $0x3  }
0x95: {  	_ =	strace s4  }
0x96: {  	s4 =	sld [smem:$0x3FFD];
	_ =	sdelay $0x3  }
0x97: {  	_ =	strace s4  }
0x98: {  	_ =	strace $0x8FFFFFFF  }
0x99: {  	s19 =	sld [smem:$0x3FDB];
	_ =	sdelay $0x1  }
0x9a: {  	s5 =	simm.s32 $_scs_section_size  }
0x9b: {  	s6 =	simm.s32 $_size__tile_overlayer_lowered;
	s7 =	simm.s32 $_tile_overlayer_lowered  }
0x9c: {  	s22 =	simm.s32 $0x1BFF;
	s21 =	sshll.u32 s7, $0x1;
	s4 =	sadd.s32 s5, s19  }
0x9d: {  	s8 =	simm.s32 $0x0;
	s20 =	sshll.u32 s6, $0x1;
	s6 =	sadd.s32 s21, s4  }
0x9e: {  	[timem:s8], [sflag:s22] =	dma.local [hbm:s6], s20  }
0x9f: {  	_ =	swait.ge [sflag:s22], s20  }
0xa0: {  	s5 =	ssub.s32 $0x0, s20;
	[sflag:s22] =	ssyncset.done $0x0  }
0xa1: {  	[sflag:s22] =	ssyncadd.s32 s5;
	_ =	sdelay $0x1  }
0xa2: {  	s23 =	simm.s32 $0x1B8B  }
0xa3: {  	_ =	swait.ge [sflag:s23], $0x1  }
0xa4: {  	[sflag:s23] =	ssyncset.done $0x0  }
0xa5: {  	s25 =	simm.s32 $0x1B8E;
	s24 =	sld [smem:$0x3FFE];
	[sflag:s23] =	ssyncadd.s32 $0xFFFFFFFF  }
0xa6: {  	s26 =	simm.s32 $execute0_lowered;
	[smem:$0x3FD2] =	sst s25  }
0xa7: {  	s6 =	sshll.u32 s26, $0x1;
	_ =	strace $0x80000046;
	[dreg:$0x1] =	wrdreg $0xFFFFFFFF  }
0xa8: {  	s28 =	simm.s32 $_size_execute0_lowered;
	s4 =	sadd.s32 s4, s6;
	[dreg:$0x0] =	wrdreg $0x0  }
0xa9: {  	s6 =	sshll.u32 s28, $0x1;
	[dreg:$0x2] =	wrdreg s4  }
0xaa: {  	[dreg:$0x3] =	wrdreg s6  }
0xab: {  	[dreg:$0x4] =	wrdreg $0xC0  }
0xac: {  	_ =	task [dreg:s8], $0x5FFFF  }
0xad: {  	[dreg:$0x1] =	wrdreg $0xFFFFFFFF  }
0xae: {  	[dreg:$0x0] =	wrdreg $0x60  }
0xaf: {  	[dreg:$0x2] =	wrdreg s2  }
0xb0: {  	[dreg:$0x3] =	wrdreg s24  }
0xb1: {  	[dreg:$0x4] =	wrdreg s18  }
0xb2: {  	[dreg:$0x5] =	wrdreg $0x9  }
0xb3: {  	_ =	task.clear_ibuf [dreg:s8], $0x6FFFF;
	_ =	strace $0x90000046  }
0xb4: {  	s29 =	simm.s32 $0x9;
	_ =	strace $0x80000048  }
0xb5: {  	_ =	swait.ge [sflag:s29], $0x1  }
0xb6: {  	[sflag:s29] =	ssyncadd.s32 $0xFFFFFFFF  }
0xb7: {  	_ =	strace $0x90000048  }
0xb8: {  	_ =	sfence  }
0xb9: {  	s30 =	sld [smem:$0x0];
	_ =	sdelay $0x2  }
0xba: {  	s31 =	sshll.u32 s1, $0xD;
	s1 =	sshrl.u32 s1, $0x2  }
0xbb: {  	s3 =	sand.u32 $0x4000, s31;
	s1 =	sadd.s32 s1, s30  }
0xbc: {  	s0 =	sor.u32 s3, s0;
	s1 =	sshll.u32 s1, $0x11  }
0xbd: {  	s0 =	sor.u32 s1, s0  }
0xbe: {  	s0 =	sadd.s32 $0x8F2B, s0  }
0xbf: {  	[sflag:s0] =	ssyncadd.remote.s32 $0x1  }
0xc0: {  	_ =	sfence.sel $0xFFFF  }
0xc1: {  	[dreg:$0x0] =	wrdreg $0xFFFFFFFF;
	(pc) =	sbr.abs _section_cstart, $3  }
0xc2: {  	[dreg:$0x1] =	wrdreg $0xFFFFFFFF  }
0xc3: {  	_ =	task.clear_ibuf [dreg:s8], $0x2FFFF;
	_ =	strace $0x9FFFFFFF  }
0xc4: {  	(tm) =	ssettm $0x7FFFFFFF  }
0xc5: {  	_ =	shalt  }
tec
execute0_lowered:
.L_overlay_start_1:
0x0: {  	(tag) =	ssettag $0x1  }
0x1: {  	s0 =	rddreg [dreg:$0x0]  }
0x2: {  	s1 =	rddreg [dreg:$0x1]  }
0x3: {  	s5 =	rddreg [dreg:$0x2];
	s2 =	simm.s32 $0x0;
	s3 =	srdreg.scid  }
0x4: {  	s10 =	stileid.u32;
	s14 =	simm.s32 $0x1;
	s15 =	simm.s32 $0x0  }
0x5: {  	v0 =	vimm.s32 $0xB9BEBBB8;
	v1 =	vimm.s32 $0xBDBABFBC;
	s30 =	simm.s32 $0x0;
	[smem:$0x7FF] =	sst s2;
	s6 =	sand.u32 $0x1, s3  }
0x6: {  	vm0 =	vcmask $0x1F10;
	v2 =	vlaneseq.u32;
	v3 =	vimm.s32 $0x52741630;
	s25 =	sshll.u32 s10, $0x1;
	s3 =	sadd.s32 $0x2000, s1;
	s9 =	sadd.s32 $0xE00, s1  }
0x7: {  	v5 =	vimm.s32 $0xDAFC9EB8;
	v0 =	vunpack.c.0.s8.s32 v0;
	v1 =	vunpack.c.0.s8.s32 v1;
	s1 =	sadd.s32 $0x1200, s1;
	s10 =	sshll.u32 s10, $0x11;
	_ =	strace $0x80000047  }
0x8: {  	v4 =	vunpack.c.l.s4.s8 v3;
	v3 =	vimm.s32 $0x74163052;
	v8 =	vunpack.c.l.s4.s8 v5;
	s7 =	sor.u32 s6, s25;
	s8 =	ssub.s32 $0x2, s6;
	[dreg:$0x4] =	wrdreg s9  }
0x9: {  	[dreg:$0x5] =	wrdreg s1;
	s29 =	sadd.s32 s10, s5;
	s4 =	smul.u32 $0xC000, s7;
	v1 =	vsel vm0, v1, v0;
	v0 =	vmul.u32 $0x3, v2;
	v2 =	vimm.s32 $0x63052741  }
0xa: {  	s31 =	sshll.u32 s6, $0x10;
	v7 =	vunpack.c.l.s4.s8 v3;
	s26 =	sshrl.u32 s8, $0x1;
	s7 =	sshll.u32 s7, $0xB;
	v4 =	vunpack.c.0.s8.s32 v4;
	v6 =	vunpack.c.l.s4.s8 v2  }
0xb: {  	s10 =	sadd.s32 s31, s29;
	v1 =	vcombine.low v1, v1;
	s1 =	ssub.s32 s8, s26;
	s28 =	sshrl.u32 s4, $0x3;
	v2 =	vadd.s32 $0x1, v0;
	v3 =	vadd.s32 $0x2, v0  }
0xc: {  	s7 =	sadd.s32 s0, s7;
	s9 =	smax.u32 s1, $0x1;
	s8 =	sadd.s32 s3, s28;
	v5 =	vunpack.c.0.s8.s32 v6;
	v6 =	vunpack.c.0.s8.s32 v7;
	v7 =	vunpack.c.0.s8.s32 v8  }
.LBB2_1:
0xd: {  	s0 =	rddreg [dreg:$0x4];
	s1 =	simm.s32 $0x3  }
0xe: {  	[tilespmem:s2], [sflag:$0x3] =	stream.linear.gather [hbm4b:s0+s2], $0x2000, $0x38;
	[tilespmem:$0x1A080] =	vst v63  }
0xf: {  	_ =	swait.ge [sflag:s1], $0x2000  }
0x10: {  	[sflag:s1] =	ssyncset.done $0x0  }
0x11: {  	s5 =	simm.s32 $0x2000;
	s28 =	rddreg [dreg:$0x5];
	[sflag:s1] =	ssyncadd.s32 $0xFFFFE000  }
0x12: {  	[tilespmem:s5], [sflag:$0x3] =	stream.linear.gather [hbm4b:s28+s2], $0x6080, $0x38;
	[tilespmem:$0x1A080] =	vst v63  }
0x13: {  	_ =	swait.ge [sflag:s1], $0x6080  }
0x14: {  	[sflag:s1] =	ssyncset.done $0x0  }
0x15: {  	s29 =	simm.s32 $0x8080;
	[sflag:s1] =	ssyncadd.s32 $0xFFFF9F80  }
0x16: {  	[tilespmem:s29], [sflag:$0x3] =	stream.linear.gather [hbm4b:s7+s2], $0x400, $0x38;
	[tilespmem:$0x1A080] =	vst v63  }
0x17: {  	_ =	swait.ge [sflag:s1], $0x400  }
0x18: {  	s31 =	simm.s32 $0x8880;
	p0 =	por $0x0, $0x0;
	[sflag:s1] =	ssyncset.done $0x0  }
0x19: {  	s16 =	smov.u32 s10;
	s0 =	simm.s32 $0x0;
	[sflag:s1] =	ssyncadd.s32 $0xFFFFFC00  }
0x1a: {  	[tilespmem:s31], [sflag:$0x3] =	stream.linear.gather [hbm4b:s8+s2], $0xC00, $0x38;
	[tilespmem:$0x1A080] =	vst v63  }
.LBB2_2:
0x1b: {  	p1 =	seq.s32 s0, $0xF  }
0x1c: {  	_ =	swait.ge [sflag:s1], $0xC00;
	s17 =	sadd.s32 $0x1, s0;
	s5 =	sshll.u32 @!p1 s0, $0x3  }
0x1d: {  	[sflag:s1] =	ssyncset.done $0x0;
	s6 =	sand.u32 @!p1 $0x1, s17;
	s5 =	sadd.s32 @!p1 $0x8, s5  }
0x1e: {  	[sflag:s1] =	ssyncadd.s32 $0xFFFFF400;
	s11 =	sshll.u32 @!p1 s6, $0xA;
	s1 =	sshll.u32 @!p1 s5, $0x4  }
0x1f: {  	s12 =	simm.s32 @!p1 $0x0;
	s11 =	sor.u32 @!p1 $0x8080, s11;
	s1 =	sadd.s32 @!p1 s1, s7  }
0x20: {  	[tilespmem:s11], [sflag:$0x2] =	stream.linear.gather @!p1 [hbm4b:s1+s12], $0x400, $0x38;
	[tilespmem:$0x1A080] =	vst v63  }
0x21: {  	p2 =	slt.u32 @!p1 s0, $0x2;
	s1 =	smul.u32 @!p1 $0x180, s5  }
0x22: {  	p2 =	por p1, !p2;
	s5 =	smul.u32 @!p1 $0x3000, s6  }
.Ltmp0:
0x23: {  	_ = 	snop;
	(pc) =	sbr.rel @!p2 .LBB2_4-.Ltmp0, $4  }
0x24: {  	s1 =	sadd.s32 @!p1 s4, s1  }
0x25: {  	s5 =	sshrl.u32 @!p1 s5, $0x2;
	s1 =	sshrl.u32 @!p1 s1, $0x3  }
0x26: {  	s5 =	sadd.s32 @!p1 $0x8880, s5;
	s1 =	sadd.s32 @!p1 s3, s1  }
0x27: {  	[tilespmem:s5], [sflag:$0x2] =	stream.linear.gather @!p1 [hbm4b:s1+s12], $0xC00, $0x38;
	[tilespmem:$0x1A080] =	vst v63  }
0x28: {  	_ =	swait.ge [sflag:s14], $0x400  }
0x29: {  	[sflag:s14] =	ssyncset.done $0x0  }
0x2a: {  	[sflag:s14] =	ssyncadd.s32 $0xFFFFFC00  }
0x2b: {  	_ =	swait.ge [sflag:s14], $0x400  }
0x2c: {  	[sflag:s14] =	ssyncset.done $0x0  }
0x2d: {  	[sflag:s14] =	ssyncadd.s32 $0xFFFFFC00  }
0x2e: {  	_ =	swait.ge [sflag:s14], $0x400  }
0x2f: {  	[sflag:s14] =	ssyncset.done $0x0  }
0x30: {  	[sflag:s14] =	ssyncadd.s32 $0xFFFFFC00  }
0x31: {  	_ =	swait.ge [sflag:s14], $0x400  }
0x32: {  	[sflag:s14] =	ssyncset.done $0x0  }
0x33: {  	[sflag:s14] =	ssyncadd.s32 $0xFFFFFC00  }
0x34: {  	_ =	swait.ge [sflag:s14], $0x400  }
0x35: {  	[sflag:s14] =	ssyncset.done $0x0  }
0x36: {  	[sflag:s14] =	ssyncadd.s32 $0xFFFFFC00  }
0x37: {  	_ =	swait.ge [sflag:s14], $0x400  }
0x38: {  	[sflag:s14] =	ssyncset.done $0x0  }
0x39: {  	[sflag:s14] =	ssyncadd.s32 $0xFFFFFC00  }
0x3a: {  	_ =	swait.ge [sflag:s14], $0x400  }
0x3b: {  	[sflag:s14] =	ssyncset.done $0x0  }
0x3c: {  	[sflag:s14] =	ssyncadd.s32 $0xFFFFFC00  }
0x3d: {  	_ =	swait.ge [sflag:s14], $0x400  }
0x3e: {  	[sflag:s14] =	ssyncset.done $0x0  }
0x3f: {  	[sflag:s14] =	ssyncadd.s32 $0xFFFFFC00  }
0x40: {  	_ =	swait.ge [sflag:s14], $0x400  }
0x41: {  	[sflag:s14] =	ssyncset.done $0x0  }
0x42: {  	[sflag:s14] =	ssyncadd.s32 $0xFFFFFC00  }
0x43: {  	_ =	swait.ge [sflag:s14], $0x400  }
0x44: {  	[sflag:s14] =	ssyncset.done $0x0  }
0x45: {  	[sflag:s14] =	ssyncadd.s32 $0xFFFFFC00  }
0x46: {  	_ =	swait.ge [sflag:s14], $0x400  }
0x47: {  	[sflag:s14] =	ssyncset.done $0x0  }
0x48: {  	[sflag:s14] =	ssyncadd.s32 $0xFFFFFC00  }
0x49: {  	_ =	swait.ge [sflag:s14], $0x400  }
0x4a: {  	[sflag:s14] =	ssyncset.done $0x0  }
0x4b: {  	[sflag:s14] =	ssyncadd.s32 $0xFFFFFC00  }
0x4c: {  	_ =	swait.ge [sflag:s14], $0x400  }
0x4d: {  	[sflag:s14] =	ssyncset.done $0x0  }
0x4e: {  	[sflag:s14] =	ssyncadd.s32 $0xFFFFFC00  }
0x4f: {  	_ =	swait.ge [sflag:s14], $0x400  }
0x50: {  	[sflag:s14] =	ssyncset.done $0x0  }
0x51: {  	[sflag:s14] =	ssyncadd.s32 $0xFFFFFC00  }
0x52: {  	_ =	swait.ge [sflag:s14], $0x400  }
0x53: {  	[sflag:s14] =	ssyncset.done $0x0  }
0x54: {  	[sflag:s14] =	ssyncadd.s32 $0xFFFFFC00  }
0x55: {  	_ =	swait.ge [sflag:s14], $0x400  }
0x56: {  	[sflag:s14] =	ssyncset.done $0x0  }
0x57: {  	[sflag:s14] =	ssyncadd.s32 $0xFFFFFC00  }
0x58: {  	_ =	swait.ge [sflag:s14], $0x400  }
0x59: {  	[sflag:s14] =	ssyncset.done $0x0  }
0x5a: {  	[sflag:s14] =	ssyncadd.s32 $0xFFFFFC00  }
0x5b: {  	_ =	swait.ge [sflag:s14], $0x400  }
0x5c: {  	[sflag:s14] =	ssyncset.done $0x0  }
0x5d: {  	[sflag:s14] =	ssyncadd.s32 $0xFFFFFC00  }
0x5e: {  	_ =	swait.ge [sflag:s14], $0x400  }
0x5f: {  	[sflag:s14] =	ssyncset.done $0x0  }
0x60: {  	[sflag:s14] =	ssyncadd.s32 $0xFFFFFC00  }
0x61: {  	_ =	swait.ge [sflag:s14], $0x400  }
0x62: {  	[sflag:s14] =	ssyncset.done $0x0  }
0x63: {  	[sflag:s14] =	ssyncadd.s32 $0xFFFFFC00  }
0x64: {  	_ =	swait.ge [sflag:s14], $0x400  }
0x65: {  	[sflag:s14] =	ssyncset.done $0x0  }
0x66: {  	[sflag:s14] =	ssyncadd.s32 $0xFFFFFC00  }
0x67: {  	_ =	swait.ge [sflag:s14], $0x400  }
0x68: {  	[sflag:s14] =	ssyncset.done $0x0  }
0x69: {  	[sflag:s14] =	ssyncadd.s32 $0xFFFFFC00  }
0x6a: {  	_ =	swait.ge [sflag:s14], $0x400  }
0x6b: {  	[sflag:s14] =	ssyncset.done $0x0  }
0x6c: {  	[sflag:s14] =	ssyncadd.s32 $0xFFFFFC00  }
0x6d: {  	_ =	swait.ge [sflag:s14], $0x400  }
0x6e: {  	[sflag:s14] =	ssyncset.done $0x0  }
0x6f: {  	[sflag:s14] =	ssyncadd.s32 $0xFFFFFC00  }
0x70: {  	_ =	swait.ge [sflag:s14], $0x400  }
0x71: {  	[sflag:s14] =	ssyncset.done $0x0  }
0x72: {  	[sflag:s14] =	ssyncadd.s32 $0xFFFFFC00  }
0x73: {  	_ =	swait.ge [sflag:s14], $0x400  }
0x74: {  	[sflag:s14] =	ssyncset.done $0x0  }
0x75: {  	[sflag:s14] =	ssyncadd.s32 $0xFFFFFC00  }
0x76: {  	_ =	swait.ge [sflag:s14], $0x400  }
0x77: {  	[sflag:s14] =	ssyncset.done $0x0  }
0x78: {  	[sflag:s14] =	ssyncadd.s32 $0xFFFFFC00  }
0x79: {  	_ =	swait.ge [sflag:s14], $0x400  }
0x7a: {  	[sflag:s14] =	ssyncset.done $0x0  }
0x7b: {  	[sflag:s14] =	ssyncadd.s32 $0xFFFFFC00  }
0x7c: {  	_ =	swait.ge [sflag:s14], $0x400  }
0x7d: {  	[sflag:s14] =	ssyncset.done $0x0  }
0x7e: {  	[sflag:s14] =	ssyncadd.s32 $0xFFFFFC00  }
0x7f: {  	_ =	swait.ge [sflag:s14], $0x400  }
0x80: {  	[sflag:s14] =	ssyncset.done $0x0  }
0x81: {  	[sflag:s14] =	ssyncadd.s32 $0xFFFFFC00  }
0x82: {  	_ =	swait.ge [sflag:s14], $0x400  }
0x83: {  	[sflag:s14] =	ssyncset.done $0x0  }
0x84: {  	[sflag:s14] =	ssyncadd.s32 $0xFFFFFC00  }
0x85: {  	_ =	swait.ge [sflag:s14], $0x400  }
0x86: {  	[sflag:s14] =	ssyncset.done $0x0  }
0x87: {  	[sflag:s14] =	ssyncadd.s32 $0xFFFFFC00  }
.LBB2_4:
0x88: {  	s1 =	simm.s32 $0x1  }
0x89: {  	s0 =	sand.u32 $0x1, s0;
	s31 =	simm.s32 $0x0;
	s1 =	simm.s32 @!p0 $0x0  }
0x8a: {  	s5 =	smul.u32 $0x3000, s0;
	s0 =	sshll.u32 s0, $0xA;
	s1 =	sshll.u32 s1, $0xF  }
0x8b: {  	s28 =	sor.u32 $0x8080, s0;
	s18 =	sadd.s32 $0xA080, s1;
	s19 =	sadd.s32 $0xB0F0, s1  }
0x8c: {  	s20 =	sadd.s32 $0xB0E0, s1;
	s21 =	sadd.s32 $0xB0D0, s1;
	s22 =	sadd.s32 $0xB0C0, s1  }
0x8d: {  	s23 =	sadd.s32 $0xB0B0, s1;
	s24 =	sadd.s32 $0xB0A0, s1;
	s26 =	sshrl.u32 s5, $0x2  }
0x8e: {  	s25 =	sadd.s32 $0xB090, s1;
	s12 =	sadd.s32 $0xB080, s1;
	v8 =	vmov s28;
	s29 =	sadd.s32 $0x8880, s26  }
.LBB2_5:
0x8f: {  	_ = 	snop  }
0x90: {  	s0 =	smul.u32 $0x180, s31  }
0x91: {  	s1 =	sshll.u32 s31, $0x7  }
0x92: {  	s1 =	sand.u32 $0x3FFFFF80, s1;
	v10 =	vor.u32 s0, v2  }
0x93: {  	v11 =	vor.u32 s0, v3;
	v12 =	vld.idx.msk [tilespmem:v8+s1+$0x0 ss:$0x1], $0xffff  }
0x94: {  	v9 =	vor.u32 s0, v0  }
0x95: {  	v9 =	vand.u32 v1, v9;
	_ =	sdelay $0x1  }
0x96: {  	v10 =	vld.idx.msk [tilespmem:v10+s29+$0x0], $0xffff  }
0x97: {  	v11 =	vld.idx.msk [tilespmem:v11+s29+$0x0], $0xffff;
	_ =	sdelay $0x1  }
0x98: {  	v9 =	vld.idx.msk [tilespmem:v9+s29+$0x0], $0xffff  }
0x99: {  	v16 =	vld.idx.msk [tilespmem:v12+s30+$0x0], $0xffff  }
0x9a: {  	v19 =	vld.idx.msk [tilespmem:v12+s30+$0x600], $0xffff  }
0x9b: {  	s6 =	simm.s32 $0x800;
	v22 =	vld.idx.msk [tilespmem:v12+s30+$0x400], $0xffff  }
0x9c: {  	s5 =	simm.s32 $0x3218;
	v44 =	vld.idx.msk [tilespmem:v12+s6+$0x0], $0xffff  }
0x9d: {  	v14 =	vld.idx.msk [tilespmem:v10+s5+$0x0], $0xffff  }
0x9e: {  	v15 =	vld.idx.msk [tilespmem:v11+s5+$0xFFFFF9F8], $0xffff  }
0x9f: {  	v17 =	vld.idx.msk [tilespmem:v11+s5+$0x0], $0xffff  }
0xa0: {  	v28 =	vld.idx.msk [tilespmem:v10+s5+$0xFFFFF3F0], $0xffff  }
0xa1: {  	v30 =	vld.idx.msk [tilespmem:v11+s5+$0xFFFFEDE8], $0xffff  }
0xa2: {  	v26 =	vunpack.i.u.bf16.f32 v16;
	v16 =	vunpack.i.l.bf16.f32 v16;
	v31 =	vunpack.i.l.bf16.f32 v19;
	v13 =	vld.idx.msk [tilespmem:v9+s5+$0xFFFFEDE8], $0xffff  }
0xa3: {  	v21 =	vld.idx.msk [tilespmem:v10+s5+$0xFFFFEDE8], $0xffff;
	v34 =	vunpack.i.u.bf16.f32 v22;
	v22 =	vunpack.i.l.bf16.f32 v22;
	v19 =	vunpack.i.u.bf16.f32 v19  }
0xa4: {  	v59 =	vunpack.i.u.bf16.f32 v44;
	v44 =	vunpack.i.l.bf16.f32 v44;
	v18 =	vld.idx.msk [tilespmem:v9+s5+$0xFFFFF9F8], $0xffff;
	v24 =	vunpack.i.u.bf16.f32 v14  }
0xa5: {  	v20 =	vld.idx.msk [tilespmem:v9+s5+$0x0], $0xffff;
	v14 =	vunpack.i.l.bf16.f32 v14;
	v27 =	vunpack.i.u.bf16.f32 v15;
	v29 =	vunpack.i.l.bf16.f32 v17  }
0xa6: {  	v17 =	vunpack.i.u.bf16.f32 v17;
	v15 =	vunpack.i.l.bf16.f32 v15;
	v36 =	vunpack.i.l.bf16.f32 v30  }
0xa7: {  	v25 =	vld.idx.msk [tilespmem:v12+s30+$0x200], $0xffff;
	v38 =	vunpack.i.u.bf16.f32 v28;
	v30 =	vunpack.i.u.bf16.f32 v30;
	v23 =	vunpack.i.u.bf16.f32 v13  }
0xa8: {  	s26 =	simm.s32 $0x4A38;
	v13 =	vunpack.i.l.bf16.f32 v13;
	v14 =	vadd.f32 v29, v14;
	v29 =	vunpack.i.u.bf16.f32 v21  }
0xa9: {  	v37 =	vld.idx.msk [tilespmem:v9+s26+$0xFFFFEDE8], $0xffff;
	v24 =	vadd.f32 v17, v24;
	v17 =	vunpack.i.l.bf16.f32 v21;
	v33 =	vunpack.i.l.bf16.f32 v18  }
0xaa: {  	v62 =	vld.idx.msk [tilespmem:v12+s6+$0x400], $0xffff;
	v35 =	vunpack.i.u.bf16.f32 v20;
	v20 =	vunpack.i.l.bf16.f32 v20;
	v13 =	vadd.f32 v13, v16  }
0xab: {  	v18 =	vunpack.i.u.bf16.f32 v18;
	v16 =	vld.idx.msk [tilespmem:v11+s5+$0xFFFFF3F0], $0xffff;
	v32 =	vadd.f32 v23, v26;
	v20 =	vadd.f32 v20, v31  }
0xac: {  	v21 =	vunpack.i.u.bf16.f32 v25;
	v23 =	vld.idx.msk [tilespmem:v9+s5+$0xFFFFF3F0], $0xffff;
	v34 =	vadd.f32 v18, v34;
	v19 =	vadd.f32 v35, v19  }
0xad: {  	v25 =	vunpack.i.l.bf16.f32 v25;
	v26 =	vld.idx.msk [tilespmem:v10+s5+$0xFFFFF9F8], $0xffff;
	v33 =	vadd.f32 v33, v22;
	v17 =	vadd.f32 v36, v17  }
0xae: {  	v55 =	vunpack.i.u.bf16.f32 v37;
	v31 =	vld.idx.msk [tilespmem:v10+s26+$0x0], $0xffff;
	v61 =	vadd.f32 v30, v29;
	v19 =	vadd.f32 v24, v19  }
0xaf: {  	v18 =	vld.idx.msk [tilespmem:v11+s26+$0x0], $0xffff;
	v22 =	vunpack.i.l.bf16.f32 v37;
	v35 =	vunpack.i.u.bf16.f32 v62;
	v13 =	vadd.f32 v17, v13  }
0xb0: {  	v41 =	vld.idx.msk [tilespmem:v11+s26+$0xFFFFF9F8], $0xffff;
	v43 =	vadd.f32 v14, v20;
	v20 =	vunpack.i.l.bf16.f32 v28;
	v36 =	vadd.f32 v61, v32;
	[tilespmem:s12+$0xC00] =	vst v19  }
0xb1: {  	v58 =	vld.idx.msk [tilespmem:v10+s26+$0xFFFFEDE8], $0xffff;
	v19 =	vadd.f32 v22, v44;
	[tilespmem:s12+$0xFFFFF000] =	vst v13;
	v13 =	vadd.f32 v55, v59;
	v39 =	vunpack.i.l.bf16.f32 v16  }
0xb2: {  	v14 =	vld.idx.msk [tilespmem:v12+s6+$0x600], $0xffff;
	v40 =	vunpack.i.u.bf16.f32 v23;
	v23 =	vunpack.i.l.bf16.f32 v23;
	v42 =	vunpack.i.u.bf16.f32 v26  }
0xb3: {  	v17 =	vld.idx.msk [tilespmem:v9+s26+$0xFFFFF9F8], $0xffff;
	v16 =	vunpack.i.u.bf16.f32 v16;
	v57 =	vunpack.i.u.bf16.f32 v31;
	v31 =	vunpack.i.l.bf16.f32 v31  }
0xb4: {  	v24 =	vld.idx.msk [tilespmem:v9+s26+$0x0], $0xffff;
	v60 =	vunpack.i.l.bf16.f32 v18;
	v56 =	vadd.f32 v39, v20;
	v23 =	vadd.f32 v23, v25  }
0xb5: {  	v22 =	vld.idx.msk [tilespmem:v10+s26+$0xFFFFF3F0], $0xffff;
	v45 =	vunpack.i.u.bf16.f32 v18;
	v27 =	vadd.f32 v27, v42;
	v40 =	vadd.f32 v40, v21  }
0xb6: {  	v26 =	vunpack.i.l.bf16.f32 v26;
	v16 =	vadd.f32 v16, v38;
	v21 =	vld.idx.msk [tilespmem:v12+s6+$0x200], $0xffff;
	v23 =	vadd.f32 v56, v23  }
0xb7: {  	[tilespmem:s12+$0x800] =	vst v43;
	v18 =	vunpack.i.u.bf16.f32 v58;
	v30 =	vadd.f32 v15, v26;
	v26 =	vld.idx.msk [tilespmem:v11+s26+$0xFFFFEDE8], $0xffff;
	v34 =	vadd.f32 v27, v34  }
0xb8: {  	v20 =	vunpack.i.u.bf16.f32 v41;
	v25 =	vadd.f32 v60, v31;
	v31 =	vld.idx.msk [tilespmem:v11+s26+$0xFFFFF3F0], $0xffff;
	v29 =	vadd.f32 v16, v40;
	[tilespmem:s12+$0xFFFFF800] =	vst v23  }
0xb9: {  	v15 =	vunpack.i.l.bf16.f32 v41;
	v28 =	vunpack.i.l.bf16.f32 v14;
	v63 =	vadd.f32 v30, v33;
	[tilespmem:s12+$0x400] =	vst v34;
	v34 =	vld.idx.msk [tilespmem:v9+s26+$0xFFFFF3F0], $0xffff  }
0xba: {  	s13 =	simm.s32 $0x4;
	s11 =	sadd.s32 $0x2000, s12;
	s1 =	sadd.s32 s1, s28;
	v32 =	vunpack.i.u.bf16.f32 v24;
	v16 =	vld.idx.msk [tilespmem:v10+s26+$0xFFFFF9F8], $0xffff;
	v27 =	vunpack.i.l.bf16.f32 v58;
	v33 =	vunpack.i.l.bf16.f32 v62;
	[tilespmem:s12+$0xFFFFFC00] =	vst v29  }
0xbb: {  	s5 =	simm.s32 $0x1000;
	s6 =	simm.s32 $0x6258;
	v23 =	vadd.f32 v45, v57;
	v29 =	vunpack.i.l.bf16.f32 v17;
	[tilespmem:s12+$0x0] =	vst v63;
	s26 =	smov.u32 s12;
	v30 =	vunpack.i.u.bf16.f32 v21  }
.LBB2_6:
0xbc: {  	v37 =	vld.idx.msk [tilespmem:v9+s6+$0xFFFFEDE8], $0xffff;
	s13 =	sadd.s32 $0x4, s13;
	v38 =	vunpack.i.l.bf16.f32 v26;
	v39 =	vunpack.i.u.bf16.f32 v22;
	v24 =	vunpack.i.l.bf16.f32 v24;
	[tilespmem:s26+$0xFFFFF400] =	vst v36;
	s26 =	smov.u32 s11;
	s11 =	sadd.s32 $0x2000, s11  }
0xbd: {  	v26 =	vunpack.i.u.bf16.f32 v26;
	v40 =	vunpack.i.l.bf16.f32 v31;
	v36 =	vld.idx.msk [tilespmem:v10+s6+$0x0], $0xffff;
	p2 =	slt.u32 s13, $0xC;
	v24 =	vadd.f32 v24, v28  }
0xbe: {  	v31 =	vunpack.i.u.bf16.f32 v31;
	v28 =	vunpack.i.u.bf16.f32 v34;
	v34 =	vunpack.i.l.bf16.f32 v34;
	v41 =	vld.idx.msk [tilespmem:v11+s6+$0xFFFFF9F8], $0xffff  }
0xbf: {  	v17 =	vunpack.i.u.bf16.f32 v17;
	v43 =	vunpack.i.u.bf16.f32 v16;
	v42 =	vld.idx.msk [tilespmem:v12+s5+$0x0], $0xffff;
	v24 =	vadd.f32 v25, v24  }
0xc0: {  	v44 =	vunpack.i.l.bf16.f32 v21;
	v35 =	vadd.f32 v17, v35;
	v43 =	vadd.f32 v20, v43;
	v25 =	vld.idx.msk [tilespmem:v11+s6+$0x0], $0xffff  }
0xc1: {  	v29 =	vadd.f32 v29, v33;
	v20 =	vunpack.i.u.bf16.f32 v14;
	v30 =	vadd.f32 v28, v30;
	v17 =	vld.idx.msk [tilespmem:v9+s6+$0xFFFFF9F8], $0xffff;
	[tilespmem:s26+$0x800] =	vst v24  }
0xc2: {  	v21 =	vunpack.i.l.bf16.f32 v22;
	v20 =	vadd.f32 v32, v20;
	v33 =	vunpack.i.u.bf16.f32 v37;
	v14 =	vld.idx.msk [tilespmem:v12+s5+$0x600], $0xffff  }
0xc3: {  	v22 =	vadd.f32 v38, v27;
	v27 =	vadd.f32 v40, v21;
	v32 =	vunpack.i.l.bf16.f32 v37;
	v24 =	vld.idx.msk [tilespmem:v9+s6+$0x0], $0xffff  }
0xc4: {  	v31 =	vadd.f32 v31, v39;
	v38 =	vunpack.i.u.bf16.f32 v36;
	v36 =	vunpack.i.l.bf16.f32 v36;
	v37 =	vld.idx.msk [tilespmem:v10+s6+$0xFFFFEDE8], $0xffff  }
0xc5: {  	v19 =	vadd.f32 v22, v19;
	v23 =	vadd.f32 v23, v20;
	v39 =	vunpack.i.u.bf16.f32 v42;
	v40 =	vld.idx.msk [tilespmem:v12+s5+$0x400], $0xffff  }
0xc6: {  	v34 =	vadd.f32 v34, v44;
	v20 =	vunpack.i.u.bf16.f32 v41;
	v45 =	vunpack.i.l.bf16.f32 v25;
	v21 =	vld.idx.msk [tilespmem:v12+s5+$0x200], $0xffff  }
0xc7: {  	v46 =	vadd.f32 v26, v18;
	v42 =	vunpack.i.l.bf16.f32 v42;
	v44 =	vunpack.i.u.bf16.f32 v25;
	v22 =	vld.idx.msk [tilespmem:v10+s6+$0xFFFFF3F0], $0xffff;
	[tilespmem:s26+$0xC00] =	vst v23  }
0xc8: {  	v25 =	vadd.f32 v45, v36;
	v28 =	vunpack.i.l.bf16.f32 v14;
	v23 =	vadd.f32 v27, v34;
	v26 =	vld.idx.msk [tilespmem:v11+s6+$0xFFFFEDE8], $0xffff;
	[tilespmem:s26+$0xFFFFF000] =	vst v19  }
0xc9: {  	v27 =	vadd.f32 v31, v30;
	v30 =	vunpack.i.l.bf16.f32 v16;
	v19 =	vadd.f32 v32, v42;
	v16 =	vld.idx.msk [tilespmem:v10+s6+$0xFFFFF9F8], $0xffff  }
.Ltmp1:
0xca: {  	v30 =	vadd.f32 v15, v30;
	v32 =	vadd.f32 v43, v35;
	v18 =	vunpack.i.u.bf16.f32 v37;
	v31 =	vld.idx.msk [tilespmem:v11+s6+$0xFFFFF3F0], $0xffff;
	[tilespmem:s26+$0xFFFFF800] =	vst v23;
	(pc) =	sbr.rel @p2 .LBB2_6-.Ltmp1, $4  }
0xcb: {  	v33 =	vadd.f32 v33, v39;
	v15 =	vunpack.i.l.bf16.f32 v41;
	v23 =	vadd.f32 v44, v38;
	v34 =	vld.idx.msk [tilespmem:v9+s6+$0xFFFFF3F0], $0xffff;
	[tilespmem:s26+$0xFFFFFC00] =	vst v27  }
0xcc: {  	v27 =	vunpack.i.l.bf16.f32 v37;
	v37 =	vadd.f32 v30, v29;
	[tilespmem:s26+$0x400] =	vst v32  }
0xcd: {  	v36 =	vadd.f32 v46, v13;
	v13 =	vmovc v33;
	v30 =	vunpack.i.u.bf16.f32 v21;
	v29 =	vunpack.i.l.bf16.f32 v17  }
0xce: {  	s5 =	sadd.s32 $0x800, s5;
	v35 =	vunpack.i.u.bf16.f32 v40;
	v33 =	vunpack.i.l.bf16.f32 v40;
	s6 =	sadd.s32 $0x1820, s6;
	v32 =	vunpack.i.u.bf16.f32 v24;
	[tilespmem:s26+$0x0] =	vst v37  }
0xcf: {  	v9 =	vunpack.i.l.bf16.f32 v26;
	v10 =	vunpack.i.u.bf16.f32 v22  }
0xd0: {  	v11 =	vunpack.i.l.bf16.f32 v24;
	v12 =	vunpack.i.l.bf16.f32 v31;
	v31 =	vunpack.i.u.bf16.f32 v31  }
0xd1: {  	v17 =	vunpack.i.u.bf16.f32 v17;
	v49 =	vunpack.i.u.bf16.f32 v16;
	v14 =	vunpack.i.u.bf16.f32 v14  }
0xd2: {  	v22 =	vunpack.i.l.bf16.f32 v22;
	v11 =	vadd.f32 v11, v28;
	v17 =	vadd.f32 v17, v35  }
0xd3: {  	v21 =	vunpack.i.l.bf16.f32 v21;
	v20 =	vadd.f32 v20, v49;
	v14 =	vadd.f32 v32, v14  }
0xd4: {  	v16 =	vunpack.i.l.bf16.f32 v16;
	v9 =	vadd.f32 v9, v27;
	v12 =	vadd.f32 v12, v22  }
0xd5: {  	v28 =	vunpack.i.l.bf16.f32 v34;
	v10 =	vadd.f32 v31, v10;
	v11 =	vadd.f32 v25, v11  }
0xd6: {  	[tilespmem:s26+$0xFFFFF400] =	vst v36;
	v24 =	vunpack.i.u.bf16.f32 v34;
	v21 =	vadd.f32 v28, v21;
	v14 =	vadd.f32 v23, v14  }
0xd7: {  	s5 =	sor.u32 $0x30, s0;
	v22 =	vunpack.i.u.bf16.f32 v26;
	v24 =	vadd.f32 v24, v30;
	v9 =	vadd.f32 v9, v19;
	[tilespmem:s11+$0x800] =	vst v11  }
0xd8: {  	v12 =	vadd.f32 v12, v21;
	[tilespmem:s11+$0xC00] =	vst v14;
	v14 =	vadd.f32 v15, v16;
	v15 =	vadd.s32 s5, v0  }
0xd9: {  	v25 =	vadd.f32 v29, v33;
	v10 =	vadd.f32 v10, v24;
	[tilespmem:s11+$0xFFFFF000] =	vst v9;
	v15 =	vand.u32 $0xFF8, v15  }
0xda: {  	v11 =	vadd.f32 v22, v18;
	v9 =	vadd.f32 v20, v17;
	[tilespmem:s11+$0xFFFFF800] =	vst v12;
	v12 =	vor.u32 v4, v15  }
0xdb: {  	[tilespmem:s11+$0xFFFFFC00] =	vst v10;
	v10 =	vadd.f32 v14, v25  }
0xdc: {  	[tilespmem:s11+$0x400] =	vst v9;
	v9 =	vadd.f32 v11, v13  }
0xdd: {  	[tilespmem:s11+$0x0] =	vst v10  }
0xde: {  	v16 =	vadd.s32 s5, v2;
	[tilespmem:s11+$0xFFFFF400] =	vst v9  }
0xdf: {  	v15 =	vand.u32 $0xFF8, v16;
	v16 =	vadd.s32 s5, v3;
	v9 =	vld.idx.msk [tilespmem:v12+s29+$0x0], $0xffff  }
0xe0: {  	v14 =	vor.u32 v5, v15;
	v15 =	vand.u32 $0xFF8, v16;
	v12 =	vld [tilespmem:s1+$0x10]  }
0xe1: {  	v11 =	vor.u32 v6, v15;
	_ =	sdelay $0x3  }
0xe2: {  	v10 =	vld.idx.msk [tilespmem:v14+s29+$0x0], $0xffff  }
0xe3: {  	s13 =	simm.s32 $0x3218;
	v11 =	vld.idx.msk [tilespmem:v11+s29+$0x0], $0xffff  }
0xe4: {  	s6 =	simm.s32 $0x0;
	v13 =	vld.idx.msk [tilespmem:v9+s13+$0xFFFFEDE8], $0xffff  }
0xe5: {  	v16 =	vld.idx.msk [tilespmem:v12+s6+$0x0], $0xffff  }
0xe6: {  	v18 =	vld.idx.msk [tilespmem:v9+s13+$0xFFFFF9F8], $0xffff  }
0xe7: {  	v19 =	vld.idx.msk [tilespmem:v12+s6+$0x600], $0xffff  }
0xe8: {  	v20 =	vld.idx.msk [tilespmem:v9+s13+$0x0], $0xffff  }
0xe9: {  	s5 =	simm.s32 $0x4A38;
	v22 =	vld.idx.msk [tilespmem:v12+s6+$0x400], $0xffff  }
0xea: {  	s26 =	simm.s32 $0x800;
	v37 =	vld.idx.msk [tilespmem:v9+s5+$0xFFFFEDE8], $0xffff  }
0xeb: {  	v44 =	vld.idx.msk [tilespmem:v12+s26+$0x0], $0xffff  }
0xec: {  	v62 =	vld.idx.msk [tilespmem:v12+s26+$0x400], $0xffff  }
0xed: {  	v14 =	vld.idx.msk [tilespmem:v10+s13+$0x0], $0xffff;
	v23 =	vunpack.i.u.bf16.f32 v13;
	v13 =	vunpack.i.l.bf16.f32 v13;
	v26 =	vunpack.i.u.bf16.f32 v16  }
0xee: {  	v16 =	vunpack.i.l.bf16.f32 v16;
	v31 =	vunpack.i.l.bf16.f32 v19;
	v51 =	vunpack.i.l.bf16.f32 v18  }
0xef: {  	v28 =	vld.idx.msk [tilespmem:v10+s13+$0xFFFFF3F0], $0xffff;
	v52 =	vunpack.i.u.bf16.f32 v22;
	v22 =	vunpack.i.l.bf16.f32 v22;
	v53 =	vunpack.i.u.bf16.f32 v20  }
0xf0: {  	v15 =	vld.idx.msk [tilespmem:v11+s13+$0xFFFFF9F8], $0xffff;
	v20 =	vunpack.i.l.bf16.f32 v20;
	v18 =	vunpack.i.u.bf16.f32 v18;
	v19 =	vunpack.i.u.bf16.f32 v19  }
0xf1: {  	v17 =	vld.idx.msk [tilespmem:v11+s13+$0x0], $0xffff;
	v55 =	vunpack.i.u.bf16.f32 v37;
	v59 =	vunpack.i.u.bf16.f32 v44;
	v44 =	vunpack.i.l.bf16.f32 v44  }
0xf2: {  	v30 =	vld.idx.msk [tilespmem:v11+s13+$0xFFFFEDE8], $0xffff;
	v35 =	vunpack.i.u.bf16.f32 v62;
	v24 =	vunpack.i.u.bf16.f32 v14;
	v13 =	vadd.f32 v13, v16  }
0xf3: {  	v21 =	vld.idx.msk [tilespmem:v10+s13+$0xFFFFEDE8], $0xffff;
	v14 =	vunpack.i.l.bf16.f32 v14;
	v50 =	vadd.f32 v23, v26;
	v20 =	vadd.f32 v20, v31  }
0xf4: {  	v25 =	vld.idx.msk [tilespmem:v12+s6+$0x200], $0xffff;
	v38 =	vunpack.i.u.bf16.f32 v28;
	v34 =	vadd.f32 v18, v52;
	v33 =	vadd.f32 v51, v22  }
0xf5: {  	v16 =	vld.idx.msk [tilespmem:v11+s13+$0xFFFFF3F0], $0xffff;
	v19 =	vadd.f32 v53, v19;
	v22 =	vunpack.i.l.bf16.f32 v37;
	v27 =	vunpack.i.u.bf16.f32 v15  }
0xf6: {  	v23 =	vld.idx.msk [tilespmem:v9+s13+$0xFFFFF3F0], $0xffff;
	v29 =	vunpack.i.l.bf16.f32 v17;
	v17 =	vunpack.i.u.bf16.f32 v17;
	v15 =	vunpack.i.l.bf16.f32 v15  }
0xf7: {  	v26 =	vld.idx.msk [tilespmem:v10+s13+$0xFFFFF9F8], $0xffff;
	v54 =	vunpack.i.l.bf16.f32 v30;
	v30 =	vunpack.i.u.bf16.f32 v30;
	v14 =	vadd.f32 v29, v14  }
0xf8: {  	v31 =	vld.idx.msk [tilespmem:v10+s5+$0x0], $0xffff;
	v29 =	vunpack.i.u.bf16.f32 v21;
	v24 =	vadd.f32 v17, v24;
	v17 =	vunpack.i.l.bf16.f32 v21  }
0xf9: {  	v18 =	vld.idx.msk [tilespmem:v11+s5+$0x0], $0xffff;
	v21 =	vunpack.i.u.bf16.f32 v25;
	v25 =	vunpack.i.l.bf16.f32 v25;
	v17 =	vadd.f32 v54, v17  }
0xfa: {  	v61 =	vadd.f32 v30, v29;
	v43 =	vadd.f32 v14, v20;
	v20 =	vunpack.i.l.bf16.f32 v28  }
0xfb: {  	v58 =	vld.idx.msk [tilespmem:v10+s5+$0xFFFFEDE8], $0xffff;
	v19 =	vadd.f32 v24, v19;
	v39 =	vunpack.i.l.bf16.f32 v16;
	v40 =	vunpack.i.u.bf16.f32 v23  }
0xfc: {  	v41 =	vld.idx.msk [tilespmem:v11+s5+$0xFFFFF9F8], $0xffff;
	v23 =	vunpack.i.l.bf16.f32 v23;
	v42 =	vunpack.i.u.bf16.f32 v26;
	v16 =	vunpack.i.u.bf16.f32 v16  }
0xfd: {  	v14 =	vld.idx.msk [tilespmem:v12+s26+$0x600], $0xffff;
	v57 =	vunpack.i.u.bf16.f32 v31;
	v31 =	vunpack.i.l.bf16.f32 v31;
	v13 =	vadd.f32 v17, v13  }
0xfe: {  	v24 =	vld.idx.msk [tilespmem:v9+s5+$0x0], $0xffff;
	v60 =	vunpack.i.l.bf16.f32 v18;
	v36 =	vadd.f32 v61, v50;
	v27 =	vadd.f32 v27, v42  }
0xff: {  	v17 =	vld.idx.msk [tilespmem:v9+s5+$0xFFFFF9F8], $0xffff;
	v45 =	vunpack.i.u.bf16.f32 v18;
	v56 =	vadd.f32 v39, v20;
	v23 =	vadd.f32 v23, v25  }
0x100: {  	v26 =	vunpack.i.l.bf16.f32 v26;
	v40 =	vadd.f32 v40, v21;
	v16 =	vadd.f32 v16, v38;
	[tilespmem:s25+$0x800] =	vst v43;
	v21 =	vld.idx.msk [tilespmem:v12+s26+$0x200], $0xffff  }
0x101: {  	v18 =	vunpack.i.u.bf16.f32 v58;
	[tilespmem:s25+$0xC00] =	vst v19;
	v19 =	vadd.f32 v22, v44;
	v22 =	vld.idx.msk [tilespmem:v10+s5+$0xFFFFF3F0], $0xffff;
	v23 =	vadd.f32 v56, v23  }
0x102: {  	v20 =	vunpack.i.u.bf16.f32 v41;
	v30 =	vadd.f32 v15, v26;
	v26 =	vld.idx.msk [tilespmem:v11+s5+$0xFFFFEDE8], $0xffff;
	[tilespmem:s25+$0xFFFFF000] =	vst v13;
	v34 =	vadd.f32 v27, v34  }
0x103: {  	v25 =	vadd.f32 v60, v31;
	v15 =	vunpack.i.l.bf16.f32 v41;
	v31 =	vld.idx.msk [tilespmem:v11+s5+$0xFFFFF3F0], $0xffff;
	v29 =	vadd.f32 v16, v40;
	[tilespmem:s25+$0xFFFFF800] =	vst v23  }
0x104: {  	v13 =	vadd.f32 v55, v59;
	v27 =	vunpack.i.l.bf16.f32 v58;
	v63 =	vadd.f32 v30, v33;
	[tilespmem:s25+$0x400] =	vst v34;
	v34 =	vld.idx.msk [tilespmem:v9+s5+$0xFFFFF3F0], $0xffff  }
0x105: {  	s11 =	sadd.s32 $0x2000, s25;
	s6 =	simm.s32 $0x6258;
	v16 =	vld.idx.msk [tilespmem:v10+s5+$0xFFFFF9F8], $0xffff;
	v33 =	vunpack.i.l.bf16.f32 v62;
	v28 =	vunpack.i.l.bf16.f32 v14;
	v32 =	vunpack.i.u.bf16.f32 v24;
	[tilespmem:s25+$0xFFFFFC00] =	vst v29  }
0x106: {  	s13 =	simm.s32 $0x4;
	s26 =	smov.u32 s25;
	v23 =	vadd.f32 v45, v57;
	v29 =	vunpack.i.l.bf16.f32 v17;
	s5 =	simm.s32 $0x1000;
	[tilespmem:s25+$0x0] =	vst v63;
	v30 =	vunpack.i.u.bf16.f32 v21  }
.LBB2_8:
0x107: {  	v37 =	vld.idx.msk [tilespmem:v9+s6+$0xFFFFEDE8], $0xffff;
	s13 =	sadd.s32 $0x4, s13;
	v38 =	vunpack.i.l.bf16.f32 v26;
	v39 =	vunpack.i.u.bf16.f32 v22;
	v24 =	vunpack.i.l.bf16.f32 v24;
	[tilespmem:s26+$0xFFFFF400] =	vst v36;
	s26 =	smov.u32 s11;
	s11 =	sadd.s32 $0x2000, s11  }
0x108: {  	v26 =	vunpack.i.u.bf16.f32 v26;
	v40 =	vunpack.i.l.bf16.f32 v31;
	v36 =	vld.idx.msk [tilespmem:v10+s6+$0x0], $0xffff;
	p2 =	slt.u32 s13, $0xC;
	v24 =	vadd.f32 v24, v28  }
0x109: {  	v31 =	vunpack.i.u.bf16.f32 v31;
	v28 =	vunpack.i.u.bf16.f32 v34;
	v34 =	vunpack.i.l.bf16.f32 v34;
	v41 =	vld.idx.msk [tilespmem:v11+s6+$0xFFFFF9F8], $0xffff  }
0x10a: {  	v17 =	vunpack.i.u.bf16.f32 v17;
	v43 =	vunpack.i.u.bf16.f32 v16;
	v42 =	vld.idx.msk [tilespmem:v12+s5+$0x0], $0xffff;
	v24 =	vadd.f32 v25, v24  }
0x10b: {  	v44 =	vunpack.i.l.bf16.f32 v21;
	v35 =	vadd.f32 v17, v35;
	v43 =	vadd.f32 v20, v43;
	v25 =	vld.idx.msk [tilespmem:v11+s6+$0x0], $0xffff  }
0x10c: {  	v29 =	vadd.f32 v29, v33;
	v20 =	vunpack.i.u.bf16.f32 v14;
	v30 =	vadd.f32 v28, v30;
	v17 =	vld.idx.msk [tilespmem:v9+s6+$0xFFFFF9F8], $0xffff;
	[tilespmem:s26+$0x800] =	vst v24  }
0x10d: {  	v21 =	vunpack.i.l.bf16.f32 v22;
	v20 =	vadd.f32 v32, v20;
	v33 =	vunpack.i.u.bf16.f32 v37;
	v14 =	vld.idx.msk [tilespmem:v12+s5+$0x600], $0xffff  }
0x10e: {  	v22 =	vadd.f32 v38, v27;
	v27 =	vadd.f32 v40, v21;
	v32 =	vunpack.i.l.bf16.f32 v37;
	v24 =	vld.idx.msk [tilespmem:v9+s6+$0x0], $0xffff  }
0x10f: {  	v31 =	vadd.f32 v31, v39;
	v38 =	vunpack.i.u.bf16.f32 v36;
	v36 =	vunpack.i.l.bf16.f32 v36;
	v37 =	vld.idx.msk [tilespmem:v10+s6+$0xFFFFEDE8], $0xffff  }
0x110: {  	v19 =	vadd.f32 v22, v19;
	v23 =	vadd.f32 v23, v20;
	v39 =	vunpack.i.u.bf16.f32 v42;
	v40 =	vld.idx.msk [tilespmem:v12+s5+$0x400], $0xffff  }
0x111: {  	v34 =	vadd.f32 v34, v44;
	v20 =	vunpack.i.u.bf16.f32 v41;
	v45 =	vunpack.i.l.bf16.f32 v25;
	v21 =	vld.idx.msk [tilespmem:v12+s5+$0x200], $0xffff  }
0x112: {  	v46 =	vadd.f32 v26, v18;
	v42 =	vunpack.i.l.bf16.f32 v42;
	v44 =	vunpack.i.u.bf16.f32 v25;
	v22 =	vld.idx.msk [tilespmem:v10+s6+$0xFFFFF3F0], $0xffff;
	[tilespmem:s26+$0xC00] =	vst v23  }
0x113: {  	v25 =	vadd.f32 v45, v36;
	v28 =	vunpack.i.l.bf16.f32 v14;
	v23 =	vadd.f32 v27, v34;
	v26 =	vld.idx.msk [tilespmem:v11+s6+$0xFFFFEDE8], $0xffff;
	[tilespmem:s26+$0xFFFFF000] =	vst v19  }
0x114: {  	v27 =	vadd.f32 v31, v30;
	v30 =	vunpack.i.l.bf16.f32 v16;
	v19 =	vadd.f32 v32, v42;
	v16 =	vld.idx.msk [tilespmem:v10+s6+$0xFFFFF9F8], $0xffff  }
.Ltmp2:
0x115: {  	v30 =	vadd.f32 v15, v30;
	v32 =	vadd.f32 v43, v35;
	v18 =	vunpack.i.u.bf16.f32 v37;
	v31 =	vld.idx.msk [tilespmem:v11+s6+$0xFFFFF3F0], $0xffff;
	[tilespmem:s26+$0xFFFFF800] =	vst v23;
	(pc) =	sbr.rel @p2 .LBB2_8-.Ltmp2, $4  }
0x116: {  	v33 =	vadd.f32 v33, v39;
	v15 =	vunpack.i.l.bf16.f32 v41;
	v23 =	vadd.f32 v44, v38;
	v34 =	vld.idx.msk [tilespmem:v9+s6+$0xFFFFF3F0], $0xffff;
	[tilespmem:s26+$0xFFFFFC00] =	vst v27  }
0x117: {  	v27 =	vunpack.i.l.bf16.f32 v37;
	v37 =	vadd.f32 v30, v29;
	[tilespmem:s26+$0x400] =	vst v32  }
0x118: {  	v36 =	vadd.f32 v46, v13;
	v13 =	vmovc v33;
	v30 =	vunpack.i.u.bf16.f32 v21;
	v29 =	vunpack.i.l.bf16.f32 v17  }
0x119: {  	s5 =	sadd.s32 $0x800, s5;
	v35 =	vunpack.i.u.bf16.f32 v40;
	v33 =	vunpack.i.l.bf16.f32 v40;
	s6 =	sadd.s32 $0x1820, s6;
	v32 =	vunpack.i.u.bf16.f32 v24;
	[tilespmem:s26+$0x0] =	vst v37  }
0x11a: {  	v9 =	vunpack.i.l.bf16.f32 v26;
	v10 =	vunpack.i.u.bf16.f32 v22  }
0x11b: {  	v11 =	vunpack.i.l.bf16.f32 v24;
	v12 =	vunpack.i.l.bf16.f32 v31;
	v31 =	vunpack.i.u.bf16.f32 v31  }
0x11c: {  	v17 =	vunpack.i.u.bf16.f32 v17;
	v49 =	vunpack.i.u.bf16.f32 v16;
	v14 =	vunpack.i.u.bf16.f32 v14  }
0x11d: {  	v22 =	vunpack.i.l.bf16.f32 v22;
	v11 =	vadd.f32 v11, v28;
	v17 =	vadd.f32 v17, v35  }
0x11e: {  	v21 =	vunpack.i.l.bf16.f32 v21;
	v20 =	vadd.f32 v20, v49;
	v14 =	vadd.f32 v32, v14  }
0x11f: {  	v16 =	vunpack.i.l.bf16.f32 v16;
	v9 =	vadd.f32 v9, v27;
	v12 =	vadd.f32 v12, v22  }
0x120: {  	v28 =	vunpack.i.l.bf16.f32 v34;
	v10 =	vadd.f32 v31, v10;
	v11 =	vadd.f32 v25, v11  }
0x121: {  	[tilespmem:s26+$0xFFFFF400] =	vst v36;
	v24 =	vunpack.i.u.bf16.f32 v34;
	v21 =	vadd.f32 v28, v21;
	v14 =	vadd.f32 v23, v14  }
0x122: {  	s5 =	sor.u32 $0x60, s0;
	v22 =	vunpack.i.u.bf16.f32 v26;
	v24 =	vadd.f32 v24, v30;
	v9 =	vadd.f32 v9, v19;
	[tilespmem:s11+$0x800] =	vst v11  }
0x123: {  	v12 =	vadd.f32 v12, v21;
	[tilespmem:s11+$0xC00] =	vst v14;
	v14 =	vadd.f32 v15, v16;
	v15 =	vadd.s32 s5, v0  }
0x124: {  	v25 =	vadd.f32 v29, v33;
	v10 =	vadd.f32 v10, v24;
	[tilespmem:s11+$0xFFFFF000] =	vst v9;
	v15 =	vand.u32 $0x1FF8, v15  }
0x125: {  	v11 =	vadd.f32 v22, v18;
	v9 =	vadd.f32 v20, v17;
	[tilespmem:s11+$0xFFFFF800] =	vst v12;
	v12 =	vor.u32 v4, v15  }
0x126: {  	[tilespmem:s11+$0xFFFFFC00] =	vst v10;
	v10 =	vadd.f32 v14, v25  }
0x127: {  	[tilespmem:s11+$0x400] =	vst v9;
	v9 =	vadd.f32 v11, v13  }
0x128: {  	[tilespmem:s11+$0x0] =	vst v10  }
0x129: {  	v16 =	vadd.s32 s5, v2;
	[tilespmem:s11+$0xFFFFF400] =	vst v9  }
0x12a: {  	v15 =	vand.u32 $0x1FF8, v16;
	v16 =	vadd.s32 s5, v3;
	v9 =	vld.idx.msk [tilespmem:v12+s29+$0x0], $0xffff  }
0x12b: {  	v14 =	vor.u32 v5, v15;
	v15 =	vand.u32 $0x1FF8, v16;
	v12 =	vld [tilespmem:s1+$0x20]  }
0x12c: {  	v11 =	vor.u32 v6, v15;
	_ =	sdelay $0x3  }
0x12d: {  	v10 =	vld.idx.msk [tilespmem:v14+s29+$0x0], $0xffff  }
0x12e: {  	s13 =	simm.s32 $0x3218;
	v11 =	vld.idx.msk [tilespmem:v11+s29+$0x0], $0xffff  }
0x12f: {  	s6 =	simm.s32 $0x0;
	v13 =	vld.idx.msk [tilespmem:v9+s13+$0xFFFFEDE8], $0xffff  }
0x130: {  	v16 =	vld.idx.msk [tilespmem:v12+s6+$0x0], $0xffff  }
0x131: {  	v18 =	vld.idx.msk [tilespmem:v9+s13+$0xFFFFF9F8], $0xffff  }
0x132: {  	v19 =	vld.idx.msk [tilespmem:v12+s6+$0x600], $0xffff  }
0x133: {  	v20 =	vld.idx.msk [tilespmem:v9+s13+$0x0], $0xffff  }
0x134: {  	s5 =	simm.s32 $0x4A38;
	v22 =	vld.idx.msk [tilespmem:v12+s6+$0x400], $0xffff  }
0x135: {  	s26 =	simm.s32 $0x800;
	v37 =	vld.idx.msk [tilespmem:v9+s5+$0xFFFFEDE8], $0xffff  }
0x136: {  	v44 =	vld.idx.msk [tilespmem:v12+s26+$0x0], $0xffff  }
0x137: {  	v62 =	vld.idx.msk [tilespmem:v12+s26+$0x400], $0xffff  }
0x138: {  	v14 =	vld.idx.msk [tilespmem:v10+s13+$0x0], $0xffff;
	v23 =	vunpack.i.u.bf16.f32 v13;
	v13 =	vunpack.i.l.bf16.f32 v13;
	v26 =	vunpack.i.u.bf16.f32 v16  }
0x139: {  	v16 =	vunpack.i.l.bf16.f32 v16;
	v31 =	vunpack.i.l.bf16.f32 v19;
	v51 =	vunpack.i.l.bf16.f32 v18  }
0x13a: {  	v28 =	vld.idx.msk [tilespmem:v10+s13+$0xFFFFF3F0], $0xffff;
	v52 =	vunpack.i.u.bf16.f32 v22;
	v22 =	vunpack.i.l.bf16.f32 v22;
	v53 =	vunpack.i.u.bf16.f32 v20  }
0x13b: {  	v15 =	vld.idx.msk [tilespmem:v11+s13+$0xFFFFF9F8], $0xffff;
	v20 =	vunpack.i.l.bf16.f32 v20;
	v18 =	vunpack.i.u.bf16.f32 v18;
	v19 =	vunpack.i.u.bf16.f32 v19  }
0x13c: {  	v17 =	vld.idx.msk [tilespmem:v11+s13+$0x0], $0xffff;
	v55 =	vunpack.i.u.bf16.f32 v37;
	v59 =	vunpack.i.u.bf16.f32 v44;
	v44 =	vunpack.i.l.bf16.f32 v44  }
0x13d: {  	v30 =	vld.idx.msk [tilespmem:v11+s13+$0xFFFFEDE8], $0xffff;
	v35 =	vunpack.i.u.bf16.f32 v62;
	v24 =	vunpack.i.u.bf16.f32 v14;
	v13 =	vadd.f32 v13, v16  }
0x13e: {  	v21 =	vld.idx.msk [tilespmem:v10+s13+$0xFFFFEDE8], $0xffff;
	v14 =	vunpack.i.l.bf16.f32 v14;
	v50 =	vadd.f32 v23, v26;
	v20 =	vadd.f32 v20, v31  }
0x13f: {  	v25 =	vld.idx.msk [tilespmem:v12+s6+$0x200], $0xffff;
	v38 =	vunpack.i.u.bf16.f32 v28;
	v34 =	vadd.f32 v18, v52;
	v33 =	vadd.f32 v51, v22  }
0x140: {  	v16 =	vld.idx.msk [tilespmem:v11+s13+$0xFFFFF3F0], $0xffff;
	v19 =	vadd.f32 v53, v19;
	v22 =	vunpack.i.l.bf16.f32 v37;
	v27 =	vunpack.i.u.bf16.f32 v15  }
0x141: {  	v23 =	vld.idx.msk [tilespmem:v9+s13+$0xFFFFF3F0], $0xffff;
	v29 =	vunpack.i.l.bf16.f32 v17;
	v17 =	vunpack.i.u.bf16.f32 v17;
	v15 =	vunpack.i.l.bf16.f32 v15  }
0x142: {  	v26 =	vld.idx.msk [tilespmem:v10+s13+$0xFFFFF9F8], $0xffff;
	v54 =	vunpack.i.l.bf16.f32 v30;
	v30 =	vunpack.i.u.bf16.f32 v30;
	v14 =	vadd.f32 v29, v14  }
0x143: {  	v31 =	vld.idx.msk [tilespmem:v10+s5+$0x0], $0xffff;
	v29 =	vunpack.i.u.bf16.f32 v21;
	v24 =	vadd.f32 v17, v24;
	v17 =	vunpack.i.l.bf16.f32 v21  }
0x144: {  	v18 =	vld.idx.msk [tilespmem:v11+s5+$0x0], $0xffff;
	v21 =	vunpack.i.u.bf16.f32 v25;
	v25 =	vunpack.i.l.bf16.f32 v25;
	v17 =	vadd.f32 v54, v17  }
0x145: {  	v61 =	vadd.f32 v30, v29;
	v43 =	vadd.f32 v14, v20;
	v20 =	vunpack.i.l.bf16.f32 v28  }
0x146: {  	v58 =	vld.idx.msk [tilespmem:v10+s5+$0xFFFFEDE8], $0xffff;
	v19 =	vadd.f32 v24, v19;
	v39 =	vunpack.i.l.bf16.f32 v16;
	v40 =	vunpack.i.u.bf16.f32 v23  }
0x147: {  	v41 =	vld.idx.msk [tilespmem:v11+s5+$0xFFFFF9F8], $0xffff;
	v23 =	vunpack.i.l.bf16.f32 v23;
	v42 =	vunpack.i.u.bf16.f32 v26;
	v16 =	vunpack.i.u.bf16.f32 v16  }
0x148: {  	v14 =	vld.idx.msk [tilespmem:v12+s26+$0x600], $0xffff;
	v57 =	vunpack.i.u.bf16.f32 v31;
	v31 =	vunpack.i.l.bf16.f32 v31;
	v13 =	vadd.f32 v17, v13  }
0x149: {  	v24 =	vld.idx.msk [tilespmem:v9+s5+$0x0], $0xffff;
	v60 =	vunpack.i.l.bf16.f32 v18;
	v36 =	vadd.f32 v61, v50;
	v27 =	vadd.f32 v27, v42  }
0x14a: {  	v17 =	vld.idx.msk [tilespmem:v9+s5+$0xFFFFF9F8], $0xffff;
	v45 =	vunpack.i.u.bf16.f32 v18;
	v56 =	vadd.f32 v39, v20;
	v23 =	vadd.f32 v23, v25  }
0x14b: {  	v26 =	vunpack.i.l.bf16.f32 v26;
	v40 =	vadd.f32 v40, v21;
	v16 =	vadd.f32 v16, v38;
	[tilespmem:s24+$0x800] =	vst v43;
	v21 =	vld.idx.msk [tilespmem:v12+s26+$0x200], $0xffff  }
0x14c: {  	v18 =	vunpack.i.u.bf16.f32 v58;
	[tilespmem:s24+$0xC00] =	vst v19;
	v19 =	vadd.f32 v22, v44;
	v22 =	vld.idx.msk [tilespmem:v10+s5+$0xFFFFF3F0], $0xffff;
	v23 =	vadd.f32 v56, v23  }
0x14d: {  	v20 =	vunpack.i.u.bf16.f32 v41;
	v30 =	vadd.f32 v15, v26;
	v26 =	vld.idx.msk [tilespmem:v11+s5+$0xFFFFEDE8], $0xffff;
	[tilespmem:s24+$0xFFFFF000] =	vst v13;
	v34 =	vadd.f32 v27, v34  }
0x14e: {  	v25 =	vadd.f32 v60, v31;
	v15 =	vunpack.i.l.bf16.f32 v41;
	v31 =	vld.idx.msk [tilespmem:v11+s5+$0xFFFFF3F0], $0xffff;
	v29 =	vadd.f32 v16, v40;
	[tilespmem:s24+$0xFFFFF800] =	vst v23  }
0x14f: {  	v13 =	vadd.f32 v55, v59;
	v27 =	vunpack.i.l.bf16.f32 v58;
	v63 =	vadd.f32 v30, v33;
	[tilespmem:s24+$0x400] =	vst v34;
	v34 =	vld.idx.msk [tilespmem:v9+s5+$0xFFFFF3F0], $0xffff  }
0x150: {  	s11 =	sadd.s32 $0x2000, s24;
	s6 =	simm.s32 $0x6258;
	v16 =	vld.idx.msk [tilespmem:v10+s5+$0xFFFFF9F8], $0xffff;
	v33 =	vunpack.i.l.bf16.f32 v62;
	v28 =	vunpack.i.l.bf16.f32 v14;
	v32 =	vunpack.i.u.bf16.f32 v24;
	[tilespmem:s24+$0xFFFFFC00] =	vst v29  }
0x151: {  	s13 =	simm.s32 $0x4;
	s26 =	smov.u32 s24;
	v23 =	vadd.f32 v45, v57;
	v29 =	vunpack.i.l.bf16.f32 v17;
	s5 =	simm.s32 $0x1000;
	[tilespmem:s24+$0x0] =	vst v63;
	v30 =	vunpack.i.u.bf16.f32 v21  }
.LBB2_10:
0x152: {  	v37 =	vld.idx.msk [tilespmem:v9+s6+$0xFFFFEDE8], $0xffff;
	s13 =	sadd.s32 $0x4, s13;
	v38 =	vunpack.i.l.bf16.f32 v26;
	v39 =	vunpack.i.u.bf16.f32 v22;
	v24 =	vunpack.i.l.bf16.f32 v24;
	[tilespmem:s26+$0xFFFFF400] =	vst v36;
	s26 =	smov.u32 s11;
	s11 =	sadd.s32 $0x2000, s11  }
0x153: {  	v26 =	vunpack.i.u.bf16.f32 v26;
	v40 =	vunpack.i.l.bf16.f32 v31;
	v36 =	vld.idx.msk [tilespmem:v10+s6+$0x0], $0xffff;
	p2 =	slt.u32 s13, $0xC;
	v24 =	vadd.f32 v24, v28  }
0x154: {  	v31 =	vunpack.i.u.bf16.f32 v31;
	v28 =	vunpack.i.u.bf16.f32 v34;
	v34 =	vunpack.i.l.bf16.f32 v34;
	v41 =	vld.idx.msk [tilespmem:v11+s6+$0xFFFFF9F8], $0xffff  }
0x155: {  	v17 =	vunpack.i.u.bf16.f32 v17;
	v43 =	vunpack.i.u.bf16.f32 v16;
	v42 =	vld.idx.msk [tilespmem:v12+s5+$0x0], $0xffff;
	v24 =	vadd.f32 v25, v24  }
0x156: {  	v44 =	vunpack.i.l.bf16.f32 v21;
	v35 =	vadd.f32 v17, v35;
	v43 =	vadd.f32 v20, v43;
	v25 =	vld.idx.msk [tilespmem:v11+s6+$0x0], $0xffff  }
0x157: {  	v29 =	vadd.f32 v29, v33;
	v20 =	vunpack.i.u.bf16.f32 v14;
	v30 =	vadd.f32 v28, v30;
	v17 =	vld.idx.msk [tilespmem:v9+s6+$0xFFFFF9F8], $0xffff;
	[tilespmem:s26+$0x800] =	vst v24  }
0x158: {  	v21 =	vunpack.i.l.bf16.f32 v22;
	v20 =	vadd.f32 v32, v20;
	v33 =	vunpack.i.u.bf16.f32 v37;
	v14 =	vld.idx.msk [tilespmem:v12+s5+$0x600], $0xffff  }
0x159: {  	v22 =	vadd.f32 v38, v27;
	v27 =	vadd.f32 v40, v21;
	v32 =	vunpack.i.l.bf16.f32 v37;
	v24 =	vld.idx.msk [tilespmem:v9+s6+$0x0], $0xffff  }
0x15a: {  	v31 =	vadd.f32 v31, v39;
	v38 =	vunpack.i.u.bf16.f32 v36;
	v36 =	vunpack.i.l.bf16.f32 v36;
	v37 =	vld.idx.msk [tilespmem:v10+s6+$0xFFFFEDE8], $0xffff  }
0x15b: {  	v19 =	vadd.f32 v22, v19;
	v23 =	vadd.f32 v23, v20;
	v39 =	vunpack.i.u.bf16.f32 v42;
	v40 =	vld.idx.msk [tilespmem:v12+s5+$0x400], $0xffff  }
0x15c: {  	v34 =	vadd.f32 v34, v44;
	v20 =	vunpack.i.u.bf16.f32 v41;
	v45 =	vunpack.i.l.bf16.f32 v25;
	v21 =	vld.idx.msk [tilespmem:v12+s5+$0x200], $0xffff  }
0x15d: {  	v46 =	vadd.f32 v26, v18;
	v42 =	vunpack.i.l.bf16.f32 v42;
	v44 =	vunpack.i.u.bf16.f32 v25;
	v22 =	vld.idx.msk [tilespmem:v10+s6+$0xFFFFF3F0], $0xffff;
	[tilespmem:s26+$0xC00] =	vst v23  }
0x15e: {  	v25 =	vadd.f32 v45, v36;
	v28 =	vunpack.i.l.bf16.f32 v14;
	v23 =	vadd.f32 v27, v34;
	v26 =	vld.idx.msk [tilespmem:v11+s6+$0xFFFFEDE8], $0xffff;
	[tilespmem:s26+$0xFFFFF000] =	vst v19  }
0x15f: {  	v27 =	vadd.f32 v31, v30;
	v30 =	vunpack.i.l.bf16.f32 v16;
	v19 =	vadd.f32 v32, v42;
	v16 =	vld.idx.msk [tilespmem:v10+s6+$0xFFFFF9F8], $0xffff  }
.Ltmp3:
0x160: {  	v30 =	vadd.f32 v15, v30;
	v32 =	vadd.f32 v43, v35;
	v18 =	vunpack.i.u.bf16.f32 v37;
	v31 =	vld.idx.msk [tilespmem:v11+s6+$0xFFFFF3F0], $0xffff;
	[tilespmem:s26+$0xFFFFF800] =	vst v23;
	(pc) =	sbr.rel @p2 .LBB2_10-.Ltmp3, $4  }
0x161: {  	v33 =	vadd.f32 v33, v39;
	v15 =	vunpack.i.l.bf16.f32 v41;
	v23 =	vadd.f32 v44, v38;
	v34 =	vld.idx.msk [tilespmem:v9+s6+$0xFFFFF3F0], $0xffff;
	[tilespmem:s26+$0xFFFFFC00] =	vst v27  }
0x162: {  	v27 =	vunpack.i.l.bf16.f32 v37;
	v37 =	vadd.f32 v30, v29;
	[tilespmem:s26+$0x400] =	vst v32  }
0x163: {  	v36 =	vadd.f32 v46, v13;
	v13 =	vmovc v33;
	v30 =	vunpack.i.u.bf16.f32 v21;
	v29 =	vunpack.i.l.bf16.f32 v17  }
0x164: {  	s5 =	sadd.s32 $0x800, s5;
	v35 =	vunpack.i.u.bf16.f32 v40;
	v33 =	vunpack.i.l.bf16.f32 v40;
	s6 =	sadd.s32 $0x1820, s6;
	v32 =	vunpack.i.u.bf16.f32 v24;
	[tilespmem:s26+$0x0] =	vst v37  }
0x165: {  	v9 =	vunpack.i.l.bf16.f32 v26;
	v10 =	vunpack.i.u.bf16.f32 v22  }
0x166: {  	v11 =	vunpack.i.l.bf16.f32 v24;
	v12 =	vunpack.i.l.bf16.f32 v31;
	v31 =	vunpack.i.u.bf16.f32 v31  }
0x167: {  	v17 =	vunpack.i.u.bf16.f32 v17;
	v52 =	vunpack.i.u.bf16.f32 v16;
	v14 =	vunpack.i.u.bf16.f32 v14  }
0x168: {  	v22 =	vunpack.i.l.bf16.f32 v22;
	v11 =	vadd.f32 v11, v28;
	v17 =	vadd.f32 v17, v35  }
0x169: {  	v21 =	vunpack.i.l.bf16.f32 v21;
	v20 =	vadd.f32 v20, v52;
	v14 =	vadd.f32 v32, v14  }
0x16a: {  	v16 =	vunpack.i.l.bf16.f32 v16;
	v9 =	vadd.f32 v9, v27;
	v12 =	vadd.f32 v12, v22  }
0x16b: {  	v28 =	vunpack.i.l.bf16.f32 v34;
	v10 =	vadd.f32 v31, v10;
	v11 =	vadd.f32 v25, v11  }
0x16c: {  	[tilespmem:s26+$0xFFFFF400] =	vst v36;
	v24 =	vunpack.i.u.bf16.f32 v34;
	v21 =	vadd.f32 v28, v21;
	v14 =	vadd.f32 v23, v14  }
0x16d: {  	s5 =	sadd.s32 $0x90, s0;
	v22 =	vunpack.i.u.bf16.f32 v26;
	v24 =	vadd.f32 v24, v30;
	v9 =	vadd.f32 v9, v19;
	[tilespmem:s11+$0x800] =	vst v11  }
0x16e: {  	v12 =	vadd.f32 v12, v21;
	[tilespmem:s11+$0xC00] =	vst v14;
	v14 =	vadd.f32 v15, v16;
	v15 =	vadd.s32 s5, v0  }
0x16f: {  	v25 =	vadd.f32 v29, v33;
	v10 =	vadd.f32 v10, v24;
	[tilespmem:s11+$0xFFFFF000] =	vst v9;
	v15 =	vand.u32 $0x1FF8, v15  }
0x170: {  	v11 =	vadd.f32 v22, v18;
	v9 =	vadd.f32 v20, v17;
	[tilespmem:s11+$0xFFFFF800] =	vst v12;
	v12 =	vor.u32 v4, v15  }
0x171: {  	[tilespmem:s11+$0xFFFFFC00] =	vst v10;
	v10 =	vadd.f32 v14, v25  }
0x172: {  	[tilespmem:s11+$0x400] =	vst v9;
	v9 =	vadd.f32 v11, v13  }
0x173: {  	[tilespmem:s11+$0x0] =	vst v10  }
0x174: {  	v16 =	vadd.s32 s5, v2;
	[tilespmem:s11+$0xFFFFF400] =	vst v9  }
0x175: {  	v15 =	vand.u32 $0x1FF8, v16;
	v16 =	vadd.s32 s5, v3;
	v9 =	vld.idx.msk [tilespmem:v12+s29+$0x0], $0xffff  }
0x176: {  	v14 =	vor.u32 v5, v15;
	v15 =	vand.u32 $0x1FF8, v16;
	v12 =	vld [tilespmem:s1+$0x30]  }
0x177: {  	v11 =	vor.u32 v6, v15;
	_ =	sdelay $0x3  }
0x178: {  	v10 =	vld.idx.msk [tilespmem:v14+s29+$0x0], $0xffff  }
0x179: {  	s13 =	simm.s32 $0x3218;
	v11 =	vld.idx.msk [tilespmem:v11+s29+$0x0], $0xffff  }
0x17a: {  	s6 =	simm.s32 $0x0;
	v13 =	vld.idx.msk [tilespmem:v9+s13+$0xFFFFEDE8], $0xffff  }
0x17b: {  	v16 =	vld.idx.msk [tilespmem:v12+s6+$0x0], $0xffff  }
0x17c: {  	v18 =	vld.idx.msk [tilespmem:v9+s13+$0xFFFFF9F8], $0xffff  }
0x17d: {  	v19 =	vld.idx.msk [tilespmem:v12+s6+$0x600], $0xffff  }
0x17e: {  	v20 =	vld.idx.msk [tilespmem:v9+s13+$0x0], $0xffff  }
0x17f: {  	s5 =	simm.s32 $0x4A38;
	v22 =	vld.idx.msk [tilespmem:v12+s6+$0x400], $0xffff  }
0x180: {  	s26 =	simm.s32 $0x800;
	v37 =	vld.idx.msk [tilespmem:v9+s5+$0xFFFFEDE8], $0xffff  }
0x181: {  	v43 =	vld.idx.msk [tilespmem:v12+s26+$0x0], $0xffff  }
0x182: {  	v14 =	vld.idx.msk [tilespmem:v10+s13+$0x0], $0xffff;
	v23 =	vunpack.i.u.bf16.f32 v13;
	v13 =	vunpack.i.l.bf16.f32 v13;
	v26 =	vunpack.i.u.bf16.f32 v16  }
0x183: {  	v28 =	vld.idx.msk [tilespmem:v10+s13+$0xFFFFF3F0], $0xffff;
	v16 =	vunpack.i.l.bf16.f32 v16;
	v31 =	vunpack.i.l.bf16.f32 v19;
	v54 =	vunpack.i.l.bf16.f32 v18  }
0x184: {  	v15 =	vld.idx.msk [tilespmem:v11+s13+$0xFFFFF9F8], $0xffff;
	v55 =	vunpack.i.u.bf16.f32 v22;
	v22 =	vunpack.i.l.bf16.f32 v22;
	v56 =	vunpack.i.u.bf16.f32 v20  }
0x185: {  	v17 =	vld.idx.msk [tilespmem:v11+s13+$0x0], $0xffff;
	v20 =	vunpack.i.l.bf16.f32 v20;
	v18 =	vunpack.i.u.bf16.f32 v18;
	v44 =	vunpack.i.u.bf16.f32 v37  }
0x186: {  	v30 =	vld.idx.msk [tilespmem:v11+s13+$0xFFFFEDE8], $0xffff;
	v59 =	vunpack.i.l.bf16.f32 v37;
	v62 =	vunpack.i.u.bf16.f32 v43;
	v43 =	vunpack.i.l.bf16.f32 v43  }
0x187: {  	v25 =	vld.idx.msk [tilespmem:v12+s6+$0x200], $0xffff;
	v24 =	vunpack.i.u.bf16.f32 v14;
	v14 =	vunpack.i.l.bf16.f32 v14;
	v16 =	vadd.f32 v13, v16  }
0x188: {  	v21 =	vld.idx.msk [tilespmem:v10+s13+$0xFFFFEDE8], $0xffff;
	v53 =	vadd.f32 v23, v26;
	v38 =	vunpack.i.u.bf16.f32 v28;
	v20 =	vadd.f32 v20, v31  }
0x189: {  	v58 =	vld.idx.msk [tilespmem:v11+s5+$0x0], $0xffff;
	v34 =	vadd.f32 v18, v55;
	v32 =	vadd.f32 v54, v22;
	v18 =	vunpack.i.u.bf16.f32 v19  }
0x18a: {  	v13 =	vld.idx.msk [tilespmem:v11+s13+$0xFFFFF3F0], $0xffff;
	v19 =	vunpack.i.l.bf16.f32 v28;
	v27 =	vunpack.i.u.bf16.f32 v15;
	v29 =	vunpack.i.l.bf16.f32 v17  }
0x18b: {  	v23 =	vld.idx.msk [tilespmem:v9+s13+$0xFFFFF3F0], $0xffff;
	v17 =	vunpack.i.u.bf16.f32 v17;
	v15 =	vunpack.i.l.bf16.f32 v15;
	v57 =	vunpack.i.l.bf16.f32 v30  }
0x18c: {  	v26 =	vld.idx.msk [tilespmem:v10+s13+$0xFFFFF9F8], $0xffff;
	v30 =	vunpack.i.u.bf16.f32 v30;
	v22 =	vadd.f32 v56, v18;
	v14 =	vadd.f32 v29, v14  }
0x18d: {  	v29 =	vunpack.i.u.bf16.f32 v21;
	v17 =	vadd.f32 v17, v24;
	v21 =	vunpack.i.l.bf16.f32 v21  }
0x18e: {  	v31 =	vld.idx.msk [tilespmem:v10+s5+$0x0], $0xffff;
	v24 =	vunpack.i.u.bf16.f32 v25;
	v18 =	vadd.f32 v57, v21;
	v45 =	vadd.f32 v30, v29  }
0x18f: {  	v61 =	vld.idx.msk [tilespmem:v10+s5+$0xFFFFEDE8], $0xffff;
	v25 =	vunpack.i.l.bf16.f32 v25;
	v14 =	vadd.f32 v14, v20;
	v17 =	vadd.f32 v17, v22  }
0x190: {  	v41 =	vld.idx.msk [tilespmem:v11+s5+$0xFFFFF9F8], $0xffff;
	v22 =	vunpack.i.l.bf16.f32 v58;
	v39 =	vunpack.i.l.bf16.f32 v13;
	v40 =	vunpack.i.u.bf16.f32 v23  }
0x191: {  	v21 =	vld.idx.msk [tilespmem:v12+s26+$0x200], $0xffff;
	v23 =	vunpack.i.l.bf16.f32 v23;
	v42 =	vunpack.i.u.bf16.f32 v26;
	v16 =	vadd.f32 v18, v16  }
0x192: {  	v20 =	vunpack.i.u.bf16.f32 v13;
	v13 =	vld.idx.msk [tilespmem:v12+s26+$0x600], $0xffff;
	v36 =	vadd.f32 v45, v53;
	v27 =	vadd.f32 v27, v42  }
0x193: {  	v60 =	vunpack.i.u.bf16.f32 v31;
	v18 =	vld.idx.msk [tilespmem:v9+s5+$0xFFFFF9F8], $0xffff;
	v19 =	vadd.f32 v39, v19;
	v23 =	vadd.f32 v23, v25  }
0x194: {  	v31 =	vunpack.i.l.bf16.f32 v31;
	v40 =	vadd.f32 v40, v24;
	v38 =	vadd.f32 v20, v38;
	v24 =	vld.idx.msk [tilespmem:v9+s5+$0x0], $0xffff  }
0x195: {  	[tilespmem:s23+$0x800] =	vst v14;
	v25 =	vadd.f32 v22, v31;
	v31 =	vld.idx.msk [tilespmem:v12+s26+$0x400], $0xffff;
	v14 =	vadd.f32 v19, v23;
	v23 =	vunpack.i.l.bf16.f32 v26  }
0x196: {  	v20 =	vunpack.i.u.bf16.f32 v41;
	v42 =	vunpack.i.u.bf16.f32 v58;
	[tilespmem:s23+$0xC00] =	vst v17;
	v22 =	vld.idx.msk [tilespmem:v10+s5+$0xFFFFF3F0], $0xffff;
	v30 =	vadd.f32 v15, v23  }
0x197: {  	v17 =	vunpack.i.u.bf16.f32 v61;
	[tilespmem:s23+$0xFFFFF000] =	vst v16;
	v19 =	vadd.f32 v59, v43;
	v26 =	vld.idx.msk [tilespmem:v11+s5+$0xFFFFEDE8], $0xffff;
	v34 =	vadd.f32 v27, v34  }
0x198: {  	v29 =	vadd.f32 v38, v40;
	v27 =	vunpack.i.l.bf16.f32 v61;
	[tilespmem:s23+$0xFFFFF800] =	vst v14;
	v63 =	vadd.f32 v30, v32;
	v30 =	vld.idx.msk [tilespmem:v11+s5+$0xFFFFF3F0], $0xffff  }
0x199: {  	v15 =	vunpack.i.l.bf16.f32 v41;
	v23 =	vadd.f32 v42, v60;
	v28 =	vunpack.i.l.bf16.f32 v13;
	[tilespmem:s23+$0x400] =	vst v34;
	v34 =	vld.idx.msk [tilespmem:v9+s5+$0xFFFFF3F0], $0xffff  }
0x19a: {  	s11 =	sadd.s32 $0x2000, s23;
	s6 =	simm.s32 $0x6258;
	v16 =	vld.idx.msk [tilespmem:v10+s5+$0xFFFFF9F8], $0xffff;
	v14 =	vadd.f32 v44, v62;
	[tilespmem:s23+$0xFFFFFC00] =	vst v29;
	v29 =	vunpack.i.l.bf16.f32 v18;
	v32 =	vunpack.i.u.bf16.f32 v21  }
0x19b: {  	s13 =	simm.s32 $0x4;
	s26 =	smov.u32 s23;
	v35 =	vunpack.i.u.bf16.f32 v31;
	v31 =	vunpack.i.l.bf16.f32 v31;
	v33 =	vunpack.i.u.bf16.f32 v24;
	s5 =	simm.s32 $0x1000;
	[tilespmem:s23+$0x0] =	vst v63  }
.LBB2_12:
0x19c: {  	v37 =	vld.idx.msk [tilespmem:v9+s6+$0xFFFFEDE8], $0xffff;
	s13 =	sadd.s32 $0x4, s13;
	v38 =	vunpack.i.l.bf16.f32 v26;
	v39 =	vunpack.i.u.bf16.f32 v22;
	v24 =	vunpack.i.l.bf16.f32 v24;
	[tilespmem:s26+$0xFFFFF400] =	vst v36;
	s26 =	smov.u32 s11;
	s11 =	sadd.s32 $0x2000, s11  }
0x19d: {  	v26 =	vunpack.i.u.bf16.f32 v26;
	v40 =	vunpack.i.l.bf16.f32 v30;
	v36 =	vld.idx.msk [tilespmem:v10+s6+$0x0], $0xffff;
	p2 =	slt.u32 s13, $0xC;
	v24 =	vadd.f32 v24, v28  }
0x19e: {  	v30 =	vunpack.i.u.bf16.f32 v30;
	v28 =	vunpack.i.u.bf16.f32 v34;
	v34 =	vunpack.i.l.bf16.f32 v34;
	v41 =	vld.idx.msk [tilespmem:v11+s6+$0xFFFFF9F8], $0xffff  }
0x19f: {  	v18 =	vunpack.i.u.bf16.f32 v18;
	v43 =	vunpack.i.u.bf16.f32 v16;
	v42 =	vld.idx.msk [tilespmem:v12+s5+$0x0], $0xffff;
	v24 =	vadd.f32 v25, v24  }
0x1a0: {  	v44 =	vunpack.i.l.bf16.f32 v21;
	v35 =	vadd.f32 v18, v35;
	v43 =	vadd.f32 v20, v43;
	v25 =	vld.idx.msk [tilespmem:v11+s6+$0x0], $0xffff  }
0x1a1: {  	v29 =	vadd.f32 v29, v31;
	v20 =	vunpack.i.u.bf16.f32 v13;
	v32 =	vadd.f32 v28, v32;
	v18 =	vld.idx.msk [tilespmem:v9+s6+$0xFFFFF9F8], $0xffff;
	[tilespmem:s26+$0x800] =	vst v24  }
0x1a2: {  	v21 =	vunpack.i.l.bf16.f32 v22;
	v20 =	vadd.f32 v33, v20;
	v31 =	vunpack.i.u.bf16.f32 v37;
	v13 =	vld.idx.msk [tilespmem:v12+s5+$0x600], $0xffff  }
0x1a3: {  	v22 =	vadd.f32 v38, v27;
	v27 =	vadd.f32 v40, v21;
	v33 =	vunpack.i.l.bf16.f32 v37;
	v24 =	vld.idx.msk [tilespmem:v9+s6+$0x0], $0xffff  }
0x1a4: {  	v30 =	vadd.f32 v30, v39;
	v38 =	vunpack.i.u.bf16.f32 v36;
	v36 =	vunpack.i.l.bf16.f32 v36;
	v37 =	vld.idx.msk [tilespmem:v10+s6+$0xFFFFEDE8], $0xffff  }
0x1a5: {  	v19 =	vadd.f32 v22, v19;
	v23 =	vadd.f32 v23, v20;
	v39 =	vunpack.i.u.bf16.f32 v42;
	v40 =	vld.idx.msk [tilespmem:v12+s5+$0x400], $0xffff  }
0x1a6: {  	v34 =	vadd.f32 v34, v44;
	v20 =	vunpack.i.u.bf16.f32 v41;
	v45 =	vunpack.i.l.bf16.f32 v25;
	v21 =	vld.idx.msk [tilespmem:v12+s5+$0x200], $0xffff  }
0x1a7: {  	v46 =	vadd.f32 v26, v17;
	v42 =	vunpack.i.l.bf16.f32 v42;
	v44 =	vunpack.i.u.bf16.f32 v25;
	v22 =	vld.idx.msk [tilespmem:v10+s6+$0xFFFFF3F0], $0xffff;
	[tilespmem:s26+$0xC00] =	vst v23  }
0x1a8: {  	v25 =	vadd.f32 v45, v36;
	v28 =	vunpack.i.l.bf16.f32 v13;
	v23 =	vadd.f32 v27, v34;
	v26 =	vld.idx.msk [tilespmem:v11+s6+$0xFFFFEDE8], $0xffff;
	[tilespmem:s26+$0xFFFFF000] =	vst v19  }
0x1a9: {  	v27 =	vadd.f32 v30, v32;
	v32 =	vunpack.i.l.bf16.f32 v16;
	v19 =	vadd.f32 v33, v42;
	v16 =	vld.idx.msk [tilespmem:v10+s6+$0xFFFFF9F8], $0xffff  }
.Ltmp4:
0x1aa: {  	v32 =	vadd.f32 v15, v32;
	v33 =	vadd.f32 v43, v35;
	v17 =	vunpack.i.u.bf16.f32 v37;
	v30 =	vld.idx.msk [tilespmem:v11+s6+$0xFFFFF3F0], $0xffff;
	[tilespmem:s26+$0xFFFFF800] =	vst v23;
	(pc) =	sbr.rel @p2 .LBB2_12-.Ltmp4, $4  }
0x1ab: {  	v31 =	vadd.f32 v31, v39;
	v15 =	vunpack.i.l.bf16.f32 v41;
	v23 =	vadd.f32 v44, v38;
	v34 =	vld.idx.msk [tilespmem:v9+s6+$0xFFFFF3F0], $0xffff;
	[tilespmem:s26+$0xFFFFFC00] =	vst v27  }
0x1ac: {  	v27 =	vunpack.i.l.bf16.f32 v37;
	v37 =	vadd.f32 v32, v29;
	[tilespmem:s26+$0x400] =	vst v33  }
0x1ad: {  	v36 =	vadd.f32 v46, v14;
	v14 =	vmovc v31;
	v32 =	vunpack.i.u.bf16.f32 v21;
	v29 =	vunpack.i.l.bf16.f32 v18  }
0x1ae: {  	s5 =	sadd.s32 $0x800, s5;
	v35 =	vunpack.i.u.bf16.f32 v40;
	v31 =	vunpack.i.l.bf16.f32 v40;
	s6 =	sadd.s32 $0x1820, s6;
	v33 =	vunpack.i.u.bf16.f32 v24;
	[tilespmem:s26+$0x0] =	vst v37  }
0x1af: {  	v9 =	vunpack.i.l.bf16.f32 v24  }
0x1b0: {  	v10 =	vunpack.i.l.bf16.f32 v26;
	v11 =	vunpack.i.u.bf16.f32 v22;
	v12 =	vunpack.i.l.bf16.f32 v30  }
0x1b1: {  	v18 =	vunpack.i.u.bf16.f32 v18;
	v49 =	vunpack.i.u.bf16.f32 v16;
	v13 =	vunpack.i.u.bf16.f32 v13  }
0x1b2: {  	v22 =	vunpack.i.l.bf16.f32 v22;
	v9 =	vadd.f32 v9, v28;
	v18 =	vadd.f32 v18, v35  }
0x1b3: {  	v21 =	vunpack.i.l.bf16.f32 v21;
	v20 =	vadd.f32 v20, v49;
	v13 =	vadd.f32 v33, v13  }
0x1b4: {  	v24 =	vunpack.i.u.bf16.f32 v34;
	v10 =	vadd.f32 v10, v27;
	v12 =	vadd.f32 v12, v22  }
0x1b5: {  	v28 =	vunpack.i.l.bf16.f32 v34;
	v24 =	vadd.f32 v24, v32;
	v9 =	vadd.f32 v25, v9  }
0x1b6: {  	[tilespmem:s26+$0xFFFFF400] =	vst v36;
	v22 =	vunpack.i.u.bf16.f32 v30;
	v21 =	vadd.f32 v28, v21;
	v13 =	vadd.f32 v23, v13  }
0x1b7: {  	v23 =	vunpack.i.u.bf16.f32 v26;
	v10 =	vadd.f32 v10, v19;
	[tilespmem:s11+$0x800] =	vst v9;
	v9 =	vadd.f32 v22, v11  }
0x1b8: {  	s5 =	sadd.s32 $0xC0, s0;
	v12 =	vadd.f32 v12, v21;
	v11 =	vadd.f32 v29, v31;
	[tilespmem:s11+$0xC00] =	vst v13;
	v13 =	vunpack.i.l.bf16.f32 v16  }
0x1b9: {  	[tilespmem:s11+$0xFFFFF000] =	vst v10;
	v10 =	vadd.f32 v15, v13;
	v13 =	vor.u32 s5, v0;
	v9 =	vadd.f32 v9, v24  }
0x1ba: {  	v15 =	vadd.f32 v23, v17;
	[tilespmem:s11+$0xFFFFF800] =	vst v12;
	v12 =	vadd.f32 v20, v18;
	v13 =	vand.u32 v7, v13  }
0x1bb: {  	[tilespmem:s11+$0xFFFFFC00] =	vst v9;
	v9 =	vadd.f32 v10, v11  }
0x1bc: {  	[tilespmem:s11+$0x400] =	vst v12;
	v11 =	vadd.f32 v15, v14  }
0x1bd: {  	[tilespmem:s11+$0x0] =	vst v9  }
0x1be: {  	v12 =	vor.u32 s5, v3;
	[tilespmem:s11+$0xFFFFF400] =	vst v11  }
0x1bf: {  	v9 =	vld.idx.msk [tilespmem:v13+s29+$0x0], $0xffff;
	_ =	sdelay $0x1  }
0x1c0: {  	v10 =	vor.u32 s5, v2;
	_ =	sdelay $0x1  }
0x1c1: {  	v11 =	vld.idx.msk [tilespmem:v12+s29+$0x0], $0xffff  }
0x1c2: {  	v12 =	vld [tilespmem:s1+$0x40];
	_ =	sdelay $0x1  }
0x1c3: {  	s13 =	simm.s32 $0x3218;
	v10 =	vld.idx.msk [tilespmem:v10+s29+$0x0], $0xffff  }
0x1c4: {  	v13 =	vld.idx.msk [tilespmem:v9+s13+$0xFFFFEDE8], $0xffff  }
0x1c5: {  	v18 =	vld.idx.msk [tilespmem:v9+s13+$0xFFFFF9F8], $0xffff  }
0x1c6: {  	s5 =	simm.s32 $0x4A38;
	v20 =	vld.idx.msk [tilespmem:v9+s13+$0x0], $0xffff  }
0x1c7: {  	v37 =	vld.idx.msk [tilespmem:v9+s5+$0xFFFFEDE8], $0xffff  }
0x1c8: {  	s6 =	simm.s32 $0x0;
	v15 =	vld.idx.msk [tilespmem:v11+s13+$0xFFFFF9F8], $0xffff  }
0x1c9: {  	v16 =	vld.idx.msk [tilespmem:v12+s6+$0x0], $0xffff  }
0x1ca: {  	v17 =	vld.idx.msk [tilespmem:v11+s13+$0x0], $0xffff  }
0x1cb: {  	v19 =	vld.idx.msk [tilespmem:v12+s6+$0x600], $0xffff  }
0x1cc: {  	v22 =	vld.idx.msk [tilespmem:v12+s6+$0x400], $0xffff  }
0x1cd: {  	s26 =	simm.s32 $0x800;
	v30 =	vld.idx.msk [tilespmem:v11+s13+$0xFFFFEDE8], $0xffff  }
0x1ce: {  	v44 =	vld.idx.msk [tilespmem:v12+s26+$0x0], $0xffff;
	v23 =	vunpack.i.u.bf16.f32 v13;
	v13 =	vunpack.i.l.bf16.f32 v13;
	v51 =	vunpack.i.l.bf16.f32 v18  }
0x1cf: {  	v62 =	vld.idx.msk [tilespmem:v12+s26+$0x400], $0xffff;
	v53 =	vunpack.i.u.bf16.f32 v20;
	v20 =	vunpack.i.l.bf16.f32 v20;
	v18 =	vunpack.i.u.bf16.f32 v18  }
0x1d0: {  	v14 =	vld.idx.msk [tilespmem:v10+s13+$0x0], $0xffff;
	v55 =	vunpack.i.u.bf16.f32 v37;
	v26 =	vunpack.i.u.bf16.f32 v16;
	v27 =	vunpack.i.u.bf16.f32 v15  }
0x1d1: {  	v29 =	vunpack.i.l.bf16.f32 v17;
	v16 =	vunpack.i.l.bf16.f32 v16;
	v17 =	vunpack.i.u.bf16.f32 v17  }
0x1d2: {  	v28 =	vld.idx.msk [tilespmem:v10+s13+$0xFFFFF3F0], $0xffff;
	v31 =	vunpack.i.l.bf16.f32 v19;
	v15 =	vunpack.i.l.bf16.f32 v15;
	v52 =	vunpack.i.u.bf16.f32 v22  }
0x1d3: {  	v22 =	vunpack.i.l.bf16.f32 v22;
	v54 =	vunpack.i.l.bf16.f32 v30;
	v30 =	vunpack.i.u.bf16.f32 v30  }
0x1d4: {  	v21 =	vld.idx.msk [tilespmem:v10+s13+$0xFFFFEDE8], $0xffff;
	v19 =	vunpack.i.u.bf16.f32 v19;
	v59 =	vunpack.i.u.bf16.f32 v44;
	v44 =	vunpack.i.l.bf16.f32 v44  }
0x1d5: {  	v25 =	vld.idx.msk [tilespmem:v12+s6+$0x200], $0xffff;
	v35 =	vunpack.i.u.bf16.f32 v62;
	v24 =	vunpack.i.u.bf16.f32 v14;
	v13 =	vadd.f32 v13, v16  }
0x1d6: {  	v14 =	vunpack.i.l.bf16.f32 v14;
	v16 =	vld.idx.msk [tilespmem:v11+s13+$0xFFFFF3F0], $0xffff;
	v50 =	vadd.f32 v23, v26;
	v20 =	vadd.f32 v20, v31  }
0x1d7: {  	v23 =	vld.idx.msk [tilespmem:v9+s13+$0xFFFFF3F0], $0xffff;
	v38 =	vunpack.i.u.bf16.f32 v28;
	v34 =	vadd.f32 v18, v52;
	v33 =	vadd.f32 v51, v22  }
0x1d8: {  	v26 =	vld.idx.msk [tilespmem:v10+s13+$0xFFFFF9F8], $0xffff;
	v19 =	vadd.f32 v53, v19;
	v22 =	vunpack.i.l.bf16.f32 v37;
	v14 =	vadd.f32 v29, v14  }
0x1d9: {  	v31 =	vld.idx.msk [tilespmem:v10+s5+$0x0], $0xffff;
	v29 =	vunpack.i.u.bf16.f32 v21;
	v24 =	vadd.f32 v17, v24;
	v17 =	vunpack.i.l.bf16.f32 v21  }
0x1da: {  	v21 =	vunpack.i.u.bf16.f32 v25;
	v17 =	vadd.f32 v54, v17;
	v61 =	vadd.f32 v30, v29  }
0x1db: {  	v18 =	vld.idx.msk [tilespmem:v11+s5+$0x0], $0xffff;
	v25 =	vunpack.i.l.bf16.f32 v25;
	v43 =	vadd.f32 v14, v20;
	v19 =	vadd.f32 v24, v19  }
0x1dc: {  	v41 =	vld.idx.msk [tilespmem:v11+s5+$0xFFFFF9F8], $0xffff;
	v20 =	vunpack.i.l.bf16.f32 v28;
	v13 =	vadd.f32 v17, v13;
	v36 =	vadd.f32 v61, v50  }
0x1dd: {  	v58 =	vld.idx.msk [tilespmem:v10+s5+$0xFFFFEDE8], $0xffff;
	v39 =	vunpack.i.l.bf16.f32 v16;
	v40 =	vunpack.i.u.bf16.f32 v23;
	v23 =	vunpack.i.l.bf16.f32 v23  }
0x1de: {  	v14 =	vld.idx.msk [tilespmem:v12+s26+$0x600], $0xffff;
	v42 =	vunpack.i.u.bf16.f32 v26;
	v16 =	vunpack.i.u.bf16.f32 v16;
	v57 =	vunpack.i.u.bf16.f32 v31  }
0x1df: {  	v24 =	vld.idx.msk [tilespmem:v9+s5+$0x0], $0xffff;
	v31 =	vunpack.i.l.bf16.f32 v31;
	[tilespmem:s22+$0xC00] =	vst v19;
	v19 =	vadd.f32 v22, v44;
	v27 =	vadd.f32 v27, v42  }
0x1e0: {  	v17 =	vld.idx.msk [tilespmem:v9+s5+$0xFFFFF9F8], $0xffff;
	v60 =	vunpack.i.l.bf16.f32 v18;
	v56 =	vadd.f32 v39, v20;
	v23 =	vadd.f32 v23, v25  }
0x1e1: {  	v45 =	vunpack.i.u.bf16.f32 v18;
	v22 =	vld.idx.msk [tilespmem:v10+s5+$0xFFFFF3F0], $0xffff;
	v40 =	vadd.f32 v40, v21;
	v16 =	vadd.f32 v16, v38  }
0x1e2: {  	[tilespmem:s22+$0x800] =	vst v43;
	v26 =	vunpack.i.l.bf16.f32 v26;
	v21 =	vld.idx.msk [tilespmem:v12+s26+$0x200], $0xffff;
	v25 =	vadd.f32 v60, v31;
	v23 =	vadd.f32 v56, v23  }
0x1e3: {  	v18 =	vunpack.i.u.bf16.f32 v58;
	[tilespmem:s22+$0xFFFFF000] =	vst v13;
	v30 =	vadd.f32 v15, v26;
	v26 =	vld.idx.msk [tilespmem:v11+s5+$0xFFFFEDE8], $0xffff;
	v34 =	vadd.f32 v27, v34  }
0x1e4: {  	v20 =	vunpack.i.u.bf16.f32 v41;
	v13 =	vadd.f32 v55, v59;
	v31 =	vld.idx.msk [tilespmem:v11+s5+$0xFFFFF3F0], $0xffff;
	v29 =	vadd.f32 v16, v40;
	[tilespmem:s22+$0xFFFFF800] =	vst v23  }
0x1e5: {  	v15 =	vunpack.i.l.bf16.f32 v41;
	v28 =	vunpack.i.l.bf16.f32 v14;
	v63 =	vadd.f32 v30, v33;
	[tilespmem:s22+$0x400] =	vst v34;
	v34 =	vld.idx.msk [tilespmem:v9+s5+$0xFFFFF3F0], $0xffff  }
0x1e6: {  	s11 =	sadd.s32 $0x2000, s22;
	s6 =	simm.s32 $0x6258;
	v16 =	vld.idx.msk [tilespmem:v10+s5+$0xFFFFF9F8], $0xffff;
	v27 =	vunpack.i.l.bf16.f32 v58;
	v33 =	vunpack.i.l.bf16.f32 v62;
	v32 =	vunpack.i.u.bf16.f32 v24;
	[tilespmem:s22+$0xFFFFFC00] =	vst v29  }
0x1e7: {  	s13 =	simm.s32 $0x4;
	s26 =	smov.u32 s22;
	v23 =	vadd.f32 v45, v57;
	v29 =	vunpack.i.l.bf16.f32 v17;
	s5 =	simm.s32 $0x1000;
	[tilespmem:s22+$0x0] =	vst v63;
	v30 =	vunpack.i.u.bf16.f32 v21  }
.LBB2_14:
0x1e8: {  	v37 =	vld.idx.msk [tilespmem:v9+s6+$0xFFFFEDE8], $0xffff;
	s13 =	sadd.s32 $0x4, s13;
	v38 =	vunpack.i.l.bf16.f32 v26;
	v39 =	vunpack.i.u.bf16.f32 v22;
	v24 =	vunpack.i.l.bf16.f32 v24;
	[tilespmem:s26+$0xFFFFF400] =	vst v36;
	s26 =	smov.u32 s11;
	s11 =	sadd.s32 $0x2000, s11  }
0x1e9: {  	v26 =	vunpack.i.u.bf16.f32 v26;
	v40 =	vunpack.i.l.bf16.f32 v31;
	v36 =	vld.idx.msk [tilespmem:v10+s6+$0x0], $0xffff;
	p2 =	slt.u32 s13, $0xC;
	v24 =	vadd.f32 v24, v28  }
0x1ea: {  	v31 =	vunpack.i.u.bf16.f32 v31;
	v28 =	vunpack.i.u.bf16.f32 v34;
	v34 =	vunpack.i.l.bf16.f32 v34;
	v41 =	vld.idx.msk [tilespmem:v11+s6+$0xFFFFF9F8], $0xffff  }
0x1eb: {  	v17 =	vunpack.i.u.bf16.f32 v17;
	v43 =	vunpack.i.u.bf16.f32 v16;
	v42 =	vld.idx.msk [tilespmem:v12+s5+$0x0], $0xffff;
	v24 =	vadd.f32 v25, v24  }
0x1ec: {  	v44 =	vunpack.i.l.bf16.f32 v21;
	v35 =	vadd.f32 v17, v35;
	v43 =	vadd.f32 v20, v43;
	v25 =	vld.idx.msk [tilespmem:v11+s6+$0x0], $0xffff  }
0x1ed: {  	v29 =	vadd.f32 v29, v33;
	v20 =	vunpack.i.u.bf16.f32 v14;
	v30 =	vadd.f32 v28, v30;
	v17 =	vld.idx.msk [tilespmem:v9+s6+$0xFFFFF9F8], $0xffff;
	[tilespmem:s26+$0x800] =	vst v24  }
0x1ee: {  	v21 =	vunpack.i.l.bf16.f32 v22;
	v20 =	vadd.f32 v32, v20;
	v33 =	vunpack.i.u.bf16.f32 v37;
	v14 =	vld.idx.msk [tilespmem:v12+s5+$0x600], $0xffff  }
0x1ef: {  	v22 =	vadd.f32 v38, v27;
	v27 =	vadd.f32 v40, v21;
	v32 =	vunpack.i.l.bf16.f32 v37;
	v24 =	vld.idx.msk [tilespmem:v9+s6+$0x0], $0xffff  }
0x1f0: {  	v31 =	vadd.f32 v31, v39;
	v38 =	vunpack.i.u.bf16.f32 v36;
	v36 =	vunpack.i.l.bf16.f32 v36;
	v37 =	vld.idx.msk [tilespmem:v10+s6+$0xFFFFEDE8], $0xffff  }
0x1f1: {  	v19 =	vadd.f32 v22, v19;
	v23 =	vadd.f32 v23, v20;
	v39 =	vunpack.i.u.bf16.f32 v42;
	v40 =	vld.idx.msk [tilespmem:v12+s5+$0x400], $0xffff  }
0x1f2: {  	v34 =	vadd.f32 v34, v44;
	v20 =	vunpack.i.u.bf16.f32 v41;
	v45 =	vunpack.i.l.bf16.f32 v25;
	v21 =	vld.idx.msk [tilespmem:v12+s5+$0x200], $0xffff  }
0x1f3: {  	v46 =	vadd.f32 v26, v18;
	v42 =	vunpack.i.l.bf16.f32 v42;
	v44 =	vunpack.i.u.bf16.f32 v25;
	v22 =	vld.idx.msk [tilespmem:v10+s6+$0xFFFFF3F0], $0xffff;
	[tilespmem:s26+$0xC00] =	vst v23  }
0x1f4: {  	v25 =	vadd.f32 v45, v36;
	v28 =	vunpack.i.l.bf16.f32 v14;
	v23 =	vadd.f32 v27, v34;
	v26 =	vld.idx.msk [tilespmem:v11+s6+$0xFFFFEDE8], $0xffff;
	[tilespmem:s26+$0xFFFFF000] =	vst v19  }
0x1f5: {  	v27 =	vadd.f32 v31, v30;
	v30 =	vunpack.i.l.bf16.f32 v16;
	v19 =	vadd.f32 v32, v42;
	v16 =	vld.idx.msk [tilespmem:v10+s6+$0xFFFFF9F8], $0xffff  }
.Ltmp5:
0x1f6: {  	v30 =	vadd.f32 v15, v30;
	v32 =	vadd.f32 v43, v35;
	v18 =	vunpack.i.u.bf16.f32 v37;
	v31 =	vld.idx.msk [tilespmem:v11+s6+$0xFFFFF3F0], $0xffff;
	[tilespmem:s26+$0xFFFFF800] =	vst v23;
	(pc) =	sbr.rel @p2 .LBB2_14-.Ltmp5, $4  }
0x1f7: {  	v33 =	vadd.f32 v33, v39;
	v15 =	vunpack.i.l.bf16.f32 v41;
	v23 =	vadd.f32 v44, v38;
	v34 =	vld.idx.msk [tilespmem:v9+s6+$0xFFFFF3F0], $0xffff;
	[tilespmem:s26+$0xFFFFFC00] =	vst v27  }
0x1f8: {  	v27 =	vunpack.i.l.bf16.f32 v37;
	v37 =	vadd.f32 v30, v29;
	[tilespmem:s26+$0x400] =	vst v32  }
0x1f9: {  	v36 =	vadd.f32 v46, v13;
	v13 =	vmovc v33;
	v30 =	vunpack.i.u.bf16.f32 v21;
	v29 =	vunpack.i.l.bf16.f32 v17  }
0x1fa: {  	s5 =	sadd.s32 $0x800, s5;
	v35 =	vunpack.i.u.bf16.f32 v40;
	v33 =	vunpack.i.l.bf16.f32 v40;
	s6 =	sadd.s32 $0x1820, s6;
	v32 =	vunpack.i.u.bf16.f32 v24;
	[tilespmem:s26+$0x0] =	vst v37  }
0x1fb: {  	v9 =	vunpack.i.l.bf16.f32 v26;
	v10 =	vunpack.i.u.bf16.f32 v22  }
0x1fc: {  	v11 =	vunpack.i.l.bf16.f32 v24;
	v12 =	vunpack.i.l.bf16.f32 v31;
	v31 =	vunpack.i.u.bf16.f32 v31  }
0x1fd: {  	v17 =	vunpack.i.u.bf16.f32 v17;
	v49 =	vunpack.i.u.bf16.f32 v16;
	v14 =	vunpack.i.u.bf16.f32 v14  }
0x1fe: {  	v22 =	vunpack.i.l.bf16.f32 v22;
	v11 =	vadd.f32 v11, v28;
	v17 =	vadd.f32 v17, v35  }
0x1ff: {  	v21 =	vunpack.i.l.bf16.f32 v21;
	v20 =	vadd.f32 v20, v49;
	v14 =	vadd.f32 v32, v14  }
0x200: {  	v16 =	vunpack.i.l.bf16.f32 v16;
	v9 =	vadd.f32 v9, v27;
	v12 =	vadd.f32 v12, v22  }
0x201: {  	v28 =	vunpack.i.l.bf16.f32 v34;
	v10 =	vadd.f32 v31, v10;
	v11 =	vadd.f32 v25, v11  }
0x202: {  	[tilespmem:s26+$0xFFFFF400] =	vst v36;
	v24 =	vunpack.i.u.bf16.f32 v34;
	v21 =	vadd.f32 v28, v21;
	v14 =	vadd.f32 v23, v14  }
0x203: {  	s5 =	sadd.s32 $0xF0, s0;
	v22 =	vunpack.i.u.bf16.f32 v26;
	v24 =	vadd.f32 v24, v30;
	v9 =	vadd.f32 v9, v19;
	[tilespmem:s11+$0x800] =	vst v11  }
0x204: {  	v12 =	vadd.f32 v12, v21;
	[tilespmem:s11+$0xC00] =	vst v14;
	v14 =	vadd.f32 v15, v16;
	v15 =	vadd.s32 s5, v0  }
0x205: {  	v25 =	vadd.f32 v29, v33;
	v10 =	vadd.f32 v10, v24;
	[tilespmem:s11+$0xFFFFF000] =	vst v9;
	v15 =	vand.u32 $0x3FF8, v15  }
0x206: {  	v11 =	vadd.f32 v22, v18;
	v9 =	vadd.f32 v20, v17;
	[tilespmem:s11+$0xFFFFF800] =	vst v12;
	v12 =	vor.u32 v4, v15  }
0x207: {  	[tilespmem:s11+$0xFFFFFC00] =	vst v10;
	v10 =	vadd.f32 v14, v25  }
0x208: {  	[tilespmem:s11+$0x400] =	vst v9;
	v9 =	vadd.f32 v11, v13  }
0x209: {  	[tilespmem:s11+$0x0] =	vst v10  }
0x20a: {  	v16 =	vadd.s32 s5, v2;
	[tilespmem:s11+$0xFFFFF400] =	vst v9  }
0x20b: {  	v15 =	vand.u32 $0x3FF8, v16;
	v16 =	vadd.s32 s5, v3;
	v9 =	vld.idx.msk [tilespmem:v12+s29+$0x0], $0xffff  }
0x20c: {  	v14 =	vor.u32 v5, v15;
	v15 =	vand.u32 $0x3FF8, v16;
	v12 =	vld [tilespmem:s1+$0x50]  }
0x20d: {  	v11 =	vor.u32 v6, v15;
	_ =	sdelay $0x3  }
0x20e: {  	v10 =	vld.idx.msk [tilespmem:v14+s29+$0x0], $0xffff  }
0x20f: {  	s13 =	simm.s32 $0x3218;
	v11 =	vld.idx.msk [tilespmem:v11+s29+$0x0], $0xffff  }
0x210: {  	s6 =	simm.s32 $0x0;
	v13 =	vld.idx.msk [tilespmem:v9+s13+$0xFFFFEDE8], $0xffff  }
0x211: {  	v16 =	vld.idx.msk [tilespmem:v12+s6+$0x0], $0xffff  }
0x212: {  	v18 =	vld.idx.msk [tilespmem:v9+s13+$0xFFFFF9F8], $0xffff  }
0x213: {  	v19 =	vld.idx.msk [tilespmem:v12+s6+$0x600], $0xffff  }
0x214: {  	v20 =	vld.idx.msk [tilespmem:v9+s13+$0x0], $0xffff  }
0x215: {  	s5 =	simm.s32 $0x4A38;
	v22 =	vld.idx.msk [tilespmem:v12+s6+$0x400], $0xffff  }
0x216: {  	s26 =	simm.s32 $0x800;
	v37 =	vld.idx.msk [tilespmem:v9+s5+$0xFFFFEDE8], $0xffff  }
0x217: {  	v44 =	vld.idx.msk [tilespmem:v12+s26+$0x0], $0xffff  }
0x218: {  	v62 =	vld.idx.msk [tilespmem:v12+s26+$0x400], $0xffff  }
0x219: {  	v14 =	vld.idx.msk [tilespmem:v10+s13+$0x0], $0xffff;
	v23 =	vunpack.i.u.bf16.f32 v13;
	v13 =	vunpack.i.l.bf16.f32 v13;
	v26 =	vunpack.i.u.bf16.f32 v16  }
0x21a: {  	v16 =	vunpack.i.l.bf16.f32 v16;
	v31 =	vunpack.i.l.bf16.f32 v19;
	v51 =	vunpack.i.l.bf16.f32 v18  }
0x21b: {  	v28 =	vld.idx.msk [tilespmem:v10+s13+$0xFFFFF3F0], $0xffff;
	v52 =	vunpack.i.u.bf16.f32 v22;
	v22 =	vunpack.i.l.bf16.f32 v22;
	v53 =	vunpack.i.u.bf16.f32 v20  }
0x21c: {  	v15 =	vld.idx.msk [tilespmem:v11+s13+$0xFFFFF9F8], $0xffff;
	v20 =	vunpack.i.l.bf16.f32 v20;
	v18 =	vunpack.i.u.bf16.f32 v18;
	v19 =	vunpack.i.u.bf16.f32 v19  }
0x21d: {  	v17 =	vld.idx.msk [tilespmem:v11+s13+$0x0], $0xffff;
	v55 =	vunpack.i.u.bf16.f32 v37;
	v59 =	vunpack.i.u.bf16.f32 v44;
	v44 =	vunpack.i.l.bf16.f32 v44  }
0x21e: {  	v30 =	vld.idx.msk [tilespmem:v11+s13+$0xFFFFEDE8], $0xffff;
	v35 =	vunpack.i.u.bf16.f32 v62;
	v24 =	vunpack.i.u.bf16.f32 v14;
	v13 =	vadd.f32 v13, v16  }
0x21f: {  	v21 =	vld.idx.msk [tilespmem:v10+s13+$0xFFFFEDE8], $0xffff;
	v14 =	vunpack.i.l.bf16.f32 v14;
	v50 =	vadd.f32 v23, v26;
	v20 =	vadd.f32 v20, v31  }
0x220: {  	v25 =	vld.idx.msk [tilespmem:v12+s6+$0x200], $0xffff;
	v38 =	vunpack.i.u.bf16.f32 v28;
	v34 =	vadd.f32 v18, v52;
	v33 =	vadd.f32 v51, v22  }
0x221: {  	v16 =	vld.idx.msk [tilespmem:v11+s13+$0xFFFFF3F0], $0xffff;
	v19 =	vadd.f32 v53, v19;
	v22 =	vunpack.i.l.bf16.f32 v37;
	v27 =	vunpack.i.u.bf16.f32 v15  }
0x222: {  	v23 =	vld.idx.msk [tilespmem:v9+s13+$0xFFFFF3F0], $0xffff;
	v29 =	vunpack.i.l.bf16.f32 v17;
	v17 =	vunpack.i.u.bf16.f32 v17;
	v15 =	vunpack.i.l.bf16.f32 v15  }
0x223: {  	v26 =	vld.idx.msk [tilespmem:v10+s13+$0xFFFFF9F8], $0xffff;
	v54 =	vunpack.i.l.bf16.f32 v30;
	v30 =	vunpack.i.u.bf16.f32 v30;
	v14 =	vadd.f32 v29, v14  }
0x224: {  	v31 =	vld.idx.msk [tilespmem:v10+s5+$0x0], $0xffff;
	v29 =	vunpack.i.u.bf16.f32 v21;
	v24 =	vadd.f32 v17, v24;
	v17 =	vunpack.i.l.bf16.f32 v21  }
0x225: {  	v18 =	vld.idx.msk [tilespmem:v11+s5+$0x0], $0xffff;
	v21 =	vunpack.i.u.bf16.f32 v25;
	v25 =	vunpack.i.l.bf16.f32 v25;
	v17 =	vadd.f32 v54, v17  }
0x226: {  	v61 =	vadd.f32 v30, v29;
	v43 =	vadd.f32 v14, v20;
	v20 =	vunpack.i.l.bf16.f32 v28  }
0x227: {  	v58 =	vld.idx.msk [tilespmem:v10+s5+$0xFFFFEDE8], $0xffff;
	v19 =	vadd.f32 v24, v19;
	v39 =	vunpack.i.l.bf16.f32 v16;
	v40 =	vunpack.i.u.bf16.f32 v23  }
0x228: {  	v41 =	vld.idx.msk [tilespmem:v11+s5+$0xFFFFF9F8], $0xffff;
	v23 =	vunpack.i.l.bf16.f32 v23;
	v42 =	vunpack.i.u.bf16.f32 v26;
	v16 =	vunpack.i.u.bf16.f32 v16  }
0x229: {  	v14 =	vld.idx.msk [tilespmem:v12+s26+$0x600], $0xffff;
	v57 =	vunpack.i.u.bf16.f32 v31;
	v31 =	vunpack.i.l.bf16.f32 v31;
	v13 =	vadd.f32 v17, v13  }
0x22a: {  	v24 =	vld.idx.msk [tilespmem:v9+s5+$0x0], $0xffff;
	v60 =	vunpack.i.l.bf16.f32 v18;
	v36 =	vadd.f32 v61, v50;
	v27 =	vadd.f32 v27, v42  }
0x22b: {  	v17 =	vld.idx.msk [tilespmem:v9+s5+$0xFFFFF9F8], $0xffff;
	v45 =	vunpack.i.u.bf16.f32 v18;
	v56 =	vadd.f32 v39, v20;
	v23 =	vadd.f32 v23, v25  }
0x22c: {  	v26 =	vunpack.i.l.bf16.f32 v26;
	v40 =	vadd.f32 v40, v21;
	v16 =	vadd.f32 v16, v38;
	[tilespmem:s21+$0x800] =	vst v43;
	v21 =	vld.idx.msk [tilespmem:v12+s26+$0x200], $0xffff  }
0x22d: {  	v18 =	vunpack.i.u.bf16.f32 v58;
	[tilespmem:s21+$0xC00] =	vst v19;
	v19 =	vadd.f32 v22, v44;
	v22 =	vld.idx.msk [tilespmem:v10+s5+$0xFFFFF3F0], $0xffff;
	v23 =	vadd.f32 v56, v23  }
0x22e: {  	v20 =	vunpack.i.u.bf16.f32 v41;
	v30 =	vadd.f32 v15, v26;
	v26 =	vld.idx.msk [tilespmem:v11+s5+$0xFFFFEDE8], $0xffff;
	[tilespmem:s21+$0xFFFFF000] =	vst v13;
	v34 =	vadd.f32 v27, v34  }
0x22f: {  	v25 =	vadd.f32 v60, v31;
	v15 =	vunpack.i.l.bf16.f32 v41;
	v31 =	vld.idx.msk [tilespmem:v11+s5+$0xFFFFF3F0], $0xffff;
	v29 =	vadd.f32 v16, v40;
	[tilespmem:s21+$0xFFFFF800] =	vst v23  }
0x230: {  	v13 =	vadd.f32 v55, v59;
	v27 =	vunpack.i.l.bf16.f32 v58;
	v63 =	vadd.f32 v30, v33;
	[tilespmem:s21+$0x400] =	vst v34;
	v34 =	vld.idx.msk [tilespmem:v9+s5+$0xFFFFF3F0], $0xffff  }
0x231: {  	s11 =	sadd.s32 $0x2000, s21;
	s6 =	simm.s32 $0x6258;
	v16 =	vld.idx.msk [tilespmem:v10+s5+$0xFFFFF9F8], $0xffff;
	v33 =	vunpack.i.l.bf16.f32 v62;
	v28 =	vunpack.i.l.bf16.f32 v14;
	v32 =	vunpack.i.u.bf16.f32 v24;
	[tilespmem:s21+$0xFFFFFC00] =	vst v29  }
0x232: {  	s13 =	simm.s32 $0x4;
	s26 =	smov.u32 s21;
	v23 =	vadd.f32 v45, v57;
	v29 =	vunpack.i.l.bf16.f32 v17;
	s5 =	simm.s32 $0x1000;
	[tilespmem:s21+$0x0] =	vst v63;
	v30 =	vunpack.i.u.bf16.f32 v21  }
.LBB2_16:
0x233: {  	v37 =	vld.idx.msk [tilespmem:v9+s6+$0xFFFFEDE8], $0xffff;
	s13 =	sadd.s32 $0x4, s13;
	v38 =	vunpack.i.l.bf16.f32 v26;
	v39 =	vunpack.i.u.bf16.f32 v22;
	v24 =	vunpack.i.l.bf16.f32 v24;
	[tilespmem:s26+$0xFFFFF400] =	vst v36;
	s26 =	smov.u32 s11;
	s11 =	sadd.s32 $0x2000, s11  }
0x234: {  	v26 =	vunpack.i.u.bf16.f32 v26;
	v40 =	vunpack.i.l.bf16.f32 v31;
	v36 =	vld.idx.msk [tilespmem:v10+s6+$0x0], $0xffff;
	p2 =	slt.u32 s13, $0xC;
	v24 =	vadd.f32 v24, v28  }
0x235: {  	v31 =	vunpack.i.u.bf16.f32 v31;
	v28 =	vunpack.i.u.bf16.f32 v34;
	v34 =	vunpack.i.l.bf16.f32 v34;
	v41 =	vld.idx.msk [tilespmem:v11+s6+$0xFFFFF9F8], $0xffff  }
0x236: {  	v17 =	vunpack.i.u.bf16.f32 v17;
	v43 =	vunpack.i.u.bf16.f32 v16;
	v42 =	vld.idx.msk [tilespmem:v12+s5+$0x0], $0xffff;
	v24 =	vadd.f32 v25, v24  }
0x237: {  	v44 =	vunpack.i.l.bf16.f32 v21;
	v35 =	vadd.f32 v17, v35;
	v43 =	vadd.f32 v20, v43;
	v25 =	vld.idx.msk [tilespmem:v11+s6+$0x0], $0xffff  }
0x238: {  	v29 =	vadd.f32 v29, v33;
	v20 =	vunpack.i.u.bf16.f32 v14;
	v30 =	vadd.f32 v28, v30;
	v17 =	vld.idx.msk [tilespmem:v9+s6+$0xFFFFF9F8], $0xffff;
	[tilespmem:s26+$0x800] =	vst v24  }
0x239: {  	v21 =	vunpack.i.l.bf16.f32 v22;
	v20 =	vadd.f32 v32, v20;
	v33 =	vunpack.i.u.bf16.f32 v37;
	v14 =	vld.idx.msk [tilespmem:v12+s5+$0x600], $0xffff  }
0x23a: {  	v22 =	vadd.f32 v38, v27;
	v27 =	vadd.f32 v40, v21;
	v32 =	vunpack.i.l.bf16.f32 v37;
	v24 =	vld.idx.msk [tilespmem:v9+s6+$0x0], $0xffff  }
0x23b: {  	v31 =	vadd.f32 v31, v39;
	v38 =	vunpack.i.u.bf16.f32 v36;
	v36 =	vunpack.i.l.bf16.f32 v36;
	v37 =	vld.idx.msk [tilespmem:v10+s6+$0xFFFFEDE8], $0xffff  }
0x23c: {  	v19 =	vadd.f32 v22, v19;
	v23 =	vadd.f32 v23, v20;
	v39 =	vunpack.i.u.bf16.f32 v42;
	v40 =	vld.idx.msk [tilespmem:v12+s5+$0x400], $0xffff  }
0x23d: {  	v34 =	vadd.f32 v34, v44;
	v20 =	vunpack.i.u.bf16.f32 v41;
	v45 =	vunpack.i.l.bf16.f32 v25;
	v21 =	vld.idx.msk [tilespmem:v12+s5+$0x200], $0xffff  }
0x23e: {  	v46 =	vadd.f32 v26, v18;
	v42 =	vunpack.i.l.bf16.f32 v42;
	v44 =	vunpack.i.u.bf16.f32 v25;
	v22 =	vld.idx.msk [tilespmem:v10+s6+$0xFFFFF3F0], $0xffff;
	[tilespmem:s26+$0xC00] =	vst v23  }
0x23f: {  	v25 =	vadd.f32 v45, v36;
	v28 =	vunpack.i.l.bf16.f32 v14;
	v23 =	vadd.f32 v27, v34;
	v26 =	vld.idx.msk [tilespmem:v11+s6+$0xFFFFEDE8], $0xffff;
	[tilespmem:s26+$0xFFFFF000] =	vst v19  }
0x240: {  	v27 =	vadd.f32 v31, v30;
	v30 =	vunpack.i.l.bf16.f32 v16;
	v19 =	vadd.f32 v32, v42;
	v16 =	vld.idx.msk [tilespmem:v10+s6+$0xFFFFF9F8], $0xffff  }
.Ltmp6:
0x241: {  	v30 =	vadd.f32 v15, v30;
	v32 =	vadd.f32 v43, v35;
	v18 =	vunpack.i.u.bf16.f32 v37;
	v31 =	vld.idx.msk [tilespmem:v11+s6+$0xFFFFF3F0], $0xffff;
	[tilespmem:s26+$0xFFFFF800] =	vst v23;
	(pc) =	sbr.rel @p2 .LBB2_16-.Ltmp6, $4  }
0x242: {  	v33 =	vadd.f32 v33, v39;
	v15 =	vunpack.i.l.bf16.f32 v41;
	v23 =	vadd.f32 v44, v38;
	v34 =	vld.idx.msk [tilespmem:v9+s6+$0xFFFFF3F0], $0xffff;
	[tilespmem:s26+$0xFFFFFC00] =	vst v27  }
0x243: {  	v27 =	vunpack.i.l.bf16.f32 v37;
	v37 =	vadd.f32 v30, v29;
	[tilespmem:s26+$0x400] =	vst v32  }
0x244: {  	v36 =	vadd.f32 v46, v13;
	v13 =	vmovc v33;
	v30 =	vunpack.i.u.bf16.f32 v21;
	v29 =	vunpack.i.l.bf16.f32 v17  }
0x245: {  	s5 =	sadd.s32 $0x800, s5;
	v35 =	vunpack.i.u.bf16.f32 v40;
	v33 =	vunpack.i.l.bf16.f32 v40;
	s6 =	sadd.s32 $0x1820, s6;
	v32 =	vunpack.i.u.bf16.f32 v24;
	[tilespmem:s26+$0x0] =	vst v37  }
0x246: {  	v9 =	vunpack.i.l.bf16.f32 v26;
	v10 =	vunpack.i.u.bf16.f32 v22  }
0x247: {  	v11 =	vunpack.i.l.bf16.f32 v24;
	v12 =	vunpack.i.l.bf16.f32 v31;
	v31 =	vunpack.i.u.bf16.f32 v31  }
0x248: {  	v17 =	vunpack.i.u.bf16.f32 v17;
	v49 =	vunpack.i.u.bf16.f32 v16;
	v14 =	vunpack.i.u.bf16.f32 v14  }
0x249: {  	v22 =	vunpack.i.l.bf16.f32 v22;
	v11 =	vadd.f32 v11, v28;
	v17 =	vadd.f32 v17, v35  }
0x24a: {  	v21 =	vunpack.i.l.bf16.f32 v21;
	v20 =	vadd.f32 v20, v49;
	v14 =	vadd.f32 v32, v14  }
0x24b: {  	v16 =	vunpack.i.l.bf16.f32 v16;
	v9 =	vadd.f32 v9, v27;
	v12 =	vadd.f32 v12, v22  }
0x24c: {  	v28 =	vunpack.i.l.bf16.f32 v34;
	v10 =	vadd.f32 v31, v10;
	v11 =	vadd.f32 v25, v11  }
0x24d: {  	[tilespmem:s26+$0xFFFFF400] =	vst v36;
	v24 =	vunpack.i.u.bf16.f32 v34;
	v21 =	vadd.f32 v28, v21;
	v14 =	vadd.f32 v23, v14  }
0x24e: {  	s5 =	sadd.s32 $0x120, s0;
	v22 =	vunpack.i.u.bf16.f32 v26;
	v24 =	vadd.f32 v24, v30;
	v9 =	vadd.f32 v9, v19;
	[tilespmem:s11+$0x800] =	vst v11  }
0x24f: {  	v12 =	vadd.f32 v12, v21;
	[tilespmem:s11+$0xC00] =	vst v14;
	v14 =	vadd.f32 v15, v16;
	v15 =	vadd.s32 s5, v0  }
0x250: {  	v25 =	vadd.f32 v29, v33;
	v10 =	vadd.f32 v10, v24;
	[tilespmem:s11+$0xFFFFF000] =	vst v9;
	v15 =	vand.u32 $0x1FF8, v15  }
0x251: {  	v11 =	vadd.f32 v22, v18;
	v9 =	vadd.f32 v20, v17;
	[tilespmem:s11+$0xFFFFF800] =	vst v12;
	v12 =	vor.u32 v4, v15  }
0x252: {  	[tilespmem:s11+$0xFFFFFC00] =	vst v10;
	v10 =	vadd.f32 v14, v25  }
0x253: {  	[tilespmem:s11+$0x400] =	vst v9;
	v9 =	vadd.f32 v11, v13  }
0x254: {  	[tilespmem:s11+$0x0] =	vst v10  }
0x255: {  	v16 =	vadd.s32 s5, v2;
	[tilespmem:s11+$0xFFFFF400] =	vst v9  }
0x256: {  	v15 =	vand.u32 $0x1FF8, v16;
	v16 =	vadd.s32 s5, v3;
	v9 =	vld.idx.msk [tilespmem:v12+s29+$0x0], $0xffff  }
0x257: {  	v14 =	vor.u32 v5, v15;
	v15 =	vand.u32 $0x1FF8, v16;
	v12 =	vld [tilespmem:s1+$0x60]  }
0x258: {  	v11 =	vor.u32 v6, v15;
	_ =	sdelay $0x3  }
0x259: {  	v10 =	vld.idx.msk [tilespmem:v14+s29+$0x0], $0xffff  }
0x25a: {  	s13 =	simm.s32 $0x3218;
	v11 =	vld.idx.msk [tilespmem:v11+s29+$0x0], $0xffff  }
0x25b: {  	s6 =	simm.s32 $0x0;
	v13 =	vld.idx.msk [tilespmem:v9+s13+$0xFFFFEDE8], $0xffff  }
0x25c: {  	v16 =	vld.idx.msk [tilespmem:v12+s6+$0x0], $0xffff  }
0x25d: {  	v18 =	vld.idx.msk [tilespmem:v9+s13+$0xFFFFF9F8], $0xffff  }
0x25e: {  	v19 =	vld.idx.msk [tilespmem:v12+s6+$0x600], $0xffff  }
0x25f: {  	v20 =	vld.idx.msk [tilespmem:v9+s13+$0x0], $0xffff  }
0x260: {  	s5 =	simm.s32 $0x4A38;
	v22 =	vld.idx.msk [tilespmem:v12+s6+$0x400], $0xffff  }
0x261: {  	s26 =	simm.s32 $0x800;
	v37 =	vld.idx.msk [tilespmem:v9+s5+$0xFFFFEDE8], $0xffff  }
0x262: {  	v44 =	vld.idx.msk [tilespmem:v12+s26+$0x0], $0xffff  }
0x263: {  	v62 =	vld.idx.msk [tilespmem:v12+s26+$0x400], $0xffff  }
0x264: {  	v14 =	vld.idx.msk [tilespmem:v10+s13+$0x0], $0xffff;
	v23 =	vunpack.i.u.bf16.f32 v13;
	v13 =	vunpack.i.l.bf16.f32 v13;
	v26 =	vunpack.i.u.bf16.f32 v16  }
0x265: {  	v16 =	vunpack.i.l.bf16.f32 v16;
	v31 =	vunpack.i.l.bf16.f32 v19;
	v51 =	vunpack.i.l.bf16.f32 v18  }
0x266: {  	v28 =	vld.idx.msk [tilespmem:v10+s13+$0xFFFFF3F0], $0xffff;
	v52 =	vunpack.i.u.bf16.f32 v22;
	v22 =	vunpack.i.l.bf16.f32 v22;
	v53 =	vunpack.i.u.bf16.f32 v20  }
0x267: {  	v15 =	vld.idx.msk [tilespmem:v11+s13+$0xFFFFF9F8], $0xffff;
	v20 =	vunpack.i.l.bf16.f32 v20;
	v18 =	vunpack.i.u.bf16.f32 v18;
	v19 =	vunpack.i.u.bf16.f32 v19  }
0x268: {  	v17 =	vld.idx.msk [tilespmem:v11+s13+$0x0], $0xffff;
	v55 =	vunpack.i.u.bf16.f32 v37;
	v59 =	vunpack.i.u.bf16.f32 v44;
	v44 =	vunpack.i.l.bf16.f32 v44  }
0x269: {  	v30 =	vld.idx.msk [tilespmem:v11+s13+$0xFFFFEDE8], $0xffff;
	v35 =	vunpack.i.u.bf16.f32 v62;
	v24 =	vunpack.i.u.bf16.f32 v14;
	v13 =	vadd.f32 v13, v16  }
0x26a: {  	v21 =	vld.idx.msk [tilespmem:v10+s13+$0xFFFFEDE8], $0xffff;
	v14 =	vunpack.i.l.bf16.f32 v14;
	v50 =	vadd.f32 v23, v26;
	v20 =	vadd.f32 v20, v31  }
0x26b: {  	v25 =	vld.idx.msk [tilespmem:v12+s6+$0x200], $0xffff;
	v38 =	vunpack.i.u.bf16.f32 v28;
	v34 =	vadd.f32 v18, v52;
	v33 =	vadd.f32 v51, v22  }
0x26c: {  	v16 =	vld.idx.msk [tilespmem:v11+s13+$0xFFFFF3F0], $0xffff;
	v19 =	vadd.f32 v53, v19;
	v22 =	vunpack.i.l.bf16.f32 v37;
	v27 =	vunpack.i.u.bf16.f32 v15  }
0x26d: {  	v23 =	vld.idx.msk [tilespmem:v9+s13+$0xFFFFF3F0], $0xffff;
	v29 =	vunpack.i.l.bf16.f32 v17;
	v17 =	vunpack.i.u.bf16.f32 v17;
	v15 =	vunpack.i.l.bf16.f32 v15  }
0x26e: {  	v26 =	vld.idx.msk [tilespmem:v10+s13+$0xFFFFF9F8], $0xffff;
	v54 =	vunpack.i.l.bf16.f32 v30;
	v30 =	vunpack.i.u.bf16.f32 v30;
	v14 =	vadd.f32 v29, v14  }
0x26f: {  	v31 =	vld.idx.msk [tilespmem:v10+s5+$0x0], $0xffff;
	v29 =	vunpack.i.u.bf16.f32 v21;
	v24 =	vadd.f32 v17, v24;
	v17 =	vunpack.i.l.bf16.f32 v21  }
0x270: {  	v18 =	vld.idx.msk [tilespmem:v11+s5+$0x0], $0xffff;
	v21 =	vunpack.i.u.bf16.f32 v25;
	v25 =	vunpack.i.l.bf16.f32 v25;
	v17 =	vadd.f32 v54, v17  }
0x271: {  	v61 =	vadd.f32 v30, v29;
	v43 =	vadd.f32 v14, v20;
	v20 =	vunpack.i.l.bf16.f32 v28  }
0x272: {  	v58 =	vld.idx.msk [tilespmem:v10+s5+$0xFFFFEDE8], $0xffff;
	v19 =	vadd.f32 v24, v19;
	v39 =	vunpack.i.l.bf16.f32 v16;
	v40 =	vunpack.i.u.bf16.f32 v23  }
0x273: {  	v41 =	vld.idx.msk [tilespmem:v11+s5+$0xFFFFF9F8], $0xffff;
	v23 =	vunpack.i.l.bf16.f32 v23;
	v42 =	vunpack.i.u.bf16.f32 v26;
	v16 =	vunpack.i.u.bf16.f32 v16  }
0x274: {  	v14 =	vld.idx.msk [tilespmem:v12+s26+$0x600], $0xffff;
	v57 =	vunpack.i.u.bf16.f32 v31;
	v31 =	vunpack.i.l.bf16.f32 v31;
	v13 =	vadd.f32 v17, v13  }
0x275: {  	v24 =	vld.idx.msk [tilespmem:v9+s5+$0x0], $0xffff;
	v60 =	vunpack.i.l.bf16.f32 v18;
	v36 =	vadd.f32 v61, v50;
	v27 =	vadd.f32 v27, v42  }
0x276: {  	v17 =	vld.idx.msk [tilespmem:v9+s5+$0xFFFFF9F8], $0xffff;
	v45 =	vunpack.i.u.bf16.f32 v18;
	v56 =	vadd.f32 v39, v20;
	v23 =	vadd.f32 v23, v25  }
0x277: {  	v26 =	vunpack.i.l.bf16.f32 v26;
	v40 =	vadd.f32 v40, v21;
	v16 =	vadd.f32 v16, v38;
	[tilespmem:s20+$0x800] =	vst v43;
	v21 =	vld.idx.msk [tilespmem:v12+s26+$0x200], $0xffff  }
0x278: {  	v18 =	vunpack.i.u.bf16.f32 v58;
	[tilespmem:s20+$0xC00] =	vst v19;
	v19 =	vadd.f32 v22, v44;
	v22 =	vld.idx.msk [tilespmem:v10+s5+$0xFFFFF3F0], $0xffff;
	v23 =	vadd.f32 v56, v23  }
0x279: {  	v20 =	vunpack.i.u.bf16.f32 v41;
	v30 =	vadd.f32 v15, v26;
	v26 =	vld.idx.msk [tilespmem:v11+s5+$0xFFFFEDE8], $0xffff;
	[tilespmem:s20+$0xFFFFF000] =	vst v13;
	v34 =	vadd.f32 v27, v34  }
0x27a: {  	v25 =	vadd.f32 v60, v31;
	v15 =	vunpack.i.l.bf16.f32 v41;
	v31 =	vld.idx.msk [tilespmem:v11+s5+$0xFFFFF3F0], $0xffff;
	v29 =	vadd.f32 v16, v40;
	[tilespmem:s20+$0xFFFFF800] =	vst v23  }
0x27b: {  	v13 =	vadd.f32 v55, v59;
	v27 =	vunpack.i.l.bf16.f32 v58;
	v63 =	vadd.f32 v30, v33;
	[tilespmem:s20+$0x400] =	vst v34;
	v34 =	vld.idx.msk [tilespmem:v9+s5+$0xFFFFF3F0], $0xffff  }
0x27c: {  	s11 =	sadd.s32 $0x2000, s20;
	s6 =	simm.s32 $0x6258;
	v16 =	vld.idx.msk [tilespmem:v10+s5+$0xFFFFF9F8], $0xffff;
	v33 =	vunpack.i.l.bf16.f32 v62;
	v28 =	vunpack.i.l.bf16.f32 v14;
	v32 =	vunpack.i.u.bf16.f32 v24;
	[tilespmem:s20+$0xFFFFFC00] =	vst v29  }
0x27d: {  	s13 =	simm.s32 $0x4;
	s26 =	smov.u32 s20;
	v23 =	vadd.f32 v45, v57;
	v29 =	vunpack.i.l.bf16.f32 v17;
	s5 =	simm.s32 $0x1000;
	[tilespmem:s20+$0x0] =	vst v63;
	v30 =	vunpack.i.u.bf16.f32 v21  }
.LBB2_18:
0x27e: {  	v37 =	vld.idx.msk [tilespmem:v9+s6+$0xFFFFEDE8], $0xffff;
	s13 =	sadd.s32 $0x4, s13;
	v38 =	vunpack.i.l.bf16.f32 v26;
	v39 =	vunpack.i.u.bf16.f32 v22;
	v24 =	vunpack.i.l.bf16.f32 v24;
	[tilespmem:s26+$0xFFFFF400] =	vst v36;
	s26 =	smov.u32 s11;
	s11 =	sadd.s32 $0x2000, s11  }
0x27f: {  	v26 =	vunpack.i.u.bf16.f32 v26;
	v40 =	vunpack.i.l.bf16.f32 v31;
	v36 =	vld.idx.msk [tilespmem:v10+s6+$0x0], $0xffff;
	p2 =	slt.u32 s13, $0xC;
	v24 =	vadd.f32 v24, v28  }
0x280: {  	v31 =	vunpack.i.u.bf16.f32 v31;
	v28 =	vunpack.i.u.bf16.f32 v34;
	v34 =	vunpack.i.l.bf16.f32 v34;
	v41 =	vld.idx.msk [tilespmem:v11+s6+$0xFFFFF9F8], $0xffff  }
0x281: {  	v17 =	vunpack.i.u.bf16.f32 v17;
	v43 =	vunpack.i.u.bf16.f32 v16;
	v42 =	vld.idx.msk [tilespmem:v12+s5+$0x0], $0xffff;
	v24 =	vadd.f32 v25, v24  }
0x282: {  	v44 =	vunpack.i.l.bf16.f32 v21;
	v35 =	vadd.f32 v17, v35;
	v43 =	vadd.f32 v20, v43;
	v25 =	vld.idx.msk [tilespmem:v11+s6+$0x0], $0xffff  }
0x283: {  	v29 =	vadd.f32 v29, v33;
	v20 =	vunpack.i.u.bf16.f32 v14;
	v30 =	vadd.f32 v28, v30;
	v17 =	vld.idx.msk [tilespmem:v9+s6+$0xFFFFF9F8], $0xffff;
	[tilespmem:s26+$0x800] =	vst v24  }
0x284: {  	v21 =	vunpack.i.l.bf16.f32 v22;
	v20 =	vadd.f32 v32, v20;
	v33 =	vunpack.i.u.bf16.f32 v37;
	v14 =	vld.idx.msk [tilespmem:v12+s5+$0x600], $0xffff  }
0x285: {  	v22 =	vadd.f32 v38, v27;
	v27 =	vadd.f32 v40, v21;
	v32 =	vunpack.i.l.bf16.f32 v37;
	v24 =	vld.idx.msk [tilespmem:v9+s6+$0x0], $0xffff  }
0x286: {  	v31 =	vadd.f32 v31, v39;
	v38 =	vunpack.i.u.bf16.f32 v36;
	v36 =	vunpack.i.l.bf16.f32 v36;
	v37 =	vld.idx.msk [tilespmem:v10+s6+$0xFFFFEDE8], $0xffff  }
0x287: {  	v19 =	vadd.f32 v22, v19;
	v23 =	vadd.f32 v23, v20;
	v39 =	vunpack.i.u.bf16.f32 v42;
	v40 =	vld.idx.msk [tilespmem:v12+s5+$0x400], $0xffff  }
0x288: {  	v34 =	vadd.f32 v34, v44;
	v20 =	vunpack.i.u.bf16.f32 v41;
	v45 =	vunpack.i.l.bf16.f32 v25;
	v21 =	vld.idx.msk [tilespmem:v12+s5+$0x200], $0xffff  }
0x289: {  	v46 =	vadd.f32 v26, v18;
	v42 =	vunpack.i.l.bf16.f32 v42;
	v44 =	vunpack.i.u.bf16.f32 v25;
	v22 =	vld.idx.msk [tilespmem:v10+s6+$0xFFFFF3F0], $0xffff;
	[tilespmem:s26+$0xC00] =	vst v23  }
0x28a: {  	v25 =	vadd.f32 v45, v36;
	v28 =	vunpack.i.l.bf16.f32 v14;
	v23 =	vadd.f32 v27, v34;
	v26 =	vld.idx.msk [tilespmem:v11+s6+$0xFFFFEDE8], $0xffff;
	[tilespmem:s26+$0xFFFFF000] =	vst v19  }
0x28b: {  	v27 =	vadd.f32 v31, v30;
	v30 =	vunpack.i.l.bf16.f32 v16;
	v19 =	vadd.f32 v32, v42;
	v16 =	vld.idx.msk [tilespmem:v10+s6+$0xFFFFF9F8], $0xffff  }
.Ltmp7:
0x28c: {  	v30 =	vadd.f32 v15, v30;
	v32 =	vadd.f32 v43, v35;
	v18 =	vunpack.i.u.bf16.f32 v37;
	v31 =	vld.idx.msk [tilespmem:v11+s6+$0xFFFFF3F0], $0xffff;
	[tilespmem:s26+$0xFFFFF800] =	vst v23;
	(pc) =	sbr.rel @p2 .LBB2_18-.Ltmp7, $4  }
0x28d: {  	v33 =	vadd.f32 v33, v39;
	v15 =	vunpack.i.l.bf16.f32 v41;
	v23 =	vadd.f32 v44, v38;
	v34 =	vld.idx.msk [tilespmem:v9+s6+$0xFFFFF3F0], $0xffff;
	[tilespmem:s26+$0xFFFFFC00] =	vst v27  }
0x28e: {  	v27 =	vunpack.i.l.bf16.f32 v37;
	v37 =	vadd.f32 v30, v29;
	[tilespmem:s26+$0x400] =	vst v32  }
0x28f: {  	v36 =	vadd.f32 v46, v13;
	v13 =	vmovc v33;
	v30 =	vunpack.i.u.bf16.f32 v21;
	v29 =	vunpack.i.l.bf16.f32 v17  }
0x290: {  	s5 =	sadd.s32 $0x800, s5;
	v35 =	vunpack.i.u.bf16.f32 v40;
	v33 =	vunpack.i.l.bf16.f32 v40;
	s6 =	sadd.s32 $0x1820, s6;
	v32 =	vunpack.i.u.bf16.f32 v24;
	[tilespmem:s26+$0x0] =	vst v37  }
0x291: {  	v9 =	vunpack.i.l.bf16.f32 v26;
	v10 =	vunpack.i.u.bf16.f32 v22  }
0x292: {  	v11 =	vunpack.i.l.bf16.f32 v24;
	v12 =	vunpack.i.l.bf16.f32 v31;
	v31 =	vunpack.i.u.bf16.f32 v31  }
0x293: {  	v17 =	vunpack.i.u.bf16.f32 v17;
	v48 =	vunpack.i.u.bf16.f32 v16;
	v14 =	vunpack.i.u.bf16.f32 v14  }
0x294: {  	v22 =	vunpack.i.l.bf16.f32 v22;
	v11 =	vadd.f32 v11, v28;
	v17 =	vadd.f32 v17, v35  }
0x295: {  	v21 =	vunpack.i.l.bf16.f32 v21;
	v20 =	vadd.f32 v20, v48;
	v14 =	vadd.f32 v32, v14  }
0x296: {  	v16 =	vunpack.i.l.bf16.f32 v16;
	v9 =	vadd.f32 v9, v27;
	v12 =	vadd.f32 v12, v22  }
0x297: {  	v28 =	vunpack.i.l.bf16.f32 v34;
	v10 =	vadd.f32 v31, v10;
	v11 =	vadd.f32 v25, v11  }
0x298: {  	[tilespmem:s26+$0xFFFFF400] =	vst v36;
	v24 =	vunpack.i.u.bf16.f32 v34;
	v21 =	vadd.f32 v28, v21;
	v14 =	vadd.f32 v23, v14  }
0x299: {  	s0 =	sadd.s32 $0x150, s0;
	v22 =	vunpack.i.u.bf16.f32 v26;
	v24 =	vadd.f32 v24, v30;
	v9 =	vadd.f32 v9, v19;
	[tilespmem:s11+$0x800] =	vst v11  }
0x29a: {  	v12 =	vadd.f32 v12, v21;
	[tilespmem:s11+$0xC00] =	vst v14;
	v14 =	vadd.f32 v15, v16;
	v15 =	vadd.s32 s0, v0  }
0x29b: {  	v25 =	vadd.f32 v29, v33;
	v10 =	vadd.f32 v10, v24;
	[tilespmem:s11+$0xFFFFF000] =	vst v9;
	v15 =	vand.u32 $0x3FF8, v15  }
0x29c: {  	v11 =	vadd.f32 v22, v18;
	v9 =	vadd.f32 v20, v17;
	[tilespmem:s11+$0xFFFFF800] =	vst v12;
	v12 =	vor.u32 v4, v15  }
0x29d: {  	[tilespmem:s11+$0xFFFFFC00] =	vst v10;
	v10 =	vadd.f32 v14, v25  }
0x29e: {  	[tilespmem:s11+$0x400] =	vst v9;
	v9 =	vadd.f32 v11, v13  }
0x29f: {  	[tilespmem:s11+$0x0] =	vst v10  }
0x2a0: {  	v16 =	vadd.s32 s0, v2;
	[tilespmem:s11+$0xFFFFF400] =	vst v9  }
0x2a1: {  	v15 =	vand.u32 $0x3FF8, v16;
	v16 =	vadd.s32 s0, v3;
	v9 =	vld.idx.msk [tilespmem:v12+s29+$0x0], $0xffff  }
0x2a2: {  	v14 =	vor.u32 v5, v15;
	v15 =	vand.u32 $0x3FF8, v16;
	v12 =	vld [tilespmem:s1+$0x70]  }
0x2a3: {  	v11 =	vor.u32 v6, v15;
	_ =	sdelay $0x3  }
0x2a4: {  	v10 =	vld.idx.msk [tilespmem:v14+s29+$0x0], $0xffff  }
0x2a5: {  	s6 =	simm.s32 $0x3218;
	v11 =	vld.idx.msk [tilespmem:v11+s29+$0x0], $0xffff  }
0x2a6: {  	s11 =	simm.s32 $0x0;
	v13 =	vld.idx.msk [tilespmem:v9+s6+$0xFFFFEDE8], $0xffff  }
0x2a7: {  	v16 =	vld.idx.msk [tilespmem:v12+s11+$0x0], $0xffff  }
0x2a8: {  	v18 =	vld.idx.msk [tilespmem:v9+s6+$0xFFFFF9F8], $0xffff  }
0x2a9: {  	v19 =	vld.idx.msk [tilespmem:v12+s11+$0x600], $0xffff  }
0x2aa: {  	v20 =	vld.idx.msk [tilespmem:v9+s6+$0x0], $0xffff  }
0x2ab: {  	s13 =	simm.s32 $0x4A38;
	v22 =	vld.idx.msk [tilespmem:v12+s11+$0x400], $0xffff  }
0x2ac: {  	s26 =	simm.s32 $0x800;
	v37 =	vld.idx.msk [tilespmem:v9+s13+$0xFFFFEDE8], $0xffff  }
0x2ad: {  	v43 =	vld.idx.msk [tilespmem:v12+s26+$0x0], $0xffff  }
0x2ae: {  	v61 =	vld.idx.msk [tilespmem:v12+s26+$0x400], $0xffff  }
0x2af: {  	v14 =	vld.idx.msk [tilespmem:v10+s6+$0x0], $0xffff  }
0x2b0: {  	v28 =	vld.idx.msk [tilespmem:v10+s6+$0xFFFFF3F0], $0xffff  }
0x2b1: {  	v50 =	vld.idx.msk [tilespmem:v10+s6+$0xFFFFF9F8], $0xffff;
	v23 =	vunpack.i.u.bf16.f32 v13;
	v13 =	vunpack.i.l.bf16.f32 v13;
	v26 =	vunpack.i.u.bf16.f32 v16  }
0x2b2: {  	v15 =	vld.idx.msk [tilespmem:v11+s6+$0xFFFFF9F8], $0xffff;
	v16 =	vunpack.i.l.bf16.f32 v16;
	v31 =	vunpack.i.l.bf16.f32 v19;
	v51 =	vunpack.i.u.bf16.f32 v22  }
0x2b3: {  	v17 =	vld.idx.msk [tilespmem:v11+s6+$0x0], $0xffff;
	v22 =	vunpack.i.l.bf16.f32 v22;
	v52 =	vunpack.i.u.bf16.f32 v20;
	v20 =	vunpack.i.l.bf16.f32 v20  }
0x2b4: {  	v30 =	vld.idx.msk [tilespmem:v11+s6+$0xFFFFEDE8], $0xffff;
	v45 =	vunpack.i.u.bf16.f32 v37;
	v55 =	vunpack.i.l.bf16.f32 v37;
	v58 =	vunpack.i.u.bf16.f32 v43  }
0x2b5: {  	v35 =	vunpack.i.u.bf16.f32 v61;
	v24 =	vunpack.i.u.bf16.f32 v14;
	v14 =	vunpack.i.l.bf16.f32 v14  }
0x2b6: {  	v54 =	vld.idx.msk [tilespmem:v11+s13+$0x0], $0xffff;
	v16 =	vadd.f32 v13, v16;
	v49 =	vadd.f32 v23, v26;
	v26 =	vunpack.i.l.bf16.f32 v18  }
0x2b7: {  	v21 =	vld.idx.msk [tilespmem:v10+s6+$0xFFFFEDE8], $0xffff;
	v38 =	vunpack.i.u.bf16.f32 v28;
	v20 =	vadd.f32 v20, v31;
	v18 =	vunpack.i.u.bf16.f32 v18  }
0x2b8: {  	v42 =	vunpack.i.u.bf16.f32 v50;
	v27 =	vunpack.i.u.bf16.f32 v15;
	v29 =	vunpack.i.l.bf16.f32 v17  }
0x2b9: {  	v25 =	vld.idx.msk [tilespmem:v12+s11+$0x200], $0xffff;
	v17 =	vunpack.i.u.bf16.f32 v17;
	v15 =	vunpack.i.l.bf16.f32 v15;
	v53 =	vunpack.i.l.bf16.f32 v30  }
0x2ba: {  	v13 =	vld.idx.msk [tilespmem:v11+s6+$0xFFFFF3F0], $0xffff;
	v30 =	vunpack.i.u.bf16.f32 v30;
	v34 =	vadd.f32 v18, v51;
	v44 =	vadd.f32 v26, v22  }
0x2bb: {  	v23 =	vld.idx.msk [tilespmem:v9+s6+$0xFFFFF3F0], $0xffff;
	v18 =	vunpack.i.u.bf16.f32 v19;
	v19 =	vunpack.i.l.bf16.f32 v28;
	v59 =	vunpack.i.u.bf16.f32 v54  }
0x2bc: {  	v31 =	vld.idx.msk [tilespmem:v10+s13+$0x0], $0xffff;
	v14 =	vadd.f32 v29, v14;
	v29 =	vunpack.i.u.bf16.f32 v21;
	v17 =	vadd.f32 v17, v24  }
0x2bd: {  	v21 =	vunpack.i.l.bf16.f32 v21;
	v27 =	vadd.f32 v27, v42;
	v22 =	vadd.f32 v52, v18  }
0x2be: {  	v24 =	vunpack.i.u.bf16.f32 v25;
	v18 =	vadd.f32 v53, v21;
	v60 =	vadd.f32 v30, v29  }
0x2bf: {  	v41 =	vld.idx.msk [tilespmem:v11+s13+$0xFFFFF9F8], $0xffff;
	v25 =	vunpack.i.l.bf16.f32 v25;
	v14 =	vadd.f32 v14, v20;
	v17 =	vadd.f32 v17, v22  }
0x2c0: {  	v21 =	vld.idx.msk [tilespmem:v12+s26+$0x200], $0xffff;
	v62 =	vadd.f32 v27, v34;
	v39 =	vunpack.i.l.bf16.f32 v13;
	v40 =	vunpack.i.u.bf16.f32 v23  }
0x2c1: {  	v23 =	vunpack.i.l.bf16.f32 v23;
	v20 =	vunpack.i.u.bf16.f32 v13;
	v13 =	vld.idx.msk [tilespmem:v12+s26+$0x600], $0xffff;
	v56 =	vunpack.i.u.bf16.f32 v31  }
0x2c2: {  	v26 =	vunpack.i.l.bf16.f32 v31;
	v31 =	vld.idx.msk [tilespmem:v10+s13+$0xFFFFEDE8], $0xffff;
	v19 =	vadd.f32 v39, v19;
	v23 =	vadd.f32 v23, v25  }
0x2c3: {  	v22 =	vunpack.i.l.bf16.f32 v54;
	v16 =	vadd.f32 v18, v16;
	v18 =	vld.idx.msk [tilespmem:v9+s13+$0xFFFFF9F8], $0xffff;
	v40 =	vadd.f32 v40, v24  }
0x2c4: {  	v57 =	vadd.f32 v20, v38;
	v24 =	vld.idx.msk [tilespmem:v9+s13+$0x0], $0xffff;
	[tilespmem:s19+$0x800] =	vst v14;
	v14 =	vadd.f32 v19, v23;
	v23 =	vunpack.i.l.bf16.f32 v50  }
0x2c5: {  	v25 =	vunpack.i.l.bf16.f32 v43;
	v26 =	vadd.f32 v22, v26;
	[tilespmem:s19+$0xC00] =	vst v17;
	v22 =	vld.idx.msk [tilespmem:v10+s13+$0xFFFFF3F0], $0xffff;
	v30 =	vadd.f32 v15, v23  }
0x2c6: {  	v36 =	vadd.f32 v60, v49;
	v20 =	vunpack.i.u.bf16.f32 v41;
	[tilespmem:s19+$0x400] =	vst v62;
	v19 =	vadd.f32 v55, v25;
	v25 =	vld.idx.msk [tilespmem:v11+s13+$0xFFFFEDE8], $0xffff  }
0x2c7: {  	[tilespmem:s19+$0xFFFFF000] =	vst v16;
	v29 =	vadd.f32 v57, v40;
	v32 =	vunpack.i.u.bf16.f32 v21;
	v63 =	vadd.f32 v30, v44;
	v30 =	vld.idx.msk [tilespmem:v11+s13+$0xFFFFF3F0], $0xffff  }
0x2c8: {  	v34 =	vld.idx.msk [tilespmem:v9+s13+$0xFFFFF3F0], $0xffff;
	v15 =	vunpack.i.l.bf16.f32 v41;
	v23 =	vadd.f32 v59, v56;
	v28 =	vunpack.i.l.bf16.f32 v13;
	[tilespmem:s19+$0xFFFFF800] =	vst v14  }
0x2c9: {  	s5 =	simm.s32 $0x1000;
	s0 =	sadd.s32 $0x2000, s19;
	v16 =	vld.idx.msk [tilespmem:v10+s13+$0xFFFFF9F8], $0xffff;
	v17 =	vunpack.i.u.bf16.f32 v31;
	v14 =	vadd.f32 v45, v58;
	[tilespmem:s19+$0xFFFFFC00] =	vst v29;
	v27 =	vunpack.i.l.bf16.f32 v31  }
0x2ca: {  	s1 =	smov.u32 s19;
	s11 =	simm.s32 $0x4;
	s6 =	simm.s32 $0x6258;
	v29 =	vunpack.i.l.bf16.f32 v18;
	v31 =	vunpack.i.l.bf16.f32 v61;
	v33 =	vunpack.i.u.bf16.f32 v24;
	[tilespmem:s19+$0x0] =	vst v63  }
.LBB2_20:
0x2cb: {  	v37 =	vld.idx.msk [tilespmem:v9+s6+$0xFFFFEDE8], $0xffff;
	s11 =	sadd.s32 $0x4, s11;
	v38 =	vunpack.i.l.bf16.f32 v25;
	v39 =	vunpack.i.u.bf16.f32 v22;
	v24 =	vunpack.i.l.bf16.f32 v24;
	[tilespmem:s1+$0xFFFFF400] =	vst v36;
	s1 =	smov.u32 s0;
	s0 =	sadd.s32 $0x2000, s0  }
0x2cc: {  	v25 =	vunpack.i.u.bf16.f32 v25;
	v40 =	vunpack.i.l.bf16.f32 v30;
	v36 =	vld.idx.msk [tilespmem:v10+s6+$0x0], $0xffff;
	p2 =	slt.u32 s11, $0xC;
	v24 =	vadd.f32 v24, v28  }
0x2cd: {  	v30 =	vunpack.i.u.bf16.f32 v30;
	v28 =	vunpack.i.u.bf16.f32 v34;
	v34 =	vunpack.i.l.bf16.f32 v34;
	v41 =	vld.idx.msk [tilespmem:v11+s6+$0xFFFFF9F8], $0xffff  }
0x2ce: {  	v18 =	vunpack.i.u.bf16.f32 v18;
	v43 =	vunpack.i.u.bf16.f32 v16;
	v42 =	vld.idx.msk [tilespmem:v12+s5+$0x0], $0xffff;
	v24 =	vadd.f32 v26, v24  }
0x2cf: {  	v44 =	vunpack.i.l.bf16.f32 v21;
	v35 =	vadd.f32 v18, v35;
	v43 =	vadd.f32 v20, v43;
	v26 =	vld.idx.msk [tilespmem:v11+s6+$0x0], $0xffff  }
0x2d0: {  	v29 =	vadd.f32 v29, v31;
	v20 =	vunpack.i.u.bf16.f32 v13;
	v32 =	vadd.f32 v28, v32;
	v18 =	vld.idx.msk [tilespmem:v9+s6+$0xFFFFF9F8], $0xffff;
	[tilespmem:s1+$0x800] =	vst v24  }
0x2d1: {  	v21 =	vunpack.i.l.bf16.f32 v22;
	v20 =	vadd.f32 v33, v20;
	v31 =	vunpack.i.u.bf16.f32 v37;
	v13 =	vld.idx.msk [tilespmem:v12+s5+$0x600], $0xffff  }
0x2d2: {  	v22 =	vadd.f32 v38, v27;
	v27 =	vadd.f32 v40, v21;
	v33 =	vunpack.i.l.bf16.f32 v37;
	v24 =	vld.idx.msk [tilespmem:v9+s6+$0x0], $0xffff  }
0x2d3: {  	v30 =	vadd.f32 v30, v39;
	v38 =	vunpack.i.u.bf16.f32 v36;
	v36 =	vunpack.i.l.bf16.f32 v36;
	v37 =	vld.idx.msk [tilespmem:v10+s6+$0xFFFFEDE8], $0xffff  }
0x2d4: {  	v19 =	vadd.f32 v22, v19;
	v23 =	vadd.f32 v23, v20;
	v39 =	vunpack.i.u.bf16.f32 v42;
	v40 =	vld.idx.msk [tilespmem:v12+s5+$0x400], $0xffff  }
0x2d5: {  	v34 =	vadd.f32 v34, v44;
	v20 =	vunpack.i.u.bf16.f32 v41;
	v45 =	vunpack.i.l.bf16.f32 v26;
	v21 =	vld.idx.msk [tilespmem:v12+s5+$0x200], $0xffff  }
0x2d6: {  	v46 =	vadd.f32 v25, v17;
	v42 =	vunpack.i.l.bf16.f32 v42;
	v44 =	vunpack.i.u.bf16.f32 v26;
	v22 =	vld.idx.msk [tilespmem:v10+s6+$0xFFFFF3F0], $0xffff;
	[tilespmem:s1+$0xC00] =	vst v23  }
0x2d7: {  	v26 =	vadd.f32 v45, v36;
	v28 =	vunpack.i.l.bf16.f32 v13;
	v23 =	vadd.f32 v27, v34;
	v25 =	vld.idx.msk [tilespmem:v11+s6+$0xFFFFEDE8], $0xffff;
	[tilespmem:s1+$0xFFFFF000] =	vst v19  }
0x2d8: {  	v27 =	vadd.f32 v30, v32;
	v32 =	vunpack.i.l.bf16.f32 v16;
	v19 =	vadd.f32 v33, v42;
	v16 =	vld.idx.msk [tilespmem:v10+s6+$0xFFFFF9F8], $0xffff  }
.Ltmp8:
0x2d9: {  	v32 =	vadd.f32 v15, v32;
	v33 =	vadd.f32 v43, v35;
	v17 =	vunpack.i.u.bf16.f32 v37;
	v30 =	vld.idx.msk [tilespmem:v11+s6+$0xFFFFF3F0], $0xffff;
	[tilespmem:s1+$0xFFFFF800] =	vst v23;
	(pc) =	sbr.rel @p2 .LBB2_20-.Ltmp8, $4  }
0x2da: {  	v31 =	vadd.f32 v31, v39;
	v15 =	vunpack.i.l.bf16.f32 v41;
	v23 =	vadd.f32 v44, v38;
	v34 =	vld.idx.msk [tilespmem:v9+s6+$0xFFFFF3F0], $0xffff;
	[tilespmem:s1+$0xFFFFFC00] =	vst v27  }
0x2db: {  	v27 =	vunpack.i.l.bf16.f32 v37;
	v37 =	vadd.f32 v32, v29;
	[tilespmem:s1+$0x400] =	vst v33  }
0x2dc: {  	v36 =	vadd.f32 v46, v14;
	v14 =	vmovc v31;
	v32 =	vunpack.i.u.bf16.f32 v21;
	v29 =	vunpack.i.l.bf16.f32 v18  }
0x2dd: {  	s5 =	sadd.s32 $0x800, s5;
	v35 =	vunpack.i.u.bf16.f32 v40;
	v31 =	vunpack.i.l.bf16.f32 v40;
	s6 =	sadd.s32 $0x1820, s6;
	v33 =	vunpack.i.u.bf16.f32 v24;
	[tilespmem:s1+$0x0] =	vst v37  }
0x2de: {  	v9 =	vunpack.i.l.bf16.f32 v24  }
0x2df: {  	v10 =	vunpack.i.l.bf16.f32 v25;
	v11 =	vunpack.i.u.bf16.f32 v22;
	v12 =	vunpack.i.l.bf16.f32 v30  }
0x2e0: {  	v18 =	vunpack.i.u.bf16.f32 v18;
	v57 =	vunpack.i.u.bf16.f32 v16;
	v13 =	vunpack.i.u.bf16.f32 v13  }
0x2e1: {  	v58 =	vunpack.i.l.bf16.f32 v22;
	v9 =	vadd.f32 v9, v28;
	v18 =	vadd.f32 v18, v35  }
0x2e2: {  	v21 =	vunpack.i.l.bf16.f32 v21;
	v20 =	vadd.f32 v20, v57;
	v13 =	vadd.f32 v33, v13  }
0x2e3: {  	v55 =	vunpack.i.u.bf16.f32 v34;
	v10 =	vadd.f32 v10, v27;
	v12 =	vadd.f32 v12, v58  }
0x2e4: {  	v56 =	vunpack.i.l.bf16.f32 v34;
	v24 =	vadd.f32 v55, v32;
	v9 =	vadd.f32 v26, v9  }
0x2e5: {  	[tilespmem:s1+$0xFFFFF400] =	vst v36;
	v59 =	vunpack.i.u.bf16.f32 v30;
	v21 =	vadd.f32 v56, v21;
	v13 =	vadd.f32 v23, v13  }
0x2e6: {  	v10 =	vadd.f32 v10, v19;
	[tilespmem:s0+$0x800] =	vst v9;
	v9 =	vadd.f32 v59, v11  }
0x2e7: {  	v60 =	vunpack.i.l.bf16.f32 v16;
	s31 =	sadd.s32 $0x1, s31;
	v63 =	vadd.f32 v20, v18;
	v11 =	vadd.f32 v29, v31;
	[tilespmem:s0+$0xC00] =	vst v13  }
0x2e8: {  	v61 =	vunpack.i.u.bf16.f32 v25;
	p2 =	sne.s32 s31, $0x8;
	[tilespmem:s0+$0xFFFFF000] =	vst v10;
	v10 =	vadd.f32 v15, v60;
	v9 =	vadd.f32 v9, v24  }
.Ltmp9:
0x2e9: {  	v62 =	vadd.f32 v61, v17;
	v12 =	vadd.f32 v12, v21;
	[tilespmem:s0+$0x400] =	vst v63;
	(pc) =	sbr.rel @p2 .LBB2_5-.Ltmp9, $4  }
0x2ea: {  	[tilespmem:s0+$0xFFFFFC00] =	vst v9;
	v9 =	vadd.f32 v10, v11  }
0x2eb: {  	s12 =	sadd.s32 $0x80, s12;
	s25 =	sadd.s32 $0x80, s25;
	[tilespmem:s0+$0xFFFFF800] =	vst v12;
	v10 =	vadd.f32 v62, v14  }
0x2ec: {  	s24 =	sadd.s32 $0x80, s24;
	s23 =	sadd.s32 $0x80, s23;
	s22 =	sadd.s32 $0x80, s22;
	[tilespmem:s0+$0x0] =	vst v9  }
0x2ed: {  	s21 =	sadd.s32 $0x80, s21;
	s20 =	sadd.s32 $0x80, s20;
	s19 =	sadd.s32 $0x80, s19;
	[tilespmem:s0+$0xFFFFF400] =	vst v10  }
0x2ee: {  	s0 =	simm.s32 $0x800;
	s5 =	sadd.s32 $0x0, s16;
	s1 =	sadd.s32 $0x400, s18  }
.LBB2_23:
0x2ef: {  	[hbm4b:s5+s2] =	stream.linear.scatter [tilespmem:s18], [sflag:$0x1], $0x400, $0x38;
	[tilespmem:$0x1A080] =	vst v63  }
0x2f0: {  	s5 =	smov.u32 s0;
	s18 =	smov.u32 s1;
	p2 =	sne.s32 s0, $0xF800  }
.Ltmp10:
0x2f1: {  	s0 =	sadd.s32 $0x800, s0;
	(pc) =	sbr.rel @p2 .LBB2_23-.Ltmp10, $2  }
0x2f2: {  	_ =	sdelay $0x2  }
0x2f3: {  	s1 =	sadd.s32 $0x400, s1;
	s5 =	sadd.s32 s5, s16  }
.Ltmp11:
0x2f4: {  	(pc) =	sbr.rel @p1 .LBB2_25-.Ltmp11, $2  }
0x2f5: {  	_ =	sdelay $0x2  }
0x2f6: {  	[hbm4b:s5+s2] =	stream.linear.scatter [tilespmem:s18], [sflag:$0x1], $0x400, $0x38;
	[tilespmem:$0x1A080] =	vst v63  }
.Ltmp12:
0x2f7: {  	(pc) =	sbr.rel .LBB2_2-.Ltmp12, $4  }
0x2f8: {  	s1 =	simm.s32 $0x2  }
0x2f9: {  	_ =	swait.ge [sflag:s1], $0x400  }
0x2fa: {  	p0 =	por !p0, !p0;
	[sflag:s1] =	ssyncset.done $0x0  }
0x2fb: {  	s16 =	sadd.s32 $0x80, s16;
	s0 =	smov.u32 s17;
	[sflag:s1] =	ssyncadd.s32 $0xFFFFFC00  }
.LBB2_25:
0x2fc: {  	s0 =	simm.s32 $0x2  }
.LBB2_26:
0x2fd: {  	_ =	swait.ge [sflag:s14], $0x400  }
0x2fe: {  	[sflag:s14] =	ssyncset.done $0x0  }
0x2ff: {  	[sflag:s14] =	ssyncadd.s32 $0xFFFFFC00  }
0x300: {  	_ =	swait.ge [sflag:s14], $0x400  }
0x301: {  	[sflag:s14] =	ssyncset.done $0x0  }
0x302: {  	[sflag:s14] =	ssyncadd.s32 $0xFFFFFC00  }
0x303: {  	_ =	swait.ge [sflag:s14], $0x400  }
0x304: {  	[sflag:s14] =	ssyncset.done $0x0  }
0x305: {  	[sflag:s14] =	ssyncadd.s32 $0xFFFFFC00  }
0x306: {  	_ =	swait.ge [sflag:s14], $0x400  }
0x307: {  	[sflag:s14] =	ssyncset.done $0x0  }
0x308: {  	[sflag:s14] =	ssyncadd.s32 $0xFFFFFC00  }
0x309: {  	_ =	swait.ge [sflag:s14], $0x400  }
0x30a: {  	[sflag:s14] =	ssyncset.done $0x0  }
0x30b: {  	[sflag:s14] =	ssyncadd.s32 $0xFFFFFC00  }
0x30c: {  	_ =	swait.ge [sflag:s14], $0x400  }
0x30d: {  	[sflag:s14] =	ssyncset.done $0x0  }
0x30e: {  	[sflag:s14] =	ssyncadd.s32 $0xFFFFFC00  }
0x30f: {  	_ =	swait.ge [sflag:s14], $0x400  }
0x310: {  	[sflag:s14] =	ssyncset.done $0x0  }
0x311: {  	[sflag:s14] =	ssyncadd.s32 $0xFFFFFC00  }
0x312: {  	_ =	swait.ge [sflag:s14], $0x400  }
0x313: {  	[sflag:s14] =	ssyncset.done $0x0  }
0x314: {  	[sflag:s14] =	ssyncadd.s32 $0xFFFFFC00  }
0x315: {  	_ =	swait.ge [sflag:s14], $0x400  }
0x316: {  	[sflag:s14] =	ssyncset.done $0x0  }
0x317: {  	[sflag:s14] =	ssyncadd.s32 $0xFFFFFC00  }
0x318: {  	_ =	swait.ge [sflag:s14], $0x400  }
0x319: {  	[sflag:s14] =	ssyncset.done $0x0  }
0x31a: {  	[sflag:s14] =	ssyncadd.s32 $0xFFFFFC00  }
0x31b: {  	_ =	swait.ge [sflag:s14], $0x400  }
0x31c: {  	[sflag:s14] =	ssyncset.done $0x0  }
0x31d: {  	[sflag:s14] =	ssyncadd.s32 $0xFFFFFC00  }
0x31e: {  	_ =	swait.ge [sflag:s14], $0x400  }
0x31f: {  	[sflag:s14] =	ssyncset.done $0x0  }
0x320: {  	[sflag:s14] =	ssyncadd.s32 $0xFFFFFC00  }
0x321: {  	_ =	swait.ge [sflag:s14], $0x400  }
0x322: {  	[sflag:s14] =	ssyncset.done $0x0  }
0x323: {  	[sflag:s14] =	ssyncadd.s32 $0xFFFFFC00  }
0x324: {  	_ =	swait.ge [sflag:s14], $0x400  }
0x325: {  	[sflag:s14] =	ssyncset.done $0x0  }
0x326: {  	[sflag:s14] =	ssyncadd.s32 $0xFFFFFC00  }
0x327: {  	_ =	swait.ge [sflag:s14], $0x400  }
0x328: {  	[sflag:s14] =	ssyncset.done $0x0  }
0x329: {  	[sflag:s14] =	ssyncadd.s32 $0xFFFFFC00  }
0x32a: {  	_ =	swait.ge [sflag:s14], $0x400  }
0x32b: {  	[sflag:s14] =	ssyncset.done $0x0  }
0x32c: {  	[sflag:s14] =	ssyncadd.s32 $0xFFFFFC00  }
0x32d: {  	_ =	swait.ge [sflag:s14], $0x400  }
0x32e: {  	[sflag:s14] =	ssyncset.done $0x0  }
0x32f: {  	[sflag:s14] =	ssyncadd.s32 $0xFFFFFC00  }
0x330: {  	_ =	swait.ge [sflag:s14], $0x400  }
0x331: {  	[sflag:s14] =	ssyncset.done $0x0  }
0x332: {  	[sflag:s14] =	ssyncadd.s32 $0xFFFFFC00  }
0x333: {  	_ =	swait.ge [sflag:s14], $0x400  }
0x334: {  	[sflag:s14] =	ssyncset.done $0x0  }
0x335: {  	[sflag:s14] =	ssyncadd.s32 $0xFFFFFC00  }
0x336: {  	_ =	swait.ge [sflag:s14], $0x400  }
0x337: {  	[sflag:s14] =	ssyncset.done $0x0  }
0x338: {  	[sflag:s14] =	ssyncadd.s32 $0xFFFFFC00  }
0x339: {  	_ =	swait.ge [sflag:s14], $0x400  }
0x33a: {  	[sflag:s14] =	ssyncset.done $0x0  }
0x33b: {  	[sflag:s14] =	ssyncadd.s32 $0xFFFFFC00  }
0x33c: {  	_ =	swait.ge [sflag:s14], $0x400  }
0x33d: {  	[sflag:s14] =	ssyncset.done $0x0  }
0x33e: {  	[sflag:s14] =	ssyncadd.s32 $0xFFFFFC00  }
0x33f: {  	_ =	swait.ge [sflag:s14], $0x400  }
0x340: {  	[sflag:s14] =	ssyncset.done $0x0  }
0x341: {  	[sflag:s14] =	ssyncadd.s32 $0xFFFFFC00  }
0x342: {  	_ =	swait.ge [sflag:s14], $0x400  }
0x343: {  	[sflag:s14] =	ssyncset.done $0x0  }
0x344: {  	[sflag:s14] =	ssyncadd.s32 $0xFFFFFC00  }
0x345: {  	_ =	swait.ge [sflag:s14], $0x400  }
0x346: {  	[sflag:s14] =	ssyncset.done $0x0  }
0x347: {  	[sflag:s14] =	ssyncadd.s32 $0xFFFFFC00  }
0x348: {  	_ =	swait.ge [sflag:s14], $0x400  }
0x349: {  	[sflag:s14] =	ssyncset.done $0x0  }
0x34a: {  	[sflag:s14] =	ssyncadd.s32 $0xFFFFFC00  }
0x34b: {  	_ =	swait.ge [sflag:s14], $0x400  }
0x34c: {  	[sflag:s14] =	ssyncset.done $0x0  }
0x34d: {  	[sflag:s14] =	ssyncadd.s32 $0xFFFFFC00  }
0x34e: {  	_ =	swait.ge [sflag:s14], $0x400  }
0x34f: {  	[sflag:s14] =	ssyncset.done $0x0  }
0x350: {  	[sflag:s14] =	ssyncadd.s32 $0xFFFFFC00  }
0x351: {  	_ =	swait.ge [sflag:s14], $0x400  }
0x352: {  	[sflag:s14] =	ssyncset.done $0x0  }
0x353: {  	[sflag:s14] =	ssyncadd.s32 $0xFFFFFC00  }
0x354: {  	_ =	swait.ge [sflag:s14], $0x400  }
0x355: {  	[sflag:s14] =	ssyncset.done $0x0  }
0x356: {  	[sflag:s14] =	ssyncadd.s32 $0xFFFFFC00  }
0x357: {  	p0 =	sne.s32 s0, $0x1;
	_ =	swait.ge [sflag:s14], $0x400  }
.Ltmp13:
0x358: {  	[sflag:s14] =	ssyncset.done $0x0;
	(pc) =	sbr.rel @p0 .LBB2_26-.Ltmp13, $4  }
0x359: {  	[sflag:s14] =	ssyncadd.s32 $0xFFFFFC00  }
0x35a: {  	_ =	swait.ge [sflag:s14], $0x400  }
0x35b: {  	[sflag:s14] =	ssyncset.done $0x0  }
0x35c: {  	s0 =	sadd.s32 $0xFFFFFFFF, s0;
	[sflag:s14] =	ssyncadd.s32 $0xFFFFFC00  }
0x35d: {  	s15 =	sadd.s32 $0x1, s15  }
0x35e: {  	p0 =	sne.s32 s15, s9  }
.Ltmp14:
0x35f: {  	_ = 	snop;
	(pc) =	sbr.rel @p0 .LBB2_1-.Ltmp14, $1  }
0x360: {  	_ =	sdelay $0x3  }
0x361: {  	_ =	sfence.sel $0x180000  }
0x362: {  	[bflag:$0x0] =	sbarrier.arrive $0xFFFF  }
0x363: {  	_ =	strace $0x90000047  }
0x364: {  	s0 =	stileid.u32;
	[bflag:$0x2] =	sbarrier.arrive $0xFFFF  }
0x365: {  	p0 =	sne.s32 s0, $0x0;
	s0 =	rddreg [dreg:$0x3]  }
0x366: {  	s0 =	sadd.s32 @!p0 $0x100000, s0  }
0x367: {  	[sflag:s0] =	ssyncadd.tile.s32 @!p0 $0x1;
	_ =	shalt  }
.Lfunc_end2:
_tile_overlayer_lowered:
.L_overlay_start_2:
0x368: {  	(tag) =	ssettag $0x2  }
0x369: {  	s0 =	rddreg [dreg:$0x0];
	s2 =	stileid.u32  }
0x36a: {  	s1 =	rddreg [dreg:$0x1];
	p0 =	sne.s32 s2, $0x0  }
0x36b: {  	s3 =	rddreg [dreg:$0x2];
	[bflag:$0x3] =	sbarrier.arrive $0xFFFF;
	s2 =	simm.s32 @!p0 $0x1C03  }
0x36c: {  	[timem:s3], [sflag:s2] =	dma.local @!p0 [hbm:s0], s1  }
0x36d: {  	s0 =	simm.s32 @!p0 $0x3  }
0x36e: {  	_ =	swait.ge @!p0 [sflag:s0], s1  }
0x36f: {  	s1 =	ssub.s32 @!p0 $0x0, s1;
	[sflag:s0] =	ssyncset.done @!p0 $0x0  }
0x370: {  	[sflag:s0] =	ssyncadd.s32 @!p0 s1  }
0x371: {  	[bflag:$0x3] =	sbarrier.arrive $0xFFFF  }
0x372: {  	_ =	shalt  }

</sc_bundles>
